<compile_context>
chip_gen: v7x
topology: tpu7x:2x2x1
jax: 0.10.2.dev20260603
libtpu: 0.0.44.dev20260713+nightly
codegen_flags: <defaults>
</compile_context>

<pallas_src>
import functools

import jax
import jax.numpy as jnp
from jax import lax
from jax.experimental import pallas as pl
from jax.experimental.pallas import tpu as pltpu
from jax.experimental.pallas import tpu_sc as plsc

_N = 10000
_E = 320000
_D = 128
_NC = 2
_NS = 16
_NW = _NC * _NS
_NB = 5
_CH = 40
_SLOWC = 0
_KS = 250
_KF = 250
_EPAD = _NS * (_KS + _KF) * _CH
_CHD = 128
_KD = 80
_NBD = 4
_EPADD = _NW * _KD * _CHD
_NP = 10112
_RPT = _NP // _NS


def _sc_mesh():
    return plsc.VectorSubcoreMesh(
        core_axis_name="c", subcore_axis_name="s",
        num_cores=_NC, num_subcores=_NS)


def _sc_aggregate(ml, src_t, dst_t, zeros_nd):

    @functools.partial(
        pl.kernel,
        out_type=jax.ShapeDtypeStruct((_NC, _NP, _D), jnp.float32),
        mesh=_sc_mesh(),
        scratch_types=[
            pltpu.VMEM((_KF * _CH,), jnp.int32),
            pltpu.VMEM((_KF * _CH,), jnp.int32),
            [pltpu.VMEM((_CH, _D), jnp.float32) for _ in range(_NB)],
            pltpu.VMEM_SHARED((_NP, _D), jnp.float32),
            [pltpu.SemaphoreType.DMA for _ in range(_NB)],
            [pltpu.SemaphoreType.DMA for _ in range(_NB)],
        ],
    )
    def run(ml_hbm, src_hbm, dst_hbm, zz_hbm, out_hbm,
            src_v, dst_v, rows, agg_sh, gsems, ssems):
        c = lax.axis_index("c")
        s = lax.axis_index("s")
        wid = s * _NC + c
        kc = lax.select(c == _SLOWC, _KS, _KF)
        pltpu.sync_copy(src_hbm.at[wid], src_v)
        pltpu.sync_copy(dst_hbm.at[wid], dst_v)
        pltpu.sync_copy(zz_hbm.at[pl.ds(s * _RPT, _RPT)],
                        agg_sh.at[pl.ds(s * _RPT, _RPT)])
        for b in range(_NB):
            pltpu.async_copy(
                ml_hbm.at[src_v.at[pl.ds(b * _CH, _CH)]], rows[b], gsems[b])
        plsc.subcore_barrier()

        def step(t, carry):
            jj = t * _NB
            for b in range(_NB):
                j = jj + b
                pltpu.make_async_copy(
                    ml_hbm.at[src_v.at[pl.ds(j * _CH, _CH)]],
                    rows[b], gsems[b]).wait()
                pltpu.async_copy(
                    rows[b], agg_sh.at[dst_v.at[pl.ds(j * _CH, _CH)]],
                    ssems[b], add=True)
            for b in range(_NB):
                j = jj + b
                pltpu.make_async_copy(
                    rows[b], agg_sh.at[dst_v.at[pl.ds(j * _CH, _CH)]],
                    ssems[b]).wait()
                nxt = j + _NB

                @pl.when(nxt < kc)
                def _():
                    pltpu.async_copy(
                        ml_hbm.at[src_v.at[pl.ds(nxt * _CH, _CH)]],
                        rows[b], gsems[b])
            return carry

        lax.fori_loop(0, kc // _NB, step, 0)
        plsc.subcore_barrier()
        pltpu.sync_copy(agg_sh.at[pl.ds(s * _RPT, _RPT)],
                        out_hbm.at[c, pl.ds(s * _RPT, _RPT)])

    return run(ml, src_t, dst_t, zeros_nd)


def _sc_degree(dst_t, zeros_nd, ones_t):

    @functools.partial(
        pl.kernel,
        out_type=jax.ShapeDtypeStruct((_NC, _NP, _D), jnp.float32),
        mesh=_sc_mesh(),
        scratch_types=[
            pltpu.VMEM((_KD, _CHD), jnp.int32),
            pltpu.VMEM((_CHD, _D), jnp.float32),
            pltpu.VMEM_SHARED((_NP, _D), jnp.float32),
            [pltpu.SemaphoreType.DMA for _ in range(_NBD)],
        ],
    )
    def run(dst_hbm, zz_hbm, ones_hbm, out_hbm, dst_v, ones_v, deg_sh, ssems):
        c = lax.axis_index("c")
        s = lax.axis_index("s")
        wid = s * _NC + c
        pltpu.sync_copy(dst_hbm.at[wid], dst_v)
        pltpu.sync_copy(ones_hbm, ones_v)
        pltpu.sync_copy(zz_hbm.at[pl.ds(s * _RPT, _RPT)],
                        deg_sh.at[pl.ds(s * _RPT, _RPT)])
        plsc.subcore_barrier()
        for b in range(_NBD):
            pltpu.async_copy(ones_v, deg_sh.at[dst_v.at[b]], ssems[b],
                             add=True)

        def step(t, carry):
            jj = t * _NBD
            for b in range(_NBD):
                j = jj + b
                pltpu.make_async_copy(
                    ones_v, deg_sh.at[dst_v.at[j]], ssems[b]).wait()
                nxt = j + _NBD

                @pl.when(nxt < _KD)
                def _():
                    pltpu.async_copy(
                        ones_v, deg_sh.at[dst_v.at[nxt]], ssems[b], add=True)
            return carry

        lax.fori_loop(0, _KD // _NBD, step, 0)
        plsc.subcore_barrier()
        pltpu.sync_copy(deg_sh.at[pl.ds(s * _RPT, _RPT)],
                        out_hbm.at[c, pl.ds(s * _RPT, _RPT)])

    return run(dst_t, zeros_nd, ones_t)


def _tc_linear(h, Wl, Wr, b2):

    def body(h_ref, wl_ref, wr_ref, b_ref, ml_ref, hr_ref):
        hh = h_ref[...]
        ml_ref[...] = jnp.dot(hh, wl_ref[...],
                              preferred_element_type=jnp.float32)
        hr_ref[...] = jnp.dot(hh, wr_ref[...],
                              preferred_element_type=jnp.float32) + b_ref[...]

    return pl.pallas_call(
        body,
        out_shape=(jax.ShapeDtypeStruct((_N, _D), jnp.float32),
                   jax.ShapeDtypeStruct((_N, _D), jnp.float32)),
    )(h, Wl, Wr, b2)


def _tc_combine(a0, a1, d0, d1, hr):

    def body(a0_ref, a1_ref, d0_ref, d1_ref, hr_ref, o_ref):
        agg = a0_ref[0:_N, :] + a1_ref[0:_N, :]
        deg = d0_ref[0:_N, 0:1] + d1_ref[0:_N, 0:1]
        rdeg = 1.0 / jnp.maximum(deg, 1.0)
        o_ref[...] = jnp.maximum(agg * rdeg + hr_ref[...], 0.0)

    return pl.pallas_call(
        body,
        out_shape=jax.ShapeDtypeStruct((_N, _D), jnp.float32),
    )(a0, a1, d0, d1, hr)


def _tc_combine_linear(a0, a1, d0, d1, hr, Wl, Wr, b2):

    def body(a0_ref, a1_ref, d0_ref, d1_ref, hr_ref, wl_ref, wr_ref, b_ref,
             ml_ref, hr2_ref):
        agg = a0_ref[0:_N, :] + a1_ref[0:_N, :]
        deg = d0_ref[0:_N, 0:1] + d1_ref[0:_N, 0:1]
        rdeg = 1.0 / jnp.maximum(deg, 1.0)
        h = jnp.maximum(agg * rdeg + hr_ref[...], 0.0)
        ml_ref[...] = jnp.dot(h, wl_ref[...],
                              preferred_element_type=jnp.float32)
        hr2_ref[...] = jnp.dot(h, wr_ref[...],
                               preferred_element_type=jnp.float32) + b_ref[...]

    return pl.pallas_call(
        body,
        out_shape=(jax.ShapeDtypeStruct((_N, _D), jnp.float32),
                   jax.ShapeDtypeStruct((_N, _D), jnp.float32)),
    )(a0, a1, d0, d1, hr, Wl, Wr, b2)


def kernel(x, edge_index, Wl0, Wr0, b0, Wl1, Wr1, b1,
           Wl2, Wr2, b2, Wl3, Wr3, b3):
    src = edge_index[0]
    dst = edge_index[1]

    def _layout(idx, fill):
        pad = _EPAD - _E
        flat = jnp.concatenate([idx, jnp.full((pad,), fill, jnp.int32)])
        ls = _KS * _CH
        lf = _KF * _CH
        slow = flat[:_NS * ls].reshape(_NS, ls)
        slow = jnp.concatenate(
            [slow, jnp.full((_NS, lf - ls), fill, jnp.int32)], axis=1)
        fast = flat[_NS * ls:].reshape(_NS, lf)
        parts = (slow, fast) if _SLOWC == 0 else (fast, slow)
        return jnp.stack(parts, axis=1).reshape(_NW, lf)

    src_t = _layout(src, 0)
    dst_t = _layout(dst, _N)
    padd = _EPADD - _E
    dst_td = jnp.concatenate(
        [dst, jnp.full((padd,), _N, jnp.int32)]).reshape(_NW, _KD, _CHD)
    zeros_nd = jnp.zeros((_NP, _D), jnp.float32)
    ones_t = jnp.ones((_CHD, _D), jnp.float32)

    dg = _sc_degree(dst_td, zeros_nd, ones_t)

    ml, hr = _tc_linear(x, Wl0, Wr0, b0.reshape(1, _D))
    nxt = ((Wl1, Wr1, b1), (Wl2, Wr2, b2), (Wl3, Wr3, b3))
    for i in range(4):
        a = _sc_aggregate(ml, src_t, dst_t, zeros_nd)
        if i < 3:
            Wl, Wr, b = nxt[i]
            ml, hr = _tc_combine_linear(a[0], a[1], dg[0], dg[1], hr,
                                        Wl, Wr, b.reshape(1, _D))
        else:
            h = _tc_combine(a[0], a[1], dg[0], dg[1], hr)
    return h

# --- scband reference (transcript-rebuilt; emitter-appended) ---
"""Pipeline reference for scband-sageencoder-31756988186713 (READ-ONLY COPY).

The authoritative reference and input builder live on the scoring server;
editing this copy changes nothing except your own understanding.
"""

import jax, jax.numpy as jnp
import numpy as np

N = 10000
E = 320000
D = 128
H = 128


def setup_inputs(seed: int = 0) -> dict:
    key = jax.random.key(seed)
    ks = jax.random.split(key, 16)
    x = jax.random.normal(ks[0], (N, D), dtype=jnp.float32)
    edge_index = jax.random.randint(ks[1], (2, E), 0, N, dtype=jnp.int32)
    inp = {"x": x, "edge_index": edge_index}
    dims_in = [D, H, H, H]
    for i in range(4):
        fin = dims_in[i]
        s = 1.0 / np.sqrt(fin)
        inp[f"Wl{i}"] = jax.random.uniform(ks[2 + 3 * i], (fin, H), dtype=jnp.float32, minval=-s, maxval=s)
        inp[f"Wr{i}"] = jax.random.uniform(ks[3 + 3 * i], (fin, H), dtype=jnp.float32, minval=-s, maxval=s)
        inp[f"b{i}"] = jax.random.uniform(ks[4 + 3 * i], (H,), dtype=jnp.float32, minval=-s, maxval=s)
    return inp


def _sage_conv(h, src, dst, Wl, Wr, b):
    # mean aggregation of source-node features onto destination nodes (PyG SAGEConv semantics)
    msgs = h[src]
    agg = jax.ops.segment_sum(msgs, dst, num_segments=N)
    deg = jax.ops.segment_sum(jnp.ones((src.shape[0],), h.dtype), dst, num_segments=N)
    agg = agg / jnp.clip(deg, 1.0)[:, None]
    # lin_l on aggregated neighbors (+bias), lin_r on root features
    return agg @ Wl + b + h @ Wr


def reference(x, edge_index, Wl0, Wr0, b0, Wl1, Wr1, b1, Wl2, Wr2, b2, Wl3, Wr3, b3):
    src = edge_index[0]
    dst = edge_index[1]
    h = x
    for Wl, Wr, b in ((Wl0, Wr0, b0), (Wl1, Wr1, b1), (Wl2, Wr2, b2), (Wl3, Wr3, b3)):
        h = jax.nn.relu(_sage_conv(h, src, dst, Wl, Wr, b))
    return h

if __name__ == "__main__":
    import jax
    _d = setup_inputs()
    print(jax.jit(kernel)(*tuple(_d.values())))

</pallas_src>

<mosaic_0001>
#map = affine_map<(d0, d1) -> (0, 0)>
#map1 = affine_map<(d0, d1) -> (0, 0, 0)>
module attributes {stable_mosaic.version = 14 : i64} {
  func.func @run(%arg0: i32, %arg1: i32, %arg2: memref<10000x128xf32, #tpu.memory_space<hbm>>, %arg3: memref<32x10000xi32, #tpu.memory_space<hbm>>, %arg4: memref<32x10000xi32, #tpu.memory_space<hbm>>, %arg5: memref<10112x128xf32, #tpu.memory_space<hbm>>, %arg6: memref<2x10112x128xf32, #tpu.memory_space<hbm>>, %arg7: memref<10000xi32, #tpu.memory_space<vmem>>, %arg8: memref<10000xi32, #tpu.memory_space<vmem>>, %arg9: memref<40x128xf32, #tpu.memory_space<vmem>>, %arg10: memref<40x128xf32, #tpu.memory_space<vmem>>, %arg11: memref<40x128xf32, #tpu.memory_space<vmem>>, %arg12: memref<40x128xf32, #tpu.memory_space<vmem>>, %arg13: memref<40x128xf32, #tpu.memory_space<vmem>>, %arg14: memref<10112x128xf32, #tpu.memory_space<vmem_shared>>, %arg15: memref<!tpu.dma_semaphore, #tpu.memory_space<semaphore_mem>>, %arg16: memref<!tpu.dma_semaphore, #tpu.memory_space<semaphore_mem>>, %arg17: memref<!tpu.dma_semaphore, #tpu.memory_space<semaphore_mem>>, %arg18: memref<!tpu.dma_semaphore, #tpu.memory_space<semaphore_mem>>, %arg19: memref<!tpu.dma_semaphore, #tpu.memory_space<semaphore_mem>>, %arg20: memref<!tpu.dma_semaphore, #tpu.memory_space<semaphore_mem>>, %arg21: memref<!tpu.dma_semaphore, #tpu.memory_space<semaphore_mem>>, %arg22: memref<!tpu.dma_semaphore, #tpu.memory_space<semaphore_mem>>, %arg23: memref<!tpu.dma_semaphore, #tpu.memory_space<semaphore_mem>>, %arg24: memref<!tpu.dma_semaphore, #tpu.memory_space<semaphore_mem>>) attributes {dimension_semantics = [#tpu.dimension_semantics<core_parallel>, #tpu.dimension_semantics<subcore_parallel>], iteration_bounds = array<i64: 2, 16>, scalar_prefetch = 0 : i64, scratch_operands = 18 : i64, tpu.core_type = #tpu.core_type<sc_vector_subcore>, window_params = [{transform_indices = #map}, {transform_indices = #map}, {transform_indices = #map}, {transform_indices = #map}, {transform_indices = #map1}]} {
    %mul3A = arith.constant 2 : i32
    %mul3A_0 = arith.muli %arg1, %mul3A : i32
    %add3A = arith.addi %mul3A_0, %arg0 : i32
    %eq3A = arith.constant 0 : i32
    %eq3A_1 = arith.cmpi eq, %arg0, %eq3A : i32
    %select_n3A = arith.constant 250 : i32
    %select_n3A_2 = arith.constant 250 : i32
    %select_n3A_3 = arith.select %eq3A_1, %select_n3A_2, %select_n3A : i32
    "tpu.region"() ({
      %run_scoped3A = tpu.sem_alloc : memref<!tpu.dma_semaphore, #tpu.memory_space<semaphore_mem>>
      %dma_start3A_63 = arith.constant 0 : i32
      %dma_start3A_64 = tpu.memref_slice %arg3[%add3A, %dma_start3A_63] : memref<32x10000xi32, #tpu.memory_space<hbm>> -> memref<1x10000xi32, #tpu.memory_space<hbm>>
      %dma_start3A_65 = tpu.memref_squeeze %dma_start3A_64 : memref<1x10000xi32, #tpu.memory_space<hbm>> -> memref<10000xi32, #tpu.memory_space<hbm>>
      %dma_start3A_66 = arith.constant 0 : i32
      %dma_start3A_67 = tpu.memref_slice %arg3[%add3A, %dma_start3A_66] : memref<32x10000xi32, #tpu.memory_space<hbm>> -> memref<1x10000xi32, #tpu.memory_space<hbm>>
      %dma_start3A_68 = tpu.memref_squeeze %dma_start3A_67 : memref<1x10000xi32, #tpu.memory_space<hbm>> -> memref<10000xi32, #tpu.memory_space<hbm>>
      tpu.enqueue_dma source(%dma_start3A_68 : memref<10000xi32, #tpu.memory_space<hbm>>) target(%arg7 : memref<10000xi32, #tpu.memory_space<vmem>>) target_semaphore(%run_scoped3A : memref<!tpu.dma_semaphore, #tpu.memory_space<semaphore_mem>>)
      %dma_wait3A = arith.constant 0 : i32
      %dma_wait3A_69 = tpu.memref_slice %arg3[%add3A, %dma_wait3A] : memref<32x10000xi32, #tpu.memory_space<hbm>> -> memref<1x10000xi32, #tpu.memory_space<hbm>>
      %dma_wait3A_70 = tpu.memref_squeeze %dma_wait3A_69 : memref<1x10000xi32, #tpu.memory_space<hbm>> -> memref<10000xi32, #tpu.memory_space<hbm>>
      %dma_wait3A_71 = arith.constant 0 : i32
      %dma_wait3A_72 = tpu.memref_slice %arg3[%add3A, %dma_wait3A_71] : memref<32x10000xi32, #tpu.memory_space<hbm>> -> memref<1x10000xi32, #tpu.memory_space<hbm>>
      %dma_wait3A_73 = tpu.memref_squeeze %dma_wait3A_72 : memref<1x10000xi32, #tpu.memory_space<hbm>> -> memref<10000xi32, #tpu.memory_space<hbm>>
      tpu.wait_dma2 semaphore(%run_scoped3A : memref<!tpu.dma_semaphore, #tpu.memory_space<semaphore_mem>>) src(%dma_wait3A_73 : memref<10000xi32, #tpu.memory_space<hbm>>) dst(%arg7 : memref<10000xi32, #tpu.memory_space<vmem>>)
      tpu.yield
    }) : () -> ()
    "tpu.region"() ({
      %run_scoped3A = tpu.sem_alloc : memref<!tpu.dma_semaphore, #tpu.memory_space<semaphore_mem>>
      %dma_start3A_63 = arith.constant 0 : i32
      %dma_start3A_64 = tpu.memref_slice %arg4[%add3A, %dma_start3A_63] : memref<32x10000xi32, #tpu.memory_space<hbm>> -> memref<1x10000xi32, #tpu.memory_space<hbm>>
      %dma_start3A_65 = tpu.memref_squeeze %dma_start3A_64 : memref<1x10000xi32, #tpu.memory_space<hbm>> -> memref<10000xi32, #tpu.memory_space<hbm>>
      %dma_start3A_66 = arith.constant 0 : i32
      %dma_start3A_67 = tpu.memref_slice %arg4[%add3A, %dma_start3A_66] : memref<32x10000xi32, #tpu.memory_space<hbm>> -> memref<1x10000xi32, #tpu.memory_space<hbm>>
      %dma_start3A_68 = tpu.memref_squeeze %dma_start3A_67 : memref<1x10000xi32, #tpu.memory_space<hbm>> -> memref<10000xi32, #tpu.memory_space<hbm>>
      tpu.enqueue_dma source(%dma_start3A_68 : memref<10000xi32, #tpu.memory_space<hbm>>) target(%arg8 : memref<10000xi32, #tpu.memory_space<vmem>>) target_semaphore(%run_scoped3A : memref<!tpu.dma_semaphore, #tpu.memory_space<semaphore_mem>>)
      %dma_wait3A = arith.constant 0 : i32
      %dma_wait3A_69 = tpu.memref_slice %arg4[%add3A, %dma_wait3A] : memref<32x10000xi32, #tpu.memory_space<hbm>> -> memref<1x10000xi32, #tpu.memory_space<hbm>>
      %dma_wait3A_70 = tpu.memref_squeeze %dma_wait3A_69 : memref<1x10000xi32, #tpu.memory_space<hbm>> -> memref<10000xi32, #tpu.memory_space<hbm>>
      %dma_wait3A_71 = arith.constant 0 : i32
      %dma_wait3A_72 = tpu.memref_slice %arg4[%add3A, %dma_wait3A_71] : memref<32x10000xi32, #tpu.memory_space<hbm>> -> memref<1x10000xi32, #tpu.memory_space<hbm>>
      %dma_wait3A_73 = tpu.memref_squeeze %dma_wait3A_72 : memref<1x10000xi32, #tpu.memory_space<hbm>> -> memref<10000xi32, #tpu.memory_space<hbm>>
      tpu.wait_dma2 semaphore(%run_scoped3A : memref<!tpu.dma_semaphore, #tpu.memory_space<semaphore_mem>>) src(%dma_wait3A_73 : memref<10000xi32, #tpu.memory_space<hbm>>) dst(%arg8 : memref<10000xi32, #tpu.memory_space<vmem>>)
      tpu.yield
    }) : () -> ()
    %mul3A_4 = arith.constant 632 : i32
    %mul3A_5 = arith.muli %arg1, %mul3A_4 : i32
    %mul3A_6 = arith.constant 632 : i32
    %mul3A_7 = arith.muli %arg1, %mul3A_6 : i32
    "tpu.region"() ({
      %run_scoped3A = tpu.sem_alloc : memref<!tpu.dma_semaphore, #tpu.memory_space<semaphore_mem>>
      %dma_start3A_63 = arith.constant 0 : i32
      %dma_start3A_64 = tpu.memref_slice %arg14[%mul3A_7, %dma_start3A_63] : memref<10112x128xf32, #tpu.memory_space<vmem_shared>> -> memref<632x128xf32, #tpu.memory_space<vmem_shared>>
      %dma_start3A_65 = arith.constant 0 : i32
      %dma_start3A_66 = tpu.memref_slice %arg5[%mul3A_5, %dma_start3A_65] : memref<10112x128xf32, #tpu.memory_space<hbm>> -> memref<632x128xf32, #tpu.memory_space<hbm>>
      tpu.enqueue_dma source(%dma_start3A_66 : memref<632x128xf32, #tpu.memory_space<hbm>>) target(%dma_start3A_64 : memref<632x128xf32, #tpu.memory_space<vmem_shared>>) target_semaphore(%run_scoped3A : memref<!tpu.dma_semaphore, #tpu.memory_space<semaphore_mem>>)
      %dma_wait3A = arith.constant 0 : i32
      %dma_wait3A_67 = tpu.memref_slice %arg14[%mul3A_7, %dma_wait3A] : memref<10112x128xf32, #tpu.memory_space<vmem_shared>> -> memref<632x128xf32, #tpu.memory_space<vmem_shared>>
      %dma_wait3A_68 = arith.constant 0 : i32
      %dma_wait3A_69 = tpu.memref_slice %arg5[%mul3A_5, %dma_wait3A_68] : memref<10112x128xf32, #tpu.memory_space<hbm>> -> memref<632x128xf32, #tpu.memory_space<hbm>>
      tpu.wait_dma2 semaphore(%run_scoped3A : memref<!tpu.dma_semaphore, #tpu.memory_space<semaphore_mem>>) src(%dma_wait3A_69 : memref<632x128xf32, #tpu.memory_space<hbm>>) dst(%dma_wait3A_67 : memref<632x128xf32, #tpu.memory_space<vmem_shared>>)
      tpu.yield
    }) : () -> ()
    %dma_start3A = arith.constant 0 : i32
    %dma_start3A_8 = tpu.memref_slice %arg7[%dma_start3A] : memref<10000xi32, #tpu.memory_space<vmem>> -> memref<40xi32, #tpu.memory_space<vmem>>
    %dma_start3A_9 = arith.constant 0 : i32
    %dma_start3A_10 = arith.constant 0 : i32
    %dma_start3A_11 = tpu.memref_slice %arg2[%dma_start3A_9, %dma_start3A_10] : memref<10000x128xf32, #tpu.memory_space<hbm>> -> memref<10000x128xf32, #tpu.memory_space<hbm>>
    tpu.enqueue_indirect_dma source(%dma_start3A_11 : memref<10000x128xf32, #tpu.memory_space<hbm>>) target(%arg9 : memref<40x128xf32, #tpu.memory_space<vmem>>) offsets(%dma_start3A_8 : memref<40xi32, #tpu.memory_space<vmem>>) semaphore(%arg15 : memref<!tpu.dma_semaphore, #tpu.memory_space<semaphore_mem>>)
    %dma_start3A_12 = arith.constant 40 : i32
    %dma_start3A_13 = tpu.memref_slice %arg7[%dma_start3A_12] : memref<10000xi32, #tpu.memory_space<vmem>> -> memref<40xi32, #tpu.memory_space<vmem>>
    %dma_start3A_14 = arith.constant 0 : i32
    %dma_start3A_15 = arith.constant 0 : i32
    %dma_start3A_16 = tpu.memref_slice %arg2[%dma_start3A_14, %dma_start3A_15] : memref<10000x128xf32, #tpu.memory_space<hbm>> -> memref<10000x128xf32, #tpu.memory_space<hbm>>
    tpu.enqueue_indirect_dma source(%dma_start3A_16 : memref<10000x128xf32, #tpu.memory_space<hbm>>) target(%arg10 : memref<40x128xf32, #tpu.memory_space<vmem>>) offsets(%dma_start3A_13 : memref<40xi32, #tpu.memory_space<vmem>>) semaphore(%arg16 : memref<!tpu.dma_semaphore, #tpu.memory_space<semaphore_mem>>)
    %dma_start3A_17 = arith.constant 80 : i32
    %dma_start3A_18 = tpu.memref_slice %arg7[%dma_start3A_17] : memref<10000xi32, #tpu.memory_space<vmem>> -> memref<40xi32, #tpu.memory_space<vmem>>
    %dma_start3A_19 = arith.constant 0 : i32
    %dma_start3A_20 = arith.constant 0 : i32
    %dma_start3A_21 = tpu.memref_slice %arg2[%dma_start3A_19, %dma_start3A_20] : memref<10000x128xf32, #tpu.memory_space<hbm>> -> memref<10000x128xf32, #tpu.memory_space<hbm>>
    tpu.enqueue_indirect_dma source(%dma_start3A_21 : memref<10000x128xf32, #tpu.memory_space<hbm>>) target(%arg11 : memref<40x128xf32, #tpu.memory_space<vmem>>) offsets(%dma_start3A_18 : memref<40xi32, #tpu.memory_space<vmem>>) semaphore(%arg17 : memref<!tpu.dma_semaphore, #tpu.memory_space<semaphore_mem>>)
    %dma_start3A_22 = arith.constant 120 : i32
    %dma_start3A_23 = tpu.memref_slice %arg7[%dma_start3A_22] : memref<10000xi32, #tpu.memory_space<vmem>> -> memref<40xi32, #tpu.memory_space<vmem>>
    %dma_start3A_24 = arith.constant 0 : i32
    %dma_start3A_25 = arith.constant 0 : i32
    %dma_start3A_26 = tpu.memref_slice %arg2[%dma_start3A_24, %dma_start3A_25] : memref<10000x128xf32, #tpu.memory_space<hbm>> -> memref<10000x128xf32, #tpu.memory_space<hbm>>
    tpu.enqueue_indirect_dma source(%dma_start3A_26 : memref<10000x128xf32, #tpu.memory_space<hbm>>) target(%arg12 : memref<40x128xf32, #tpu.memory_space<vmem>>) offsets(%dma_start3A_23 : memref<40xi32, #tpu.memory_space<vmem>>) semaphore(%arg18 : memref<!tpu.dma_semaphore, #tpu.memory_space<semaphore_mem>>)
    %dma_start3A_27 = arith.constant 160 : i32
    %dma_start3A_28 = tpu.memref_slice %arg7[%dma_start3A_27] : memref<10000xi32, #tpu.memory_space<vmem>> -> memref<40xi32, #tpu.memory_space<vmem>>
    %dma_start3A_29 = arith.constant 0 : i32
    %dma_start3A_30 = arith.constant 0 : i32
    %dma_start3A_31 = tpu.memref_slice %arg2[%dma_start3A_29, %dma_start3A_30] : memref<10000x128xf32, #tpu.memory_space<hbm>> -> memref<10000x128xf32, #tpu.memory_space<hbm>>
    tpu.enqueue_indirect_dma source(%dma_start3A_31 : memref<10000x128xf32, #tpu.memory_space<hbm>>) target(%arg13 : memref<40x128xf32, #tpu.memory_space<vmem>>) offsets(%dma_start3A_28 : memref<40xi32, #tpu.memory_space<vmem>>) semaphore(%arg19 : memref<!tpu.dma_semaphore, #tpu.memory_space<semaphore_mem>>)
    %barrier3A = arith.constant 0 : index
    tpu.barrier barrier_id(%barrier3A)
    %jit3A = arith.constant 5 : i32
    %div3A = arith.divsi %select_n3A_3, %jit3A : i32
    %sign3A = arith.constant 0 : i32
    %sign3A_32 = arith.cmpi sgt, %select_n3A_3, %sign3A : i32
    %sign3A_33 = arith.extui %sign3A_32 : i1 to i32
    %sign3A_34 = arith.constant 0 : i32
    %sign3A_35 = arith.cmpi slt, %select_n3A_3, %sign3A_34 : i32
    %sign3A_36 = arith.extui %sign3A_35 : i1 to i32
    %sign3A_37 = arith.subi %sign3A_33, %sign3A_36 : i32
    %sign3A_38 = arith.constant 0 : i32
    %sign3A_39 = arith.cmpi sgt, %jit3A, %sign3A_38 : i32
    %sign3A_40 = arith.extui %sign3A_39 : i1 to i32
    %sign3A_41 = arith.constant 0 : i32
    %sign3A_42 = arith.cmpi slt, %jit3A, %sign3A_41 : i32
    %sign3A_43 = arith.extui %sign3A_42 : i1 to i32
    %sign3A_44 = arith.subi %sign3A_40, %sign3A_43 : i32
    %ne3A = arith.cmpi ne, %sign3A_37, %sign3A_44 : i32
    %rem3A = arith.remsi %select_n3A_3, %jit3A : i32
    %ne3A_45 = arith.constant 0 : i32
    %ne3A_46 = arith.cmpi ne, %rem3A, %ne3A_45 : i32
    %and3A = arith.andi %ne3A, %ne3A_46 : i1
    %sub3A = arith.constant 1 : i32
    %sub3A_47 = arith.subi %div3A, %sub3A : i32
    %select_n3A_48 = arith.select %and3A, %sub3A_47, %div3A : i32
    %while3A = arith.constant 0 : i32
    %while3A_49 = arith.constant 0 : i32
    %while3A_50 = arith.subi %select_n3A_48, %while3A_49 : i32
    %while3A_51 = arith.addi %while3A_49, %while3A_50 : i32
    %while3A_52 = arith.constant 1 : i32
    %while3A_53 = arith.divsi %while3A_50, %while3A_52 : i32
    %while3A_54 = arith.muli %while3A_53, %while3A_52 : i32
    %while3A_55 = arith.addi %while3A_49, %while3A_54 : i32
    %while3A_56 = arith.constant 1 : i32
    scf.for %while3A_63 = %while3A_49 to %while3A_55 step %while3A_56  : i32 {
      %mul3A_64 = arith.constant 5 : i32
      %mul3A_65 = arith.muli %while3A_63, %mul3A_64 : i32
      %add3A_66 = arith.constant 0 : i32
      %add3A_67 = arith.addi %mul3A_65, %add3A_66 : i32
      %mul3A_68 = arith.constant 40 : i32
      %mul3A_69 = arith.muli %add3A_67, %mul3A_68 : i32
      %dma_wait3A = tpu.memref_slice %arg7[%mul3A_69] : memref<10000xi32, #tpu.memory_space<vmem>> -> memref<40xi32, #tpu.memory_space<vmem>>
      %dma_wait3A_70 = arith.constant 0 : i32
      %dma_wait3A_71 = arith.constant 0 : i32
      %dma_wait3A_72 = tpu.memref_slice %arg2[%dma_wait3A_70, %dma_wait3A_71] : memref<10000x128xf32, #tpu.memory_space<hbm>> -> memref<10000x128xf32, #tpu.memory_space<hbm>>
      tpu.wait_indirect_dma semaphore(%arg15 : memref<!tpu.dma_semaphore, #tpu.memory_space<semaphore_mem>>) src(%dma_wait3A_72 : memref<10000x128xf32, #tpu.memory_space<hbm>>) dst(%arg9 : memref<40x128xf32, #tpu.memory_space<vmem>>)
      %mul3A_73 = arith.constant 40 : i32
      %mul3A_74 = arith.muli %add3A_67, %mul3A_73 : i32
      %dma_start3A_75 = tpu.memref_slice %arg8[%mul3A_74] : memref<10000xi32, #tpu.memory_space<vmem>> -> memref<40xi32, #tpu.memory_space<vmem>>
      %dma_start3A_76 = arith.constant 0 : i32
      %dma_start3A_77 = arith.constant 0 : i32
      %dma_start3A_78 = tpu.memref_slice %arg14[%dma_start3A_76, %dma_start3A_77] : memref<10112x128xf32, #tpu.memory_space<vmem_shared>> -> memref<10112x128xf32, #tpu.memory_space<vmem_shared>>
      tpu.enqueue_indirect_dma source(%arg9 : memref<40x128xf32, #tpu.memory_space<vmem>>) target(%dma_start3A_78 : memref<10112x128xf32, #tpu.memory_space<vmem_shared>>) offsets(%dma_start3A_75 : memref<40xi32, #tpu.memory_space<vmem>>) semaphore(%arg20 : memref<!tpu.dma_semaphore, #tpu.memory_space<semaphore_mem>>) {add = true}
      %add3A_79 = arith.constant 1 : i32
      %add3A_80 = arith.addi %mul3A_65, %add3A_79 : i32
      %mul3A_81 = arith.constant 40 : i32
      %mul3A_82 = arith.muli %add3A_80, %mul3A_81 : i32
      %dma_wait3A_83 = tpu.memref_slice %arg7[%mul3A_82] : memref<10000xi32, #tpu.memory_space<vmem>> -> memref<40xi32, #tpu.memory_space<vmem>>
      %dma_wait3A_84 = arith.constant 0 : i32
      %dma_wait3A_85 = arith.constant 0 : i32
      %dma_wait3A_86 = tpu.memref_slice %arg2[%dma_wait3A_84, %dma_wait3A_85] : memref<10000x128xf32, #tpu.memory_space<hbm>> -> memref<10000x128xf32, #tpu.memory_space<hbm>>
      tpu.wait_indirect_dma semaphore(%arg16 : memref<!tpu.dma_semaphore, #tpu.memory_space<semaphore_mem>>) src(%dma_wait3A_86 : memref<10000x128xf32, #tpu.memory_space<hbm>>) dst(%arg10 : memref<40x128xf32, #tpu.memory_space<vmem>>)
      %mul3A_87 = arith.constant 40 : i32
      %mul3A_88 = arith.muli %add3A_80, %mul3A_87 : i32
      %dma_start3A_89 = tpu.memref_slice %arg8[%mul3A_88] : memref<10000xi32, #tpu.memory_space<vmem>> -> memref<40xi32, #tpu.memory_space<vmem>>
      %dma_start3A_90 = arith.constant 0 : i32
      %dma_start3A_91 = arith.constant 0 : i32
      %dma_start3A_92 = tpu.memref_slice %arg14[%dma_start3A_90, %dma_start3A_91] : memref<10112x128xf32, #tpu.memory_space<vmem_shared>> -> memref<10112x128xf32, #tpu.memory_space<vmem_shared>>
      tpu.enqueue_indirect_dma source(%arg10 : memref<40x128xf32, #tpu.memory_space<vmem>>) target(%dma_start3A_92 : memref<10112x128xf32, #tpu.memory_space<vmem_shared>>) offsets(%dma_start3A_89 : memref<40xi32, #tpu.memory_space<vmem>>) semaphore(%arg21 : memref<!tpu.dma_semaphore, #tpu.memory_space<semaphore_mem>>) {add = true}
      %add3A_93 = arith.constant 2 : i32
      %add3A_94 = arith.addi %mul3A_65, %add3A_93 : i32
      %mul3A_95 = arith.constant 40 : i32
      %mul3A_96 = arith.muli %add3A_94, %mul3A_95 : i32
      %dma_wait3A_97 = tpu.memref_slice %arg7[%mul3A_96] : memref<10000xi32, #tpu.memory_space<vmem>> -> memref<40xi32, #tpu.memory_space<vmem>>
      %dma_wait3A_98 = arith.constant 0 : i32
      %dma_wait3A_99 = arith.constant 0 : i32
      %dma_wait3A_100 = tpu.memref_slice %arg2[%dma_wait3A_98, %dma_wait3A_99] : memref<10000x128xf32, #tpu.memory_space<hbm>> -> memref<10000x128xf32, #tpu.memory_space<hbm>>
      tpu.wait_indirect_dma semaphore(%arg17 : memref<!tpu.dma_semaphore, #tpu.memory_space<semaphore_mem>>) src(%dma_wait3A_100 : memref<10000x128xf32, #tpu.memory_space<hbm>>) dst(%arg11 : memref<40x128xf32, #tpu.memory_space<vmem>>)
      %mul3A_101 = arith.constant 40 : i32
      %mul3A_102 = arith.muli %add3A_94, %mul3A_101 : i32
      %dma_start3A_103 = tpu.memref_slice %arg8[%mul3A_102] : memref<10000xi32, #tpu.memory_space<vmem>> -> memref<40xi32, #tpu.memory_space<vmem>>
      %dma_start3A_104 = arith.constant 0 : i32
      %dma_start3A_105 = arith.constant 0 : i32
      %dma_start3A_106 = tpu.memref_slice %arg14[%dma_start3A_104, %dma_start3A_105] : memref<10112x128xf32, #tpu.memory_space<vmem_shared>> -> memref<10112x128xf32, #tpu.memory_space<vmem_shared>>
      tpu.enqueue_indirect_dma source(%arg11 : memref<40x128xf32, #tpu.memory_space<vmem>>) target(%dma_start3A_106 : memref<10112x128xf32, #tpu.memory_space<vmem_shared>>) offsets(%dma_start3A_103 : memref<40xi32, #tpu.memory_space<vmem>>) semaphore(%arg22 : memref<!tpu.dma_semaphore, #tpu.memory_space<semaphore_mem>>) {add = true}
      %add3A_107 = arith.constant 3 : i32
      %add3A_108 = arith.addi %mul3A_65, %add3A_107 : i32
      %mul3A_109 = arith.constant 40 : i32
      %mul3A_110 = arith.muli %add3A_108, %mul3A_109 : i32
      %dma_wait3A_111 = tpu.memref_slice %arg7[%mul3A_110] : memref<10000xi32, #tpu.memory_space<vmem>> -> memref<40xi32, #tpu.memory_space<vmem>>
      %dma_wait3A_112 = arith.constant 0 : i32
      %dma_wait3A_113 = arith.constant 0 : i32
      %dma_wait3A_114 = tpu.memref_slice %arg2[%dma_wait3A_112, %dma_wait3A_113] : memref<10000x128xf32, #tpu.memory_space<hbm>> -> memref<10000x128xf32, #tpu.memory_space<hbm>>
      tpu.wait_indirect_dma semaphore(%arg18 : memref<!tpu.dma_semaphore, #tpu.memory_space<semaphore_mem>>) src(%dma_wait3A_114 : memref<10000x128xf32, #tpu.memory_space<hbm>>) dst(%arg12 : memref<40x128xf32, #tpu.memory_space<vmem>>)
      %mul3A_115 = arith.constant 40 : i32
      %mul3A_116 = arith.muli %add3A_108, %mul3A_115 : i32
      %dma_start3A_117 = tpu.memref_slice %arg8[%mul3A_116] : memref<10000xi32, #tpu.memory_space<vmem>> -> memref<40xi32, #tpu.memory_space<vmem>>
      %dma_start3A_118 = arith.constant 0 : i32
      %dma_start3A_119 = arith.constant 0 : i32
      %dma_start3A_120 = tpu.memref_slice %arg14[%dma_start3A_118, %dma_start3A_119] : memref<10112x128xf32, #tpu.memory_space<vmem_shared>> -> memref<10112x128xf32, #tpu.memory_space<vmem_shared>>
      tpu.enqueue_indirect_dma source(%arg12 : memref<40x128xf32, #tpu.memory_space<vmem>>) target(%dma_start3A_120 : memref<10112x128xf32, #tpu.memory_space<vmem_shared>>) offsets(%dma_start3A_117 : memref<40xi32, #tpu.memory_space<vmem>>) semaphore(%arg23 : memref<!tpu.dma_semaphore, #tpu.memory_space<semaphore_mem>>) {add = true}
      %add3A_121 = arith.constant 4 : i32
      %add3A_122 = arith.addi %mul3A_65, %add3A_121 : i32
      %mul3A_123 = arith.constant 40 : i32
      %mul3A_124 = arith.muli %add3A_122, %mul3A_123 : i32
      %dma_wait3A_125 = tpu.memref_slice %arg7[%mul3A_124] : memref<10000xi32, #tpu.memory_space<vmem>> -> memref<40xi32, #tpu.memory_space<vmem>>
      %dma_wait3A_126 = arith.constant 0 : i32
      %dma_wait3A_127 = arith.constant 0 : i32
      %dma_wait3A_128 = tpu.memref_slice %arg2[%dma_wait3A_126, %dma_wait3A_127] : memref<10000x128xf32, #tpu.memory_space<hbm>> -> memref<10000x128xf32, #tpu.memory_space<hbm>>
      tpu.wait_indirect_dma semaphore(%arg19 : memref<!tpu.dma_semaphore, #tpu.memory_space<semaphore_mem>>) src(%dma_wait3A_128 : memref<10000x128xf32, #tpu.memory_space<hbm>>) dst(%arg13 : memref<40x128xf32, #tpu.memory_space<vmem>>)
      %mul3A_129 = arith.constant 40 : i32
      %mul3A_130 = arith.muli %add3A_122, %mul3A_129 : i32
      %dma_start3A_131 = tpu.memref_slice %arg8[%mul3A_130] : memref<10000xi32, #tpu.memory_space<vmem>> -> memref<40xi32, #tpu.memory_space<vmem>>
      %dma_start3A_132 = arith.constant 0 : i32
      %dma_start3A_133 = arith.constant 0 : i32
      %dma_start3A_134 = tpu.memref_slice %arg14[%dma_start3A_132, %dma_start3A_133] : memref<10112x128xf32, #tpu.memory_space<vmem_shared>> -> memref<10112x128xf32, #tpu.memory_space<vmem_shared>>
      tpu.enqueue_indirect_dma source(%arg13 : memref<40x128xf32, #tpu.memory_space<vmem>>) target(%dma_start3A_134 : memref<10112x128xf32, #tpu.memory_space<vmem_shared>>) offsets(%dma_start3A_131 : memref<40xi32, #tpu.memory_space<vmem>>) semaphore(%arg24 : memref<!tpu.dma_semaphore, #tpu.memory_space<semaphore_mem>>) {add = true}
      %add3A_135 = arith.constant 0 : i32
      %add3A_136 = arith.addi %mul3A_65, %add3A_135 : i32
      %mul3A_137 = arith.constant 40 : i32
      %mul3A_138 = arith.muli %add3A_136, %mul3A_137 : i32
      %dma_wait3A_139 = tpu.memref_slice %arg8[%mul3A_138] : memref<10000xi32, #tpu.memory_space<vmem>> -> memref<40xi32, #tpu.memory_space<vmem>>
      %dma_wait3A_140 = arith.constant 0 : i32
      %dma_wait3A_141 = arith.constant 0 : i32
      %dma_wait3A_142 = tpu.memref_slice %arg14[%dma_wait3A_140, %dma_wait3A_141] : memref<10112x128xf32, #tpu.memory_space<vmem_shared>> -> memref<10112x128xf32, #tpu.memory_space<vmem_shared>>
      tpu.wait_indirect_dma semaphore(%arg20 : memref<!tpu.dma_semaphore, #tpu.memory_space<semaphore_mem>>) src(%arg9 : memref<40x128xf32, #tpu.memory_space<vmem>>) dst(%dma_wait3A_142 : memref<10112x128xf32, #tpu.memory_space<vmem_shared>>)
      %add3A_143 = arith.constant 5 : i32
      %add3A_144 = arith.addi %add3A_136, %add3A_143 : i32
      %lt3A = arith.cmpi slt, %add3A_144, %select_n3A_3 : i32
      %convert_element_type3A = arith.extui %lt3A : i1 to i32
      %cond3A = arith.constant 0 : i32
      %cond3A_145 = arith.cmpi ne, %convert_element_type3A, %cond3A : i32
      scf.if %cond3A_145 {
        %mul3A_202 = arith.constant 40 : i32
        %mul3A_203 = arith.muli %add3A_144, %mul3A_202 : i32
        %dma_start3A_204 = tpu.memref_slice %arg7[%mul3A_203] : memref<10000xi32, #tpu.memory_space<vmem>> -> memref<40xi32, #tpu.memory_space<vmem>>
        %dma_start3A_205 = arith.constant 0 : i32
        %dma_start3A_206 = arith.constant 0 : i32
        %dma_start3A_207 = tpu.memref_slice %arg2[%dma_start3A_205, %dma_start3A_206] : memref<10000x128xf32, #tpu.memory_space<hbm>> -> memref<10000x128xf32, #tpu.memory_space<hbm>>
        tpu.enqueue_indirect_dma source(%dma_start3A_207 : memref<10000x128xf32, #tpu.memory_space<hbm>>) target(%arg9 : memref<40x128xf32, #tpu.memory_space<vmem>>) offsets(%dma_start3A_204 : memref<40xi32, #tpu.memory_space<vmem>>) semaphore(%arg15 : memref<!tpu.dma_semaphore, #tpu.memory_space<semaphore_mem>>)
      } else {
      }
      %add3A_146 = arith.constant 1 : i32
      %add3A_147 = arith.addi %mul3A_65, %add3A_146 : i32
      %mul3A_148 = arith.constant 40 : i32
      %mul3A_149 = arith.muli %add3A_147, %mul3A_148 : i32
      %dma_wait3A_150 = tpu.memref_slice %arg8[%mul3A_149] : memref<10000xi32, #tpu.memory_space<vmem>> -> memref<40xi32, #tpu.memory_space<vmem>>
      %dma_wait3A_151 = arith.constant 0 : i32
      %dma_wait3A_152 = arith.constant 0 : i32
      %dma_wait3A_153 = tpu.memref_slice %arg14[%dma_wait3A_151, %dma_wait3A_152] : memref<10112x128xf32, #tpu.memory_space<vmem_shared>> -> memref<10112x128xf32, #tpu.memory_space<vmem_shared>>
      tpu.wait_indirect_dma semaphore(%arg21 : memref<!tpu.dma_semaphore, #tpu.memory_space<semaphore_mem>>) src(%arg10 : memref<40x128xf32, #tpu.memory_space<vmem>>) dst(%dma_wait3A_153 : memref<10112x128xf32, #tpu.memory_space<vmem_shared>>)
      %add3A_154 = arith.constant 5 : i32
      %add3A_155 = arith.addi %add3A_147, %add3A_154 : i32
      %lt3A_156 = arith.cmpi slt, %add3A_155, %select_n3A_3 : i32
      %convert_element_type3A_157 = arith.extui %lt3A_156 : i1 to i32
      %cond3A_158 = arith.constant 0 : i32
      %cond3A_159 = arith.cmpi ne, %convert_element_type3A_157, %cond3A_158 : i32
      scf.if %cond3A_159 {
        %mul3A_202 = arith.constant 40 : i32
        %mul3A_203 = arith.muli %add3A_155, %mul3A_202 : i32
        %dma_start3A_204 = tpu.memref_slice %arg7[%mul3A_203] : memref<10000xi32, #tpu.memory_space<vmem>> -> memref<40xi32, #tpu.memory_space<vmem>>
        %dma_start3A_205 = arith.constant 0 : i32
        %dma_start3A_206 = arith.constant 0 : i32
        %dma_start3A_207 = tpu.memref_slice %arg2[%dma_start3A_205, %dma_start3A_206] : memref<10000x128xf32, #tpu.memory_space<hbm>> -> memref<10000x128xf32, #tpu.memory_space<hbm>>
        tpu.enqueue_indirect_dma source(%dma_start3A_207 : memref<10000x128xf32, #tpu.memory_space<hbm>>) target(%arg10 : memref<40x128xf32, #tpu.memory_space<vmem>>) offsets(%dma_start3A_204 : memref<40xi32, #tpu.memory_space<vmem>>) semaphore(%arg16 : memref<!tpu.dma_semaphore, #tpu.memory_space<semaphore_mem>>)
      } else {
      }
      %add3A_160 = arith.constant 2 : i32
      %add3A_161 = arith.addi %mul3A_65, %add3A_160 : i32
      %mul3A_162 = arith.constant 40 : i32
      %mul3A_163 = arith.muli %add3A_161, %mul3A_162 : i32
      %dma_wait3A_164 = tpu.memref_slice %arg8[%mul3A_163] : memref<10000xi32, #tpu.memory_space<vmem>> -> memref<40xi32, #tpu.memory_space<vmem>>
      %dma_wait3A_165 = arith.constant 0 : i32
      %dma_wait3A_166 = arith.constant 0 : i32
      %dma_wait3A_167 = tpu.memref_slice %arg14[%dma_wait3A_165, %dma_wait3A_166] : memref<10112x128xf32, #tpu.memory_space<vmem_shared>> -> memref<10112x128xf32, #tpu.memory_space<vmem_shared>>
      tpu.wait_indirect_dma semaphore(%arg22 : memref<!tpu.dma_semaphore, #tpu.memory_space<semaphore_mem>>) src(%arg11 : memref<40x128xf32, #tpu.memory_space<vmem>>) dst(%dma_wait3A_167 : memref<10112x128xf32, #tpu.memory_space<vmem_shared>>)
      %add3A_168 = arith.constant 5 : i32
      %add3A_169 = arith.addi %add3A_161, %add3A_168 : i32
      %lt3A_170 = arith.cmpi slt, %add3A_169, %select_n3A_3 : i32
      %convert_element_type3A_171 = arith.extui %lt3A_170 : i1 to i32
      %cond3A_172 = arith.constant 0 : i32
      %cond3A_173 = arith.cmpi ne, %convert_element_type3A_171, %cond3A_172 : i32
      scf.if %cond3A_173 {
        %mul3A_202 = arith.constant 40 : i32
        %mul3A_203 = arith.muli %add3A_169, %mul3A_202 : i32
        %dma_start3A_204 = tpu.memref_slice %arg7[%mul3A_203] : memref<10000xi32, #tpu.memory_space<vmem>> -> memref<40xi32, #tpu.memory_space<vmem>>
        %dma_start3A_205 = arith.constant 0 : i32
        %dma_start3A_206 = arith.constant 0 : i32
        %dma_start3A_207 = tpu.memref_slice %arg2[%dma_start3A_205, %dma_start3A_206] : memref<10000x128xf32, #tpu.memory_space<hbm>> -> memref<10000x128xf32, #tpu.memory_space<hbm>>
        tpu.enqueue_indirect_dma source(%dma_start3A_207 : memref<10000x128xf32, #tpu.memory_space<hbm>>) target(%arg11 : memref<40x128xf32, #tpu.memory_space<vmem>>) offsets(%dma_start3A_204 : memref<40xi32, #tpu.memory_space<vmem>>) semaphore(%arg17 : memref<!tpu.dma_semaphore, #tpu.memory_space<semaphore_mem>>)
      } else {
      }
      %add3A_174 = arith.constant 3 : i32
      %add3A_175 = arith.addi %mul3A_65, %add3A_174 : i32
      %mul3A_176 = arith.constant 40 : i32
      %mul3A_177 = arith.muli %add3A_175, %mul3A_176 : i32
      %dma_wait3A_178 = tpu.memref_slice %arg8[%mul3A_177] : memref<10000xi32, #tpu.memory_space<vmem>> -> memref<40xi32, #tpu.memory_space<vmem>>
      %dma_wait3A_179 = arith.constant 0 : i32
      %dma_wait3A_180 = arith.constant 0 : i32
      %dma_wait3A_181 = tpu.memref_slice %arg14[%dma_wait3A_179, %dma_wait3A_180] : memref<10112x128xf32, #tpu.memory_space<vmem_shared>> -> memref<10112x128xf32, #tpu.memory_space<vmem_shared>>
      tpu.wait_indirect_dma semaphore(%arg23 : memref<!tpu.dma_semaphore, #tpu.memory_space<semaphore_mem>>) src(%arg12 : memref<40x128xf32, #tpu.memory_space<vmem>>) dst(%dma_wait3A_181 : memref<10112x128xf32, #tpu.memory_space<vmem_shared>>)
      %add3A_182 = arith.constant 5 : i32
      %add3A_183 = arith.addi %add3A_175, %add3A_182 : i32
      %lt3A_184 = arith.cmpi slt, %add3A_183, %select_n3A_3 : i32
      %convert_element_type3A_185 = arith.extui %lt3A_184 : i1 to i32
      %cond3A_186 = arith.constant 0 : i32
      %cond3A_187 = arith.cmpi ne, %convert_element_type3A_185, %cond3A_186 : i32
      scf.if %cond3A_187 {
        %mul3A_202 = arith.constant 40 : i32
        %mul3A_203 = arith.muli %add3A_183, %mul3A_202 : i32
        %dma_start3A_204 = tpu.memref_slice %arg7[%mul3A_203] : memref<10000xi32, #tpu.memory_space<vmem>> -> memref<40xi32, #tpu.memory_space<vmem>>
        %dma_start3A_205 = arith.constant 0 : i32
        %dma_start3A_206 = arith.constant 0 : i32
        %dma_start3A_207 = tpu.memref_slice %arg2[%dma_start3A_205, %dma_start3A_206] : memref<10000x128xf32, #tpu.memory_space<hbm>> -> memref<10000x128xf32, #tpu.memory_space<hbm>>
        tpu.enqueue_indirect_dma source(%dma_start3A_207 : memref<10000x128xf32, #tpu.memory_space<hbm>>) target(%arg12 : memref<40x128xf32, #tpu.memory_space<vmem>>) offsets(%dma_start3A_204 : memref<40xi32, #tpu.memory_space<vmem>>) semaphore(%arg18 : memref<!tpu.dma_semaphore, #tpu.memory_space<semaphore_mem>>)
      } else {
      }
      %add3A_188 = arith.constant 4 : i32
      %add3A_189 = arith.addi %mul3A_65, %add3A_188 : i32
      %mul3A_190 = arith.constant 40 : i32
      %mul3A_191 = arith.muli %add3A_189, %mul3A_190 : i32
      %dma_wait3A_192 = tpu.memref_slice %arg8[%mul3A_191] : memref<10000xi32, #tpu.memory_space<vmem>> -> memref<40xi32, #tpu.memory_space<vmem>>
      %dma_wait3A_193 = arith.constant 0 : i32
      %dma_wait3A_194 = arith.constant 0 : i32
      %dma_wait3A_195 = tpu.memref_slice %arg14[%dma_wait3A_193, %dma_wait3A_194] : memref<10112x128xf32, #tpu.memory_space<vmem_shared>> -> memref<10112x128xf32, #tpu.memory_space<vmem_shared>>
      tpu.wait_indirect_dma semaphore(%arg24 : memref<!tpu.dma_semaphore, #tpu.memory_space<semaphore_mem>>) src(%arg13 : memref<40x128xf32, #tpu.memory_space<vmem>>) dst(%dma_wait3A_195 : memref<10112x128xf32, #tpu.memory_space<vmem_shared>>)
      %add3A_196 = arith.constant 5 : i32
      %add3A_197 = arith.addi %add3A_189, %add3A_196 : i32
      %lt3A_198 = arith.cmpi slt, %add3A_197, %select_n3A_3 : i32
      %convert_element_type3A_199 = arith.extui %lt3A_198 : i1 to i32
      %cond3A_200 = arith.constant 0 : i32
      %cond3A_201 = arith.cmpi ne, %convert_element_type3A_199, %cond3A_200 : i32
      scf.if %cond3A_201 {
        %mul3A_202 = arith.constant 40 : i32
        %mul3A_203 = arith.muli %add3A_197, %mul3A_202 : i32
        %dma_start3A_204 = tpu.memref_slice %arg7[%mul3A_203] : memref<10000xi32, #tpu.memory_space<vmem>> -> memref<40xi32, #tpu.memory_space<vmem>>
        %dma_start3A_205 = arith.constant 0 : i32
        %dma_start3A_206 = arith.constant 0 : i32
        %dma_start3A_207 = tpu.memref_slice %arg2[%dma_start3A_205, %dma_start3A_206] : memref<10000x128xf32, #tpu.memory_space<hbm>> -> memref<10000x128xf32, #tpu.memory_space<hbm>>
        tpu.enqueue_indirect_dma source(%dma_start3A_207 : memref<10000x128xf32, #tpu.memory_space<hbm>>) target(%arg13 : memref<40x128xf32, #tpu.memory_space<vmem>>) offsets(%dma_start3A_204 : memref<40xi32, #tpu.memory_space<vmem>>) semaphore(%arg19 : memref<!tpu.dma_semaphore, #tpu.memory_space<semaphore_mem>>)
      } else {
      }
    }
    %while3A_57 = arith.constant 1 : i32
    scf.for %while3A_63 = %while3A_55 to %while3A_51 step %while3A_57  : i32 {
      %mul3A_64 = arith.constant 5 : i32
      %mul3A_65 = arith.muli %while3A_63, %mul3A_64 : i32
      %add3A_66 = arith.constant 0 : i32
      %add3A_67 = arith.addi %mul3A_65, %add3A_66 : i32
      %mul3A_68 = arith.constant 40 : i32
      %mul3A_69 = arith.muli %add3A_67, %mul3A_68 : i32
      %dma_wait3A = tpu.memref_slice %arg7[%mul3A_69] : memref<10000xi32, #tpu.memory_space<vmem>> -> memref<40xi32, #tpu.memory_space<vmem>>
      %dma_wait3A_70 = arith.constant 0 : i32
      %dma_wait3A_71 = arith.constant 0 : i32
      %dma_wait3A_72 = tpu.memref_slice %arg2[%dma_wait3A_70, %dma_wait3A_71] : memref<10000x128xf32, #tpu.memory_space<hbm>> -> memref<10000x128xf32, #tpu.memory_space<hbm>>
      tpu.wait_indirect_dma semaphore(%arg15 : memref<!tpu.dma_semaphore, #tpu.memory_space<semaphore_mem>>) src(%dma_wait3A_72 : memref<10000x128xf32, #tpu.memory_space<hbm>>) dst(%arg9 : memref<40x128xf32, #tpu.memory_space<vmem>>)
      %mul3A_73 = arith.constant 40 : i32
      %mul3A_74 = arith.muli %add3A_67, %mul3A_73 : i32
      %dma_start3A_75 = tpu.memref_slice %arg8[%mul3A_74] : memref<10000xi32, #tpu.memory_space<vmem>> -> memref<40xi32, #tpu.memory_space<vmem>>
      %dma_start3A_76 = arith.constant 0 : i32
      %dma_start3A_77 = arith.constant 0 : i32
      %dma_start3A_78 = tpu.memref_slice %arg14[%dma_start3A_76, %dma_start3A_77] : memref<10112x128xf32, #tpu.memory_space<vmem_shared>> -> memref<10112x128xf32, #tpu.memory_space<vmem_shared>>
      tpu.enqueue_indirect_dma source(%arg9 : memref<40x128xf32, #tpu.memory_space<vmem>>) target(%dma_start3A_78 : memref<10112x128xf32, #tpu.memory_space<vmem_shared>>) offsets(%dma_start3A_75 : memref<40xi32, #tpu.memory_space<vmem>>) semaphore(%arg20 : memref<!tpu.dma_semaphore, #tpu.memory_space<semaphore_mem>>) {add = true}
      %add3A_79 = arith.constant 1 : i32
      %add3A_80 = arith.addi %mul3A_65, %add3A_79 : i32
      %mul3A_81 = arith.constant 40 : i32
      %mul3A_82 = arith.muli %add3A_80, %mul3A_81 : i32
      %dma_wait3A_83 = tpu.memref_slice %arg7[%mul3A_82] : memref<10000xi32, #tpu.memory_space<vmem>> -> memref<40xi32, #tpu.memory_space<vmem>>
      %dma_wait3A_84 = arith.constant 0 : i32
      %dma_wait3A_85 = arith.constant 0 : i32
      %dma_wait3A_86 = tpu.memref_slice %arg2[%dma_wait3A_84, %dma_wait3A_85] : memref<10000x128xf32, #tpu.memory_space<hbm>> -> memref<10000x128xf32, #tpu.memory_space<hbm>>
      tpu.wait_indirect_dma semaphore(%arg16 : memref<!tpu.dma_semaphore, #tpu.memory_space<semaphore_mem>>) src(%dma_wait3A_86 : memref<10000x128xf32, #tpu.memory_space<hbm>>) dst(%arg10 : memref<40x128xf32, #tpu.memory_space<vmem>>)
      %mul3A_87 = arith.constant 40 : i32
      %mul3A_88 = arith.muli %add3A_80, %mul3A_87 : i32
      %dma_start3A_89 = tpu.memref_slice %arg8[%mul3A_88] : memref<10000xi32, #tpu.memory_space<vmem>> -> memref<40xi32, #tpu.memory_space<vmem>>
      %dma_start3A_90 = arith.constant 0 : i32
      %dma_start3A_91 = arith.constant 0 : i32
      %dma_start3A_92 = tpu.memref_slice %arg14[%dma_start3A_90, %dma_start3A_91] : memref<10112x128xf32, #tpu.memory_space<vmem_shared>> -> memref<10112x128xf32, #tpu.memory_space<vmem_shared>>
      tpu.enqueue_indirect_dma source(%arg10 : memref<40x128xf32, #tpu.memory_space<vmem>>) target(%dma_start3A_92 : memref<10112x128xf32, #tpu.memory_space<vmem_shared>>) offsets(%dma_start3A_89 : memref<40xi32, #tpu.memory_space<vmem>>) semaphore(%arg21 : memref<!tpu.dma_semaphore, #tpu.memory_space<semaphore_mem>>) {add = true}
      %add3A_93 = arith.constant 2 : i32
      %add3A_94 = arith.addi %mul3A_65, %add3A_93 : i32
      %mul3A_95 = arith.constant 40 : i32
      %mul3A_96 = arith.muli %add3A_94, %mul3A_95 : i32
      %dma_wait3A_97 = tpu.memref_slice %arg7[%mul3A_96] : memref<10000xi32, #tpu.memory_space<vmem>> -> memref<40xi32, #tpu.memory_space<vmem>>
      %dma_wait3A_98 = arith.constant 0 : i32
      %dma_wait3A_99 = arith.constant 0 : i32
      %dma_wait3A_100 = tpu.memref_slice %arg2[%dma_wait3A_98, %dma_wait3A_99] : memref<10000x128xf32, #tpu.memory_space<hbm>> -> memref<10000x128xf32, #tpu.memory_space<hbm>>
      tpu.wait_indirect_dma semaphore(%arg17 : memref<!tpu.dma_semaphore, #tpu.memory_space<semaphore_mem>>) src(%dma_wait3A_100 : memref<10000x128xf32, #tpu.memory_space<hbm>>) dst(%arg11 : memref<40x128xf32, #tpu.memory_space<vmem>>)
      %mul3A_101 = arith.constant 40 : i32
      %mul3A_102 = arith.muli %add3A_94, %mul3A_101 : i32
      %dma_start3A_103 = tpu.memref_slice %arg8[%mul3A_102] : memref<10000xi32, #tpu.memory_space<vmem>> -> memref<40xi32, #tpu.memory_space<vmem>>
      %dma_start3A_104 = arith.constant 0 : i32
      %dma_start3A_105 = arith.constant 0 : i32
      %dma_start3A_106 = tpu.memref_slice %arg14[%dma_start3A_104, %dma_start3A_105] : memref<10112x128xf32, #tpu.memory_space<vmem_shared>> -> memref<10112x128xf32, #tpu.memory_space<vmem_shared>>
      tpu.enqueue_indirect_dma source(%arg11 : memref<40x128xf32, #tpu.memory_space<vmem>>) target(%dma_start3A_106 : memref<10112x128xf32, #tpu.memory_space<vmem_shared>>) offsets(%dma_start3A_103 : memref<40xi32, #tpu.memory_space<vmem>>) semaphore(%arg22 : memref<!tpu.dma_semaphore, #tpu.memory_space<semaphore_mem>>) {add = true}
      %add3A_107 = arith.constant 3 : i32
      %add3A_108 = arith.addi %mul3A_65, %add3A_107 : i32
      %mul3A_109 = arith.constant 40 : i32
      %mul3A_110 = arith.muli %add3A_108, %mul3A_109 : i32
      %dma_wait3A_111 = tpu.memref_slice %arg7[%mul3A_110] : memref<10000xi32, #tpu.memory_space<vmem>> -> memref<40xi32, #tpu.memory_space<vmem>>
      %dma_wait3A_112 = arith.constant 0 : i32
      %dma_wait3A_113 = arith.constant 0 : i32
      %dma_wait3A_114 = tpu.memref_slice %arg2[%dma_wait3A_112, %dma_wait3A_113] : memref<10000x128xf32, #tpu.memory_space<hbm>> -> memref<10000x128xf32, #tpu.memory_space<hbm>>
      tpu.wait_indirect_dma semaphore(%arg18 : memref<!tpu.dma_semaphore, #tpu.memory_space<semaphore_mem>>) src(%dma_wait3A_114 : memref<10000x128xf32, #tpu.memory_space<hbm>>) dst(%arg12 : memref<40x128xf32, #tpu.memory_space<vmem>>)
      %mul3A_115 = arith.constant 40 : i32
      %mul3A_116 = arith.muli %add3A_108, %mul3A_115 : i32
      %dma_start3A_117 = tpu.memref_slice %arg8[%mul3A_116] : memref<10000xi32, #tpu.memory_space<vmem>> -> memref<40xi32, #tpu.memory_space<vmem>>
      %dma_start3A_118 = arith.constant 0 : i32
      %dma_start3A_119 = arith.constant 0 : i32
      %dma_start3A_120 = tpu.memref_slice %arg14[%dma_start3A_118, %dma_start3A_119] : memref<10112x128xf32, #tpu.memory_space<vmem_shared>> -> memref<10112x128xf32, #tpu.memory_space<vmem_shared>>
      tpu.enqueue_indirect_dma source(%arg12 : memref<40x128xf32, #tpu.memory_space<vmem>>) target(%dma_start3A_120 : memref<10112x128xf32, #tpu.memory_space<vmem_shared>>) offsets(%dma_start3A_117 : memref<40xi32, #tpu.memory_space<vmem>>) semaphore(%arg23 : memref<!tpu.dma_semaphore, #tpu.memory_space<semaphore_mem>>) {add = true}
      %add3A_121 = arith.constant 4 : i32
      %add3A_122 = arith.addi %mul3A_65, %add3A_121 : i32
      %mul3A_123 = arith.constant 40 : i32
      %mul3A_124 = arith.muli %add3A_122, %mul3A_123 : i32
      %dma_wait3A_125 = tpu.memref_slice %arg7[%mul3A_124] : memref<10000xi32, #tpu.memory_space<vmem>> -> memref<40xi32, #tpu.memory_space<vmem>>
      %dma_wait3A_126 = arith.constant 0 : i32
      %dma_wait3A_127 = arith.constant 0 : i32
      %dma_wait3A_128 = tpu.memref_slice %arg2[%dma_wait3A_126, %dma_wait3A_127] : memref<10000x128xf32, #tpu.memory_space<hbm>> -> memref<10000x128xf32, #tpu.memory_space<hbm>>
      tpu.wait_indirect_dma semaphore(%arg19 : memref<!tpu.dma_semaphore, #tpu.memory_space<semaphore_mem>>) src(%dma_wait3A_128 : memref<10000x128xf32, #tpu.memory_space<hbm>>) dst(%arg13 : memref<40x128xf32, #tpu.memory_space<vmem>>)
      %mul3A_129 = arith.constant 40 : i32
      %mul3A_130 = arith.muli %add3A_122, %mul3A_129 : i32
      %dma_start3A_131 = tpu.memref_slice %arg8[%mul3A_130] : memref<10000xi32, #tpu.memory_space<vmem>> -> memref<40xi32, #tpu.memory_space<vmem>>
      %dma_start3A_132 = arith.constant 0 : i32
      %dma_start3A_133 = arith.constant 0 : i32
      %dma_start3A_134 = tpu.memref_slice %arg14[%dma_start3A_132, %dma_start3A_133] : memref<10112x128xf32, #tpu.memory_space<vmem_shared>> -> memref<10112x128xf32, #tpu.memory_space<vmem_shared>>
      tpu.enqueue_indirect_dma source(%arg13 : memref<40x128xf32, #tpu.memory_space<vmem>>) target(%dma_start3A_134 : memref<10112x128xf32, #tpu.memory_space<vmem_shared>>) offsets(%dma_start3A_131 : memref<40xi32, #tpu.memory_space<vmem>>) semaphore(%arg24 : memref<!tpu.dma_semaphore, #tpu.memory_space<semaphore_mem>>) {add = true}
      %add3A_135 = arith.constant 0 : i32
      %add3A_136 = arith.addi %mul3A_65, %add3A_135 : i32
      %mul3A_137 = arith.constant 40 : i32
      %mul3A_138 = arith.muli %add3A_136, %mul3A_137 : i32
      %dma_wait3A_139 = tpu.memref_slice %arg8[%mul3A_138] : memref<10000xi32, #tpu.memory_space<vmem>> -> memref<40xi32, #tpu.memory_space<vmem>>
      %dma_wait3A_140 = arith.constant 0 : i32
      %dma_wait3A_141 = arith.constant 0 : i32
      %dma_wait3A_142 = tpu.memref_slice %arg14[%dma_wait3A_140, %dma_wait3A_141] : memref<10112x128xf32, #tpu.memory_space<vmem_shared>> -> memref<10112x128xf32, #tpu.memory_space<vmem_shared>>
      tpu.wait_indirect_dma semaphore(%arg20 : memref<!tpu.dma_semaphore, #tpu.memory_space<semaphore_mem>>) src(%arg9 : memref<40x128xf32, #tpu.memory_space<vmem>>) dst(%dma_wait3A_142 : memref<10112x128xf32, #tpu.memory_space<vmem_shared>>)
      %add3A_143 = arith.constant 5 : i32
      %add3A_144 = arith.addi %add3A_136, %add3A_143 : i32
      %lt3A = arith.cmpi slt, %add3A_144, %select_n3A_3 : i32
      %convert_element_type3A = arith.extui %lt3A : i1 to i32
      %cond3A = arith.constant 0 : i32
      %cond3A_145 = arith.cmpi ne, %convert_element_type3A, %cond3A : i32
      scf.if %cond3A_145 {
        %mul3A_202 = arith.constant 40 : i32
        %mul3A_203 = arith.muli %add3A_144, %mul3A_202 : i32
        %dma_start3A_204 = tpu.memref_slice %arg7[%mul3A_203] : memref<10000xi32, #tpu.memory_space<vmem>> -> memref<40xi32, #tpu.memory_space<vmem>>
        %dma_start3A_205 = arith.constant 0 : i32
        %dma_start3A_206 = arith.constant 0 : i32
        %dma_start3A_207 = tpu.memref_slice %arg2[%dma_start3A_205, %dma_start3A_206] : memref<10000x128xf32, #tpu.memory_space<hbm>> -> memref<10000x128xf32, #tpu.memory_space<hbm>>
        tpu.enqueue_indirect_dma source(%dma_start3A_207 : memref<10000x128xf32, #tpu.memory_space<hbm>>) target(%arg9 : memref<40x128xf32, #tpu.memory_space<vmem>>) offsets(%dma_start3A_204 : memref<40xi32, #tpu.memory_space<vmem>>) semaphore(%arg15 : memref<!tpu.dma_semaphore, #tpu.memory_space<semaphore_mem>>)
      } else {
      }
      %add3A_146 = arith.constant 1 : i32
      %add3A_147 = arith.addi %mul3A_65, %add3A_146 : i32
      %mul3A_148 = arith.constant 40 : i32
      %mul3A_149 = arith.muli %add3A_147, %mul3A_148 : i32
      %dma_wait3A_150 = tpu.memref_slice %arg8[%mul3A_149] : memref<10000xi32, #tpu.memory_space<vmem>> -> memref<40xi32, #tpu.memory_space<vmem>>
      %dma_wait3A_151 = arith.constant 0 : i32
      %dma_wait3A_152 = arith.constant 0 : i32
      %dma_wait3A_153 = tpu.memref_slice %arg14[%dma_wait3A_151, %dma_wait3A_152] : memref<10112x128xf32, #tpu.memory_space<vmem_shared>> -> memref<10112x128xf32, #tpu.memory_space<vmem_shared>>
      tpu.wait_indirect_dma semaphore(%arg21 : memref<!tpu.dma_semaphore, #tpu.memory_space<semaphore_mem>>) src(%arg10 : memref<40x128xf32, #tpu.memory_space<vmem>>) dst(%dma_wait3A_153 : memref<10112x128xf32, #tpu.memory_space<vmem_shared>>)
      %add3A_154 = arith.constant 5 : i32
      %add3A_155 = arith.addi %add3A_147, %add3A_154 : i32
      %lt3A_156 = arith.cmpi slt, %add3A_155, %select_n3A_3 : i32
      %convert_element_type3A_157 = arith.extui %lt3A_156 : i1 to i32
      %cond3A_158 = arith.constant 0 : i32
      %cond3A_159 = arith.cmpi ne, %convert_element_type3A_157, %cond3A_158 : i32
      scf.if %cond3A_159 {
        %mul3A_202 = arith.constant 40 : i32
        %mul3A_203 = arith.muli %add3A_155, %mul3A_202 : i32
        %dma_start3A_204 = tpu.memref_slice %arg7[%mul3A_203] : memref<10000xi32, #tpu.memory_space<vmem>> -> memref<40xi32, #tpu.memory_space<vmem>>
        %dma_start3A_205 = arith.constant 0 : i32
        %dma_start3A_206 = arith.constant 0 : i32
        %dma_start3A_207 = tpu.memref_slice %arg2[%dma_start3A_205, %dma_start3A_206] : memref<10000x128xf32, #tpu.memory_space<hbm>> -> memref<10000x128xf32, #tpu.memory_space<hbm>>
        tpu.enqueue_indirect_dma source(%dma_start3A_207 : memref<10000x128xf32, #tpu.memory_space<hbm>>) target(%arg10 : memref<40x128xf32, #tpu.memory_space<vmem>>) offsets(%dma_start3A_204 : memref<40xi32, #tpu.memory_space<vmem>>) semaphore(%arg16 : memref<!tpu.dma_semaphore, #tpu.memory_space<semaphore_mem>>)
      } else {
      }
      %add3A_160 = arith.constant 2 : i32
      %add3A_161 = arith.addi %mul3A_65, %add3A_160 : i32
      %mul3A_162 = arith.constant 40 : i32
      %mul3A_163 = arith.muli %add3A_161, %mul3A_162 : i32
      %dma_wait3A_164 = tpu.memref_slice %arg8[%mul3A_163] : memref<10000xi32, #tpu.memory_space<vmem>> -> memref<40xi32, #tpu.memory_space<vmem>>
      %dma_wait3A_165 = arith.constant 0 : i32
      %dma_wait3A_166 = arith.constant 0 : i32
      %dma_wait3A_167 = tpu.memref_slice %arg14[%dma_wait3A_165, %dma_wait3A_166] : memref<10112x128xf32, #tpu.memory_space<vmem_shared>> -> memref<10112x128xf32, #tpu.memory_space<vmem_shared>>
      tpu.wait_indirect_dma semaphore(%arg22 : memref<!tpu.dma_semaphore, #tpu.memory_space<semaphore_mem>>) src(%arg11 : memref<40x128xf32, #tpu.memory_space<vmem>>) dst(%dma_wait3A_167 : memref<10112x128xf32, #tpu.memory_space<vmem_shared>>)
      %add3A_168 = arith.constant 5 : i32
      %add3A_169 = arith.addi %add3A_161, %add3A_168 : i32
      %lt3A_170 = arith.cmpi slt, %add3A_169, %select_n3A_3 : i32
      %convert_element_type3A_171 = arith.extui %lt3A_170 : i1 to i32
      %cond3A_172 = arith.constant 0 : i32
      %cond3A_173 = arith.cmpi ne, %convert_element_type3A_171, %cond3A_172 : i32
      scf.if %cond3A_173 {
        %mul3A_202 = arith.constant 40 : i32
        %mul3A_203 = arith.muli %add3A_169, %mul3A_202 : i32
        %dma_start3A_204 = tpu.memref_slice %arg7[%mul3A_203] : memref<10000xi32, #tpu.memory_space<vmem>> -> memref<40xi32, #tpu.memory_space<vmem>>
        %dma_start3A_205 = arith.constant 0 : i32
        %dma_start3A_206 = arith.constant 0 : i32
        %dma_start3A_207 = tpu.memref_slice %arg2[%dma_start3A_205, %dma_start3A_206] : memref<10000x128xf32, #tpu.memory_space<hbm>> -> memref<10000x128xf32, #tpu.memory_space<hbm>>
        tpu.enqueue_indirect_dma source(%dma_start3A_207 : memref<10000x128xf32, #tpu.memory_space<hbm>>) target(%arg11 : memref<40x128xf32, #tpu.memory_space<vmem>>) offsets(%dma_start3A_204 : memref<40xi32, #tpu.memory_space<vmem>>) semaphore(%arg17 : memref<!tpu.dma_semaphore, #tpu.memory_space<semaphore_mem>>)
      } else {
      }
      %add3A_174 = arith.constant 3 : i32
      %add3A_175 = arith.addi %mul3A_65, %add3A_174 : i32
      %mul3A_176 = arith.constant 40 : i32
      %mul3A_177 = arith.muli %add3A_175, %mul3A_176 : i32
      %dma_wait3A_178 = tpu.memref_slice %arg8[%mul3A_177] : memref<10000xi32, #tpu.memory_space<vmem>> -> memref<40xi32, #tpu.memory_space<vmem>>
      %dma_wait3A_179 = arith.constant 0 : i32
      %dma_wait3A_180 = arith.constant 0 : i32
      %dma_wait3A_181 = tpu.memref_slice %arg14[%dma_wait3A_179, %dma_wait3A_180] : memref<10112x128xf32, #tpu.memory_space<vmem_shared>> -> memref<10112x128xf32, #tpu.memory_space<vmem_shared>>
      tpu.wait_indirect_dma semaphore(%arg23 : memref<!tpu.dma_semaphore, #tpu.memory_space<semaphore_mem>>) src(%arg12 : memref<40x128xf32, #tpu.memory_space<vmem>>) dst(%dma_wait3A_181 : memref<10112x128xf32, #tpu.memory_space<vmem_shared>>)
      %add3A_182 = arith.constant 5 : i32
      %add3A_183 = arith.addi %add3A_175, %add3A_182 : i32
      %lt3A_184 = arith.cmpi slt, %add3A_183, %select_n3A_3 : i32
      %convert_element_type3A_185 = arith.extui %lt3A_184 : i1 to i32
      %cond3A_186 = arith.constant 0 : i32
      %cond3A_187 = arith.cmpi ne, %convert_element_type3A_185, %cond3A_186 : i32
      scf.if %cond3A_187 {
        %mul3A_202 = arith.constant 40 : i32
        %mul3A_203 = arith.muli %add3A_183, %mul3A_202 : i32
        %dma_start3A_204 = tpu.memref_slice %arg7[%mul3A_203] : memref<10000xi32, #tpu.memory_space<vmem>> -> memref<40xi32, #tpu.memory_space<vmem>>
        %dma_start3A_205 = arith.constant 0 : i32
        %dma_start3A_206 = arith.constant 0 : i32
        %dma_start3A_207 = tpu.memref_slice %arg2[%dma_start3A_205, %dma_start3A_206] : memref<10000x128xf32, #tpu.memory_space<hbm>> -> memref<10000x128xf32, #tpu.memory_space<hbm>>
        tpu.enqueue_indirect_dma source(%dma_start3A_207 : memref<10000x128xf32, #tpu.memory_space<hbm>>) target(%arg12 : memref<40x128xf32, #tpu.memory_space<vmem>>) offsets(%dma_start3A_204 : memref<40xi32, #tpu.memory_space<vmem>>) semaphore(%arg18 : memref<!tpu.dma_semaphore, #tpu.memory_space<semaphore_mem>>)
      } else {
      }
      %add3A_188 = arith.constant 4 : i32
      %add3A_189 = arith.addi %mul3A_65, %add3A_188 : i32
      %mul3A_190 = arith.constant 40 : i32
      %mul3A_191 = arith.muli %add3A_189, %mul3A_190 : i32
      %dma_wait3A_192 = tpu.memref_slice %arg8[%mul3A_191] : memref<10000xi32, #tpu.memory_space<vmem>> -> memref<40xi32, #tpu.memory_space<vmem>>
      %dma_wait3A_193 = arith.constant 0 : i32
      %dma_wait3A_194 = arith.constant 0 : i32
      %dma_wait3A_195 = tpu.memref_slice %arg14[%dma_wait3A_193, %dma_wait3A_194] : memref<10112x128xf32, #tpu.memory_space<vmem_shared>> -> memref<10112x128xf32, #tpu.memory_space<vmem_shared>>
      tpu.wait_indirect_dma semaphore(%arg24 : memref<!tpu.dma_semaphore, #tpu.memory_space<semaphore_mem>>) src(%arg13 : memref<40x128xf32, #tpu.memory_space<vmem>>) dst(%dma_wait3A_195 : memref<10112x128xf32, #tpu.memory_space<vmem_shared>>)
      %add3A_196 = arith.constant 5 : i32
      %add3A_197 = arith.addi %add3A_189, %add3A_196 : i32
      %lt3A_198 = arith.cmpi slt, %add3A_197, %select_n3A_3 : i32
      %convert_element_type3A_199 = arith.extui %lt3A_198 : i1 to i32
      %cond3A_200 = arith.constant 0 : i32
      %cond3A_201 = arith.cmpi ne, %convert_element_type3A_199, %cond3A_200 : i32
      scf.if %cond3A_201 {
        %mul3A_202 = arith.constant 40 : i32
        %mul3A_203 = arith.muli %add3A_197, %mul3A_202 : i32
        %dma_start3A_204 = tpu.memref_slice %arg7[%mul3A_203] : memref<10000xi32, #tpu.memory_space<vmem>> -> memref<40xi32, #tpu.memory_space<vmem>>
        %dma_start3A_205 = arith.constant 0 : i32
        %dma_start3A_206 = arith.constant 0 : i32
        %dma_start3A_207 = tpu.memref_slice %arg2[%dma_start3A_205, %dma_start3A_206] : memref<10000x128xf32, #tpu.memory_space<hbm>> -> memref<10000x128xf32, #tpu.memory_space<hbm>>
        tpu.enqueue_indirect_dma source(%dma_start3A_207 : memref<10000x128xf32, #tpu.memory_space<hbm>>) target(%arg13 : memref<40x128xf32, #tpu.memory_space<vmem>>) offsets(%dma_start3A_204 : memref<40xi32, #tpu.memory_space<vmem>>) semaphore(%arg19 : memref<!tpu.dma_semaphore, #tpu.memory_space<semaphore_mem>>)
      } else {
      }
    }
    %barrier3A_58 = arith.constant 0 : index
    tpu.barrier barrier_id(%barrier3A_58)
    %mul3A_59 = arith.constant 632 : i32
    %mul3A_60 = arith.muli %arg1, %mul3A_59 : i32
    %mul3A_61 = arith.constant 632 : i32
    %mul3A_62 = arith.muli %arg1, %mul3A_61 : i32
    "tpu.region"() ({
      %run_scoped3A = tpu.sem_alloc : memref<!tpu.dma_semaphore, #tpu.memory_space<semaphore_mem>>
      %dma_start3A_63 = arith.constant 0 : i32
      %dma_start3A_64 = tpu.memref_slice %arg6[%arg0, %mul3A_62, %dma_start3A_63] : memref<2x10112x128xf32, #tpu.memory_space<hbm>> -> memref<1x632x128xf32, #tpu.memory_space<hbm>>
      %dma_start3A_65 = tpu.memref_squeeze %dma_start3A_64 : memref<1x632x128xf32, #tpu.memory_space<hbm>> -> memref<632x128xf32, #tpu.memory_space<hbm>>
      %dma_start3A_66 = arith.constant 0 : i32
      %dma_start3A_67 = tpu.memref_slice %arg14[%mul3A_60, %dma_start3A_66] : memref<10112x128xf32, #tpu.memory_space<vmem_shared>> -> memref<632x128xf32, #tpu.memory_space<vmem_shared>>
      tpu.enqueue_dma source(%dma_start3A_67 : memref<632x128xf32, #tpu.memory_space<vmem_shared>>) target(%dma_start3A_65 : memref<632x128xf32, #tpu.memory_space<hbm>>) target_semaphore(%run_scoped3A : memref<!tpu.dma_semaphore, #tpu.memory_space<semaphore_mem>>)
      %dma_wait3A = arith.constant 0 : i32
      %dma_wait3A_68 = tpu.memref_slice %arg6[%arg0, %mul3A_62, %dma_wait3A] : memref<2x10112x128xf32, #tpu.memory_space<hbm>> -> memref<1x632x128xf32, #tpu.memory_space<hbm>>
      %dma_wait3A_69 = tpu.memref_squeeze %dma_wait3A_68 : memref<1x632x128xf32, #tpu.memory_space<hbm>> -> memref<632x128xf32, #tpu.memory_space<hbm>>
      %dma_wait3A_70 = arith.constant 0 : i32
      %dma_wait3A_71 = tpu.memref_slice %arg14[%mul3A_60, %dma_wait3A_70] : memref<10112x128xf32, #tpu.memory_space<vmem_shared>> -> memref<632x128xf32, #tpu.memory_space<vmem_shared>>
      tpu.wait_dma2 semaphore(%run_scoped3A : memref<!tpu.dma_semaphore, #tpu.memory_space<semaphore_mem>>) src(%dma_wait3A_71 : memref<632x128xf32, #tpu.memory_space<vmem_shared>>) dst(%dma_wait3A_69 : memref<632x128xf32, #tpu.memory_space<hbm>>)
      tpu.yield
    }) : () -> ()
    return
  }
}

#map = affine_map<(d0, d1) -> (0, 0)>
#map1 = affine_map<(d0, d1) -> (0, 0, 0)>
module attributes {stable_mosaic.version = 14 : i64} {
  func.func @run(%arg0: i32, %arg1: i32, %arg2: memref<10000x128xf32, #tpu.memory_space<hbm>>, %arg3: memref<32x10000xi32, #tpu.memory_space<hbm>>, %arg4: memref<32x10000xi32, #tpu.memory_space<hbm>>, %arg5: memref<10112x128xf32, #tpu.memory_space<hbm>>, %arg6: memref<2x10112x128xf32, #tpu.memory_space<hbm>>, %arg7: memref<10000xi32, #tpu.memory_space<vmem>>, %arg8: memref<10000xi32, #tpu.memory_space<vmem>>, %arg9: memref<40x128xf32, #tpu.memory_space<vmem>>, %arg10: memref<40x128xf32, #tpu.memory_space<vmem>>, %arg11: memref<40x128xf32, #tpu.memory_space<vmem>>, %arg12: memref<40x128xf32, #tpu.memory_space<vmem>>, %arg13: memref<40x128xf32, #tpu.memory_space<vmem>>, %arg14: memref<10112x128xf32, #tpu.memory_space<vmem_shared>>, %arg15: memref<!tpu.dma_semaphore, #tpu.memory_space<semaphore_mem>>, %arg16: memref<!tpu.dma_semaphore, #tpu.memory_space<semaphore_mem>>, %arg17: memref<!tpu.dma_semaphore, #tpu.memory_space<semaphore_mem>>, %arg18: memref<!tpu.dma_semaphore, #tpu.memory_space<semaphore_mem>>, %arg19: memref<!tpu.dma_semaphore, #tpu.memory_space<semaphore_mem>>, %arg20: memref<!tpu.dma_semaphore, #tpu.memory_space<semaphore_mem>>, %arg21: memref<!tpu.dma_semaphore, #tpu.memory_space<semaphore_mem>>, %arg22: memref<!tpu.dma_semaphore, #tpu.memory_space<semaphore_mem>>, %arg23: memref<!tpu.dma_semaphore, #tpu.memory_space<semaphore_mem>>, %arg24: memref<!tpu.dma_semaphore, #tpu.memory_space<semaphore_mem>>) attributes {dimension_semantics = [#tpu.dimension_semantics<core_parallel>, #tpu.dimension_semantics<subcore_parallel>], iteration_bounds = array<i64: 2, 16>, scalar_prefetch = 0 : i64, scratch_operands = 18 : i64, tpu.core_type = #tpu.core_type<sc_vector_subcore>, window_params = [{transform_indices = #map}, {transform_indices = #map}, {transform_indices = #map}, {transform_indices = #map}, {transform_indices = #map1}]} {
    %mul3A = arith.constant 2 : i32
    %mul3A_0 = arith.muli %arg1, %mul3A : i32
    %add3A = arith.addi %mul3A_0, %arg0 : i32
    %eq3A = arith.constant 0 : i32
    %eq3A_1 = arith.cmpi eq, %arg0, %eq3A : i32
    %select_n3A = arith.constant 250 : i32
    %select_n3A_2 = arith.constant 250 : i32
    %select_n3A_3 = arith.select %eq3A_1, %select_n3A_2, %select_n3A : i32
    "tpu.region"() ({
      %run_scoped3A = tpu.sem_alloc : memref<!tpu.dma_semaphore, #tpu.memory_space<semaphore_mem>>
      %dma_start3A_63 = arith.constant 0 : i32
      %dma_start3A_64 = tpu.memref_slice %arg3[%add3A, %dma_start3A_63] : memref<32x10000xi32, #tpu.memory_space<hbm>> -> memref<1x10000xi32, #tpu.memory_space<hbm>>
      %dma_start3A_65 = tpu.memref_squeeze %dma_start3A_64 : memref<1x10000xi32, #tpu.memory_space<hbm>> -> memref<10000xi32, #tpu.memory_space<hbm>>
      %dma_start3A_66 = arith.constant 0 : i32
      %dma_start3A_67 = tpu.memref_slice %arg3[%add3A, %dma_start3A_66] : memref<32x10000xi32, #tpu.memory_space<hbm>> -> memref<1x10000xi32, #tpu.memory_space<hbm>>
      %dma_start3A_68 = tpu.memref_squeeze %dma_start3A_67 : memref<1x10000xi32, #tpu.memory_space<hbm>> -> memref<10000xi32, #tpu.memory_space<hbm>>
      tpu.enqueue_dma source(%dma_start3A_68 : memref<10000xi32, #tpu.memory_space<hbm>>) target(%arg7 : memref<10000xi32, #tpu.memory_space<vmem>>) target_semaphore(%run_scoped3A : memref<!tpu.dma_semaphore, #tpu.memory_space<semaphore_mem>>)
      %dma_wait3A = arith.constant 0 : i32
      %dma_wait3A_69 = tpu.memref_slice %arg3[%add3A, %dma_wait3A] : memref<32x10000xi32, #tpu.memory_space<hbm>> -> memref<1x10000xi32, #tpu.memory_space<hbm>>
      %dma_wait3A_70 = tpu.memref_squeeze %dma_wait3A_69 : memref<1x10000xi32, #tpu.memory_space<hbm>> -> memref<10000xi32, #tpu.memory_space<hbm>>
      %dma_wait3A_71 = arith.constant 0 : i32
      %dma_wait3A_72 = tpu.memref_slice %arg3[%add3A, %dma_wait3A_71] : memref<32x10000xi32, #tpu.memory_space<hbm>> -> memref<1x10000xi32, #tpu.memory_space<hbm>>
      %dma_wait3A_73 = tpu.memref_squeeze %dma_wait3A_72 : memref<1x10000xi32, #tpu.memory_space<hbm>> -> memref<10000xi32, #tpu.memory_space<hbm>>
      tpu.wait_dma2 semaphore(%run_scoped3A : memref<!tpu.dma_semaphore, #tpu.memory_space<semaphore_mem>>) src(%dma_wait3A_73 : memref<10000xi32, #tpu.memory_space<hbm>>) dst(%arg7 : memref<10000xi32, #tpu.memory_space<vmem>>)
      tpu.yield
    }) : () -> ()
    "tpu.region"() ({
      %run_scoped3A = tpu.sem_alloc : memref<!tpu.dma_semaphore, #tpu.memory_space<semaphore_mem>>
      %dma_start3A_63 = arith.constant 0 : i32
      %dma_start3A_64 = tpu.memref_slice %arg4[%add3A, %dma_start3A_63] : memref<32x10000xi32, #tpu.memory_space<hbm>> -> memref<1x10000xi32, #tpu.memory_space<hbm>>
      %dma_start3A_65 = tpu.memref_squeeze %dma_start3A_64 : memref<1x10000xi32, #tpu.memory_space<hbm>> -> memref<10000xi32, #tpu.memory_space<hbm>>
      %dma_start3A_66 = arith.constant 0 : i32
      %dma_start3A_67 = tpu.memref_slice %arg4[%add3A, %dma_start3A_66] : memref<32x10000xi32, #tpu.memory_space<hbm>> -> memref<1x10000xi32, #tpu.memory_space<hbm>>
      %dma_start3A_68 = tpu.memref_squeeze %dma_start3A_67 : memref<1x10000xi32, #tpu.memory_space<hbm>> -> memref<10000xi32, #tpu.memory_space<hbm>>
      tpu.enqueue_dma source(%dma_start3A_68 : memref<10000xi32, #tpu.memory_space<hbm>>) target(%arg8 : memref<10000xi32, #tpu.memory_space<vmem>>) target_semaphore(%run_scoped3A : memref<!tpu.dma_semaphore, #tpu.memory_space<semaphore_mem>>)
      %dma_wait3A = arith.constant 0 : i32
      %dma_wait3A_69 = tpu.memref_slice %arg4[%add3A, %dma_wait3A] : memref<32x10000xi32, #tpu.memory_space<hbm>> -> memref<1x10000xi32, #tpu.memory_space<hbm>>
      %dma_wait3A_70 = tpu.memref_squeeze %dma_wait3A_69 : memref<1x10000xi32, #tpu.memory_space<hbm>> -> memref<10000xi32, #tpu.memory_space<hbm>>
      %dma_wait3A_71 = arith.constant 0 : i32
      %dma_wait3A_72 = tpu.memref_slice %arg4[%add3A, %dma_wait3A_71] : memref<32x10000xi32, #tpu.memory_space<hbm>> -> memref<1x10000xi32, #tpu.memory_space<hbm>>
      %dma_wait3A_73 = tpu.memref_squeeze %dma_wait3A_72 : memref<1x10000xi32, #tpu.memory_space<hbm>> -> memref<10000xi32, #tpu.memory_space<hbm>>
      tpu.wait_dma2 semaphore(%run_scoped3A : memref<!tpu.dma_semaphore, #tpu.memory_space<semaphore_mem>>) src(%dma_wait3A_73 : memref<10000xi32, #tpu.memory_space<hbm>>) dst(%arg8 : memref<10000xi32, #tpu.memory_space<vmem>>)
      tpu.yield
    }) : () -> ()
    %mul3A_4 = arith.constant 632 : i32
    %mul3A_5 = arith.muli %arg1, %mul3A_4 : i32
    %mul3A_6 = arith.constant 632 : i32
    %mul3A_7 = arith.muli %arg1, %mul3A_6 : i32
    "tpu.region"() ({
      %run_scoped3A = tpu.sem_alloc : memref<!tpu.dma_semaphore, #tpu.memory_space<semaphore_mem>>
      %dma_start3A_63 = arith.constant 0 : i32
      %dma_start3A_64 = tpu.memref_slice %arg14[%mul3A_7, %dma_start3A_63] : memref<10112x128xf32, #tpu.memory_space<vmem_shared>> -> memref<632x128xf32, #tpu.memory_space<vmem_shared>>
      %dma_start3A_65 = arith.constant 0 : i32
      %dma_start3A_66 = tpu.memref_slice %arg5[%mul3A_5, %dma_start3A_65] : memref<10112x128xf32, #tpu.memory_space<hbm>> -> memref<632x128xf32, #tpu.memory_space<hbm>>
      tpu.enqueue_dma source(%dma_start3A_66 : memref<632x128xf32, #tpu.memory_space<hbm>>) target(%dma_start3A_64 : memref<632x128xf32, #tpu.memory_space<vmem_shared>>) target_semaphore(%run_scoped3A : memref<!tpu.dma_semaphore, #tpu.memory_space<semaphore_mem>>)
      %dma_wait3A = arith.constant 0 : i32
      %dma_wait3A_67 = tpu.memref_slice %arg14[%mul3A_7, %dma_wait3A] : memref<10112x128xf32, #tpu.memory_space<vmem_shared>> -> memref<632x128xf32, #tpu.memory_space<vmem_shared>>
      %dma_wait3A_68 = arith.constant 0 : i32
      %dma_wait3A_69 = tpu.memref_slice %arg5[%mul3A_5, %dma_wait3A_68] : memref<10112x128xf32, #tpu.memory_space<hbm>> -> memref<632x128xf32, #tpu.memory_space<hbm>>
      tpu.wait_dma2 semaphore(%run_scoped3A : memref<!tpu.dma_semaphore, #tpu.memory_space<semaphore_mem>>) src(%dma_wait3A_69 : memref<632x128xf32, #tpu.memory_space<hbm>>) dst(%dma_wait3A_67 : memref<632x128xf32, #tpu.memory_space<vmem_shared>>)
      tpu.yield
    }) : () -> ()
    %dma_start3A = arith.constant 0 : i32
    %dma_start3A_8 = tpu.memref_slice %arg7[%dma_start3A] : memref<10000xi32, #tpu.memory_space<vmem>> -> memref<40xi32, #tpu.memory_space<vmem>>
    %dma_start3A_9 = arith.constant 0 : i32
    %dma_start3A_10 = arith.constant 0 : i32
    %dma_start3A_11 = tpu.memref_slice %arg2[%dma_start3A_9, %dma_start3A_10] : memref<10000x128xf32, #tpu.memory_space<hbm>> -> memref<10000x128xf32, #tpu.memory_space<hbm>>
    tpu.enqueue_indirect_dma source(%dma_start3A_11 : memref<10000x128xf32, #tpu.memory_space<hbm>>) target(%arg9 : memref<40x128xf32, #tpu.memory_space<vmem>>) offsets(%dma_start3A_8 : memref<40xi32, #tpu.memory_space<vmem>>) semaphore(%arg15 : memref<!tpu.dma_semaphore, #tpu.memory_space<semaphore_mem>>)
    %dma_start3A_12 = arith.constant 40 : i32
    %dma_start3A_13 = tpu.memref_slice %arg7[%dma_start3A_12] : memref<10000xi32, #tpu.memory_space<vmem>> -> memref<40xi32, #tpu.memory_space<vmem>>
    %dma_start3A_14 = arith.constant 0 : i32
    %dma_start3A_15 = arith.constant 0 : i32
    %dma_start3A_16 = tpu.memref_slice %arg2[%dma_start3A_14, %dma_start3A_15] : memref<10000x128xf32, #tpu.memory_space<hbm>> -> memref<10000x128xf32, #tpu.memory_space<hbm>>
    tpu.enqueue_indirect_dma source(%dma_start3A_16 : memref<10000x128xf32, #tpu.memory_space<hbm>>) target(%arg10 : memref<40x128xf32, #tpu.memory_space<vmem>>) offsets(%dma_start3A_13 : memref<40xi32, #tpu.memory_space<vmem>>) semaphore(%arg16 : memref<!tpu.dma_semaphore, #tpu.memory_space<semaphore_mem>>)
    %dma_start3A_17 = arith.constant 80 : i32
    %dma_start3A_18 = tpu.memref_slice %arg7[%dma_start3A_17] : memref<10000xi32, #tpu.memory_space<vmem>> -> memref<40xi32, #tpu.memory_space<vmem>>
    %dma_start3A_19 = arith.constant 0 : i32
    %dma_start3A_20 = arith.constant 0 : i32
    %dma_start3A_21 = tpu.memref_slice %arg2[%dma_start3A_19, %dma_start3A_20] : memref<10000x128xf32, #tpu.memory_space<hbm>> -> memref<10000x128xf32, #tpu.memory_space<hbm>>
    tpu.enqueue_indirect_dma source(%dma_start3A_21 : memref<10000x128xf32, #tpu.memory_space<hbm>>) target(%arg11 : memref<40x128xf32, #tpu.memory_space<vmem>>) offsets(%dma_start3A_18 : memref<40xi32, #tpu.memory_space<vmem>>) semaphore(%arg17 : memref<!tpu.dma_semaphore, #tpu.memory_space<semaphore_mem>>)
    %dma_start3A_22 = arith.constant 120 : i32
    %dma_start3A_23 = tpu.memref_slice %arg7[%dma_start3A_22] : memref<10000xi32, #tpu.memory_space<vmem>> -> memref<40xi32, #tpu.memory_space<vmem>>
    %dma_start3A_24 = arith.constant 0 : i32
    %dma_start3A_25 = arith.constant 0 : i32
    %dma_start3A_26 = tpu.memref_slice %arg2[%dma_start3A_24, %dma_start3A_25] : memref<10000x128xf32, #tpu.memory_space<hbm>> -> memref<10000x128xf32, #tpu.memory_space<hbm>>
    tpu.enqueue_indirect_dma source(%dma_start3A_26 : memref<10000x128xf32, #tpu.memory_space<hbm>>) target(%arg12 : memref<40x128xf32, #tpu.memory_space<vmem>>) offsets(%dma_start3A_23 : memref<40xi32, #tpu.memory_space<vmem>>) semaphore(%arg18 : memref<!tpu.dma_semaphore, #tpu.memory_space<semaphore_mem>>)
    %dma_start3A_27 = arith.constant 160 : i32
    %dma_start3A_28 = tpu.memref_slice %arg7[%dma_start3A_27] : memref<10000xi32, #tpu.memory_space<vmem>> -> memref<40xi32, #tpu.memory_space<vmem>>
    %dma_start3A_29 = arith.constant 0 : i32
    %dma_start3A_30 = arith.constant 0 : i32
    %dma_start3A_31 = tpu.memref_slice %arg2[%dma_start3A_29, %dma_start3A_30] : memref<10000x128xf32, #tpu.memory_space<hbm>> -> memref<10000x128xf32, #tpu.memory_space<hbm>>
    tpu.enqueue_indirect_dma source(%dma_start3A_31 : memref<10000x128xf32, #tpu.memory_space<hbm>>) target(%arg13 : memref<40x128xf32, #tpu.memory_space<vmem>>) offsets(%dma_start3A_28 : memref<40xi32, #tpu.memory_space<vmem>>) semaphore(%arg19 : memref<!tpu.dma_semaphore, #tpu.memory_space<semaphore_mem>>)
    %barrier3A = arith.constant 0 : index
    tpu.barrier barrier_id(%barrier3A)
    %jit3A = arith.constant 5 : i32
    %div3A = arith.divsi %select_n3A_3, %jit3A : i32
    %sign3A = arith.constant 0 : i32
    %sign3A_32 = arith.cmpi sgt, %select_n3A_3, %sign3A : i32
    %sign3A_33 = arith.extui %sign3A_32 : i1 to i32
    %sign3A_34 = arith.constant 0 : i32
    %sign3A_35 = arith.cmpi slt, %select_n3A_3, %sign3A_34 : i32
    %sign3A_36 = arith.extui %sign3A_35 : i1 to i32
    %sign3A_37 = arith.subi %sign3A_33, %sign3A_36 : i32
    %sign3A_38 = arith.constant 0 : i32
    %sign3A_39 = arith.cmpi sgt, %jit3A, %sign3A_38 : i32
    %sign3A_40 = arith.extui %sign3A_39 : i1 to i32
    %sign3A_41 = arith.constant 0 : i32
    %sign3A_42 = arith.cmpi slt, %jit3A, %sign3A_41 : i32
    %sign3A_43 = arith.extui %sign3A_42 : i1 to i32
    %sign3A_44 = arith.subi %sign3A_40, %sign3A_43 : i32
    %ne3A = arith.cmpi ne, %sign3A_37, %sign3A_44 : i32
    %rem3A = arith.remsi %select_n3A_3, %jit3A : i32
    %ne3A_45 = arith.constant 0 : i32
    %ne3A_46 = arith.cmpi ne, %rem3A, %ne3A_45 : i32
    %and3A = arith.andi %ne3A, %ne3A_46 : i1
    %sub3A = arith.constant 1 : i32
    %sub3A_47 = arith.subi %div3A, %sub3A : i32
    %select_n3A_48 = arith.select %and3A, %sub3A_47, %div3A : i32
    %while3A = arith.constant 0 : i32
    %while3A_49 = arith.constant 0 : i32
    %while3A_50 = arith.subi %select_n3A_48, %while3A_49 : i32
    %while3A_51 = arith.addi %while3A_49, %while3A_50 : i32
    %while3A_52 = arith.constant 1 : i32
    %while3A_53 = arith.divsi %while3A_50, %while3A_52 : i32
    %while3A_54 = arith.muli %while3A_53, %while3A_52 : i32
    %while3A_55 = arith.addi %while3A_49, %while3A_54 : i32
    %while3A_56 = arith.constant 1 : i32
    scf.for %while3A_63 = %while3A_49 to %while3A_55 step %while3A_56  : i32 {
      %mul3A_64 = arith.constant 5 : i32
      %mul3A_65 = arith.muli %while3A_63, %mul3A_64 : i32
      %add3A_66 = arith.constant 0 : i32
      %add3A_67 = arith.addi %mul3A_65, %add3A_66 : i32
      %mul3A_68 = arith.constant 40 : i32
      %mul3A_69 = arith.muli %add3A_67, %mul3A_68 : i32
      %dma_wait3A = tpu.memref_slice %arg7[%mul3A_69] : memref<10000xi32, #tpu.memory_space<vmem>> -> memref<40xi32, #tpu.memory_space<vmem>>
      %dma_wait3A_70 = arith.constant 0 : i32
      %dma_wait3A_71 = arith.constant 0 : i32
      %dma_wait3A_72 = tpu.memref_slice %arg2[%dma_wait3A_70, %dma_wait3A_71] : memref<10000x128xf32, #tpu.memory_space<hbm>> -> memref<10000x128xf32, #tpu.memory_space<hbm>>
      tpu.wait_indirect_dma semaphore(%arg15 : memref<!tpu.dma_semaphore, #tpu.memory_space<semaphore_mem>>) src(%dma_wait3A_72 : memref<10000x128xf32, #tpu.memory_space<hbm>>) dst(%arg9 : memref<40x128xf32, #tpu.memory_space<vmem>>)
      %mul3A_73 = arith.constant 40 : i32
      %mul3A_74 = arith.muli %add3A_67, %mul3A_73 : i32
      %dma_start3A_75 = tpu.memref_slice %arg8[%mul3A_74] : memref<10000xi32, #tpu.memory_space<vmem>> -> memref<40xi32, #tpu.memory_space<vmem>>
      %dma_start3A_76 = arith.constant 0 : i32
      %dma_start3A_77 = arith.constant 0 : i32
      %dma_start3A_78 = tpu.memref_slice %arg14[%dma_start3A_76, %dma_start3A_77] : memref<10112x128xf32, #tpu.memory_space<vmem_shared>> -> memref<10112x128xf32, #tpu.memory_space<vmem_shared>>
      tpu.enqueue_indirect_dma source(%arg9 : memref<40x128xf32, #tpu.memory_space<vmem>>) target(%dma_start3A_78 : memref<10112x128xf32, #tpu.memory_space<vmem_shared>>) offsets(%dma_start3A_75 : memref<40xi32, #tpu.memory_space<vmem>>) semaphore(%arg20 : memref<!tpu.dma_semaphore, #tpu.memory_space<semaphore_mem>>) {add = true}
      %add3A_79 = arith.constant 1 : i32
      %add3A_80 = arith.addi %mul3A_65, %add3A_79 : i32
      %mul3A_81 = arith.constant 40 : i32
      %mul3A_82 = arith.muli %add3A_80, %mul3A_81 : i32
      %dma_wait3A_83 = tpu.memref_slice %arg7[%mul3A_82] : memref<10000xi32, #tpu.memory_space<vmem>> -> memref<40xi32, #tpu.memory_space<vmem>>
      %dma_wait3A_84 = arith.constant 0 : i32
      %dma_wait3A_85 = arith.constant 0 : i32
      %dma_wait3A_86 = tpu.memref_slice %arg2[%dma_wait3A_84, %dma_wait3A_85] : memref<10000x128xf32, #tpu.memory_space<hbm>> -> memref<10000x128xf32, #tpu.memory_space<hbm>>
      tpu.wait_indirect_dma semaphore(%arg16 : memref<!tpu.dma_semaphore, #tpu.memory_space<semaphore_mem>>) src(%dma_wait3A_86 : memref<10000x128xf32, #tpu.memory_space<hbm>>) dst(%arg10 : memref<40x128xf32, #tpu.memory_space<vmem>>)
      %mul3A_87 = arith.constant 40 : i32
      %mul3A_88 = arith.muli %add3A_80, %mul3A_87 : i32
      %dma_start3A_89 = tpu.memref_slice %arg8[%mul3A_88] : memref<10000xi32, #tpu.memory_space<vmem>> -> memref<40xi32, #tpu.memory_space<vmem>>
      %dma_start3A_90 = arith.constant 0 : i32
      %dma_start3A_91 = arith.constant 0 : i32
      %dma_start3A_92 = tpu.memref_slice %arg14[%dma_start3A_90, %dma_start3A_91] : memref<10112x128xf32, #tpu.memory_space<vmem_shared>> -> memref<10112x128xf32, #tpu.memory_space<vmem_shared>>
      tpu.enqueue_indirect_dma source(%arg10 : memref<40x128xf32, #tpu.memory_space<vmem>>) target(%dma_start3A_92 : memref<10112x128xf32, #tpu.memory_space<vmem_shared>>) offsets(%dma_start3A_89 : memref<40xi32, #tpu.memory_space<vmem>>) semaphore(%arg21 : memref<!tpu.dma_semaphore, #tpu.memory_space<semaphore_mem>>) {add = true}
      %add3A_93 = arith.constant 2 : i32
      %add3A_94 = arith.addi %mul3A_65, %add3A_93 : i32
      %mul3A_95 = arith.constant 40 : i32
      %mul3A_96 = arith.muli %add3A_94, %mul3A_95 : i32
      %dma_wait3A_97 = tpu.memref_slice %arg7[%mul3A_96] : memref<10000xi32, #tpu.memory_space<vmem>> -> memref<40xi32, #tpu.memory_space<vmem>>
      %dma_wait3A_98 = arith.constant 0 : i32
      %dma_wait3A_99 = arith.constant 0 : i32
      %dma_wait3A_100 = tpu.memref_slice %arg2[%dma_wait3A_98, %dma_wait3A_99] : memref<10000x128xf32, #tpu.memory_space<hbm>> -> memref<10000x128xf32, #tpu.memory_space<hbm>>
      tpu.wait_indirect_dma semaphore(%arg17 : memref<!tpu.dma_semaphore, #tpu.memory_space<semaphore_mem>>) src(%dma_wait3A_100 : memref<10000x128xf32, #tpu.memory_space<hbm>>) dst(%arg11 : memref<40x128xf32, #tpu.memory_space<vmem>>)
      %mul3A_101 = arith.constant 40 : i32
      %mul3A_102 = arith.muli %add3A_94, %mul3A_101 : i32
      %dma_start3A_103 = tpu.memref_slice %arg8[%mul3A_102] : memref<10000xi32, #tpu.memory_space<vmem>> -> memref<40xi32, #tpu.memory_space<vmem>>
      %dma_start3A_104 = arith.constant 0 : i32
      %dma_start3A_105 = arith.constant 0 : i32
      %dma_start3A_106 = tpu.memref_slice %arg14[%dma_start3A_104, %dma_start3A_105] : memref<10112x128xf32, #tpu.memory_space<vmem_shared>> -> memref<10112x128xf32, #tpu.memory_space<vmem_shared>>
      tpu.enqueue_indirect_dma source(%arg11 : memref<40x128xf32, #tpu.memory_space<vmem>>) target(%dma_start3A_106 : memref<10112x128xf32, #tpu.memory_space<vmem_shared>>) offsets(%dma_start3A_103 : memref<40xi32, #tpu.memory_space<vmem>>) semaphore(%arg22 : memref<!tpu.dma_semaphore, #tpu.memory_space<semaphore_mem>>) {add = true}
      %add3A_107 = arith.constant 3 : i32
      %add3A_108 = arith.addi %mul3A_65, %add3A_107 : i32
      %mul3A_109 = arith.constant 40 : i32
      %mul3A_110 = arith.muli %add3A_108, %mul3A_109 : i32
      %dma_wait3A_111 = tpu.memref_slice %arg7[%mul3A_110] : memref<10000xi32, #tpu.memory_space<vmem>> -> memref<40xi32, #tpu.memory_space<vmem>>
      %dma_wait3A_112 = arith.constant 0 : i32
      %dma_wait3A_113 = arith.constant 0 : i32
      %dma_wait3A_114 = tpu.memref_slice %arg2[%dma_wait3A_112, %dma_wait3A_113] : memref<10000x128xf32, #tpu.memory_space<hbm>> -> memref<10000x128xf32, #tpu.memory_space<hbm>>
      tpu.wait_indirect_dma semaphore(%arg18 : memref<!tpu.dma_semaphore, #tpu.memory_space<semaphore_mem>>) src(%dma_wait3A_114 : memref<10000x128xf32, #tpu.memory_space<hbm>>) dst(%arg12 : memref<40x128xf32, #tpu.memory_space<vmem>>)
      %mul3A_115 = arith.constant 40 : i32
      %mul3A_116 = arith.muli %add3A_108, %mul3A_115 : i32
      %dma_start3A_117 = tpu.memref_slice %arg8[%mul3A_116] : memref<10000xi32, #tpu.memory_space<vmem>> -> memref<40xi32, #tpu.memory_space<vmem>>
      %dma_start3A_118 = arith.constant 0 : i32
      %dma_start3A_119 = arith.constant 0 : i32
      %dma_start3A_120 = tpu.memref_slice %arg14[%dma_start3A_118, %dma_start3A_119] : memref<10112x128xf32, #tpu.memory_space<vmem_shared>> -> memref<10112x128xf32, #tpu.memory_space<vmem_shared>>
      tpu.enqueue_indirect_dma source(%arg12 : memref<40x128xf32, #tpu.memory_space<vmem>>) target(%dma_start3A_120 : memref<10112x128xf32, #tpu.memory_space<vmem_shared>>) offsets(%dma_start3A_117 : memref<40xi32, #tpu.memory_space<vmem>>) semaphore(%arg23 : memref<!tpu.dma_semaphore, #tpu.memory_space<semaphore_mem>>) {add = true}
      %add3A_121 = arith.constant 4 : i32
      %add3A_122 = arith.addi %mul3A_65, %add3A_121 : i32
      %mul3A_123 = arith.constant 40 : i32
      %mul3A_124 = arith.muli %add3A_122, %mul3A_123 : i32
      %dma_wait3A_125 = tpu.memref_slice %arg7[%mul3A_124] : memref<10000xi32, #tpu.memory_space<vmem>> -> memref<40xi32, #tpu.memory_space<vmem>>
      %dma_wait3A_126 = arith.constant 0 : i32
      %dma_wait3A_127 = arith.constant 0 : i32
      %dma_wait3A_128 = tpu.memref_slice %arg2[%dma_wait3A_126, %dma_wait3A_127] : memref<10000x128xf32, #tpu.memory_space<hbm>> -> memref<10000x128xf32, #tpu.memory_space<hbm>>
      tpu.wait_indirect_dma semaphore(%arg19 : memref<!tpu.dma_semaphore, #tpu.memory_space<semaphore_mem>>) src(%dma_wait3A_128 : memref<10000x128xf32, #tpu.memory_space<hbm>>) dst(%arg13 : memref<40x128xf32, #tpu.memory_space<vmem>>)
      %mul3A_129 = arith.constant 40 : i32
      %mul3A_130 = arith.muli %add3A_122, %mul3A_129 : i32
      %dma_start3A_131 = tpu.memref_slice %arg8[%mul3A_130] : memref<10000xi32, #tpu.memory_space<vmem>> -> memref<40xi32, #tpu.memory_space<vmem>>
      %dma_start3A_132 = arith.constant 0 : i32
      %dma_start3A_133 = arith.constant 0 : i32
      %dma_start3A_134 = tpu.memref_slice %arg14[%dma_start3A_132, %dma_start3A_133] : memref<10112x128xf32, #tpu.memory_space<vmem_shared>> -> memref<10112x128xf32, #tpu.memory_space<vmem_shared>>
      tpu.enqueue_indirect_dma source(%arg13 : memref<40x128xf32, #tpu.memory_space<vmem>>) target(%dma_start3A_134 : memref<10112x128xf32, #tpu.memory_space<vmem_shared>>) offsets(%dma_start3A_131 : memref<40xi32, #tpu.memory_space<vmem>>) semaphore(%arg24 : memref<!tpu.dma_semaphore, #tpu.memory_space<semaphore_mem>>) {add = true}
      %add3A_135 = arith.constant 0 : i32
      %add3A_136 = arith.addi %mul3A_65, %add3A_135 : i32
      %mul3A_137 = arith.constant 40 : i32
      %mul3A_138 = arith.muli %add3A_136, %mul3A_137 : i32
      %dma_wait3A_139 = tpu.memref_slice %arg8[%mul3A_138] : memref<10000xi32, #tpu.memory_space<vmem>> -> memref<40xi32, #tpu.memory_space<vmem>>
      %dma_wait3A_140 = arith.constant 0 : i32
      %dma_wait3A_141 = arith.constant 0 : i32
      %dma_wait3A_142 = tpu.memref_slice %arg14[%dma_wait3A_140, %dma_wait3A_141] : memref<10112x128xf32, #tpu.memory_space<vmem_shared>> -> memref<10112x128xf32, #tpu.memory_space<vmem_shared>>
      tpu.wait_indirect_dma semaphore(%arg20 : memref<!tpu.dma_semaphore, #tpu.memory_space<semaphore_mem>>) src(%arg9 : memref<40x128xf32, #tpu.memory_space<vmem>>) dst(%dma_wait3A_142 : memref<10112x128xf32, #tpu.memory_space<vmem_shared>>)
      %add3A_143 = arith.constant 5 : i32
      %add3A_144 = arith.addi %add3A_136, %add3A_143 : i32
      %lt3A = arith.cmpi slt, %add3A_144, %select_n3A_3 : i32
      %convert_element_type3A = arith.extui %lt3A : i1 to i32
      %cond3A = arith.constant 0 : i32
      %cond3A_145 = arith.cmpi ne, %convert_element_type3A, %cond3A : i32
      scf.if %cond3A_145 {
        %mul3A_202 = arith.constant 40 : i32
        %mul3A_203 = arith.muli %add3A_144, %mul3A_202 : i32
        %dma_start3A_204 = tpu.memref_slice %arg7[%mul3A_203] : memref<10000xi32, #tpu.memory_space<vmem>> -> memref<40xi32, #tpu.memory_space<vmem>>
        %dma_start3A_205 = arith.constant 0 : i32
        %dma_start3A_206 = arith.constant 0 : i32
        %dma_start3A_207 = tpu.memref_slice %arg2[%dma_start3A_205, %dma_start3A_206] : memref<10000x128xf32, #tpu.memory_space<hbm>> -> memref<10000x128xf32, #tpu.memory_space<hbm>>
        tpu.enqueue_indirect_dma source(%dma_start3A_207 : memref<10000x128xf32, #tpu.memory_space<hbm>>) target(%arg9 : memref<40x128xf32, #tpu.memory_space<vmem>>) offsets(%dma_start3A_204 : memref<40xi32, #tpu.memory_space<vmem>>) semaphore(%arg15 : memref<!tpu.dma_semaphore, #tpu.memory_space<semaphore_mem>>)
      } else {
      }
      %add3A_146 = arith.constant 1 : i32
      %add3A_147 = arith.addi %mul3A_65, %add3A_146 : i32
      %mul3A_148 = arith.constant 40 : i32
      %mul3A_149 = arith.muli %add3A_147, %mul3A_148 : i32
      %dma_wait3A_150 = tpu.memref_slice %arg8[%mul3A_149] : memref<10000xi32, #tpu.memory_space<vmem>> -> memref<40xi32, #tpu.memory_space<vmem>>
      %dma_wait3A_151 = arith.constant 0 : i32
      %dma_wait3A_152 = arith.constant 0 : i32
      %dma_wait3A_153 = tpu.memref_slice %arg14[%dma_wait3A_151, %dma_wait3A_152] : memref<10112x128xf32, #tpu.memory_space<vmem_shared>> -> memref<10112x128xf32, #tpu.memory_space<vmem_shared>>
      tpu.wait_indirect_dma semaphore(%arg21 : memref<!tpu.dma_semaphore, #tpu.memory_space<semaphore_mem>>) src(%arg10 : memref<40x128xf32, #tpu.memory_space<vmem>>) dst(%dma_wait3A_153 : memref<10112x128xf32, #tpu.memory_space<vmem_shared>>)
      %add3A_154 = arith.constant 5 : i32
      %add3A_155 = arith.addi %add3A_147, %add3A_154 : i32
      %lt3A_156 = arith.cmpi slt, %add3A_155, %select_n3A_3 : i32
      %convert_element_type3A_157 = arith.extui %lt3A_156 : i1 to i32
      %cond3A_158 = arith.constant 0 : i32
      %cond3A_159 = arith.cmpi ne, %convert_element_type3A_157, %cond3A_158 : i32
      scf.if %cond3A_159 {
        %mul3A_202 = arith.constant 40 : i32
        %mul3A_203 = arith.muli %add3A_155, %mul3A_202 : i32
        %dma_start3A_204 = tpu.memref_slice %arg7[%mul3A_203] : memref<10000xi32, #tpu.memory_space<vmem>> -> memref<40xi32, #tpu.memory_space<vmem>>
        %dma_start3A_205 = arith.constant 0 : i32
        %dma_start3A_206 = arith.constant 0 : i32
        %dma_start3A_207 = tpu.memref_slice %arg2[%dma_start3A_205, %dma_start3A_206] : memref<10000x128xf32, #tpu.memory_space<hbm>> -> memref<10000x128xf32, #tpu.memory_space<hbm>>
        tpu.enqueue_indirect_dma source(%dma_start3A_207 : memref<10000x128xf32, #tpu.memory_space<hbm>>) target(%arg10 : memref<40x128xf32, #tpu.memory_space<vmem>>) offsets(%dma_start3A_204 : memref<40xi32, #tpu.memory_space<vmem>>) semaphore(%arg16 : memref<!tpu.dma_semaphore, #tpu.memory_space<semaphore_mem>>)
      } else {
      }
      %add3A_160 = arith.constant 2 : i32
      %add3A_161 = arith.addi %mul3A_65, %add3A_160 : i32
      %mul3A_162 = arith.constant 40 : i32
      %mul3A_163 = arith.muli %add3A_161, %mul3A_162 : i32
      %dma_wait3A_164 = tpu.memref_slice %arg8[%mul3A_163] : memref<10000xi32, #tpu.memory_space<vmem>> -> memref<40xi32, #tpu.memory_space<vmem>>
      %dma_wait3A_165 = arith.constant 0 : i32
      %dma_wait3A_166 = arith.constant 0 : i32
      %dma_wait3A_167 = tpu.memref_slice %arg14[%dma_wait3A_165, %dma_wait3A_166] : memref<10112x128xf32, #tpu.memory_space<vmem_shared>> -> memref<10112x128xf32, #tpu.memory_space<vmem_shared>>
      tpu.wait_indirect_dma semaphore(%arg22 : memref<!tpu.dma_semaphore, #tpu.memory_space<semaphore_mem>>) src(%arg11 : memref<40x128xf32, #tpu.memory_space<vmem>>) dst(%dma_wait3A_167 : memref<10112x128xf32, #tpu.memory_space<vmem_shared>>)
      %add3A_168 = arith.constant 5 : i32
      %add3A_169 = arith.addi %add3A_161, %add3A_168 : i32
      %lt3A_170 = arith.cmpi slt, %add3A_169, %select_n3A_3 : i32
      %convert_element_type3A_171 = arith.extui %lt3A_170 : i1 to i32
      %cond3A_172 = arith.constant 0 : i32
      %cond3A_173 = arith.cmpi ne, %convert_element_type3A_171, %cond3A_172 : i32
      scf.if %cond3A_173 {
        %mul3A_202 = arith.constant 40 : i32
        %mul3A_203 = arith.muli %add3A_169, %mul3A_202 : i32
        %dma_start3A_204 = tpu.memref_slice %arg7[%mul3A_203] : memref<10000xi32, #tpu.memory_space<vmem>> -> memref<40xi32, #tpu.memory_space<vmem>>
        %dma_start3A_205 = arith.constant 0 : i32
        %dma_start3A_206 = arith.constant 0 : i32
        %dma_start3A_207 = tpu.memref_slice %arg2[%dma_start3A_205, %dma_start3A_206] : memref<10000x128xf32, #tpu.memory_space<hbm>> -> memref<10000x128xf32, #tpu.memory_space<hbm>>
        tpu.enqueue_indirect_dma source(%dma_start3A_207 : memref<10000x128xf32, #tpu.memory_space<hbm>>) target(%arg11 : memref<40x128xf32, #tpu.memory_space<vmem>>) offsets(%dma_start3A_204 : memref<40xi32, #tpu.memory_space<vmem>>) semaphore(%arg17 : memref<!tpu.dma_semaphore, #tpu.memory_space<semaphore_mem>>)
      } else {
      }
      %add3A_174 = arith.constant 3 : i32
      %add3A_175 = arith.addi %mul3A_65, %add3A_174 : i32
      %mul3A_176 = arith.constant 40 : i32
      %mul3A_177 = arith.muli %add3A_175, %mul3A_176 : i32
      %dma_wait3A_178 = tpu.memref_slice %arg8[%mul3A_177] : memref<10000xi32, #tpu.memory_space<vmem>> -> memref<40xi32, #tpu.memory_space<vmem>>
      %dma_wait3A_179 = arith.constant 0 : i32
      %dma_wait3A_180 = arith.constant 0 : i32
      %dma_wait3A_181 = tpu.memref_slice %arg14[%dma_wait3A_179, %dma_wait3A_180] : memref<10112x128xf32, #tpu.memory_space<vmem_shared>> -> memref<10112x128xf32, #tpu.memory_space<vmem_shared>>
      tpu.wait_indirect_dma semaphore(%arg23 : memref<!tpu.dma_semaphore, #tpu.memory_space<semaphore_mem>>) src(%arg12 : memref<40x128xf32, #tpu.memory_space<vmem>>) dst(%dma_wait3A_181 : memref<10112x128xf32, #tpu.memory_space<vmem_shared>>)
      %add3A_182 = arith.constant 5 : i32
      %add3A_183 = arith.addi %add3A_175, %add3A_182 : i32
      %lt3A_184 = arith.cmpi slt, %add3A_183, %select_n3A_3 : i32
      %convert_element_type3A_185 = arith.extui %lt3A_184 : i1 to i32
      %cond3A_186 = arith.constant 0 : i32
      %cond3A_187 = arith.cmpi ne, %convert_element_type3A_185, %cond3A_186 : i32
      scf.if %cond3A_187 {
        %mul3A_202 = arith.constant 40 : i32
        %mul3A_203 = arith.muli %add3A_183, %mul3A_202 : i32
        %dma_start3A_204 = tpu.memref_slice %arg7[%mul3A_203] : memref<10000xi32, #tpu.memory_space<vmem>> -> memref<40xi32, #tpu.memory_space<vmem>>
        %dma_start3A_205 = arith.constant 0 : i32
        %dma_start3A_206 = arith.constant 0 : i32
        %dma_start3A_207 = tpu.memref_slice %arg2[%dma_start3A_205, %dma_start3A_206] : memref<10000x128xf32, #tpu.memory_space<hbm>> -> memref<10000x128xf32, #tpu.memory_space<hbm>>
        tpu.enqueue_indirect_dma source(%dma_start3A_207 : memref<10000x128xf32, #tpu.memory_space<hbm>>) target(%arg12 : memref<40x128xf32, #tpu.memory_space<vmem>>) offsets(%dma_start3A_204 : memref<40xi32, #tpu.memory_space<vmem>>) semaphore(%arg18 : memref<!tpu.dma_semaphore, #tpu.memory_space<semaphore_mem>>)
      } else {
      }
      %add3A_188 = arith.constant 4 : i32
      %add3A_189 = arith.addi %mul3A_65, %add3A_188 : i32
      %mul3A_190 = arith.constant 40 : i32
      %mul3A_191 = arith.muli %add3A_189, %mul3A_190 : i32
      %dma_wait3A_192 = tpu.memref_slice %arg8[%mul3A_191] : memref<10000xi32, #tpu.memory_space<vmem>> -> memref<40xi32, #tpu.memory_space<vmem>>
      %dma_wait3A_193 = arith.constant 0 : i32
      %dma_wait3A_194 = arith.constant 0 : i32
      %dma_wait3A_195 = tpu.memref_slice %arg14[%dma_wait3A_193, %dma_wait3A_194] : memref<10112x128xf32, #tpu.memory_space<vmem_shared>> -> memref<10112x128xf32, #tpu.memory_space<vmem_shared>>
      tpu.wait_indirect_dma semaphore(%arg24 : memref<!tpu.dma_semaphore, #tpu.memory_space<semaphore_mem>>) src(%arg13 : memref<40x128xf32, #tpu.memory_space<vmem>>) dst(%dma_wait3A_195 : memref<10112x128xf32, #tpu.memory_space<vmem_shared>>)
      %add3A_196 = arith.constant 5 : i32
      %add3A_197 = arith.addi %add3A_189, %add3A_196 : i32
      %lt3A_198 = arith.cmpi slt, %add3A_197, %select_n3A_3 : i32
      %convert_element_type3A_199 = arith.extui %lt3A_198 : i1 to i32
      %cond3A_200 = arith.constant 0 : i32
      %cond3A_201 = arith.cmpi ne, %convert_element_type3A_199, %cond3A_200 : i32
      scf.if %cond3A_201 {
        %mul3A_202 = arith.constant 40 : i32
        %mul3A_203 = arith.muli %add3A_197, %mul3A_202 : i32
        %dma_start3A_204 = tpu.memref_slice %arg7[%mul3A_203] : memref<10000xi32, #tpu.memory_space<vmem>> -> memref<40xi32, #tpu.memory_space<vmem>>
        %dma_start3A_205 = arith.constant 0 : i32
        %dma_start3A_206 = arith.constant 0 : i32
        %dma_start3A_207 = tpu.memref_slice %arg2[%dma_start3A_205, %dma_start3A_206] : memref<10000x128xf32, #tpu.memory_space<hbm>> -> memref<10000x128xf32, #tpu.memory_space<hbm>>
        tpu.enqueue_indirect_dma source(%dma_start3A_207 : memref<10000x128xf32, #tpu.memory_space<hbm>>) target(%arg13 : memref<40x128xf32, #tpu.memory_space<vmem>>) offsets(%dma_start3A_204 : memref<40xi32, #tpu.memory_space<vmem>>) semaphore(%arg19 : memref<!tpu.dma_semaphore, #tpu.memory_space<semaphore_mem>>)
      } else {
      }
    }
    %while3A_57 = arith.constant 1 : i32
    scf.for %while3A_63 = %while3A_55 to %while3A_51 step %while3A_57  : i32 {
      %mul3A_64 = arith.constant 5 : i32
      %mul3A_65 = arith.muli %while3A_63, %mul3A_64 : i32
      %add3A_66 = arith.constant 0 : i32
      %add3A_67 = arith.addi %mul3A_65, %add3A_66 : i32
      %mul3A_68 = arith.constant 40 : i32
      %mul3A_69 = arith.muli %add3A_67, %mul3A_68 : i32
      %dma_wait3A = tpu.memref_slice %arg7[%mul3A_69] : memref<10000xi32, #tpu.memory_space<vmem>> -> memref<40xi32, #tpu.memory_space<vmem>>
      %dma_wait3A_70 = arith.constant 0 : i32
      %dma_wait3A_71 = arith.constant 0 : i32
      %dma_wait3A_72 = tpu.memref_slice %arg2[%dma_wait3A_70, %dma_wait3A_71] : memref<10000x128xf32, #tpu.memory_space<hbm>> -> memref<10000x128xf32, #tpu.memory_space<hbm>>
      tpu.wait_indirect_dma semaphore(%arg15 : memref<!tpu.dma_semaphore, #tpu.memory_space<semaphore_mem>>) src(%dma_wait3A_72 : memref<10000x128xf32, #tpu.memory_space<hbm>>) dst(%arg9 : memref<40x128xf32, #tpu.memory_space<vmem>>)
      %mul3A_73 = arith.constant 40 : i32
      %mul3A_74 = arith.muli %add3A_67, %mul3A_73 : i32
      %dma_start3A_75 = tpu.memref_slice %arg8[%mul3A_74] : memref<10000xi32, #tpu.memory_space<vmem>> -> memref<40xi32, #tpu.memory_space<vmem>>
      %dma_start3A_76 = arith.constant 0 : i32
      %dma_start3A_77 = arith.constant 0 : i32
      %dma_start3A_78 = tpu.memref_slice %arg14[%dma_start3A_76, %dma_start3A_77] : memref<10112x128xf32, #tpu.memory_space<vmem_shared>> -> memref<10112x128xf32, #tpu.memory_space<vmem_shared>>
      tpu.enqueue_indirect_dma source(%arg9 : memref<40x128xf32, #tpu.memory_space<vmem>>) target(%dma_start3A_78 : memref<10112x128xf32, #tpu.memory_space<vmem_shared>>) offsets(%dma_start3A_75 : memref<40xi32, #tpu.memory_space<vmem>>) semaphore(%arg20 : memref<!tpu.dma_semaphore, #tpu.memory_space<semaphore_mem>>) {add = true}
      %add3A_79 = arith.constant 1 : i32
      %add3A_80 = arith.addi %mul3A_65, %add3A_79 : i32
      %mul3A_81 = arith.constant 40 : i32
      %mul3A_82 = arith.muli %add3A_80, %mul3A_81 : i32
      %dma_wait3A_83 = tpu.memref_slice %arg7[%mul3A_82] : memref<10000xi32, #tpu.memory_space<vmem>> -> memref<40xi32, #tpu.memory_space<vmem>>
      %dma_wait3A_84 = arith.constant 0 : i32
      %dma_wait3A_85 = arith.constant 0 : i32
      %dma_wait3A_86 = tpu.memref_slice %arg2[%dma_wait3A_84, %dma_wait3A_85] : memref<10000x128xf32, #tpu.memory_space<hbm>> -> memref<10000x128xf32, #tpu.memory_space<hbm>>
      tpu.wait_indirect_dma semaphore(%arg16 : memref<!tpu.dma_semaphore, #tpu.memory_space<semaphore_mem>>) src(%dma_wait3A_86 : memref<10000x128xf32, #tpu.memory_space<hbm>>) dst(%arg10 : memref<40x128xf32, #tpu.memory_space<vmem>>)
      %mul3A_87 = arith.constant 40 : i32
      %mul3A_88 = arith.muli %add3A_80, %mul3A_87 : i32
      %dma_start3A_89 = tpu.memref_slice %arg8[%mul3A_88] : memref<10000xi32, #tpu.memory_space<vmem>> -> memref<40xi32, #tpu.memory_space<vmem>>
      %dma_start3A_90 = arith.constant 0 : i32
      %dma_start3A_91 = arith.constant 0 : i32
      %dma_start3A_92 = tpu.memref_slice %arg14[%dma_start3A_90, %dma_start3A_91] : memref<10112x128xf32, #tpu.memory_space<vmem_shared>> -> memref<10112x128xf32, #tpu.memory_space<vmem_shared>>
      tpu.enqueue_indirect_dma source(%arg10 : memref<40x128xf32, #tpu.memory_space<vmem>>) target(%dma_start3A_92 : memref<10112x128xf32, #tpu.memory_space<vmem_shared>>) offsets(%dma_start3A_89 : memref<40xi32, #tpu.memory_space<vmem>>) semaphore(%arg21 : memref<!tpu.dma_semaphore, #tpu.memory_space<semaphore_mem>>) {add = true}
      %add3A_93 = arith.constant 2 : i32
      %add3A_94 = arith.addi %mul3A_65, %add3A_93 : i32
      %mul3A_95 = arith.constant 40 : i32
      %mul3A_96 = arith.muli %add3A_94, %mul3A_95 : i32
      %dma_wait3A_97 = tpu.memref_slice %arg7[%mul3A_96] : memref<10000xi32, #tpu.memory_space<vmem>> -> memref<40xi32, #tpu.memory_space<vmem>>
      %dma_wait3A_98 = arith.constant 0 : i32
      %dma_wait3A_99 = arith.constant 0 : i32
      %dma_wait3A_100 = tpu.memref_slice %arg2[%dma_wait3A_98, %dma_wait3A_99] : memref<10000x128xf32, #tpu.memory_space<hbm>> -> memref<10000x128xf32, #tpu.memory_space<hbm>>
      tpu.wait_indirect_dma semaphore(%arg17 : memref<!tpu.dma_semaphore, #tpu.memory_space<semaphore_mem>>) src(%dma_wait3A_100 : memref<10000x128xf32, #tpu.memory_space<hbm>>) dst(%arg11 : memref<40x128xf32, #tpu.memory_space<vmem>>)
      %mul3A_101 = arith.constant 40 : i32
      %mul3A_102 = arith.muli %add3A_94, %mul3A_101 : i32
      %dma_start3A_103 = tpu.memref_slice %arg8[%mul3A_102] : memref<10000xi32, #tpu.memory_space<vmem>> -> memref<40xi32, #tpu.memory_space<vmem>>
      %dma_start3A_104 = arith.constant 0 : i32
      %dma_start3A_105 = arith.constant 0 : i32
      %dma_start3A_106 = tpu.memref_slice %arg14[%dma_start3A_104, %dma_start3A_105] : memref<10112x128xf32, #tpu.memory_space<vmem_shared>> -> memref<10112x128xf32, #tpu.memory_space<vmem_shared>>
      tpu.enqueue_indirect_dma source(%arg11 : memref<40x128xf32, #tpu.memory_space<vmem>>) target(%dma_start3A_106 : memref<10112x128xf32, #tpu.memory_space<vmem_shared>>) offsets(%dma_start3A_103 : memref<40xi32, #tpu.memory_space<vmem>>) semaphore(%arg22 : memref<!tpu.dma_semaphore, #tpu.memory_space<semaphore_mem>>) {add = true}
      %add3A_107 = arith.constant 3 : i32
      %add3A_108 = arith.addi %mul3A_65, %add3A_107 : i32
      %mul3A_109 = arith.constant 40 : i32
      %mul3A_110 = arith.muli %add3A_108, %mul3A_109 : i32
      %dma_wait3A_111 = tpu.memref_slice %arg7[%mul3A_110] : memref<10000xi32, #tpu.memory_space<vmem>> -> memref<40xi32, #tpu.memory_space<vmem>>
      %dma_wait3A_112 = arith.constant 0 : i32
      %dma_wait3A_113 = arith.constant 0 : i32
      %dma_wait3A_114 = tpu.memref_slice %arg2[%dma_wait3A_112, %dma_wait3A_113] : memref<10000x128xf32, #tpu.memory_space<hbm>> -> memref<10000x128xf32, #tpu.memory_space<hbm>>
      tpu.wait_indirect_dma semaphore(%arg18 : memref<!tpu.dma_semaphore, #tpu.memory_space<semaphore_mem>>) src(%dma_wait3A_114 : memref<10000x128xf32, #tpu.memory_space<hbm>>) dst(%arg12 : memref<40x128xf32, #tpu.memory_space<vmem>>)
      %mul3A_115 = arith.constant 40 : i32
      %mul3A_116 = arith.muli %add3A_108, %mul3A_115 : i32
      %dma_start3A_117 = tpu.memref_slice %arg8[%mul3A_116] : memref<10000xi32, #tpu.memory_space<vmem>> -> memref<40xi32, #tpu.memory_space<vmem>>
      %dma_start3A_118 = arith.constant 0 : i32
      %dma_start3A_119 = arith.constant 0 : i32
      %dma_start3A_120 = tpu.memref_slice %arg14[%dma_start3A_118, %dma_start3A_119] : memref<10112x128xf32, #tpu.memory_space<vmem_shared>> -> memref<10112x128xf32, #tpu.memory_space<vmem_shared>>
      tpu.enqueue_indirect_dma source(%arg12 : memref<40x128xf32, #tpu.memory_space<vmem>>) target(%dma_start3A_120 : memref<10112x128xf32, #tpu.memory_space<vmem_shared>>) offsets(%dma_start3A_117 : memref<40xi32, #tpu.memory_space<vmem>>) semaphore(%arg23 : memref<!tpu.dma_semaphore, #tpu.memory_space<semaphore_mem>>) {add = true}
      %add3A_121 = arith.constant 4 : i32
      %add3A_122 = arith.addi %mul3A_65, %add3A_121 : i32
      %mul3A_123 = arith.constant 40 : i32
      %mul3A_124 = arith.muli %add3A_122, %mul3A_123 : i32
      %dma_wait3A_125 = tpu.memref_slice %arg7[%mul3A_124] : memref<10000xi32, #tpu.memory_space<vmem>> -> memref<40xi32, #tpu.memory_space<vmem>>
      %dma_wait3A_126 = arith.constant 0 : i32
      %dma_wait3A_127 = arith.constant 0 : i32
      %dma_wait3A_128 = tpu.memref_slice %arg2[%dma_wait3A_126, %dma_wait3A_127] : memref<10000x128xf32, #tpu.memory_space<hbm>> -> memref<10000x128xf32, #tpu.memory_space<hbm>>
      tpu.wait_indirect_dma semaphore(%arg19 : memref<!tpu.dma_semaphore, #tpu.memory_space<semaphore_mem>>) src(%dma_wait3A_128 : memref<10000x128xf32, #tpu.memory_space<hbm>>) dst(%arg13 : memref<40x128xf32, #tpu.memory_space<vmem>>)
      %mul3A_129 = arith.constant 40 : i32
      %mul3A_130 = arith.muli %add3A_122, %mul3A_129 : i32
      %dma_start3A_131 = tpu.memref_slice %arg8[%mul3A_130] : memref<10000xi32, #tpu.memory_space<vmem>> -> memref<40xi32, #tpu.memory_space<vmem>>
      %dma_start3A_132 = arith.constant 0 : i32
      %dma_start3A_133 = arith.constant 0 : i32
      %dma_start3A_134 = tpu.memref_slice %arg14[%dma_start3A_132, %dma_start3A_133] : memref<10112x128xf32, #tpu.memory_space<vmem_shared>> -> memref<10112x128xf32, #tpu.memory_space<vmem_shared>>
      tpu.enqueue_indirect_dma source(%arg13 : memref<40x128xf32, #tpu.memory_space<vmem>>) target(%dma_start3A_134 : memref<10112x128xf32, #tpu.memory_space<vmem_shared>>) offsets(%dma_start3A_131 : memref<40xi32, #tpu.memory_space<vmem>>) semaphore(%arg24 : memref<!tpu.dma_semaphore, #tpu.memory_space<semaphore_mem>>) {add = true}
      %add3A_135 = arith.constant 0 : i32
      %add3A_136 = arith.addi %mul3A_65, %add3A_135 : i32
      %mul3A_137 = arith.constant 40 : i32
      %mul3A_138 = arith.muli %add3A_136, %mul3A_137 : i32
      %dma_wait3A_139 = tpu.memref_slice %arg8[%mul3A_138] : memref<10000xi32, #tpu.memory_space<vmem>> -> memref<40xi32, #tpu.memory_space<vmem>>
      %dma_wait3A_140 = arith.constant 0 : i32
      %dma_wait3A_141 = arith.constant 0 : i32
      %dma_wait3A_142 = tpu.memref_slice %arg14[%dma_wait3A_140, %dma_wait3A_141] : memref<10112x128xf32, #tpu.memory_space<vmem_shared>> -> memref<10112x128xf32, #tpu.memory_space<vmem_shared>>
      tpu.wait_indirect_dma semaphore(%arg20 : memref<!tpu.dma_semaphore, #tpu.memory_space<semaphore_mem>>) src(%arg9 : memref<40x128xf32, #tpu.memory_space<vmem>>) dst(%dma_wait3A_142 : memref<10112x128xf32, #tpu.memory_space<vmem_shared>>)
      %add3A_143 = arith.constant 5 : i32
      %add3A_144 = arith.addi %add3A_136, %add3A_143 : i32
      %lt3A = arith.cmpi slt, %add3A_144, %select_n3A_3 : i32
      %convert_element_type3A = arith.extui %lt3A : i1 to i32
      %cond3A = arith.constant 0 : i32
      %cond3A_145 = arith.cmpi ne, %convert_element_type3A, %cond3A : i32
      scf.if %cond3A_145 {
        %mul3A_202 = arith.constant 40 : i32
        %mul3A_203 = arith.muli %add3A_144, %mul3A_202 : i32
        %dma_start3A_204 = tpu.memref_slice %arg7[%mul3A_203] : memref<10000xi32, #tpu.memory_space<vmem>> -> memref<40xi32, #tpu.memory_space<vmem>>
        %dma_start3A_205 = arith.constant 0 : i32
        %dma_start3A_206 = arith.constant 0 : i32
        %dma_start3A_207 = tpu.memref_slice %arg2[%dma_start3A_205, %dma_start3A_206] : memref<10000x128xf32, #tpu.memory_space<hbm>> -> memref<10000x128xf32, #tpu.memory_space<hbm>>
        tpu.enqueue_indirect_dma source(%dma_start3A_207 : memref<10000x128xf32, #tpu.memory_space<hbm>>) target(%arg9 : memref<40x128xf32, #tpu.memory_space<vmem>>) offsets(%dma_start3A_204 : memref<40xi32, #tpu.memory_space<vmem>>) semaphore(%arg15 : memref<!tpu.dma_semaphore, #tpu.memory_space<semaphore_mem>>)
      } else {
      }
      %add3A_146 = arith.constant 1 : i32
      %add3A_147 = arith.addi %mul3A_65, %add3A_146 : i32
      %mul3A_148 = arith.constant 40 : i32
      %mul3A_149 = arith.muli %add3A_147, %mul3A_148 : i32
      %dma_wait3A_150 = tpu.memref_slice %arg8[%mul3A_149] : memref<10000xi32, #tpu.memory_space<vmem>> -> memref<40xi32, #tpu.memory_space<vmem>>
      %dma_wait3A_151 = arith.constant 0 : i32
      %dma_wait3A_152 = arith.constant 0 : i32
      %dma_wait3A_153 = tpu.memref_slice %arg14[%dma_wait3A_151, %dma_wait3A_152] : memref<10112x128xf32, #tpu.memory_space<vmem_shared>> -> memref<10112x128xf32, #tpu.memory_space<vmem_shared>>
      tpu.wait_indirect_dma semaphore(%arg21 : memref<!tpu.dma_semaphore, #tpu.memory_space<semaphore_mem>>) src(%arg10 : memref<40x128xf32, #tpu.memory_space<vmem>>) dst(%dma_wait3A_153 : memref<10112x128xf32, #tpu.memory_space<vmem_shared>>)
      %add3A_154 = arith.constant 5 : i32
      %add3A_155 = arith.addi %add3A_147, %add3A_154 : i32
      %lt3A_156 = arith.cmpi slt, %add3A_155, %select_n3A_3 : i32
      %convert_element_type3A_157 = arith.extui %lt3A_156 : i1 to i32
      %cond3A_158 = arith.constant 0 : i32
      %cond3A_159 = arith.cmpi ne, %convert_element_type3A_157, %cond3A_158 : i32
      scf.if %cond3A_159 {
        %mul3A_202 = arith.constant 40 : i32
        %mul3A_203 = arith.muli %add3A_155, %mul3A_202 : i32
        %dma_start3A_204 = tpu.memref_slice %arg7[%mul3A_203] : memref<10000xi32, #tpu.memory_space<vmem>> -> memref<40xi32, #tpu.memory_space<vmem>>
        %dma_start3A_205 = arith.constant 0 : i32
        %dma_start3A_206 = arith.constant 0 : i32
        %dma_start3A_207 = tpu.memref_slice %arg2[%dma_start3A_205, %dma_start3A_206] : memref<10000x128xf32, #tpu.memory_space<hbm>> -> memref<10000x128xf32, #tpu.memory_space<hbm>>
        tpu.enqueue_indirect_dma source(%dma_start3A_207 : memref<10000x128xf32, #tpu.memory_space<hbm>>) target(%arg10 : memref<40x128xf32, #tpu.memory_space<vmem>>) offsets(%dma_start3A_204 : memref<40xi32, #tpu.memory_space<vmem>>) semaphore(%arg16 : memref<!tpu.dma_semaphore, #tpu.memory_space<semaphore_mem>>)
      } else {
      }
      %add3A_160 = arith.constant 2 : i32
      %add3A_161 = arith.addi %mul3A_65, %add3A_160 : i32
      %mul3A_162 = arith.constant 40 : i32
      %mul3A_163 = arith.muli %add3A_161, %mul3A_162 : i32
      %dma_wait3A_164 = tpu.memref_slice %arg8[%mul3A_163] : memref<10000xi32, #tpu.memory_space<vmem>> -> memref<40xi32, #tpu.memory_space<vmem>>
      %dma_wait3A_165 = arith.constant 0 : i32
      %dma_wait3A_166 = arith.constant 0 : i32
      %dma_wait3A_167 = tpu.memref_slice %arg14[%dma_wait3A_165, %dma_wait3A_166] : memref<10112x128xf32, #tpu.memory_space<vmem_shared>> -> memref<10112x128xf32, #tpu.memory_space<vmem_shared>>
      tpu.wait_indirect_dma semaphore(%arg22 : memref<!tpu.dma_semaphore, #tpu.memory_space<semaphore_mem>>) src(%arg11 : memref<40x128xf32, #tpu.memory_space<vmem>>) dst(%dma_wait3A_167 : memref<10112x128xf32, #tpu.memory_space<vmem_shared>>)
      %add3A_168 = arith.constant 5 : i32
      %add3A_169 = arith.addi %add3A_161, %add3A_168 : i32
      %lt3A_170 = arith.cmpi slt, %add3A_169, %select_n3A_3 : i32
      %convert_element_type3A_171 = arith.extui %lt3A_170 : i1 to i32
      %cond3A_172 = arith.constant 0 : i32
      %cond3A_173 = arith.cmpi ne, %convert_element_type3A_171, %cond3A_172 : i32
      scf.if %cond3A_173 {
        %mul3A_202 = arith.constant 40 : i32
        %mul3A_203 = arith.muli %add3A_169, %mul3A_202 : i32
        %dma_start3A_204 = tpu.memref_slice %arg7[%mul3A_203] : memref<10000xi32, #tpu.memory_space<vmem>> -> memref<40xi32, #tpu.memory_space<vmem>>
        %dma_start3A_205 = arith.constant 0 : i32
        %dma_start3A_206 = arith.constant 0 : i32
        %dma_start3A_207 = tpu.memref_slice %arg2[%dma_start3A_205, %dma_start3A_206] : memref<10000x128xf32, #tpu.memory_space<hbm>> -> memref<10000x128xf32, #tpu.memory_space<hbm>>
        tpu.enqueue_indirect_dma source(%dma_start3A_207 : memref<10000x128xf32, #tpu.memory_space<hbm>>) target(%arg11 : memref<40x128xf32, #tpu.memory_space<vmem>>) offsets(%dma_start3A_204 : memref<40xi32, #tpu.memory_space<vmem>>) semaphore(%arg17 : memref<!tpu.dma_semaphore, #tpu.memory_space<semaphore_mem>>)
      } else {
      }
      %add3A_174 = arith.constant 3 : i32
      %add3A_175 = arith.addi %mul3A_65, %add3A_174 : i32
      %mul3A_176 = arith.constant 40 : i32
      %mul3A_177 = arith.muli %add3A_175, %mul3A_176 : i32
      %dma_wait3A_178 = tpu.memref_slice %arg8[%mul3A_177] : memref<10000xi32, #tpu.memory_space<vmem>> -> memref<40xi32, #tpu.memory_space<vmem>>
      %dma_wait3A_179 = arith.constant 0 : i32
      %dma_wait3A_180 = arith.constant 0 : i32
      %dma_wait3A_181 = tpu.memref_slice %arg14[%dma_wait3A_179, %dma_wait3A_180] : memref<10112x128xf32, #tpu.memory_space<vmem_shared>> -> memref<10112x128xf32, #tpu.memory_space<vmem_shared>>
      tpu.wait_indirect_dma semaphore(%arg23 : memref<!tpu.dma_semaphore, #tpu.memory_space<semaphore_mem>>) src(%arg12 : memref<40x128xf32, #tpu.memory_space<vmem>>) dst(%dma_wait3A_181 : memref<10112x128xf32, #tpu.memory_space<vmem_shared>>)
      %add3A_182 = arith.constant 5 : i32
      %add3A_183 = arith.addi %add3A_175, %add3A_182 : i32
      %lt3A_184 = arith.cmpi slt, %add3A_183, %select_n3A_3 : i32
      %convert_element_type3A_185 = arith.extui %lt3A_184 : i1 to i32
      %cond3A_186 = arith.constant 0 : i32
      %cond3A_187 = arith.cmpi ne, %convert_element_type3A_185, %cond3A_186 : i32
      scf.if %cond3A_187 {
        %mul3A_202 = arith.constant 40 : i32
        %mul3A_203 = arith.muli %add3A_183, %mul3A_202 : i32
        %dma_start3A_204 = tpu.memref_slice %arg7[%mul3A_203] : memref<10000xi32, #tpu.memory_space<vmem>> -> memref<40xi32, #tpu.memory_space<vmem>>
        %dma_start3A_205 = arith.constant 0 : i32
        %dma_start3A_206 = arith.constant 0 : i32
        %dma_start3A_207 = tpu.memref_slice %arg2[%dma_start3A_205, %dma_start3A_206] : memref<10000x128xf32, #tpu.memory_space<hbm>> -> memref<10000x128xf32, #tpu.memory_space<hbm>>
        tpu.enqueue_indirect_dma source(%dma_start3A_207 : memref<10000x128xf32, #tpu.memory_space<hbm>>) target(%arg12 : memref<40x128xf32, #tpu.memory_space<vmem>>) offsets(%dma_start3A_204 : memref<40xi32, #tpu.memory_space<vmem>>) semaphore(%arg18 : memref<!tpu.dma_semaphore, #tpu.memory_space<semaphore_mem>>)
      } else {
      }
      %add3A_188 = arith.constant 4 : i32
      %add3A_189 = arith.addi %mul3A_65, %add3A_188 : i32
      %mul3A_190 = arith.constant 40 : i32
      %mul3A_191 = arith.muli %add3A_189, %mul3A_190 : i32
      %dma_wait3A_192 = tpu.memref_slice %arg8[%mul3A_191] : memref<10000xi32, #tpu.memory_space<vmem>> -> memref<40xi32, #tpu.memory_space<vmem>>
      %dma_wait3A_193 = arith.constant 0 : i32
      %dma_wait3A_194 = arith.constant 0 : i32
      %dma_wait3A_195 = tpu.memref_slice %arg14[%dma_wait3A_193, %dma_wait3A_194] : memref<10112x128xf32, #tpu.memory_space<vmem_shared>> -> memref<10112x128xf32, #tpu.memory_space<vmem_shared>>
      tpu.wait_indirect_dma semaphore(%arg24 : memref<!tpu.dma_semaphore, #tpu.memory_space<semaphore_mem>>) src(%arg13 : memref<40x128xf32, #tpu.memory_space<vmem>>) dst(%dma_wait3A_195 : memref<10112x128xf32, #tpu.memory_space<vmem_shared>>)
      %add3A_196 = arith.constant 5 : i32
      %add3A_197 = arith.addi %add3A_189, %add3A_196 : i32
      %lt3A_198 = arith.cmpi slt, %add3A_197, %select_n3A_3 : i32
      %convert_element_type3A_199 = arith.extui %lt3A_198 : i1 to i32
      %cond3A_200 = arith.constant 0 : i32
      %cond3A_201 = arith.cmpi ne, %convert_element_type3A_199, %cond3A_200 : i32
      scf.if %cond3A_201 {
        %mul3A_202 = arith.constant 40 : i32
        %mul3A_203 = arith.muli %add3A_197, %mul3A_202 : i32
        %dma_start3A_204 = tpu.memref_slice %arg7[%mul3A_203] : memref<10000xi32, #tpu.memory_space<vmem>> -> memref<40xi32, #tpu.memory_space<vmem>>
        %dma_start3A_205 = arith.constant 0 : i32
        %dma_start3A_206 = arith.constant 0 : i32
        %dma_start3A_207 = tpu.memref_slice %arg2[%dma_start3A_205, %dma_start3A_206] : memref<10000x128xf32, #tpu.memory_space<hbm>> -> memref<10000x128xf32, #tpu.memory_space<hbm>>
        tpu.enqueue_indirect_dma source(%dma_start3A_207 : memref<10000x128xf32, #tpu.memory_space<hbm>>) target(%arg13 : memref<40x128xf32, #tpu.memory_space<vmem>>) offsets(%dma_start3A_204 : memref<40xi32, #tpu.memory_space<vmem>>) semaphore(%arg19 : memref<!tpu.dma_semaphore, #tpu.memory_space<semaphore_mem>>)
      } else {
      }
    }
    %barrier3A_58 = arith.constant 0 : index
    tpu.barrier barrier_id(%barrier3A_58)
    %mul3A_59 = arith.constant 632 : i32
    %mul3A_60 = arith.muli %arg1, %mul3A_59 : i32
    %mul3A_61 = arith.constant 632 : i32
    %mul3A_62 = arith.muli %arg1, %mul3A_61 : i32
    "tpu.region"() ({
      %run_scoped3A = tpu.sem_alloc : memref<!tpu.dma_semaphore, #tpu.memory_space<semaphore_mem>>
      %dma_start3A_63 = arith.constant 0 : i32
      %dma_start3A_64 = tpu.memref_slice %arg6[%arg0, %mul3A_62, %dma_start3A_63] : memref<2x10112x128xf32, #tpu.memory_space<hbm>> -> memref<1x632x128xf32, #tpu.memory_space<hbm>>
      %dma_start3A_65 = tpu.memref_squeeze %dma_start3A_64 : memref<1x632x128xf32, #tpu.memory_space<hbm>> -> memref<632x128xf32, #tpu.memory_space<hbm>>
      %dma_start3A_66 = arith.constant 0 : i32
      %dma_start3A_67 = tpu.memref_slice %arg14[%mul3A_60, %dma_start3A_66] : memref<10112x128xf32, #tpu.memory_space<vmem_shared>> -> memref<632x128xf32, #tpu.memory_space<vmem_shared>>
      tpu.enqueue_dma source(%dma_start3A_67 : memref<632x128xf32, #tpu.memory_space<vmem_shared>>) target(%dma_start3A_65 : memref<632x128xf32, #tpu.memory_space<hbm>>) target_semaphore(%run_scoped3A : memref<!tpu.dma_semaphore, #tpu.memory_space<semaphore_mem>>)
      %dma_wait3A = arith.constant 0 : i32
      %dma_wait3A_68 = tpu.memref_slice %arg6[%arg0, %mul3A_62, %dma_wait3A] : memref<2x10112x128xf32, #tpu.memory_space<hbm>> -> memref<1x632x128xf32, #tpu.memory_space<hbm>>
      %dma_wait3A_69 = tpu.memref_squeeze %dma_wait3A_68 : memref<1x632x128xf32, #tpu.memory_space<hbm>> -> memref<632x128xf32, #tpu.memory_space<hbm>>
      %dma_wait3A_70 = arith.constant 0 : i32
      %dma_wait3A_71 = tpu.memref_slice %arg14[%mul3A_60, %dma_wait3A_70] : memref<10112x128xf32, #tpu.memory_space<vmem_shared>> -> memref<632x128xf32, #tpu.memory_space<vmem_shared>>
      tpu.wait_dma2 semaphore(%run_scoped3A : memref<!tpu.dma_semaphore, #tpu.memory_space<semaphore_mem>>) src(%dma_wait3A_71 : memref<632x128xf32, #tpu.memory_space<vmem_shared>>) dst(%dma_wait3A_69 : memref<632x128xf32, #tpu.memory_space<hbm>>)
      tpu.yield
    }) : () -> ()
    return
  }
}

#map = affine_map<(d0, d1) -> (0, 0)>
#map1 = affine_map<(d0, d1) -> (0, 0, 0)>
module attributes {stable_mosaic.version = 14 : i64} {
  func.func @run(%arg0: i32, %arg1: i32, %arg2: memref<10000x128xf32, #tpu.memory_space<hbm>>, %arg3: memref<32x10000xi32, #tpu.memory_space<hbm>>, %arg4: memref<32x10000xi32, #tpu.memory_space<hbm>>, %arg5: memref<10112x128xf32, #tpu.memory_space<hbm>>, %arg6: memref<2x10112x128xf32, #tpu.memory_space<hbm>>, %arg7: memref<10000xi32, #tpu.memory_space<vmem>>, %arg8: memref<10000xi32, #tpu.memory_space<vmem>>, %arg9: memref<40x128xf32, #tpu.memory_space<vmem>>, %arg10: memref<40x128xf32, #tpu.memory_space<vmem>>, %arg11: memref<40x128xf32, #tpu.memory_space<vmem>>, %arg12: memref<40x128xf32, #tpu.memory_space<vmem>>, %arg13: memref<40x128xf32, #tpu.memory_space<vmem>>, %arg14: memref<10112x128xf32, #tpu.memory_space<vmem_shared>>, %arg15: memref<!tpu.dma_semaphore, #tpu.memory_space<semaphore_mem>>, %arg16: memref<!tpu.dma_semaphore, #tpu.memory_space<semaphore_mem>>, %arg17: memref<!tpu.dma_semaphore, #tpu.memory_space<semaphore_mem>>, %arg18: memref<!tpu.dma_semaphore, #tpu.memory_space<semaphore_mem>>, %arg19: memref<!tpu.dma_semaphore, #tpu.memory_space<semaphore_mem>>, %arg20: memref<!tpu.dma_semaphore, #tpu.memory_space<semaphore_mem>>, %arg21: memref<!tpu.dma_semaphore, #tpu.memory_space<semaphore_mem>>, %arg22: memref<!tpu.dma_semaphore, #tpu.memory_space<semaphore_mem>>, %arg23: memref<!tpu.dma_semaphore, #tpu.memory_space<semaphore_mem>>, %arg24: memref<!tpu.dma_semaphore, #tpu.memory_space<semaphore_mem>>) attributes {dimension_semantics = [#tpu.dimension_semantics<core_parallel>, #tpu.dimension_semantics<subcore_parallel>], iteration_bounds = array<i64: 2, 16>, scalar_prefetch = 0 : i64, scratch_operands = 18 : i64, tpu.core_type = #tpu.core_type<sc_vector_subcore>, window_params = [{transform_indices = #map}, {transform_indices = #map}, {transform_indices = #map}, {transform_indices = #map}, {transform_indices = #map1}]} {
    %mul3A = arith.constant 2 : i32
    %mul3A_0 = arith.muli %arg1, %mul3A : i32
    %add3A = arith.addi %mul3A_0, %arg0 : i32
    %eq3A = arith.constant 0 : i32
    %eq3A_1 = arith.cmpi eq, %arg0, %eq3A : i32
    %select_n3A = arith.constant 250 : i32
    %select_n3A_2 = arith.constant 250 : i32
    %select_n3A_3 = arith.select %eq3A_1, %select_n3A_2, %select_n3A : i32
    "tpu.region"() ({
      %run_scoped3A = tpu.sem_alloc : memref<!tpu.dma_semaphore, #tpu.memory_space<semaphore_mem>>
      %dma_start3A_63 = arith.constant 0 : i32
      %dma_start3A_64 = tpu.memref_slice %arg3[%add3A, %dma_start3A_63] : memref<32x10000xi32, #tpu.memory_space<hbm>> -> memref<1x10000xi32, #tpu.memory_space<hbm>>
      %dma_start3A_65 = tpu.memref_squeeze %dma_start3A_64 : memref<1x10000xi32, #tpu.memory_space<hbm>> -> memref<10000xi32, #tpu.memory_space<hbm>>
      %dma_start3A_66 = arith.constant 0 : i32
      %dma_start3A_67 = tpu.memref_slice %arg3[%add3A, %dma_start3A_66] : memref<32x10000xi32, #tpu.memory_space<hbm>> -> memref<1x10000xi32, #tpu.memory_space<hbm>>
      %dma_start3A_68 = tpu.memref_squeeze %dma_start3A_67 : memref<1x10000xi32, #tpu.memory_space<hbm>> -> memref<10000xi32, #tpu.memory_space<hbm>>
      tpu.enqueue_dma source(%dma_start3A_68 : memref<10000xi32, #tpu.memory_space<hbm>>) target(%arg7 : memref<10000xi32, #tpu.memory_space<vmem>>) target_semaphore(%run_scoped3A : memref<!tpu.dma_semaphore, #tpu.memory_space<semaphore_mem>>)
      %dma_wait3A = arith.constant 0 : i32
      %dma_wait3A_69 = tpu.memref_slice %arg3[%add3A, %dma_wait3A] : memref<32x10000xi32, #tpu.memory_space<hbm>> -> memref<1x10000xi32, #tpu.memory_space<hbm>>
      %dma_wait3A_70 = tpu.memref_squeeze %dma_wait3A_69 : memref<1x10000xi32, #tpu.memory_space<hbm>> -> memref<10000xi32, #tpu.memory_space<hbm>>
      %dma_wait3A_71 = arith.constant 0 : i32
      %dma_wait3A_72 = tpu.memref_slice %arg3[%add3A, %dma_wait3A_71] : memref<32x10000xi32, #tpu.memory_space<hbm>> -> memref<1x10000xi32, #tpu.memory_space<hbm>>
      %dma_wait3A_73 = tpu.memref_squeeze %dma_wait3A_72 : memref<1x10000xi32, #tpu.memory_space<hbm>> -> memref<10000xi32, #tpu.memory_space<hbm>>
      tpu.wait_dma2 semaphore(%run_scoped3A : memref<!tpu.dma_semaphore, #tpu.memory_space<semaphore_mem>>) src(%dma_wait3A_73 : memref<10000xi32, #tpu.memory_space<hbm>>) dst(%arg7 : memref<10000xi32, #tpu.memory_space<vmem>>)
      tpu.yield
    }) : () -> ()
    "tpu.region"() ({
      %run_scoped3A = tpu.sem_alloc : memref<!tpu.dma_semaphore, #tpu.memory_space<semaphore_mem>>
      %dma_start3A_63 = arith.constant 0 : i32
      %dma_start3A_64 = tpu.memref_slice %arg4[%add3A, %dma_start3A_63] : memref<32x10000xi32, #tpu.memory_space<hbm>> -> memref<1x10000xi32, #tpu.memory_space<hbm>>
      %dma_start3A_65 = tpu.memref_squeeze %dma_start3A_64 : memref<1x10000xi32, #tpu.memory_space<hbm>> -> memref<10000xi32, #tpu.memory_space<hbm>>
      %dma_start3A_66 = arith.constant 0 : i32
      %dma_start3A_67 = tpu.memref_slice %arg4[%add3A, %dma_start3A_66] : memref<32x10000xi32, #tpu.memory_space<hbm>> -> memref<1x10000xi32, #tpu.memory_space<hbm>>
      %dma_start3A_68 = tpu.memref_squeeze %dma_start3A_67 : memref<1x10000xi32, #tpu.memory_space<hbm>> -> memref<10000xi32, #tpu.memory_space<hbm>>
      tpu.enqueue_dma source(%dma_start3A_68 : memref<10000xi32, #tpu.memory_space<hbm>>) target(%arg8 : memref<10000xi32, #tpu.memory_space<vmem>>) target_semaphore(%run_scoped3A : memref<!tpu.dma_semaphore, #tpu.memory_space<semaphore_mem>>)
      %dma_wait3A = arith.constant 0 : i32
      %dma_wait3A_69 = tpu.memref_slice %arg4[%add3A, %dma_wait3A] : memref<32x10000xi32, #tpu.memory_space<hbm>> -> memref<1x10000xi32, #tpu.memory_space<hbm>>
      %dma_wait3A_70 = tpu.memref_squeeze %dma_wait3A_69 : memref<1x10000xi32, #tpu.memory_space<hbm>> -> memref<10000xi32, #tpu.memory_space<hbm>>
      %dma_wait3A_71 = arith.constant 0 : i32
      %dma_wait3A_72 = tpu.memref_slice %arg4[%add3A, %dma_wait3A_71] : memref<32x10000xi32, #tpu.memory_space<hbm>> -> memref<1x10000xi32, #tpu.memory_space<hbm>>
      %dma_wait3A_73 = tpu.memref_squeeze %dma_wait3A_72 : memref<1x10000xi32, #tpu.memory_space<hbm>> -> memref<10000xi32, #tpu.memory_space<hbm>>
      tpu.wait_dma2 semaphore(%run_scoped3A : memref<!tpu.dma_semaphore, #tpu.memory_space<semaphore_mem>>) src(%dma_wait3A_73 : memref<10000xi32, #tpu.memory_space<hbm>>) dst(%arg8 : memref<10000xi32, #tpu.memory_space<vmem>>)
      tpu.yield
    }) : () -> ()
    %mul3A_4 = arith.constant 632 : i32
    %mul3A_5 = arith.muli %arg1, %mul3A_4 : i32
    %mul3A_6 = arith.constant 632 : i32
    %mul3A_7 = arith.muli %arg1, %mul3A_6 : i32
    "tpu.region"() ({
      %run_scoped3A = tpu.sem_alloc : memref<!tpu.dma_semaphore, #tpu.memory_space<semaphore_mem>>
      %dma_start3A_63 = arith.constant 0 : i32
      %dma_start3A_64 = tpu.memref_slice %arg14[%mul3A_7, %dma_start3A_63] : memref<10112x128xf32, #tpu.memory_space<vmem_shared>> -> memref<632x128xf32, #tpu.memory_space<vmem_shared>>
      %dma_start3A_65 = arith.constant 0 : i32
      %dma_start3A_66 = tpu.memref_slice %arg5[%mul3A_5, %dma_start3A_65] : memref<10112x128xf32, #tpu.memory_space<hbm>> -> memref<632x128xf32, #tpu.memory_space<hbm>>
      tpu.enqueue_dma source(%dma_start3A_66 : memref<632x128xf32, #tpu.memory_space<hbm>>) target(%dma_start3A_64 : memref<632x128xf32, #tpu.memory_space<vmem_shared>>) target_semaphore(%run_scoped3A : memref<!tpu.dma_semaphore, #tpu.memory_space<semaphore_mem>>)
      %dma_wait3A = arith.constant 0 : i32
      %dma_wait3A_67 = tpu.memref_slice %arg14[%mul3A_7, %dma_wait3A] : memref<10112x128xf32, #tpu.memory_space<vmem_shared>> -> memref<632x128xf32, #tpu.memory_space<vmem_shared>>
      %dma_wait3A_68 = arith.constant 0 : i32
      %dma_wait3A_69 = tpu.memref_slice %arg5[%mul3A_5, %dma_wait3A_68] : memref<10112x128xf32, #tpu.memory_space<hbm>> -> memref<632x128xf32, #tpu.memory_space<hbm>>
      tpu.wait_dma2 semaphore(%run_scoped3A : memref<!tpu.dma_semaphore, #tpu.memory_space<semaphore_mem>>) src(%dma_wait3A_69 : memref<632x128xf32, #tpu.memory_space<hbm>>) dst(%dma_wait3A_67 : memref<632x128xf32, #tpu.memory_space<vmem_shared>>)
      tpu.yield
    }) : () -> ()
    %dma_start3A = arith.constant 0 : i32
    %dma_start3A_8 = tpu.memref_slice %arg7[%dma_start3A] : memref<10000xi32, #tpu.memory_space<vmem>> -> memref<40xi32, #tpu.memory_space<vmem>>
    %dma_start3A_9 = arith.constant 0 : i32
    %dma_start3A_10 = arith.constant 0 : i32
    %dma_start3A_11 = tpu.memref_slice %arg2[%dma_start3A_9, %dma_start3A_10] : memref<10000x128xf32, #tpu.memory_space<hbm>> -> memref<10000x128xf32, #tpu.memory_space<hbm>>
    tpu.enqueue_indirect_dma source(%dma_start3A_11 : memref<10000x128xf32, #tpu.memory_space<hbm>>) target(%arg9 : memref<40x128xf32, #tpu.memory_space<vmem>>) offsets(%dma_start3A_8 : memref<40xi32, #tpu.memory_space<vmem>>) semaphore(%arg15 : memref<!tpu.dma_semaphore, #tpu.memory_space<semaphore_mem>>)
    %dma_start3A_12 = arith.constant 40 : i32
    %dma_start3A_13 = tpu.memref_slice %arg7[%dma_start3A_12] : memref<10000xi32, #tpu.memory_space<vmem>> -> memref<40xi32, #tpu.memory_space<vmem>>
    %dma_start3A_14 = arith.constant 0 : i32
    %dma_start3A_15 = arith.constant 0 : i32
    %dma_start3A_16 = tpu.memref_slice %arg2[%dma_start3A_14, %dma_start3A_15] : memref<10000x128xf32, #tpu.memory_space<hbm>> -> memref<10000x128xf32, #tpu.memory_space<hbm>>
    tpu.enqueue_indirect_dma source(%dma_start3A_16 : memref<10000x128xf32, #tpu.memory_space<hbm>>) target(%arg10 : memref<40x128xf32, #tpu.memory_space<vmem>>) offsets(%dma_start3A_13 : memref<40xi32, #tpu.memory_space<vmem>>) semaphore(%arg16 : memref<!tpu.dma_semaphore, #tpu.memory_space<semaphore_mem>>)
    %dma_start3A_17 = arith.constant 80 : i32
    %dma_start3A_18 = tpu.memref_slice %arg7[%dma_start3A_17] : memref<10000xi32, #tpu.memory_space<vmem>> -> memref<40xi32, #tpu.memory_space<vmem>>
    %dma_start3A_19 = arith.constant 0 : i32
    %dma_start3A_20 = arith.constant 0 : i32
    %dma_start3A_21 = tpu.memref_slice %arg2[%dma_start3A_19, %dma_start3A_20] : memref<10000x128xf32, #tpu.memory_space<hbm>> -> memref<10000x128xf32, #tpu.memory_space<hbm>>
    tpu.enqueue_indirect_dma source(%dma_start3A_21 : memref<10000x128xf32, #tpu.memory_space<hbm>>) target(%arg11 : memref<40x128xf32, #tpu.memory_space<vmem>>) offsets(%dma_start3A_18 : memref<40xi32, #tpu.memory_space<vmem>>) semaphore(%arg17 : memref<!tpu.dma_semaphore, #tpu.memory_space<semaphore_mem>>)
    %dma_start3A_22 = arith.constant 120 : i32
    %dma_start3A_23 = tpu.memref_slice %arg7[%dma_start3A_22] : memref<10000xi32, #tpu.memory_space<vmem>> -> memref<40xi32, #tpu.memory_space<vmem>>
    %dma_start3A_24 = arith.constant 0 : i32
    %dma_start3A_25 = arith.constant 0 : i32
    %dma_start3A_26 = tpu.memref_slice %arg2[%dma_start3A_24, %dma_start3A_25] : memref<10000x128xf32, #tpu.memory_space<hbm>> -> memref<10000x128xf32, #tpu.memory_space<hbm>>
    tpu.enqueue_indirect_dma source(%dma_start3A_26 : memref<10000x128xf32, #tpu.memory_space<hbm>>) target(%arg12 : memref<40x128xf32, #tpu.memory_space<vmem>>) offsets(%dma_start3A_23 : memref<40xi32, #tpu.memory_space<vmem>>) semaphore(%arg18 : memref<!tpu.dma_semaphore, #tpu.memory_space<semaphore_mem>>)
    %dma_start3A_27 = arith.constant 160 : i32
    %dma_start3A_28 = tpu.memref_slice %arg7[%dma_start3A_27] : memref<10000xi32, #tpu.memory_space<vmem>> -> memref<40xi32, #tpu.memory_space<vmem>>
    %dma_start3A_29 = arith.constant 0 : i32
    %dma_start3A_30 = arith.constant 0 : i32
    %dma_start3A_31 = tpu.memref_slice %arg2[%dma_start3A_29, %dma_start3A_30] : memref<10000x128xf32, #tpu.memory_space<hbm>> -> memref<10000x128xf32, #tpu.memory_space<hbm>>
    tpu.enqueue_indirect_dma source(%dma_start3A_31 : memref<10000x128xf32, #tpu.memory_space<hbm>>) target(%arg13 : memref<40x128xf32, #tpu.memory_space<vmem>>) offsets(%dma_start3A_28 : memref<40xi32, #tpu.memory_space<vmem>>) semaphore(%arg19 : memref<!tpu.dma_semaphore, #tpu.memory_space<semaphore_mem>>)
    %barrier3A = arith.constant 0 : index
    tpu.barrier barrier_id(%barrier3A)
    %jit3A = arith.constant 5 : i32
    %div3A = arith.divsi %select_n3A_3, %jit3A : i32
    %sign3A = arith.constant 0 : i32
    %sign3A_32 = arith.cmpi sgt, %select_n3A_3, %sign3A : i32
    %sign3A_33 = arith.extui %sign3A_32 : i1 to i32
    %sign3A_34 = arith.constant 0 : i32
    %sign3A_35 = arith.cmpi slt, %select_n3A_3, %sign3A_34 : i32
    %sign3A_36 = arith.extui %sign3A_35 : i1 to i32
    %sign3A_37 = arith.subi %sign3A_33, %sign3A_36 : i32
    %sign3A_38 = arith.constant 0 : i32
    %sign3A_39 = arith.cmpi sgt, %jit3A, %sign3A_38 : i32
    %sign3A_40 = arith.extui %sign3A_39 : i1 to i32
    %sign3A_41 = arith.constant 0 : i32
    %sign3A_42 = arith.cmpi slt, %jit3A, %sign3A_41 : i32
    %sign3A_43 = arith.extui %sign3A_42 : i1 to i32
    %sign3A_44 = arith.subi %sign3A_40, %sign3A_43 : i32
    %ne3A = arith.cmpi ne, %sign3A_37, %sign3A_44 : i32
    %rem3A = arith.remsi %select_n3A_3, %jit3A : i32
    %ne3A_45 = arith.constant 0 : i32
    %ne3A_46 = arith.cmpi ne, %rem3A, %ne3A_45 : i32
    %and3A = arith.andi %ne3A, %ne3A_46 : i1
    %sub3A = arith.constant 1 : i32
    %sub3A_47 = arith.subi %div3A, %sub3A : i32
    %select_n3A_48 = arith.select %and3A, %sub3A_47, %div3A : i32
    %while3A = arith.constant 0 : i32
    %while3A_49 = arith.constant 0 : i32
    %while3A_50 = arith.subi %select_n3A_48, %while3A_49 : i32
    %while3A_51 = arith.addi %while3A_49, %while3A_50 : i32
    %while3A_52 = arith.constant 1 : i32
    %while3A_53 = arith.divsi %while3A_50, %while3A_52 : i32
    %while3A_54 = arith.muli %while3A_53, %while3A_52 : i32
    %while3A_55 = arith.addi %while3A_49, %while3A_54 : i32
    %while3A_56 = arith.constant 1 : i32
    scf.for %while3A_63 = %while3A_49 to %while3A_55 step %while3A_56  : i32 {
      %mul3A_64 = arith.constant 5 : i32
      %mul3A_65 = arith.muli %while3A_63, %mul3A_64 : i32
      %add3A_66 = arith.constant 0 : i32
      %add3A_67 = arith.addi %mul3A_65, %add3A_66 : i32
      %mul3A_68 = arith.constant 40 : i32
      %mul3A_69 = arith.muli %add3A_67, %mul3A_68 : i32
      %dma_wait3A = tpu.memref_slice %arg7[%mul3A_69] : memref<10000xi32, #tpu.memory_space<vmem>> -> memref<40xi32, #tpu.memory_space<vmem>>
      %dma_wait3A_70 = arith.constant 0 : i32
      %dma_wait3A_71 = arith.constant 0 : i32
      %dma_wait3A_72 = tpu.memref_slice %arg2[%dma_wait3A_70, %dma_wait3A_71] : memref<10000x128xf32, #tpu.memory_space<hbm>> -> memref<10000x128xf32, #tpu.memory_space<hbm>>
      tpu.wait_indirect_dma semaphore(%arg15 : memref<!tpu.dma_semaphore, #tpu.memory_space<semaphore_mem>>) src(%dma_wait3A_72 : memref<10000x128xf32, #tpu.memory_space<hbm>>) dst(%arg9 : memref<40x128xf32, #tpu.memory_space<vmem>>)
      %mul3A_73 = arith.constant 40 : i32
      %mul3A_74 = arith.muli %add3A_67, %mul3A_73 : i32
      %dma_start3A_75 = tpu.memref_slice %arg8[%mul3A_74] : memref<10000xi32, #tpu.memory_space<vmem>> -> memref<40xi32, #tpu.memory_space<vmem>>
      %dma_start3A_76 = arith.constant 0 : i32
      %dma_start3A_77 = arith.constant 0 : i32
      %dma_start3A_78 = tpu.memref_slice %arg14[%dma_start3A_76, %dma_start3A_77] : memref<10112x128xf32, #tpu.memory_space<vmem_shared>> -> memref<10112x128xf32, #tpu.memory_space<vmem_shared>>
      tpu.enqueue_indirect_dma source(%arg9 : memref<40x128xf32, #tpu.memory_space<vmem>>) target(%dma_start3A_78 : memref<10112x128xf32, #tpu.memory_space<vmem_shared>>) offsets(%dma_start3A_75 : memref<40xi32, #tpu.memory_space<vmem>>) semaphore(%arg20 : memref<!tpu.dma_semaphore, #tpu.memory_space<semaphore_mem>>) {add = true}
      %add3A_79 = arith.constant 1 : i32
      %add3A_80 = arith.addi %mul3A_65, %add3A_79 : i32
      %mul3A_81 = arith.constant 40 : i32
      %mul3A_82 = arith.muli %add3A_80, %mul3A_81 : i32
      %dma_wait3A_83 = tpu.memref_slice %arg7[%mul3A_82] : memref<10000xi32, #tpu.memory_space<vmem>> -> memref<40xi32, #tpu.memory_space<vmem>>
      %dma_wait3A_84 = arith.constant 0 : i32
      %dma_wait3A_85 = arith.constant 0 : i32
      %dma_wait3A_86 = tpu.memref_slice %arg2[%dma_wait3A_84, %dma_wait3A_85] : memref<10000x128xf32, #tpu.memory_space<hbm>> -> memref<10000x128xf32, #tpu.memory_space<hbm>>
      tpu.wait_indirect_dma semaphore(%arg16 : memref<!tpu.dma_semaphore, #tpu.memory_space<semaphore_mem>>) src(%dma_wait3A_86 : memref<10000x128xf32, #tpu.memory_space<hbm>>) dst(%arg10 : memref<40x128xf32, #tpu.memory_space<vmem>>)
      %mul3A_87 = arith.constant 40 : i32
      %mul3A_88 = arith.muli %add3A_80, %mul3A_87 : i32
      %dma_start3A_89 = tpu.memref_slice %arg8[%mul3A_88] : memref<10000xi32, #tpu.memory_space<vmem>> -> memref<40xi32, #tpu.memory_space<vmem>>
      %dma_start3A_90 = arith.constant 0 : i32
      %dma_start3A_91 = arith.constant 0 : i32
      %dma_start3A_92 = tpu.memref_slice %arg14[%dma_start3A_90, %dma_start3A_91] : memref<10112x128xf32, #tpu.memory_space<vmem_shared>> -> memref<10112x128xf32, #tpu.memory_space<vmem_shared>>
      tpu.enqueue_indirect_dma source(%arg10 : memref<40x128xf32, #tpu.memory_space<vmem>>) target(%dma_start3A_92 : memref<10112x128xf32, #tpu.memory_space<vmem_shared>>) offsets(%dma_start3A_89 : memref<40xi32, #tpu.memory_space<vmem>>) semaphore(%arg21 : memref<!tpu.dma_semaphore, #tpu.memory_space<semaphore_mem>>) {add = true}
      %add3A_93 = arith.constant 2 : i32
      %add3A_94 = arith.addi %mul3A_65, %add3A_93 : i32
      %mul3A_95 = arith.constant 40 : i32
      %mul3A_96 = arith.muli %add3A_94, %mul3A_95 : i32
      %dma_wait3A_97 = tpu.memref_slice %arg7[%mul3A_96] : memref<10000xi32, #tpu.memory_space<vmem>> -> memref<40xi32, #tpu.memory_space<vmem>>
      %dma_wait3A_98 = arith.constant 0 : i32
      %dma_wait3A_99 = arith.constant 0 : i32
      %dma_wait3A_100 = tpu.memref_slice %arg2[%dma_wait3A_98, %dma_wait3A_99] : memref<10000x128xf32, #tpu.memory_space<hbm>> -> memref<10000x128xf32, #tpu.memory_space<hbm>>
      tpu.wait_indirect_dma semaphore(%arg17 : memref<!tpu.dma_semaphore, #tpu.memory_space<semaphore_mem>>) src(%dma_wait3A_100 : memref<10000x128xf32, #tpu.memory_space<hbm>>) dst(%arg11 : memref<40x128xf32, #tpu.memory_space<vmem>>)
      %mul3A_101 = arith.constant 40 : i32
      %mul3A_102 = arith.muli %add3A_94, %mul3A_101 : i32
      %dma_start3A_103 = tpu.memref_slice %arg8[%mul3A_102] : memref<10000xi32, #tpu.memory_space<vmem>> -> memref<40xi32, #tpu.memory_space<vmem>>
      %dma_start3A_104 = arith.constant 0 : i32
      %dma_start3A_105 = arith.constant 0 : i32
      %dma_start3A_106 = tpu.memref_slice %arg14[%dma_start3A_104, %dma_start3A_105] : memref<10112x128xf32, #tpu.memory_space<vmem_shared>> -> memref<10112x128xf32, #tpu.memory_space<vmem_shared>>
      tpu.enqueue_indirect_dma source(%arg11 : memref<40x128xf32, #tpu.memory_space<vmem>>) target(%dma_start3A_106 : memref<10112x128xf32, #tpu.memory_space<vmem_shared>>) offsets(%dma_start3A_103 : memref<40xi32, #tpu.memory_space<vmem>>) semaphore(%arg22 : memref<!tpu.dma_semaphore, #tpu.memory_space<semaphore_mem>>) {add = true}
      %add3A_107 = arith.constant 3 : i32
      %add3A_108 = arith.addi %mul3A_65, %add3A_107 : i32
      %mul3A_109 = arith.constant 40 : i32
      %mul3A_110 = arith.muli %add3A_108, %mul3A_109 : i32
      %dma_wait3A_111 = tpu.memref_slice %arg7[%mul3A_110] : memref<10000xi32, #tpu.memory_space<vmem>> -> memref<40xi32, #tpu.memory_space<vmem>>
      %dma_wait3A_112 = arith.constant 0 : i32
      %dma_wait3A_113 = arith.constant 0 : i32
      %dma_wait3A_114 = tpu.memref_slice %arg2[%dma_wait3A_112, %dma_wait3A_113] : memref<10000x128xf32, #tpu.memory_space<hbm>> -> memref<10000x128xf32, #tpu.memory_space<hbm>>
      tpu.wait_indirect_dma semaphore(%arg18 : memref<!tpu.dma_semaphore, #tpu.memory_space<semaphore_mem>>) src(%dma_wait3A_114 : memref<10000x128xf32, #tpu.memory_space<hbm>>) dst(%arg12 : memref<40x128xf32, #tpu.memory_space<vmem>>)
      %mul3A_115 = arith.constant 40 : i32
      %mul3A_116 = arith.muli %add3A_108, %mul3A_115 : i32
      %dma_start3A_117 = tpu.memref_slice %arg8[%mul3A_116] : memref<10000xi32, #tpu.memory_space<vmem>> -> memref<40xi32, #tpu.memory_space<vmem>>
      %dma_start3A_118 = arith.constant 0 : i32
      %dma_start3A_119 = arith.constant 0 : i32
      %dma_start3A_120 = tpu.memref_slice %arg14[%dma_start3A_118, %dma_start3A_119] : memref<10112x128xf32, #tpu.memory_space<vmem_shared>> -> memref<10112x128xf32, #tpu.memory_space<vmem_shared>>
      tpu.enqueue_indirect_dma source(%arg12 : memref<40x128xf32, #tpu.memory_space<vmem>>) target(%dma_start3A_120 : memref<10112x128xf32, #tpu.memory_space<vmem_shared>>) offsets(%dma_start3A_117 : memref<40xi32, #tpu.memory_space<vmem>>) semaphore(%arg23 : memref<!tpu.dma_semaphore, #tpu.memory_space<semaphore_mem>>) {add = true}
      %add3A_121 = arith.constant 4 : i32
      %add3A_122 = arith.addi %mul3A_65, %add3A_121 : i32
      %mul3A_123 = arith.constant 40 : i32
      %mul3A_124 = arith.muli %add3A_122, %mul3A_123 : i32
      %dma_wait3A_125 = tpu.memref_slice %arg7[%mul3A_124] : memref<10000xi32, #tpu.memory_space<vmem>> -> memref<40xi32, #tpu.memory_space<vmem>>
      %dma_wait3A_126 = arith.constant 0 : i32
      %dma_wait3A_127 = arith.constant 0 : i32
      %dma_wait3A_128 = tpu.memref_slice %arg2[%dma_wait3A_126, %dma_wait3A_127] : memref<10000x128xf32, #tpu.memory_space<hbm>> -> memref<10000x128xf32, #tpu.memory_space<hbm>>
      tpu.wait_indirect_dma semaphore(%arg19 : memref<!tpu.dma_semaphore, #tpu.memory_space<semaphore_mem>>) src(%dma_wait3A_128 : memref<10000x128xf32, #tpu.memory_space<hbm>>) dst(%arg13 : memref<40x128xf32, #tpu.memory_space<vmem>>)
      %mul3A_129 = arith.constant 40 : i32
      %mul3A_130 = arith.muli %add3A_122, %mul3A_129 : i32
      %dma_start3A_131 = tpu.memref_slice %arg8[%mul3A_130] : memref<10000xi32, #tpu.memory_space<vmem>> -> memref<40xi32, #tpu.memory_space<vmem>>
      %dma_start3A_132 = arith.constant 0 : i32
      %dma_start3A_133 = arith.constant 0 : i32
      %dma_start3A_134 = tpu.memref_slice %arg14[%dma_start3A_132, %dma_start3A_133] : memref<10112x128xf32, #tpu.memory_space<vmem_shared>> -> memref<10112x128xf32, #tpu.memory_space<vmem_shared>>
      tpu.enqueue_indirect_dma source(%arg13 : memref<40x128xf32, #tpu.memory_space<vmem>>) target(%dma_start3A_134 : memref<10112x128xf32, #tpu.memory_space<vmem_shared>>) offsets(%dma_start3A_131 : memref<40xi32, #tpu.memory_space<vmem>>) semaphore(%arg24 : memref<!tpu.dma_semaphore, #tpu.memory_space<semaphore_mem>>) {add = true}
      %add3A_135 = arith.constant 0 : i32
      %add3A_136 = arith.addi %mul3A_65, %add3A_135 : i32
      %mul3A_137 = arith.constant 40 : i32
      %mul3A_138 = arith.muli %add3A_136, %mul3A_137 : i32
      %dma_wait3A_139 = tpu.memref_slice %arg8[%mul3A_138] : memref<10000xi32, #tpu.memory_space<vmem>> -> memref<40xi32, #tpu.memory_space<vmem>>
      %dma_wait3A_140 = arith.constant 0 : i32
      %dma_wait3A_141 = arith.constant 0 : i32
      %dma_wait3A_142 = tpu.memref_slice %arg14[%dma_wait3A_140, %dma_wait3A_141] : memref<10112x128xf32, #tpu.memory_space<vmem_shared>> -> memref<10112x128xf32, #tpu.memory_space<vmem_shared>>
      tpu.wait_indirect_dma semaphore(%arg20 : memref<!tpu.dma_semaphore, #tpu.memory_space<semaphore_mem>>) src(%arg9 : memref<40x128xf32, #tpu.memory_space<vmem>>) dst(%dma_wait3A_142 : memref<10112x128xf32, #tpu.memory_space<vmem_shared>>)
      %add3A_143 = arith.constant 5 : i32
      %add3A_144 = arith.addi %add3A_136, %add3A_143 : i32
      %lt3A = arith.cmpi slt, %add3A_144, %select_n3A_3 : i32
      %convert_element_type3A = arith.extui %lt3A : i1 to i32
      %cond3A = arith.constant 0 : i32
      %cond3A_145 = arith.cmpi ne, %convert_element_type3A, %cond3A : i32
      scf.if %cond3A_145 {
        %mul3A_202 = arith.constant 40 : i32
        %mul3A_203 = arith.muli %add3A_144, %mul3A_202 : i32
        %dma_start3A_204 = tpu.memref_slice %arg7[%mul3A_203] : memref<10000xi32, #tpu.memory_space<vmem>> -> memref<40xi32, #tpu.memory_space<vmem>>
        %dma_start3A_205 = arith.constant 0 : i32
        %dma_start3A_206 = arith.constant 0 : i32
        %dma_start3A_207 = tpu.memref_slice %arg2[%dma_start3A_205, %dma_start3A_206] : memref<10000x128xf32, #tpu.memory_space<hbm>> -> memref<10000x128xf32, #tpu.memory_space<hbm>>
        tpu.enqueue_indirect_dma source(%dma_start3A_207 : memref<10000x128xf32, #tpu.memory_space<hbm>>) target(%arg9 : memref<40x128xf32, #tpu.memory_space<vmem>>) offsets(%dma_start3A_204 : memref<40xi32, #tpu.memory_space<vmem>>) semaphore(%arg15 : memref<!tpu.dma_semaphore, #tpu.memory_space<semaphore_mem>>)
      } else {
      }
      %add3A_146 = arith.constant 1 : i32
      %add3A_147 = arith.addi %mul3A_65, %add3A_146 : i32
      %mul3A_148 = arith.constant 40 : i32
      %mul3A_149 = arith.muli %add3A_147, %mul3A_148 : i32
      %dma_wait3A_150 = tpu.memref_slice %arg8[%mul3A_149] : memref<10000xi32, #tpu.memory_space<vmem>> -> memref<40xi32, #tpu.memory_space<vmem>>
      %dma_wait3A_151 = arith.constant 0 : i32
      %dma_wait3A_152 = arith.constant 0 : i32
      %dma_wait3A_153 = tpu.memref_slice %arg14[%dma_wait3A_151, %dma_wait3A_152] : memref<10112x128xf32, #tpu.memory_space<vmem_shared>> -> memref<10112x128xf32, #tpu.memory_space<vmem_shared>>
      tpu.wait_indirect_dma semaphore(%arg21 : memref<!tpu.dma_semaphore, #tpu.memory_space<semaphore_mem>>) src(%arg10 : memref<40x128xf32, #tpu.memory_space<vmem>>) dst(%dma_wait3A_153 : memref<10112x128xf32, #tpu.memory_space<vmem_shared>>)
      %add3A_154 = arith.constant 5 : i32
      %add3A_155 = arith.addi %add3A_147, %add3A_154 : i32
      %lt3A_156 = arith.cmpi slt, %add3A_155, %select_n3A_3 : i32
      %convert_element_type3A_157 = arith.extui %lt3A_156 : i1 to i32
      %cond3A_158 = arith.constant 0 : i32
      %cond3A_159 = arith.cmpi ne, %convert_element_type3A_157, %cond3A_158 : i32
      scf.if %cond3A_159 {
        %mul3A_202 = arith.constant 40 : i32
        %mul3A_203 = arith.muli %add3A_155, %mul3A_202 : i32
        %dma_start3A_204 = tpu.memref_slice %arg7[%mul3A_203] : memref<10000xi32, #tpu.memory_space<vmem>> -> memref<40xi32, #tpu.memory_space<vmem>>
        %dma_start3A_205 = arith.constant 0 : i32
        %dma_start3A_206 = arith.constant 0 : i32
        %dma_start3A_207 = tpu.memref_slice %arg2[%dma_start3A_205, %dma_start3A_206] : memref<10000x128xf32, #tpu.memory_space<hbm>> -> memref<10000x128xf32, #tpu.memory_space<hbm>>
        tpu.enqueue_indirect_dma source(%dma_start3A_207 : memref<10000x128xf32, #tpu.memory_space<hbm>>) target(%arg10 : memref<40x128xf32, #tpu.memory_space<vmem>>) offsets(%dma_start3A_204 : memref<40xi32, #tpu.memory_space<vmem>>) semaphore(%arg16 : memref<!tpu.dma_semaphore, #tpu.memory_space<semaphore_mem>>)
      } else {
      }
      %add3A_160 = arith.constant 2 : i32
      %add3A_161 = arith.addi %mul3A_65, %add3A_160 : i32
      %mul3A_162 = arith.constant 40 : i32
      %mul3A_163 = arith.muli %add3A_161, %mul3A_162 : i32
      %dma_wait3A_164 = tpu.memref_slice %arg8[%mul3A_163] : memref<10000xi32, #tpu.memory_space<vmem>> -> memref<40xi32, #tpu.memory_space<vmem>>
      %dma_wait3A_165 = arith.constant 0 : i32
      %dma_wait3A_166 = arith.constant 0 : i32
      %dma_wait3A_167 = tpu.memref_slice %arg14[%dma_wait3A_165, %dma_wait3A_166] : memref<10112x128xf32, #tpu.memory_space<vmem_shared>> -> memref<10112x128xf32, #tpu.memory_space<vmem_shared>>
      tpu.wait_indirect_dma semaphore(%arg22 : memref<!tpu.dma_semaphore, #tpu.memory_space<semaphore_mem>>) src(%arg11 : memref<40x128xf32, #tpu.memory_space<vmem>>) dst(%dma_wait3A_167 : memref<10112x128xf32, #tpu.memory_space<vmem_shared>>)
      %add3A_168 = arith.constant 5 : i32
      %add3A_169 = arith.addi %add3A_161, %add3A_168 : i32
      %lt3A_170 = arith.cmpi slt, %add3A_169, %select_n3A_3 : i32
      %convert_element_type3A_171 = arith.extui %lt3A_170 : i1 to i32
      %cond3A_172 = arith.constant 0 : i32
      %cond3A_173 = arith.cmpi ne, %convert_element_type3A_171, %cond3A_172 : i32
      scf.if %cond3A_173 {
        %mul3A_202 = arith.constant 40 : i32
        %mul3A_203 = arith.muli %add3A_169, %mul3A_202 : i32
        %dma_start3A_204 = tpu.memref_slice %arg7[%mul3A_203] : memref<10000xi32, #tpu.memory_space<vmem>> -> memref<40xi32, #tpu.memory_space<vmem>>
        %dma_start3A_205 = arith.constant 0 : i32
        %dma_start3A_206 = arith.constant 0 : i32
        %dma_start3A_207 = tpu.memref_slice %arg2[%dma_start3A_205, %dma_start3A_206] : memref<10000x128xf32, #tpu.memory_space<hbm>> -> memref<10000x128xf32, #tpu.memory_space<hbm>>
        tpu.enqueue_indirect_dma source(%dma_start3A_207 : memref<10000x128xf32, #tpu.memory_space<hbm>>) target(%arg11 : memref<40x128xf32, #tpu.memory_space<vmem>>) offsets(%dma_start3A_204 : memref<40xi32, #tpu.memory_space<vmem>>) semaphore(%arg17 : memref<!tpu.dma_semaphore, #tpu.memory_space<semaphore_mem>>)
      } else {
      }
      %add3A_174 = arith.constant 3 : i32
      %add3A_175 = arith.addi %mul3A_65, %add3A_174 : i32
      %mul3A_176 = arith.constant 40 : i32
      %mul3A_177 = arith.muli %add3A_175, %mul3A_176 : i32
      %dma_wait3A_178 = tpu.memref_slice %arg8[%mul3A_177] : memref<10000xi32, #tpu.memory_space<vmem>> -> memref<40xi32, #tpu.memory_space<vmem>>
      %dma_wait3A_179 = arith.constant 0 : i32
      %dma_wait3A_180 = arith.constant 0 : i32
      %dma_wait3A_181 = tpu.memref_slice %arg14[%dma_wait3A_179, %dma_wait3A_180] : memref<10112x128xf32, #tpu.memory_space<vmem_shared>> -> memref<10112x128xf32, #tpu.memory_space<vmem_shared>>
      tpu.wait_indirect_dma semaphore(%arg23 : memref<!tpu.dma_semaphore, #tpu.memory_space<semaphore_mem>>) src(%arg12 : memref<40x128xf32, #tpu.memory_space<vmem>>) dst(%dma_wait3A_181 : memref<10112x128xf32, #tpu.memory_space<vmem_shared>>)
      %add3A_182 = arith.constant 5 : i32
      %add3A_183 = arith.addi %add3A_175, %add3A_182 : i32
      %lt3A_184 = arith.cmpi slt, %add3A_183, %select_n3A_3 : i32
      %convert_element_type3A_185 = arith.extui %lt3A_184 : i1 to i32
      %cond3A_186 = arith.constant 0 : i32
      %cond3A_187 = arith.cmpi ne, %convert_element_type3A_185, %cond3A_186 : i32
      scf.if %cond3A_187 {
        %mul3A_202 = arith.constant 40 : i32
        %mul3A_203 = arith.muli %add3A_183, %mul3A_202 : i32
        %dma_start3A_204 = tpu.memref_slice %arg7[%mul3A_203] : memref<10000xi32, #tpu.memory_space<vmem>> -> memref<40xi32, #tpu.memory_space<vmem>>
        %dma_start3A_205 = arith.constant 0 : i32
        %dma_start3A_206 = arith.constant 0 : i32
        %dma_start3A_207 = tpu.memref_slice %arg2[%dma_start3A_205, %dma_start3A_206] : memref<10000x128xf32, #tpu.memory_space<hbm>> -> memref<10000x128xf32, #tpu.memory_space<hbm>>
        tpu.enqueue_indirect_dma source(%dma_start3A_207 : memref<10000x128xf32, #tpu.memory_space<hbm>>) target(%arg12 : memref<40x128xf32, #tpu.memory_space<vmem>>) offsets(%dma_start3A_204 : memref<40xi32, #tpu.memory_space<vmem>>) semaphore(%arg18 : memref<!tpu.dma_semaphore, #tpu.memory_space<semaphore_mem>>)
      } else {
      }
      %add3A_188 = arith.constant 4 : i32
      %add3A_189 = arith.addi %mul3A_65, %add3A_188 : i32
      %mul3A_190 = arith.constant 40 : i32
      %mul3A_191 = arith.muli %add3A_189, %mul3A_190 : i32
      %dma_wait3A_192 = tpu.memref_slice %arg8[%mul3A_191] : memref<10000xi32, #tpu.memory_space<vmem>> -> memref<40xi32, #tpu.memory_space<vmem>>
      %dma_wait3A_193 = arith.constant 0 : i32
      %dma_wait3A_194 = arith.constant 0 : i32
      %dma_wait3A_195 = tpu.memref_slice %arg14[%dma_wait3A_193, %dma_wait3A_194] : memref<10112x128xf32, #tpu.memory_space<vmem_shared>> -> memref<10112x128xf32, #tpu.memory_space<vmem_shared>>
      tpu.wait_indirect_dma semaphore(%arg24 : memref<!tpu.dma_semaphore, #tpu.memory_space<semaphore_mem>>) src(%arg13 : memref<40x128xf32, #tpu.memory_space<vmem>>) dst(%dma_wait3A_195 : memref<10112x128xf32, #tpu.memory_space<vmem_shared>>)
      %add3A_196 = arith.constant 5 : i32
      %add3A_197 = arith.addi %add3A_189, %add3A_196 : i32
      %lt3A_198 = arith.cmpi slt, %add3A_197, %select_n3A_3 : i32
      %convert_element_type3A_199 = arith.extui %lt3A_198 : i1 to i32
      %cond3A_200 = arith.constant 0 : i32
      %cond3A_201 = arith.cmpi ne, %convert_element_type3A_199, %cond3A_200 : i32
      scf.if %cond3A_201 {
        %mul3A_202 = arith.constant 40 : i32
        %mul3A_203 = arith.muli %add3A_197, %mul3A_202 : i32
        %dma_start3A_204 = tpu.memref_slice %arg7[%mul3A_203] : memref<10000xi32, #tpu.memory_space<vmem>> -> memref<40xi32, #tpu.memory_space<vmem>>
        %dma_start3A_205 = arith.constant 0 : i32
        %dma_start3A_206 = arith.constant 0 : i32
        %dma_start3A_207 = tpu.memref_slice %arg2[%dma_start3A_205, %dma_start3A_206] : memref<10000x128xf32, #tpu.memory_space<hbm>> -> memref<10000x128xf32, #tpu.memory_space<hbm>>
        tpu.enqueue_indirect_dma source(%dma_start3A_207 : memref<10000x128xf32, #tpu.memory_space<hbm>>) target(%arg13 : memref<40x128xf32, #tpu.memory_space<vmem>>) offsets(%dma_start3A_204 : memref<40xi32, #tpu.memory_space<vmem>>) semaphore(%arg19 : memref<!tpu.dma_semaphore, #tpu.memory_space<semaphore_mem>>)
      } else {
      }
    }
    %while3A_57 = arith.constant 1 : i32
    scf.for %while3A_63 = %while3A_55 to %while3A_51 step %while3A_57  : i32 {
      %mul3A_64 = arith.constant 5 : i32
      %mul3A_65 = arith.muli %while3A_63, %mul3A_64 : i32
      %add3A_66 = arith.constant 0 : i32
      %add3A_67 = arith.addi %mul3A_65, %add3A_66 : i32
      %mul3A_68 = arith.constant 40 : i32
      %mul3A_69 = arith.muli %add3A_67, %mul3A_68 : i32
      %dma_wait3A = tpu.memref_slice %arg7[%mul3A_69] : memref<10000xi32, #tpu.memory_space<vmem>> -> memref<40xi32, #tpu.memory_space<vmem>>
      %dma_wait3A_70 = arith.constant 0 : i32
      %dma_wait3A_71 = arith.constant 0 : i32
      %dma_wait3A_72 = tpu.memref_slice %arg2[%dma_wait3A_70, %dma_wait3A_71] : memref<10000x128xf32, #tpu.memory_space<hbm>> -> memref<10000x128xf32, #tpu.memory_space<hbm>>
      tpu.wait_indirect_dma semaphore(%arg15 : memref<!tpu.dma_semaphore, #tpu.memory_space<semaphore_mem>>) src(%dma_wait3A_72 : memref<10000x128xf32, #tpu.memory_space<hbm>>) dst(%arg9 : memref<40x128xf32, #tpu.memory_space<vmem>>)
      %mul3A_73 = arith.constant 40 : i32
      %mul3A_74 = arith.muli %add3A_67, %mul3A_73 : i32
      %dma_start3A_75 = tpu.memref_slice %arg8[%mul3A_74] : memref<10000xi32, #tpu.memory_space<vmem>> -> memref<40xi32, #tpu.memory_space<vmem>>
      %dma_start3A_76 = arith.constant 0 : i32
      %dma_start3A_77 = arith.constant 0 : i32
      %dma_start3A_78 = tpu.memref_slice %arg14[%dma_start3A_76, %dma_start3A_77] : memref<10112x128xf32, #tpu.memory_space<vmem_shared>> -> memref<10112x128xf32, #tpu.memory_space<vmem_shared>>
      tpu.enqueue_indirect_dma source(%arg9 : memref<40x128xf32, #tpu.memory_space<vmem>>) target(%dma_start3A_78 : memref<10112x128xf32, #tpu.memory_space<vmem_shared>>) offsets(%dma_start3A_75 : memref<40xi32, #tpu.memory_space<vmem>>) semaphore(%arg20 : memref<!tpu.dma_semaphore, #tpu.memory_space<semaphore_mem>>) {add = true}
      %add3A_79 = arith.constant 1 : i32
      %add3A_80 = arith.addi %mul3A_65, %add3A_79 : i32
      %mul3A_81 = arith.constant 40 : i32
      %mul3A_82 = arith.muli %add3A_80, %mul3A_81 : i32
      %dma_wait3A_83 = tpu.memref_slice %arg7[%mul3A_82] : memref<10000xi32, #tpu.memory_space<vmem>> -> memref<40xi32, #tpu.memory_space<vmem>>
      %dma_wait3A_84 = arith.constant 0 : i32
      %dma_wait3A_85 = arith.constant 0 : i32
      %dma_wait3A_86 = tpu.memref_slice %arg2[%dma_wait3A_84, %dma_wait3A_85] : memref<10000x128xf32, #tpu.memory_space<hbm>> -> memref<10000x128xf32, #tpu.memory_space<hbm>>
      tpu.wait_indirect_dma semaphore(%arg16 : memref<!tpu.dma_semaphore, #tpu.memory_space<semaphore_mem>>) src(%dma_wait3A_86 : memref<10000x128xf32, #tpu.memory_space<hbm>>) dst(%arg10 : memref<40x128xf32, #tpu.memory_space<vmem>>)
      %mul3A_87 = arith.constant 40 : i32
      %mul3A_88 = arith.muli %add3A_80, %mul3A_87 : i32
      %dma_start3A_89 = tpu.memref_slice %arg8[%mul3A_88] : memref<10000xi32, #tpu.memory_space<vmem>> -> memref<40xi32, #tpu.memory_space<vmem>>
      %dma_start3A_90 = arith.constant 0 : i32
      %dma_start3A_91 = arith.constant 0 : i32
      %dma_start3A_92 = tpu.memref_slice %arg14[%dma_start3A_90, %dma_start3A_91] : memref<10112x128xf32, #tpu.memory_space<vmem_shared>> -> memref<10112x128xf32, #tpu.memory_space<vmem_shared>>
      tpu.enqueue_indirect_dma source(%arg10 : memref<40x128xf32, #tpu.memory_space<vmem>>) target(%dma_start3A_92 : memref<10112x128xf32, #tpu.memory_space<vmem_shared>>) offsets(%dma_start3A_89 : memref<40xi32, #tpu.memory_space<vmem>>) semaphore(%arg21 : memref<!tpu.dma_semaphore, #tpu.memory_space<semaphore_mem>>) {add = true}
      %add3A_93 = arith.constant 2 : i32
      %add3A_94 = arith.addi %mul3A_65, %add3A_93 : i32
      %mul3A_95 = arith.constant 40 : i32
      %mul3A_96 = arith.muli %add3A_94, %mul3A_95 : i32
      %dma_wait3A_97 = tpu.memref_slice %arg7[%mul3A_96] : memref<10000xi32, #tpu.memory_space<vmem>> -> memref<40xi32, #tpu.memory_space<vmem>>
      %dma_wait3A_98 = arith.constant 0 : i32
      %dma_wait3A_99 = arith.constant 0 : i32
      %dma_wait3A_100 = tpu.memref_slice %arg2[%dma_wait3A_98, %dma_wait3A_99] : memref<10000x128xf32, #tpu.memory_space<hbm>> -> memref<10000x128xf32, #tpu.memory_space<hbm>>
      tpu.wait_indirect_dma semaphore(%arg17 : memref<!tpu.dma_semaphore, #tpu.memory_space<semaphore_mem>>) src(%dma_wait3A_100 : memref<10000x128xf32, #tpu.memory_space<hbm>>) dst(%arg11 : memref<40x128xf32, #tpu.memory_space<vmem>>)
      %mul3A_101 = arith.constant 40 : i32
      %mul3A_102 = arith.muli %add3A_94, %mul3A_101 : i32
      %dma_start3A_103 = tpu.memref_slice %arg8[%mul3A_102] : memref<10000xi32, #tpu.memory_space<vmem>> -> memref<40xi32, #tpu.memory_space<vmem>>
      %dma_start3A_104 = arith.constant 0 : i32
      %dma_start3A_105 = arith.constant 0 : i32
      %dma_start3A_106 = tpu.memref_slice %arg14[%dma_start3A_104, %dma_start3A_105] : memref<10112x128xf32, #tpu.memory_space<vmem_shared>> -> memref<10112x128xf32, #tpu.memory_space<vmem_shared>>
      tpu.enqueue_indirect_dma source(%arg11 : memref<40x128xf32, #tpu.memory_space<vmem>>) target(%dma_start3A_106 : memref<10112x128xf32, #tpu.memory_space<vmem_shared>>) offsets(%dma_start3A_103 : memref<40xi32, #tpu.memory_space<vmem>>) semaphore(%arg22 : memref<!tpu.dma_semaphore, #tpu.memory_space<semaphore_mem>>) {add = true}
      %add3A_107 = arith.constant 3 : i32
      %add3A_108 = arith.addi %mul3A_65, %add3A_107 : i32
      %mul3A_109 = arith.constant 40 : i32
      %mul3A_110 = arith.muli %add3A_108, %mul3A_109 : i32
      %dma_wait3A_111 = tpu.memref_slice %arg7[%mul3A_110] : memref<10000xi32, #tpu.memory_space<vmem>> -> memref<40xi32, #tpu.memory_space<vmem>>
      %dma_wait3A_112 = arith.constant 0 : i32
      %dma_wait3A_113 = arith.constant 0 : i32
      %dma_wait3A_114 = tpu.memref_slice %arg2[%dma_wait3A_112, %dma_wait3A_113] : memref<10000x128xf32, #tpu.memory_space<hbm>> -> memref<10000x128xf32, #tpu.memory_space<hbm>>
      tpu.wait_indirect_dma semaphore(%arg18 : memref<!tpu.dma_semaphore, #tpu.memory_space<semaphore_mem>>) src(%dma_wait3A_114 : memref<10000x128xf32, #tpu.memory_space<hbm>>) dst(%arg12 : memref<40x128xf32, #tpu.memory_space<vmem>>)
      %mul3A_115 = arith.constant 40 : i32
      %mul3A_116 = arith.muli %add3A_108, %mul3A_115 : i32
      %dma_start3A_117 = tpu.memref_slice %arg8[%mul3A_116] : memref<10000xi32, #tpu.memory_space<vmem>> -> memref<40xi32, #tpu.memory_space<vmem>>
      %dma_start3A_118 = arith.constant 0 : i32
      %dma_start3A_119 = arith.constant 0 : i32
      %dma_start3A_120 = tpu.memref_slice %arg14[%dma_start3A_118, %dma_start3A_119] : memref<10112x128xf32, #tpu.memory_space<vmem_shared>> -> memref<10112x128xf32, #tpu.memory_space<vmem_shared>>
      tpu.enqueue_indirect_dma source(%arg12 : memref<40x128xf32, #tpu.memory_space<vmem>>) target(%dma_start3A_120 : memref<10112x128xf32, #tpu.memory_space<vmem_shared>>) offsets(%dma_start3A_117 : memref<40xi32, #tpu.memory_space<vmem>>) semaphore(%arg23 : memref<!tpu.dma_semaphore, #tpu.memory_space<semaphore_mem>>) {add = true}
      %add3A_121 = arith.constant 4 : i32
      %add3A_122 = arith.addi %mul3A_65, %add3A_121 : i32
      %mul3A_123 = arith.constant 40 : i32
      %mul3A_124 = arith.muli %add3A_122, %mul3A_123 : i32
      %dma_wait3A_125 = tpu.memref_slice %arg7[%mul3A_124] : memref<10000xi32, #tpu.memory_space<vmem>> -> memref<40xi32, #tpu.memory_space<vmem>>
      %dma_wait3A_126 = arith.constant 0 : i32
      %dma_wait3A_127 = arith.constant 0 : i32
      %dma_wait3A_128 = tpu.memref_slice %arg2[%dma_wait3A_126, %dma_wait3A_127] : memref<10000x128xf32, #tpu.memory_space<hbm>> -> memref<10000x128xf32, #tpu.memory_space<hbm>>
      tpu.wait_indirect_dma semaphore(%arg19 : memref<!tpu.dma_semaphore, #tpu.memory_space<semaphore_mem>>) src(%dma_wait3A_128 : memref<10000x128xf32, #tpu.memory_space<hbm>>) dst(%arg13 : memref<40x128xf32, #tpu.memory_space<vmem>>)
      %mul3A_129 = arith.constant 40 : i32
      %mul3A_130 = arith.muli %add3A_122, %mul3A_129 : i32
      %dma_start3A_131 = tpu.memref_slice %arg8[%mul3A_130] : memref<10000xi32, #tpu.memory_space<vmem>> -> memref<40xi32, #tpu.memory_space<vmem>>
      %dma_start3A_132 = arith.constant 0 : i32
      %dma_start3A_133 = arith.constant 0 : i32
      %dma_start3A_134 = tpu.memref_slice %arg14[%dma_start3A_132, %dma_start3A_133] : memref<10112x128xf32, #tpu.memory_space<vmem_shared>> -> memref<10112x128xf32, #tpu.memory_space<vmem_shared>>
      tpu.enqueue_indirect_dma source(%arg13 : memref<40x128xf32, #tpu.memory_space<vmem>>) target(%dma_start3A_134 : memref<10112x128xf32, #tpu.memory_space<vmem_shared>>) offsets(%dma_start3A_131 : memref<40xi32, #tpu.memory_space<vmem>>) semaphore(%arg24 : memref<!tpu.dma_semaphore, #tpu.memory_space<semaphore_mem>>) {add = true}
      %add3A_135 = arith.constant 0 : i32
      %add3A_136 = arith.addi %mul3A_65, %add3A_135 : i32
      %mul3A_137 = arith.constant 40 : i32
      %mul3A_138 = arith.muli %add3A_136, %mul3A_137 : i32
      %dma_wait3A_139 = tpu.memref_slice %arg8[%mul3A_138] : memref<10000xi32, #tpu.memory_space<vmem>> -> memref<40xi32, #tpu.memory_space<vmem>>
      %dma_wait3A_140 = arith.constant 0 : i32
      %dma_wait3A_141 = arith.constant 0 : i32
      %dma_wait3A_142 = tpu.memref_slice %arg14[%dma_wait3A_140, %dma_wait3A_141] : memref<10112x128xf32, #tpu.memory_space<vmem_shared>> -> memref<10112x128xf32, #tpu.memory_space<vmem_shared>>
      tpu.wait_indirect_dma semaphore(%arg20 : memref<!tpu.dma_semaphore, #tpu.memory_space<semaphore_mem>>) src(%arg9 : memref<40x128xf32, #tpu.memory_space<vmem>>) dst(%dma_wait3A_142 : memref<10112x128xf32, #tpu.memory_space<vmem_shared>>)
      %add3A_143 = arith.constant 5 : i32
      %add3A_144 = arith.addi %add3A_136, %add3A_143 : i32
      %lt3A = arith.cmpi slt, %add3A_144, %select_n3A_3 : i32
      %convert_element_type3A = arith.extui %lt3A : i1 to i32
      %cond3A = arith.constant 0 : i32
      %cond3A_145 = arith.cmpi ne, %convert_element_type3A, %cond3A : i32
      scf.if %cond3A_145 {
        %mul3A_202 = arith.constant 40 : i32
        %mul3A_203 = arith.muli %add3A_144, %mul3A_202 : i32
        %dma_start3A_204 = tpu.memref_slice %arg7[%mul3A_203] : memref<10000xi32, #tpu.memory_space<vmem>> -> memref<40xi32, #tpu.memory_space<vmem>>
        %dma_start3A_205 = arith.constant 0 : i32
        %dma_start3A_206 = arith.constant 0 : i32
        %dma_start3A_207 = tpu.memref_slice %arg2[%dma_start3A_205, %dma_start3A_206] : memref<10000x128xf32, #tpu.memory_space<hbm>> -> memref<10000x128xf32, #tpu.memory_space<hbm>>
        tpu.enqueue_indirect_dma source(%dma_start3A_207 : memref<10000x128xf32, #tpu.memory_space<hbm>>) target(%arg9 : memref<40x128xf32, #tpu.memory_space<vmem>>) offsets(%dma_start3A_204 : memref<40xi32, #tpu.memory_space<vmem>>) semaphore(%arg15 : memref<!tpu.dma_semaphore, #tpu.memory_space<semaphore_mem>>)
      } else {
      }
      %add3A_146 = arith.constant 1 : i32
      %add3A_147 = arith.addi %mul3A_65, %add3A_146 : i32
      %mul3A_148 = arith.constant 40 : i32
      %mul3A_149 = arith.muli %add3A_147, %mul3A_148 : i32
      %dma_wait3A_150 = tpu.memref_slice %arg8[%mul3A_149] : memref<10000xi32, #tpu.memory_space<vmem>> -> memref<40xi32, #tpu.memory_space<vmem>>
      %dma_wait3A_151 = arith.constant 0 : i32
      %dma_wait3A_152 = arith.constant 0 : i32
      %dma_wait3A_153 = tpu.memref_slice %arg14[%dma_wait3A_151, %dma_wait3A_152] : memref<10112x128xf32, #tpu.memory_space<vmem_shared>> -> memref<10112x128xf32, #tpu.memory_space<vmem_shared>>
      tpu.wait_indirect_dma semaphore(%arg21 : memref<!tpu.dma_semaphore, #tpu.memory_space<semaphore_mem>>) src(%arg10 : memref<40x128xf32, #tpu.memory_space<vmem>>) dst(%dma_wait3A_153 : memref<10112x128xf32, #tpu.memory_space<vmem_shared>>)
      %add3A_154 = arith.constant 5 : i32
      %add3A_155 = arith.addi %add3A_147, %add3A_154 : i32
      %lt3A_156 = arith.cmpi slt, %add3A_155, %select_n3A_3 : i32
      %convert_element_type3A_157 = arith.extui %lt3A_156 : i1 to i32
      %cond3A_158 = arith.constant 0 : i32
      %cond3A_159 = arith.cmpi ne, %convert_element_type3A_157, %cond3A_158 : i32
      scf.if %cond3A_159 {
        %mul3A_202 = arith.constant 40 : i32
        %mul3A_203 = arith.muli %add3A_155, %mul3A_202 : i32
        %dma_start3A_204 = tpu.memref_slice %arg7[%mul3A_203] : memref<10000xi32, #tpu.memory_space<vmem>> -> memref<40xi32, #tpu.memory_space<vmem>>
        %dma_start3A_205 = arith.constant 0 : i32
        %dma_start3A_206 = arith.constant 0 : i32
        %dma_start3A_207 = tpu.memref_slice %arg2[%dma_start3A_205, %dma_start3A_206] : memref<10000x128xf32, #tpu.memory_space<hbm>> -> memref<10000x128xf32, #tpu.memory_space<hbm>>
        tpu.enqueue_indirect_dma source(%dma_start3A_207 : memref<10000x128xf32, #tpu.memory_space<hbm>>) target(%arg10 : memref<40x128xf32, #tpu.memory_space<vmem>>) offsets(%dma_start3A_204 : memref<40xi32, #tpu.memory_space<vmem>>) semaphore(%arg16 : memref<!tpu.dma_semaphore, #tpu.memory_space<semaphore_mem>>)
      } else {
      }
      %add3A_160 = arith.constant 2 : i32
      %add3A_161 = arith.addi %mul3A_65, %add3A_160 : i32
      %mul3A_162 = arith.constant 40 : i32
      %mul3A_163 = arith.muli %add3A_161, %mul3A_162 : i32
      %dma_wait3A_164 = tpu.memref_slice %arg8[%mul3A_163] : memref<10000xi32, #tpu.memory_space<vmem>> -> memref<40xi32, #tpu.memory_space<vmem>>
      %dma_wait3A_165 = arith.constant 0 : i32
      %dma_wait3A_166 = arith.constant 0 : i32
      %dma_wait3A_167 = tpu.memref_slice %arg14[%dma_wait3A_165, %dma_wait3A_166] : memref<10112x128xf32, #tpu.memory_space<vmem_shared>> -> memref<10112x128xf32, #tpu.memory_space<vmem_shared>>
      tpu.wait_indirect_dma semaphore(%arg22 : memref<!tpu.dma_semaphore, #tpu.memory_space<semaphore_mem>>) src(%arg11 : memref<40x128xf32, #tpu.memory_space<vmem>>) dst(%dma_wait3A_167 : memref<10112x128xf32, #tpu.memory_space<vmem_shared>>)
      %add3A_168 = arith.constant 5 : i32
      %add3A_169 = arith.addi %add3A_161, %add3A_168 : i32
      %lt3A_170 = arith.cmpi slt, %add3A_169, %select_n3A_3 : i32
      %convert_element_type3A_171 = arith.extui %lt3A_170 : i1 to i32
      %cond3A_172 = arith.constant 0 : i32
      %cond3A_173 = arith.cmpi ne, %convert_element_type3A_171, %cond3A_172 : i32
      scf.if %cond3A_173 {
        %mul3A_202 = arith.constant 40 : i32
        %mul3A_203 = arith.muli %add3A_169, %mul3A_202 : i32
        %dma_start3A_204 = tpu.memref_slice %arg7[%mul3A_203] : memref<10000xi32, #tpu.memory_space<vmem>> -> memref<40xi32, #tpu.memory_space<vmem>>
        %dma_start3A_205 = arith.constant 0 : i32
        %dma_start3A_206 = arith.constant 0 : i32
        %dma_start3A_207 = tpu.memref_slice %arg2[%dma_start3A_205, %dma_start3A_206] : memref<10000x128xf32, #tpu.memory_space<hbm>> -> memref<10000x128xf32, #tpu.memory_space<hbm>>
        tpu.enqueue_indirect_dma source(%dma_start3A_207 : memref<10000x128xf32, #tpu.memory_space<hbm>>) target(%arg11 : memref<40x128xf32, #tpu.memory_space<vmem>>) offsets(%dma_start3A_204 : memref<40xi32, #tpu.memory_space<vmem>>) semaphore(%arg17 : memref<!tpu.dma_semaphore, #tpu.memory_space<semaphore_mem>>)
      } else {
      }
      %add3A_174 = arith.constant 3 : i32
      %add3A_175 = arith.addi %mul3A_65, %add3A_174 : i32
      %mul3A_176 = arith.constant 40 : i32
      %mul3A_177 = arith.muli %add3A_175, %mul3A_176 : i32
      %dma_wait3A_178 = tpu.memref_slice %arg8[%mul3A_177] : memref<10000xi32, #tpu.memory_space<vmem>> -> memref<40xi32, #tpu.memory_space<vmem>>
      %dma_wait3A_179 = arith.constant 0 : i32
      %dma_wait3A_180 = arith.constant 0 : i32
      %dma_wait3A_181 = tpu.memref_slice %arg14[%dma_wait3A_179, %dma_wait3A_180] : memref<10112x128xf32, #tpu.memory_space<vmem_shared>> -> memref<10112x128xf32, #tpu.memory_space<vmem_shared>>
      tpu.wait_indirect_dma semaphore(%arg23 : memref<!tpu.dma_semaphore, #tpu.memory_space<semaphore_mem>>) src(%arg12 : memref<40x128xf32, #tpu.memory_space<vmem>>) dst(%dma_wait3A_181 : memref<10112x128xf32, #tpu.memory_space<vmem_shared>>)
      %add3A_182 = arith.constant 5 : i32
      %add3A_183 = arith.addi %add3A_175, %add3A_182 : i32
      %lt3A_184 = arith.cmpi slt, %add3A_183, %select_n3A_3 : i32
      %convert_element_type3A_185 = arith.extui %lt3A_184 : i1 to i32
      %cond3A_186 = arith.constant 0 : i32
      %cond3A_187 = arith.cmpi ne, %convert_element_type3A_185, %cond3A_186 : i32
      scf.if %cond3A_187 {
        %mul3A_202 = arith.constant 40 : i32
        %mul3A_203 = arith.muli %add3A_183, %mul3A_202 : i32
        %dma_start3A_204 = tpu.memref_slice %arg7[%mul3A_203] : memref<10000xi32, #tpu.memory_space<vmem>> -> memref<40xi32, #tpu.memory_space<vmem>>
        %dma_start3A_205 = arith.constant 0 : i32
        %dma_start3A_206 = arith.constant 0 : i32
        %dma_start3A_207 = tpu.memref_slice %arg2[%dma_start3A_205, %dma_start3A_206] : memref<10000x128xf32, #tpu.memory_space<hbm>> -> memref<10000x128xf32, #tpu.memory_space<hbm>>
        tpu.enqueue_indirect_dma source(%dma_start3A_207 : memref<10000x128xf32, #tpu.memory_space<hbm>>) target(%arg12 : memref<40x128xf32, #tpu.memory_space<vmem>>) offsets(%dma_start3A_204 : memref<40xi32, #tpu.memory_space<vmem>>) semaphore(%arg18 : memref<!tpu.dma_semaphore, #tpu.memory_space<semaphore_mem>>)
      } else {
      }
      %add3A_188 = arith.constant 4 : i32
      %add3A_189 = arith.addi %mul3A_65, %add3A_188 : i32
      %mul3A_190 = arith.constant 40 : i32
      %mul3A_191 = arith.muli %add3A_189, %mul3A_190 : i32
      %dma_wait3A_192 = tpu.memref_slice %arg8[%mul3A_191] : memref<10000xi32, #tpu.memory_space<vmem>> -> memref<40xi32, #tpu.memory_space<vmem>>
      %dma_wait3A_193 = arith.constant 0 : i32
      %dma_wait3A_194 = arith.constant 0 : i32
      %dma_wait3A_195 = tpu.memref_slice %arg14[%dma_wait3A_193, %dma_wait3A_194] : memref<10112x128xf32, #tpu.memory_space<vmem_shared>> -> memref<10112x128xf32, #tpu.memory_space<vmem_shared>>
      tpu.wait_indirect_dma semaphore(%arg24 : memref<!tpu.dma_semaphore, #tpu.memory_space<semaphore_mem>>) src(%arg13 : memref<40x128xf32, #tpu.memory_space<vmem>>) dst(%dma_wait3A_195 : memref<10112x128xf32, #tpu.memory_space<vmem_shared>>)
      %add3A_196 = arith.constant 5 : i32
      %add3A_197 = arith.addi %add3A_189, %add3A_196 : i32
      %lt3A_198 = arith.cmpi slt, %add3A_197, %select_n3A_3 : i32
      %convert_element_type3A_199 = arith.extui %lt3A_198 : i1 to i32
      %cond3A_200 = arith.constant 0 : i32
      %cond3A_201 = arith.cmpi ne, %convert_element_type3A_199, %cond3A_200 : i32
      scf.if %cond3A_201 {
        %mul3A_202 = arith.constant 40 : i32
        %mul3A_203 = arith.muli %add3A_197, %mul3A_202 : i32
        %dma_start3A_204 = tpu.memref_slice %arg7[%mul3A_203] : memref<10000xi32, #tpu.memory_space<vmem>> -> memref<40xi32, #tpu.memory_space<vmem>>
        %dma_start3A_205 = arith.constant 0 : i32
        %dma_start3A_206 = arith.constant 0 : i32
        %dma_start3A_207 = tpu.memref_slice %arg2[%dma_start3A_205, %dma_start3A_206] : memref<10000x128xf32, #tpu.memory_space<hbm>> -> memref<10000x128xf32, #tpu.memory_space<hbm>>
        tpu.enqueue_indirect_dma source(%dma_start3A_207 : memref<10000x128xf32, #tpu.memory_space<hbm>>) target(%arg13 : memref<40x128xf32, #tpu.memory_space<vmem>>) offsets(%dma_start3A_204 : memref<40xi32, #tpu.memory_space<vmem>>) semaphore(%arg19 : memref<!tpu.dma_semaphore, #tpu.memory_space<semaphore_mem>>)
      } else {
      }
    }
    %barrier3A_58 = arith.constant 0 : index
    tpu.barrier barrier_id(%barrier3A_58)
    %mul3A_59 = arith.constant 632 : i32
    %mul3A_60 = arith.muli %arg1, %mul3A_59 : i32
    %mul3A_61 = arith.constant 632 : i32
    %mul3A_62 = arith.muli %arg1, %mul3A_61 : i32
    "tpu.region"() ({
      %run_scoped3A = tpu.sem_alloc : memref<!tpu.dma_semaphore, #tpu.memory_space<semaphore_mem>>
      %dma_start3A_63 = arith.constant 0 : i32
      %dma_start3A_64 = tpu.memref_slice %arg6[%arg0, %mul3A_62, %dma_start3A_63] : memref<2x10112x128xf32, #tpu.memory_space<hbm>> -> memref<1x632x128xf32, #tpu.memory_space<hbm>>
      %dma_start3A_65 = tpu.memref_squeeze %dma_start3A_64 : memref<1x632x128xf32, #tpu.memory_space<hbm>> -> memref<632x128xf32, #tpu.memory_space<hbm>>
      %dma_start3A_66 = arith.constant 0 : i32
      %dma_start3A_67 = tpu.memref_slice %arg14[%mul3A_60, %dma_start3A_66] : memref<10112x128xf32, #tpu.memory_space<vmem_shared>> -> memref<632x128xf32, #tpu.memory_space<vmem_shared>>
      tpu.enqueue_dma source(%dma_start3A_67 : memref<632x128xf32, #tpu.memory_space<vmem_shared>>) target(%dma_start3A_65 : memref<632x128xf32, #tpu.memory_space<hbm>>) target_semaphore(%run_scoped3A : memref<!tpu.dma_semaphore, #tpu.memory_space<semaphore_mem>>)
      %dma_wait3A = arith.constant 0 : i32
      %dma_wait3A_68 = tpu.memref_slice %arg6[%arg0, %mul3A_62, %dma_wait3A] : memref<2x10112x128xf32, #tpu.memory_space<hbm>> -> memref<1x632x128xf32, #tpu.memory_space<hbm>>
      %dma_wait3A_69 = tpu.memref_squeeze %dma_wait3A_68 : memref<1x632x128xf32, #tpu.memory_space<hbm>> -> memref<632x128xf32, #tpu.memory_space<hbm>>
      %dma_wait3A_70 = arith.constant 0 : i32
      %dma_wait3A_71 = tpu.memref_slice %arg14[%mul3A_60, %dma_wait3A_70] : memref<10112x128xf32, #tpu.memory_space<vmem_shared>> -> memref<632x128xf32, #tpu.memory_space<vmem_shared>>
      tpu.wait_dma2 semaphore(%run_scoped3A : memref<!tpu.dma_semaphore, #tpu.memory_space<semaphore_mem>>) src(%dma_wait3A_71 : memref<632x128xf32, #tpu.memory_space<vmem_shared>>) dst(%dma_wait3A_69 : memref<632x128xf32, #tpu.memory_space<hbm>>)
      tpu.yield
    }) : () -> ()
    return
  }
}

#map = affine_map<(d0, d1) -> (0, 0, 0)>
#map1 = affine_map<(d0, d1) -> (0, 0)>
module attributes {stable_mosaic.version = 14 : i64} {
  func.func @run(%arg0: i32, %arg1: i32, %arg2: memref<32x80x128xi32, #tpu.memory_space<hbm>>, %arg3: memref<10112x128xf32, #tpu.memory_space<hbm>>, %arg4: memref<128x128xf32, #tpu.memory_space<hbm>>, %arg5: memref<2x10112x128xf32, #tpu.memory_space<hbm>>, %arg6: memref<80x128xi32, #tpu.memory_space<vmem>>, %arg7: memref<128x128xf32, #tpu.memory_space<vmem>>, %arg8: memref<10112x128xf32, #tpu.memory_space<vmem_shared>>, %arg9: memref<!tpu.dma_semaphore, #tpu.memory_space<semaphore_mem>>, %arg10: memref<!tpu.dma_semaphore, #tpu.memory_space<semaphore_mem>>, %arg11: memref<!tpu.dma_semaphore, #tpu.memory_space<semaphore_mem>>, %arg12: memref<!tpu.dma_semaphore, #tpu.memory_space<semaphore_mem>>) attributes {dimension_semantics = [#tpu.dimension_semantics<core_parallel>, #tpu.dimension_semantics<subcore_parallel>], iteration_bounds = array<i64: 2, 16>, scalar_prefetch = 0 : i64, scratch_operands = 7 : i64, tpu.core_type = #tpu.core_type<sc_vector_subcore>, window_params = [{transform_indices = #map}, {transform_indices = #map1}, {transform_indices = #map1}, {transform_indices = #map}]} {
    %mul3A = arith.constant 2 : i32
    %mul3A_0 = arith.muli %arg1, %mul3A : i32
    %add3A = arith.addi %mul3A_0, %arg0 : i32
    "tpu.region"() ({
      %run_scoped3A = tpu.sem_alloc : memref<!tpu.dma_semaphore, #tpu.memory_space<semaphore_mem>>
      %dma_start3A_42 = arith.constant 0 : i32
      %dma_start3A_43 = arith.constant 0 : i32
      %dma_start3A_44 = tpu.memref_slice %arg2[%add3A, %dma_start3A_42, %dma_start3A_43] : memref<32x80x128xi32, #tpu.memory_space<hbm>> -> memref<1x80x128xi32, #tpu.memory_space<hbm>>
      %dma_start3A_45 = tpu.memref_squeeze %dma_start3A_44 : memref<1x80x128xi32, #tpu.memory_space<hbm>> -> memref<80x128xi32, #tpu.memory_space<hbm>>
      %dma_start3A_46 = arith.constant 0 : i32
      %dma_start3A_47 = arith.constant 0 : i32
      %dma_start3A_48 = tpu.memref_slice %arg2[%add3A, %dma_start3A_46, %dma_start3A_47] : memref<32x80x128xi32, #tpu.memory_space<hbm>> -> memref<1x80x128xi32, #tpu.memory_space<hbm>>
      %dma_start3A_49 = tpu.memref_squeeze %dma_start3A_48 : memref<1x80x128xi32, #tpu.memory_space<hbm>> -> memref<80x128xi32, #tpu.memory_space<hbm>>
      tpu.enqueue_dma source(%dma_start3A_49 : memref<80x128xi32, #tpu.memory_space<hbm>>) target(%arg6 : memref<80x128xi32, #tpu.memory_space<vmem>>) target_semaphore(%run_scoped3A : memref<!tpu.dma_semaphore, #tpu.memory_space<semaphore_mem>>)
      %dma_wait3A = arith.constant 0 : i32
      %dma_wait3A_50 = arith.constant 0 : i32
      %dma_wait3A_51 = tpu.memref_slice %arg2[%add3A, %dma_wait3A, %dma_wait3A_50] : memref<32x80x128xi32, #tpu.memory_space<hbm>> -> memref<1x80x128xi32, #tpu.memory_space<hbm>>
      %dma_wait3A_52 = tpu.memref_squeeze %dma_wait3A_51 : memref<1x80x128xi32, #tpu.memory_space<hbm>> -> memref<80x128xi32, #tpu.memory_space<hbm>>
      %dma_wait3A_53 = arith.constant 0 : i32
      %dma_wait3A_54 = arith.constant 0 : i32
      %dma_wait3A_55 = tpu.memref_slice %arg2[%add3A, %dma_wait3A_53, %dma_wait3A_54] : memref<32x80x128xi32, #tpu.memory_space<hbm>> -> memref<1x80x128xi32, #tpu.memory_space<hbm>>
      %dma_wait3A_56 = tpu.memref_squeeze %dma_wait3A_55 : memref<1x80x128xi32, #tpu.memory_space<hbm>> -> memref<80x128xi32, #tpu.memory_space<hbm>>
      tpu.wait_dma2 semaphore(%run_scoped3A : memref<!tpu.dma_semaphore, #tpu.memory_space<semaphore_mem>>) src(%dma_wait3A_56 : memref<80x128xi32, #tpu.memory_space<hbm>>) dst(%arg6 : memref<80x128xi32, #tpu.memory_space<vmem>>)
      tpu.yield
    }) : () -> ()
    "tpu.region"() ({
      %run_scoped3A = tpu.sem_alloc : memref<!tpu.dma_semaphore, #tpu.memory_space<semaphore_mem>>
      tpu.enqueue_dma source(%arg4 : memref<128x128xf32, #tpu.memory_space<hbm>>) target(%arg7 : memref<128x128xf32, #tpu.memory_space<vmem>>) target_semaphore(%run_scoped3A : memref<!tpu.dma_semaphore, #tpu.memory_space<semaphore_mem>>)
      tpu.wait_dma2 semaphore(%run_scoped3A : memref<!tpu.dma_semaphore, #tpu.memory_space<semaphore_mem>>) src(%arg4 : memref<128x128xf32, #tpu.memory_space<hbm>>) dst(%arg7 : memref<128x128xf32, #tpu.memory_space<vmem>>)
      tpu.yield
    }) : () -> ()
    %mul3A_1 = arith.constant 632 : i32
    %mul3A_2 = arith.muli %arg1, %mul3A_1 : i32
    %mul3A_3 = arith.constant 632 : i32
    %mul3A_4 = arith.muli %arg1, %mul3A_3 : i32
    "tpu.region"() ({
      %run_scoped3A = tpu.sem_alloc : memref<!tpu.dma_semaphore, #tpu.memory_space<semaphore_mem>>
      %dma_start3A_42 = arith.constant 0 : i32
      %dma_start3A_43 = tpu.memref_slice %arg8[%mul3A_4, %dma_start3A_42] : memref<10112x128xf32, #tpu.memory_space<vmem_shared>> -> memref<632x128xf32, #tpu.memory_space<vmem_shared>>
      %dma_start3A_44 = arith.constant 0 : i32
      %dma_start3A_45 = tpu.memref_slice %arg3[%mul3A_2, %dma_start3A_44] : memref<10112x128xf32, #tpu.memory_space<hbm>> -> memref<632x128xf32, #tpu.memory_space<hbm>>
      tpu.enqueue_dma source(%dma_start3A_45 : memref<632x128xf32, #tpu.memory_space<hbm>>) target(%dma_start3A_43 : memref<632x128xf32, #tpu.memory_space<vmem_shared>>) target_semaphore(%run_scoped3A : memref<!tpu.dma_semaphore, #tpu.memory_space<semaphore_mem>>)
      %dma_wait3A = arith.constant 0 : i32
      %dma_wait3A_46 = tpu.memref_slice %arg8[%mul3A_4, %dma_wait3A] : memref<10112x128xf32, #tpu.memory_space<vmem_shared>> -> memref<632x128xf32, #tpu.memory_space<vmem_shared>>
      %dma_wait3A_47 = arith.constant 0 : i32
      %dma_wait3A_48 = tpu.memref_slice %arg3[%mul3A_2, %dma_wait3A_47] : memref<10112x128xf32, #tpu.memory_space<hbm>> -> memref<632x128xf32, #tpu.memory_space<hbm>>
      tpu.wait_dma2 semaphore(%run_scoped3A : memref<!tpu.dma_semaphore, #tpu.memory_space<semaphore_mem>>) src(%dma_wait3A_48 : memref<632x128xf32, #tpu.memory_space<hbm>>) dst(%dma_wait3A_46 : memref<632x128xf32, #tpu.memory_space<vmem_shared>>)
      tpu.yield
    }) : () -> ()
    %barrier3A = arith.constant 0 : index
    tpu.barrier barrier_id(%barrier3A)
    %dma_start3A = arith.constant 0 : i32
    %dma_start3A_5 = arith.constant 0 : i32
    %dma_start3A_6 = tpu.memref_slice %arg6[%dma_start3A, %dma_start3A_5] : memref<80x128xi32, #tpu.memory_space<vmem>> -> memref<1x128xi32, #tpu.memory_space<vmem>>
    %dma_start3A_7 = tpu.memref_squeeze %dma_start3A_6 : memref<1x128xi32, #tpu.memory_space<vmem>> -> memref<128xi32, #tpu.memory_space<vmem>>
    %dma_start3A_8 = arith.constant 0 : i32
    %dma_start3A_9 = arith.constant 0 : i32
    %dma_start3A_10 = tpu.memref_slice %arg8[%dma_start3A_8, %dma_start3A_9] : memref<10112x128xf32, #tpu.memory_space<vmem_shared>> -> memref<10112x128xf32, #tpu.memory_space<vmem_shared>>
    tpu.enqueue_indirect_dma source(%arg7 : memref<128x128xf32, #tpu.memory_space<vmem>>) target(%dma_start3A_10 : memref<10112x128xf32, #tpu.memory_space<vmem_shared>>) offsets(%dma_start3A_7 : memref<128xi32, #tpu.memory_space<vmem>>) semaphore(%arg9 : memref<!tpu.dma_semaphore, #tpu.memory_space<semaphore_mem>>) {add = true}
    %dma_start3A_11 = arith.constant 1 : i32
    %dma_start3A_12 = arith.constant 0 : i32
    %dma_start3A_13 = tpu.memref_slice %arg6[%dma_start3A_11, %dma_start3A_12] : memref<80x128xi32, #tpu.memory_space<vmem>> -> memref<1x128xi32, #tpu.memory_space<vmem>>
    %dma_start3A_14 = tpu.memref_squeeze %dma_start3A_13 : memref<1x128xi32, #tpu.memory_space<vmem>> -> memref<128xi32, #tpu.memory_space<vmem>>
    %dma_start3A_15 = arith.constant 0 : i32
    %dma_start3A_16 = arith.constant 0 : i32
    %dma_start3A_17 = tpu.memref_slice %arg8[%dma_start3A_15, %dma_start3A_16] : memref<10112x128xf32, #tpu.memory_space<vmem_shared>> -> memref<10112x128xf32, #tpu.memory_space<vmem_shared>>
    tpu.enqueue_indirect_dma source(%arg7 : memref<128x128xf32, #tpu.memory_space<vmem>>) target(%dma_start3A_17 : memref<10112x128xf32, #tpu.memory_space<vmem_shared>>) offsets(%dma_start3A_14 : memref<128xi32, #tpu.memory_space<vmem>>) semaphore(%arg10 : memref<!tpu.dma_semaphore, #tpu.memory_space<semaphore_mem>>) {add = true}
    %dma_start3A_18 = arith.constant 2 : i32
    %dma_start3A_19 = arith.constant 0 : i32
    %dma_start3A_20 = tpu.memref_slice %arg6[%dma_start3A_18, %dma_start3A_19] : memref<80x128xi32, #tpu.memory_space<vmem>> -> memref<1x128xi32, #tpu.memory_space<vmem>>
    %dma_start3A_21 = tpu.memref_squeeze %dma_start3A_20 : memref<1x128xi32, #tpu.memory_space<vmem>> -> memref<128xi32, #tpu.memory_space<vmem>>
    %dma_start3A_22 = arith.constant 0 : i32
    %dma_start3A_23 = arith.constant 0 : i32
    %dma_start3A_24 = tpu.memref_slice %arg8[%dma_start3A_22, %dma_start3A_23] : memref<10112x128xf32, #tpu.memory_space<vmem_shared>> -> memref<10112x128xf32, #tpu.memory_space<vmem_shared>>
    tpu.enqueue_indirect_dma source(%arg7 : memref<128x128xf32, #tpu.memory_space<vmem>>) target(%dma_start3A_24 : memref<10112x128xf32, #tpu.memory_space<vmem_shared>>) offsets(%dma_start3A_21 : memref<128xi32, #tpu.memory_space<vmem>>) semaphore(%arg11 : memref<!tpu.dma_semaphore, #tpu.memory_space<semaphore_mem>>) {add = true}
    %dma_start3A_25 = arith.constant 3 : i32
    %dma_start3A_26 = arith.constant 0 : i32
    %dma_start3A_27 = tpu.memref_slice %arg6[%dma_start3A_25, %dma_start3A_26] : memref<80x128xi32, #tpu.memory_space<vmem>> -> memref<1x128xi32, #tpu.memory_space<vmem>>
    %dma_start3A_28 = tpu.memref_squeeze %dma_start3A_27 : memref<1x128xi32, #tpu.memory_space<vmem>> -> memref<128xi32, #tpu.memory_space<vmem>>
    %dma_start3A_29 = arith.constant 0 : i32
    %dma_start3A_30 = arith.constant 0 : i32
    %dma_start3A_31 = tpu.memref_slice %arg8[%dma_start3A_29, %dma_start3A_30] : memref<10112x128xf32, #tpu.memory_space<vmem_shared>> -> memref<10112x128xf32, #tpu.memory_space<vmem_shared>>
    tpu.enqueue_indirect_dma source(%arg7 : memref<128x128xf32, #tpu.memory_space<vmem>>) target(%dma_start3A_31 : memref<10112x128xf32, #tpu.memory_space<vmem_shared>>) offsets(%dma_start3A_28 : memref<128xi32, #tpu.memory_space<vmem>>) semaphore(%arg12 : memref<!tpu.dma_semaphore, #tpu.memory_space<semaphore_mem>>) {add = true}
    %scan3A = arith.constant 0 : i32
    %scan3A_32 = arith.constant 0 : i32
    %scan3A_33 = arith.constant 20 : i32
    %scan3A_34 = arith.addi %scan3A_32, %scan3A_33 : i32
    %scan3A_35 = arith.constant 1 : i32
    scf.for %scan3A_42 = %scan3A_32 to %scan3A_34 step %scan3A_35  : i32 {
      %mul3A_43 = arith.constant 4 : i32
      %mul3A_44 = arith.muli %scan3A_42, %mul3A_43 : i32
      %add3A_45 = arith.constant 0 : i32
      %add3A_46 = arith.addi %mul3A_44, %add3A_45 : i32
      %dma_wait3A = arith.constant 0 : i32
      %dma_wait3A_47 = tpu.memref_slice %arg6[%add3A_46, %dma_wait3A] : memref<80x128xi32, #tpu.memory_space<vmem>> -> memref<1x128xi32, #tpu.memory_space<vmem>>
      %dma_wait3A_48 = tpu.memref_squeeze %dma_wait3A_47 : memref<1x128xi32, #tpu.memory_space<vmem>> -> memref<128xi32, #tpu.memory_space<vmem>>
      %dma_wait3A_49 = arith.constant 0 : i32
      %dma_wait3A_50 = arith.constant 0 : i32
      %dma_wait3A_51 = tpu.memref_slice %arg8[%dma_wait3A_49, %dma_wait3A_50] : memref<10112x128xf32, #tpu.memory_space<vmem_shared>> -> memref<10112x128xf32, #tpu.memory_space<vmem_shared>>
      tpu.wait_indirect_dma semaphore(%arg9 : memref<!tpu.dma_semaphore, #tpu.memory_space<semaphore_mem>>) src(%arg7 : memref<128x128xf32, #tpu.memory_space<vmem>>) dst(%dma_wait3A_51 : memref<10112x128xf32, #tpu.memory_space<vmem_shared>>)
      %add3A_52 = arith.constant 4 : i32
      %add3A_53 = arith.addi %add3A_46, %add3A_52 : i32
      %lt3A = arith.constant 80 : i32
      %lt3A_54 = arith.cmpi slt, %add3A_53, %lt3A : i32
      %convert_element_type3A = arith.extui %lt3A_54 : i1 to i32
      %cond3A = arith.constant 0 : i32
      %cond3A_55 = arith.cmpi ne, %convert_element_type3A, %cond3A : i32
      scf.if %cond3A_55 {
        %dma_start3A_101 = arith.constant 0 : i32
        %dma_start3A_102 = tpu.memref_slice %arg6[%add3A_53, %dma_start3A_101] : memref<80x128xi32, #tpu.memory_space<vmem>> -> memref<1x128xi32, #tpu.memory_space<vmem>>
        %dma_start3A_103 = tpu.memref_squeeze %dma_start3A_102 : memref<1x128xi32, #tpu.memory_space<vmem>> -> memref<128xi32, #tpu.memory_space<vmem>>
        %dma_start3A_104 = arith.constant 0 : i32
        %dma_start3A_105 = arith.constant 0 : i32
        %dma_start3A_106 = tpu.memref_slice %arg8[%dma_start3A_104, %dma_start3A_105] : memref<10112x128xf32, #tpu.memory_space<vmem_shared>> -> memref<10112x128xf32, #tpu.memory_space<vmem_shared>>
        tpu.enqueue_indirect_dma source(%arg7 : memref<128x128xf32, #tpu.memory_space<vmem>>) target(%dma_start3A_106 : memref<10112x128xf32, #tpu.memory_space<vmem_shared>>) offsets(%dma_start3A_103 : memref<128xi32, #tpu.memory_space<vmem>>) semaphore(%arg9 : memref<!tpu.dma_semaphore, #tpu.memory_space<semaphore_mem>>) {add = true}
      } else {
      }
      %add3A_56 = arith.constant 1 : i32
      %add3A_57 = arith.addi %mul3A_44, %add3A_56 : i32
      %dma_wait3A_58 = arith.constant 0 : i32
      %dma_wait3A_59 = tpu.memref_slice %arg6[%add3A_57, %dma_wait3A_58] : memref<80x128xi32, #tpu.memory_space<vmem>> -> memref<1x128xi32, #tpu.memory_space<vmem>>
      %dma_wait3A_60 = tpu.memref_squeeze %dma_wait3A_59 : memref<1x128xi32, #tpu.memory_space<vmem>> -> memref<128xi32, #tpu.memory_space<vmem>>
      %dma_wait3A_61 = arith.constant 0 : i32
      %dma_wait3A_62 = arith.constant 0 : i32
      %dma_wait3A_63 = tpu.memref_slice %arg8[%dma_wait3A_61, %dma_wait3A_62] : memref<10112x128xf32, #tpu.memory_space<vmem_shared>> -> memref<10112x128xf32, #tpu.memory_space<vmem_shared>>
      tpu.wait_indirect_dma semaphore(%arg10 : memref<!tpu.dma_semaphore, #tpu.memory_space<semaphore_mem>>) src(%arg7 : memref<128x128xf32, #tpu.memory_space<vmem>>) dst(%dma_wait3A_63 : memref<10112x128xf32, #tpu.memory_space<vmem_shared>>)
      %add3A_64 = arith.constant 4 : i32
      %add3A_65 = arith.addi %add3A_57, %add3A_64 : i32
      %lt3A_66 = arith.constant 80 : i32
      %lt3A_67 = arith.cmpi slt, %add3A_65, %lt3A_66 : i32
      %convert_element_type3A_68 = arith.extui %lt3A_67 : i1 to i32
      %cond3A_69 = arith.constant 0 : i32
      %cond3A_70 = arith.cmpi ne, %convert_element_type3A_68, %cond3A_69 : i32
      scf.if %cond3A_70 {
        %dma_start3A_101 = arith.constant 0 : i32
        %dma_start3A_102 = tpu.memref_slice %arg6[%add3A_65, %dma_start3A_101] : memref<80x128xi32, #tpu.memory_space<vmem>> -> memref<1x128xi32, #tpu.memory_space<vmem>>
        %dma_start3A_103 = tpu.memref_squeeze %dma_start3A_102 : memref<1x128xi32, #tpu.memory_space<vmem>> -> memref<128xi32, #tpu.memory_space<vmem>>
        %dma_start3A_104 = arith.constant 0 : i32
        %dma_start3A_105 = arith.constant 0 : i32
        %dma_start3A_106 = tpu.memref_slice %arg8[%dma_start3A_104, %dma_start3A_105] : memref<10112x128xf32, #tpu.memory_space<vmem_shared>> -> memref<10112x128xf32, #tpu.memory_space<vmem_shared>>
        tpu.enqueue_indirect_dma source(%arg7 : memref<128x128xf32, #tpu.memory_space<vmem>>) target(%dma_start3A_106 : memref<10112x128xf32, #tpu.memory_space<vmem_shared>>) offsets(%dma_start3A_103 : memref<128xi32, #tpu.memory_space<vmem>>) semaphore(%arg10 : memref<!tpu.dma_semaphore, #tpu.memory_space<semaphore_mem>>) {add = true}
      } else {
      }
      %add3A_71 = arith.constant 2 : i32
      %add3A_72 = arith.addi %mul3A_44, %add3A_71 : i32
      %dma_wait3A_73 = arith.constant 0 : i32
      %dma_wait3A_74 = tpu.memref_slice %arg6[%add3A_72, %dma_wait3A_73] : memref<80x128xi32, #tpu.memory_space<vmem>> -> memref<1x128xi32, #tpu.memory_space<vmem>>
      %dma_wait3A_75 = tpu.memref_squeeze %dma_wait3A_74 : memref<1x128xi32, #tpu.memory_space<vmem>> -> memref<128xi32, #tpu.memory_space<vmem>>
      %dma_wait3A_76 = arith.constant 0 : i32
      %dma_wait3A_77 = arith.constant 0 : i32
      %dma_wait3A_78 = tpu.memref_slice %arg8[%dma_wait3A_76, %dma_wait3A_77] : memref<10112x128xf32, #tpu.memory_space<vmem_shared>> -> memref<10112x128xf32, #tpu.memory_space<vmem_shared>>
      tpu.wait_indirect_dma semaphore(%arg11 : memref<!tpu.dma_semaphore, #tpu.memory_space<semaphore_mem>>) src(%arg7 : memref<128x128xf32, #tpu.memory_space<vmem>>) dst(%dma_wait3A_78 : memref<10112x128xf32, #tpu.memory_space<vmem_shared>>)
      %add3A_79 = arith.constant 4 : i32
      %add3A_80 = arith.addi %add3A_72, %add3A_79 : i32
      %lt3A_81 = arith.constant 80 : i32
      %lt3A_82 = arith.cmpi slt, %add3A_80, %lt3A_81 : i32
      %convert_element_type3A_83 = arith.extui %lt3A_82 : i1 to i32
      %cond3A_84 = arith.constant 0 : i32
      %cond3A_85 = arith.cmpi ne, %convert_element_type3A_83, %cond3A_84 : i32
      scf.if %cond3A_85 {
        %dma_start3A_101 = arith.constant 0 : i32
        %dma_start3A_102 = tpu.memref_slice %arg6[%add3A_80, %dma_start3A_101] : memref<80x128xi32, #tpu.memory_space<vmem>> -> memref<1x128xi32, #tpu.memory_space<vmem>>
        %dma_start3A_103 = tpu.memref_squeeze %dma_start3A_102 : memref<1x128xi32, #tpu.memory_space<vmem>> -> memref<128xi32, #tpu.memory_space<vmem>>
        %dma_start3A_104 = arith.constant 0 : i32
        %dma_start3A_105 = arith.constant 0 : i32
        %dma_start3A_106 = tpu.memref_slice %arg8[%dma_start3A_104, %dma_start3A_105] : memref<10112x128xf32, #tpu.memory_space<vmem_shared>> -> memref<10112x128xf32, #tpu.memory_space<vmem_shared>>
        tpu.enqueue_indirect_dma source(%arg7 : memref<128x128xf32, #tpu.memory_space<vmem>>) target(%dma_start3A_106 : memref<10112x128xf32, #tpu.memory_space<vmem_shared>>) offsets(%dma_start3A_103 : memref<128xi32, #tpu.memory_space<vmem>>) semaphore(%arg11 : memref<!tpu.dma_semaphore, #tpu.memory_space<semaphore_mem>>) {add = true}
      } else {
      }
      %add3A_86 = arith.constant 3 : i32
      %add3A_87 = arith.addi %mul3A_44, %add3A_86 : i32
      %dma_wait3A_88 = arith.constant 0 : i32
      %dma_wait3A_89 = tpu.memref_slice %arg6[%add3A_87, %dma_wait3A_88] : memref<80x128xi32, #tpu.memory_space<vmem>> -> memref<1x128xi32, #tpu.memory_space<vmem>>
      %dma_wait3A_90 = tpu.memref_squeeze %dma_wait3A_89 : memref<1x128xi32, #tpu.memory_space<vmem>> -> memref<128xi32, #tpu.memory_space<vmem>>
      %dma_wait3A_91 = arith.constant 0 : i32
      %dma_wait3A_92 = arith.constant 0 : i32
      %dma_wait3A_93 = tpu.memref_slice %arg8[%dma_wait3A_91, %dma_wait3A_92] : memref<10112x128xf32, #tpu.memory_space<vmem_shared>> -> memref<10112x128xf32, #tpu.memory_space<vmem_shared>>
      tpu.wait_indirect_dma semaphore(%arg12 : memref<!tpu.dma_semaphore, #tpu.memory_space<semaphore_mem>>) src(%arg7 : memref<128x128xf32, #tpu.memory_space<vmem>>) dst(%dma_wait3A_93 : memref<10112x128xf32, #tpu.memory_space<vmem_shared>>)
      %add3A_94 = arith.constant 4 : i32
      %add3A_95 = arith.addi %add3A_87, %add3A_94 : i32
      %lt3A_96 = arith.constant 80 : i32
      %lt3A_97 = arith.cmpi slt, %add3A_95, %lt3A_96 : i32
      %convert_element_type3A_98 = arith.extui %lt3A_97 : i1 to i32
      %cond3A_99 = arith.constant 0 : i32
      %cond3A_100 = arith.cmpi ne, %convert_element_type3A_98, %cond3A_99 : i32
      scf.if %cond3A_100 {
        %dma_start3A_101 = arith.constant 0 : i32
        %dma_start3A_102 = tpu.memref_slice %arg6[%add3A_95, %dma_start3A_101] : memref<80x128xi32, #tpu.memory_space<vmem>> -> memref<1x128xi32, #tpu.memory_space<vmem>>
        %dma_start3A_103 = tpu.memref_squeeze %dma_start3A_102 : memref<1x128xi32, #tpu.memory_space<vmem>> -> memref<128xi32, #tpu.memory_space<vmem>>
        %dma_start3A_104 = arith.constant 0 : i32
        %dma_start3A_105 = arith.constant 0 : i32
        %dma_start3A_106 = tpu.memref_slice %arg8[%dma_start3A_104, %dma_start3A_105] : memref<10112x128xf32, #tpu.memory_space<vmem_shared>> -> memref<10112x128xf32, #tpu.memory_space<vmem_shared>>
        tpu.enqueue_indirect_dma source(%arg7 : memref<128x128xf32, #tpu.memory_space<vmem>>) target(%dma_start3A_106 : memref<10112x128xf32, #tpu.memory_space<vmem_shared>>) offsets(%dma_start3A_103 : memref<128xi32, #tpu.memory_space<vmem>>) semaphore(%arg12 : memref<!tpu.dma_semaphore, #tpu.memory_space<semaphore_mem>>) {add = true}
      } else {
      }
    }
    %scan3A_36 = arith.constant 20 : i32
    %barrier3A_37 = arith.constant 0 : index
    tpu.barrier barrier_id(%barrier3A_37)
    %mul3A_38 = arith.constant 632 : i32
    %mul3A_39 = arith.muli %arg1, %mul3A_38 : i32
    %mul3A_40 = arith.constant 632 : i32
    %mul3A_41 = arith.muli %arg1, %mul3A_40 : i32
    "tpu.region"() ({
      %run_scoped3A = tpu.sem_alloc : memref<!tpu.dma_semaphore, #tpu.memory_space<semaphore_mem>>
      %dma_start3A_42 = arith.constant 0 : i32
      %dma_start3A_43 = tpu.memref_slice %arg5[%arg0, %mul3A_41, %dma_start3A_42] : memref<2x10112x128xf32, #tpu.memory_space<hbm>> -> memref<1x632x128xf32, #tpu.memory_space<hbm>>
      %dma_start3A_44 = tpu.memref_squeeze %dma_start3A_43 : memref<1x632x128xf32, #tpu.memory_space<hbm>> -> memref<632x128xf32, #tpu.memory_space<hbm>>
      %dma_start3A_45 = arith.constant 0 : i32
      %dma_start3A_46 = tpu.memref_slice %arg8[%mul3A_39, %dma_start3A_45] : memref<10112x128xf32, #tpu.memory_space<vmem_shared>> -> memref<632x128xf32, #tpu.memory_space<vmem_shared>>
      tpu.enqueue_dma source(%dma_start3A_46 : memref<632x128xf32, #tpu.memory_space<vmem_shared>>) target(%dma_start3A_44 : memref<632x128xf32, #tpu.memory_space<hbm>>) target_semaphore(%run_scoped3A : memref<!tpu.dma_semaphore, #tpu.memory_space<semaphore_mem>>)
      %dma_wait3A = arith.constant 0 : i32
      %dma_wait3A_47 = tpu.memref_slice %arg5[%arg0, %mul3A_41, %dma_wait3A] : memref<2x10112x128xf32, #tpu.memory_space<hbm>> -> memref<1x632x128xf32, #tpu.memory_space<hbm>>
      %dma_wait3A_48 = tpu.memref_squeeze %dma_wait3A_47 : memref<1x632x128xf32, #tpu.memory_space<hbm>> -> memref<632x128xf32, #tpu.memory_space<hbm>>
      %dma_wait3A_49 = arith.constant 0 : i32
      %dma_wait3A_50 = tpu.memref_slice %arg8[%mul3A_39, %dma_wait3A_49] : memref<10112x128xf32, #tpu.memory_space<vmem_shared>> -> memref<632x128xf32, #tpu.memory_space<vmem_shared>>
      tpu.wait_dma2 semaphore(%run_scoped3A : memref<!tpu.dma_semaphore, #tpu.memory_space<semaphore_mem>>) src(%dma_wait3A_50 : memref<632x128xf32, #tpu.memory_space<vmem_shared>>) dst(%dma_wait3A_48 : memref<632x128xf32, #tpu.memory_space<hbm>>)
      tpu.yield
    }) : () -> ()
    return
  }
}

#map = affine_map<(d0, d1) -> (0, 0)>
#map1 = affine_map<(d0, d1) -> (0, 0, 0)>
module attributes {stable_mosaic.version = 14 : i64} {
  func.func @run(%arg0: i32, %arg1: i32, %arg2: memref<10000x128xf32, #tpu.memory_space<hbm>>, %arg3: memref<32x10000xi32, #tpu.memory_space<hbm>>, %arg4: memref<32x10000xi32, #tpu.memory_space<hbm>>, %arg5: memref<10112x128xf32, #tpu.memory_space<hbm>>, %arg6: memref<2x10112x128xf32, #tpu.memory_space<hbm>>, %arg7: memref<10000xi32, #tpu.memory_space<vmem>>, %arg8: memref<10000xi32, #tpu.memory_space<vmem>>, %arg9: memref<40x128xf32, #tpu.memory_space<vmem>>, %arg10: memref<40x128xf32, #tpu.memory_space<vmem>>, %arg11: memref<40x128xf32, #tpu.memory_space<vmem>>, %arg12: memref<40x128xf32, #tpu.memory_space<vmem>>, %arg13: memref<40x128xf32, #tpu.memory_space<vmem>>, %arg14: memref<10112x128xf32, #tpu.memory_space<vmem_shared>>, %arg15: memref<!tpu.dma_semaphore, #tpu.memory_space<semaphore_mem>>, %arg16: memref<!tpu.dma_semaphore, #tpu.memory_space<semaphore_mem>>, %arg17: memref<!tpu.dma_semaphore, #tpu.memory_space<semaphore_mem>>, %arg18: memref<!tpu.dma_semaphore, #tpu.memory_space<semaphore_mem>>, %arg19: memref<!tpu.dma_semaphore, #tpu.memory_space<semaphore_mem>>, %arg20: memref<!tpu.dma_semaphore, #tpu.memory_space<semaphore_mem>>, %arg21: memref<!tpu.dma_semaphore, #tpu.memory_space<semaphore_mem>>, %arg22: memref<!tpu.dma_semaphore, #tpu.memory_space<semaphore_mem>>, %arg23: memref<!tpu.dma_semaphore, #tpu.memory_space<semaphore_mem>>, %arg24: memref<!tpu.dma_semaphore, #tpu.memory_space<semaphore_mem>>) attributes {dimension_semantics = [#tpu.dimension_semantics<core_parallel>, #tpu.dimension_semantics<subcore_parallel>], iteration_bounds = array<i64: 2, 16>, scalar_prefetch = 0 : i64, scratch_operands = 18 : i64, tpu.core_type = #tpu.core_type<sc_vector_subcore>, window_params = [{transform_indices = #map}, {transform_indices = #map}, {transform_indices = #map}, {transform_indices = #map}, {transform_indices = #map1}]} {
    %mul3A = arith.constant 2 : i32
    %mul3A_0 = arith.muli %arg1, %mul3A : i32
    %add3A = arith.addi %mul3A_0, %arg0 : i32
    %eq3A = arith.constant 0 : i32
    %eq3A_1 = arith.cmpi eq, %arg0, %eq3A : i32
    %select_n3A = arith.constant 250 : i32
    %select_n3A_2 = arith.constant 250 : i32
    %select_n3A_3 = arith.select %eq3A_1, %select_n3A_2, %select_n3A : i32
    "tpu.region"() ({
      %run_scoped3A = tpu.sem_alloc : memref<!tpu.dma_semaphore, #tpu.memory_space<semaphore_mem>>
      %dma_start3A_63 = arith.constant 0 : i32
      %dma_start3A_64 = tpu.memref_slice %arg3[%add3A, %dma_start3A_63] : memref<32x10000xi32, #tpu.memory_space<hbm>> -> memref<1x10000xi32, #tpu.memory_space<hbm>>
      %dma_start3A_65 = tpu.memref_squeeze %dma_start3A_64 : memref<1x10000xi32, #tpu.memory_space<hbm>> -> memref<10000xi32, #tpu.memory_space<hbm>>
      %dma_start3A_66 = arith.constant 0 : i32
      %dma_start3A_67 = tpu.memref_slice %arg3[%add3A, %dma_start3A_66] : memref<32x10000xi32, #tpu.memory_space<hbm>> -> memref<1x10000xi32, #tpu.memory_space<hbm>>
      %dma_start3A_68 = tpu.memref_squeeze %dma_start3A_67 : memref<1x10000xi32, #tpu.memory_space<hbm>> -> memref<10000xi32, #tpu.memory_space<hbm>>
      tpu.enqueue_dma source(%dma_start3A_68 : memref<10000xi32, #tpu.memory_space<hbm>>) target(%arg7 : memref<10000xi32, #tpu.memory_space<vmem>>) target_semaphore(%run_scoped3A : memref<!tpu.dma_semaphore, #tpu.memory_space<semaphore_mem>>)
      %dma_wait3A = arith.constant 0 : i32
      %dma_wait3A_69 = tpu.memref_slice %arg3[%add3A, %dma_wait3A] : memref<32x10000xi32, #tpu.memory_space<hbm>> -> memref<1x10000xi32, #tpu.memory_space<hbm>>
      %dma_wait3A_70 = tpu.memref_squeeze %dma_wait3A_69 : memref<1x10000xi32, #tpu.memory_space<hbm>> -> memref<10000xi32, #tpu.memory_space<hbm>>
      %dma_wait3A_71 = arith.constant 0 : i32
      %dma_wait3A_72 = tpu.memref_slice %arg3[%add3A, %dma_wait3A_71] : memref<32x10000xi32, #tpu.memory_space<hbm>> -> memref<1x10000xi32, #tpu.memory_space<hbm>>
      %dma_wait3A_73 = tpu.memref_squeeze %dma_wait3A_72 : memref<1x10000xi32, #tpu.memory_space<hbm>> -> memref<10000xi32, #tpu.memory_space<hbm>>
      tpu.wait_dma2 semaphore(%run_scoped3A : memref<!tpu.dma_semaphore, #tpu.memory_space<semaphore_mem>>) src(%dma_wait3A_73 : memref<10000xi32, #tpu.memory_space<hbm>>) dst(%arg7 : memref<10000xi32, #tpu.memory_space<vmem>>)
      tpu.yield
    }) : () -> ()
    "tpu.region"() ({
      %run_scoped3A = tpu.sem_alloc : memref<!tpu.dma_semaphore, #tpu.memory_space<semaphore_mem>>
      %dma_start3A_63 = arith.constant 0 : i32
      %dma_start3A_64 = tpu.memref_slice %arg4[%add3A, %dma_start3A_63] : memref<32x10000xi32, #tpu.memory_space<hbm>> -> memref<1x10000xi32, #tpu.memory_space<hbm>>
      %dma_start3A_65 = tpu.memref_squeeze %dma_start3A_64 : memref<1x10000xi32, #tpu.memory_space<hbm>> -> memref<10000xi32, #tpu.memory_space<hbm>>
      %dma_start3A_66 = arith.constant 0 : i32
      %dma_start3A_67 = tpu.memref_slice %arg4[%add3A, %dma_start3A_66] : memref<32x10000xi32, #tpu.memory_space<hbm>> -> memref<1x10000xi32, #tpu.memory_space<hbm>>
      %dma_start3A_68 = tpu.memref_squeeze %dma_start3A_67 : memref<1x10000xi32, #tpu.memory_space<hbm>> -> memref<10000xi32, #tpu.memory_space<hbm>>
      tpu.enqueue_dma source(%dma_start3A_68 : memref<10000xi32, #tpu.memory_space<hbm>>) target(%arg8 : memref<10000xi32, #tpu.memory_space<vmem>>) target_semaphore(%run_scoped3A : memref<!tpu.dma_semaphore, #tpu.memory_space<semaphore_mem>>)
      %dma_wait3A = arith.constant 0 : i32
      %dma_wait3A_69 = tpu.memref_slice %arg4[%add3A, %dma_wait3A] : memref<32x10000xi32, #tpu.memory_space<hbm>> -> memref<1x10000xi32, #tpu.memory_space<hbm>>
      %dma_wait3A_70 = tpu.memref_squeeze %dma_wait3A_69 : memref<1x10000xi32, #tpu.memory_space<hbm>> -> memref<10000xi32, #tpu.memory_space<hbm>>
      %dma_wait3A_71 = arith.constant 0 : i32
      %dma_wait3A_72 = tpu.memref_slice %arg4[%add3A, %dma_wait3A_71] : memref<32x10000xi32, #tpu.memory_space<hbm>> -> memref<1x10000xi32, #tpu.memory_space<hbm>>
      %dma_wait3A_73 = tpu.memref_squeeze %dma_wait3A_72 : memref<1x10000xi32, #tpu.memory_space<hbm>> -> memref<10000xi32, #tpu.memory_space<hbm>>
      tpu.wait_dma2 semaphore(%run_scoped3A : memref<!tpu.dma_semaphore, #tpu.memory_space<semaphore_mem>>) src(%dma_wait3A_73 : memref<10000xi32, #tpu.memory_space<hbm>>) dst(%arg8 : memref<10000xi32, #tpu.memory_space<vmem>>)
      tpu.yield
    }) : () -> ()
    %mul3A_4 = arith.constant 632 : i32
    %mul3A_5 = arith.muli %arg1, %mul3A_4 : i32
    %mul3A_6 = arith.constant 632 : i32
    %mul3A_7 = arith.muli %arg1, %mul3A_6 : i32
    "tpu.region"() ({
      %run_scoped3A = tpu.sem_alloc : memref<!tpu.dma_semaphore, #tpu.memory_space<semaphore_mem>>
      %dma_start3A_63 = arith.constant 0 : i32
      %dma_start3A_64 = tpu.memref_slice %arg14[%mul3A_7, %dma_start3A_63] : memref<10112x128xf32, #tpu.memory_space<vmem_shared>> -> memref<632x128xf32, #tpu.memory_space<vmem_shared>>
      %dma_start3A_65 = arith.constant 0 : i32
      %dma_start3A_66 = tpu.memref_slice %arg5[%mul3A_5, %dma_start3A_65] : memref<10112x128xf32, #tpu.memory_space<hbm>> -> memref<632x128xf32, #tpu.memory_space<hbm>>
      tpu.enqueue_dma source(%dma_start3A_66 : memref<632x128xf32, #tpu.memory_space<hbm>>) target(%dma_start3A_64 : memref<632x128xf32, #tpu.memory_space<vmem_shared>>) target_semaphore(%run_scoped3A : memref<!tpu.dma_semaphore, #tpu.memory_space<semaphore_mem>>)
      %dma_wait3A = arith.constant 0 : i32
      %dma_wait3A_67 = tpu.memref_slice %arg14[%mul3A_7, %dma_wait3A] : memref<10112x128xf32, #tpu.memory_space<vmem_shared>> -> memref<632x128xf32, #tpu.memory_space<vmem_shared>>
      %dma_wait3A_68 = arith.constant 0 : i32
      %dma_wait3A_69 = tpu.memref_slice %arg5[%mul3A_5, %dma_wait3A_68] : memref<10112x128xf32, #tpu.memory_space<hbm>> -> memref<632x128xf32, #tpu.memory_space<hbm>>
      tpu.wait_dma2 semaphore(%run_scoped3A : memref<!tpu.dma_semaphore, #tpu.memory_space<semaphore_mem>>) src(%dma_wait3A_69 : memref<632x128xf32, #tpu.memory_space<hbm>>) dst(%dma_wait3A_67 : memref<632x128xf32, #tpu.memory_space<vmem_shared>>)
      tpu.yield
    }) : () -> ()
    %dma_start3A = arith.constant 0 : i32
    %dma_start3A_8 = tpu.memref_slice %arg7[%dma_start3A] : memref<10000xi32, #tpu.memory_space<vmem>> -> memref<40xi32, #tpu.memory_space<vmem>>
    %dma_start3A_9 = arith.constant 0 : i32
    %dma_start3A_10 = arith.constant 0 : i32
    %dma_start3A_11 = tpu.memref_slice %arg2[%dma_start3A_9, %dma_start3A_10] : memref<10000x128xf32, #tpu.memory_space<hbm>> -> memref<10000x128xf32, #tpu.memory_space<hbm>>
    tpu.enqueue_indirect_dma source(%dma_start3A_11 : memref<10000x128xf32, #tpu.memory_space<hbm>>) target(%arg9 : memref<40x128xf32, #tpu.memory_space<vmem>>) offsets(%dma_start3A_8 : memref<40xi32, #tpu.memory_space<vmem>>) semaphore(%arg15 : memref<!tpu.dma_semaphore, #tpu.memory_space<semaphore_mem>>)
    %dma_start3A_12 = arith.constant 40 : i32
    %dma_start3A_13 = tpu.memref_slice %arg7[%dma_start3A_12] : memref<10000xi32, #tpu.memory_space<vmem>> -> memref<40xi32, #tpu.memory_space<vmem>>
    %dma_start3A_14 = arith.constant 0 : i32
    %dma_start3A_15 = arith.constant 0 : i32
    %dma_start3A_16 = tpu.memref_slice %arg2[%dma_start3A_14, %dma_start3A_15] : memref<10000x128xf32, #tpu.memory_space<hbm>> -> memref<10000x128xf32, #tpu.memory_space<hbm>>
    tpu.enqueue_indirect_dma source(%dma_start3A_16 : memref<10000x128xf32, #tpu.memory_space<hbm>>) target(%arg10 : memref<40x128xf32, #tpu.memory_space<vmem>>) offsets(%dma_start3A_13 : memref<40xi32, #tpu.memory_space<vmem>>) semaphore(%arg16 : memref<!tpu.dma_semaphore, #tpu.memory_space<semaphore_mem>>)
    %dma_start3A_17 = arith.constant 80 : i32
    %dma_start3A_18 = tpu.memref_slice %arg7[%dma_start3A_17] : memref<10000xi32, #tpu.memory_space<vmem>> -> memref<40xi32, #tpu.memory_space<vmem>>
    %dma_start3A_19 = arith.constant 0 : i32
    %dma_start3A_20 = arith.constant 0 : i32
    %dma_start3A_21 = tpu.memref_slice %arg2[%dma_start3A_19, %dma_start3A_20] : memref<10000x128xf32, #tpu.memory_space<hbm>> -> memref<10000x128xf32, #tpu.memory_space<hbm>>
    tpu.enqueue_indirect_dma source(%dma_start3A_21 : memref<10000x128xf32, #tpu.memory_space<hbm>>) target(%arg11 : memref<40x128xf32, #tpu.memory_space<vmem>>) offsets(%dma_start3A_18 : memref<40xi32, #tpu.memory_space<vmem>>) semaphore(%arg17 : memref<!tpu.dma_semaphore, #tpu.memory_space<semaphore_mem>>)
    %dma_start3A_22 = arith.constant 120 : i32
    %dma_start3A_23 = tpu.memref_slice %arg7[%dma_start3A_22] : memref<10000xi32, #tpu.memory_space<vmem>> -> memref<40xi32, #tpu.memory_space<vmem>>
    %dma_start3A_24 = arith.constant 0 : i32
    %dma_start3A_25 = arith.constant 0 : i32
    %dma_start3A_26 = tpu.memref_slice %arg2[%dma_start3A_24, %dma_start3A_25] : memref<10000x128xf32, #tpu.memory_space<hbm>> -> memref<10000x128xf32, #tpu.memory_space<hbm>>
    tpu.enqueue_indirect_dma source(%dma_start3A_26 : memref<10000x128xf32, #tpu.memory_space<hbm>>) target(%arg12 : memref<40x128xf32, #tpu.memory_space<vmem>>) offsets(%dma_start3A_23 : memref<40xi32, #tpu.memory_space<vmem>>) semaphore(%arg18 : memref<!tpu.dma_semaphore, #tpu.memory_space<semaphore_mem>>)
    %dma_start3A_27 = arith.constant 160 : i32
    %dma_start3A_28 = tpu.memref_slice %arg7[%dma_start3A_27] : memref<10000xi32, #tpu.memory_space<vmem>> -> memref<40xi32, #tpu.memory_space<vmem>>
    %dma_start3A_29 = arith.constant 0 : i32
    %dma_start3A_30 = arith.constant 0 : i32
    %dma_start3A_31 = tpu.memref_slice %arg2[%dma_start3A_29, %dma_start3A_30] : memref<10000x128xf32, #tpu.memory_space<hbm>> -> memref<10000x128xf32, #tpu.memory_space<hbm>>
    tpu.enqueue_indirect_dma source(%dma_start3A_31 : memref<10000x128xf32, #tpu.memory_space<hbm>>) target(%arg13 : memref<40x128xf32, #tpu.memory_space<vmem>>) offsets(%dma_start3A_28 : memref<40xi32, #tpu.memory_space<vmem>>) semaphore(%arg19 : memref<!tpu.dma_semaphore, #tpu.memory_space<semaphore_mem>>)
    %barrier3A = arith.constant 0 : index
    tpu.barrier barrier_id(%barrier3A)
    %jit3A = arith.constant 5 : i32
    %div3A = arith.divsi %select_n3A_3, %jit3A : i32
    %sign3A = arith.constant 0 : i32
    %sign3A_32 = arith.cmpi sgt, %select_n3A_3, %sign3A : i32
    %sign3A_33 = arith.extui %sign3A_32 : i1 to i32
    %sign3A_34 = arith.constant 0 : i32
    %sign3A_35 = arith.cmpi slt, %select_n3A_3, %sign3A_34 : i32
    %sign3A_36 = arith.extui %sign3A_35 : i1 to i32
    %sign3A_37 = arith.subi %sign3A_33, %sign3A_36 : i32
    %sign3A_38 = arith.constant 0 : i32
    %sign3A_39 = arith.cmpi sgt, %jit3A, %sign3A_38 : i32
    %sign3A_40 = arith.extui %sign3A_39 : i1 to i32
    %sign3A_41 = arith.constant 0 : i32
    %sign3A_42 = arith.cmpi slt, %jit3A, %sign3A_41 : i32
    %sign3A_43 = arith.extui %sign3A_42 : i1 to i32
    %sign3A_44 = arith.subi %sign3A_40, %sign3A_43 : i32
    %ne3A = arith.cmpi ne, %sign3A_37, %sign3A_44 : i32
    %rem3A = arith.remsi %select_n3A_3, %jit3A : i32
    %ne3A_45 = arith.constant 0 : i32
    %ne3A_46 = arith.cmpi ne, %rem3A, %ne3A_45 : i32
    %and3A = arith.andi %ne3A, %ne3A_46 : i1
    %sub3A = arith.constant 1 : i32
    %sub3A_47 = arith.subi %div3A, %sub3A : i32
    %select_n3A_48 = arith.select %and3A, %sub3A_47, %div3A : i32
    %while3A = arith.constant 0 : i32
    %while3A_49 = arith.constant 0 : i32
    %while3A_50 = arith.subi %select_n3A_48, %while3A_49 : i32
    %while3A_51 = arith.addi %while3A_49, %while3A_50 : i32
    %while3A_52 = arith.constant 1 : i32
    %while3A_53 = arith.divsi %while3A_50, %while3A_52 : i32
    %while3A_54 = arith.muli %while3A_53, %while3A_52 : i32
    %while3A_55 = arith.addi %while3A_49, %while3A_54 : i32
    %while3A_56 = arith.constant 1 : i32
    scf.for %while3A_63 = %while3A_49 to %while3A_55 step %while3A_56  : i32 {
      %mul3A_64 = arith.constant 5 : i32
      %mul3A_65 = arith.muli %while3A_63, %mul3A_64 : i32
      %add3A_66 = arith.constant 0 : i32
      %add3A_67 = arith.addi %mul3A_65, %add3A_66 : i32
      %mul3A_68 = arith.constant 40 : i32
      %mul3A_69 = arith.muli %add3A_67, %mul3A_68 : i32
      %dma_wait3A = tpu.memref_slice %arg7[%mul3A_69] : memref<10000xi32, #tpu.memory_space<vmem>> -> memref<40xi32, #tpu.memory_space<vmem>>
      %dma_wait3A_70 = arith.constant 0 : i32
      %dma_wait3A_71 = arith.constant 0 : i32
      %dma_wait3A_72 = tpu.memref_slice %arg2[%dma_wait3A_70, %dma_wait3A_71] : memref<10000x128xf32, #tpu.memory_space<hbm>> -> memref<10000x128xf32, #tpu.memory_space<hbm>>
      tpu.wait_indirect_dma semaphore(%arg15 : memref<!tpu.dma_semaphore, #tpu.memory_space<semaphore_mem>>) src(%dma_wait3A_72 : memref<10000x128xf32, #tpu.memory_space<hbm>>) dst(%arg9 : memref<40x128xf32, #tpu.memory_space<vmem>>)
      %mul3A_73 = arith.constant 40 : i32
      %mul3A_74 = arith.muli %add3A_67, %mul3A_73 : i32
      %dma_start3A_75 = tpu.memref_slice %arg8[%mul3A_74] : memref<10000xi32, #tpu.memory_space<vmem>> -> memref<40xi32, #tpu.memory_space<vmem>>
      %dma_start3A_76 = arith.constant 0 : i32
      %dma_start3A_77 = arith.constant 0 : i32
      %dma_start3A_78 = tpu.memref_slice %arg14[%dma_start3A_76, %dma_start3A_77] : memref<10112x128xf32, #tpu.memory_space<vmem_shared>> -> memref<10112x128xf32, #tpu.memory_space<vmem_shared>>
      tpu.enqueue_indirect_dma source(%arg9 : memref<40x128xf32, #tpu.memory_space<vmem>>) target(%dma_start3A_78 : memref<10112x128xf32, #tpu.memory_space<vmem_shared>>) offsets(%dma_start3A_75 : memref<40xi32, #tpu.memory_space<vmem>>) semaphore(%arg20 : memref<!tpu.dma_semaphore, #tpu.memory_space<semaphore_mem>>) {add = true}
      %add3A_79 = arith.constant 1 : i32
      %add3A_80 = arith.addi %mul3A_65, %add3A_79 : i32
      %mul3A_81 = arith.constant 40 : i32
      %mul3A_82 = arith.muli %add3A_80, %mul3A_81 : i32
      %dma_wait3A_83 = tpu.memref_slice %arg7[%mul3A_82] : memref<10000xi32, #tpu.memory_space<vmem>> -> memref<40xi32, #tpu.memory_space<vmem>>
      %dma_wait3A_84 = arith.constant 0 : i32
      %dma_wait3A_85 = arith.constant 0 : i32
      %dma_wait3A_86 = tpu.memref_slice %arg2[%dma_wait3A_84, %dma_wait3A_85] : memref<10000x128xf32, #tpu.memory_space<hbm>> -> memref<10000x128xf32, #tpu.memory_space<hbm>>
      tpu.wait_indirect_dma semaphore(%arg16 : memref<!tpu.dma_semaphore, #tpu.memory_space<semaphore_mem>>) src(%dma_wait3A_86 : memref<10000x128xf32, #tpu.memory_space<hbm>>) dst(%arg10 : memref<40x128xf32, #tpu.memory_space<vmem>>)
      %mul3A_87 = arith.constant 40 : i32
      %mul3A_88 = arith.muli %add3A_80, %mul3A_87 : i32
      %dma_start3A_89 = tpu.memref_slice %arg8[%mul3A_88] : memref<10000xi32, #tpu.memory_space<vmem>> -> memref<40xi32, #tpu.memory_space<vmem>>
      %dma_start3A_90 = arith.constant 0 : i32
      %dma_start3A_91 = arith.constant 0 : i32
      %dma_start3A_92 = tpu.memref_slice %arg14[%dma_start3A_90, %dma_start3A_91] : memref<10112x128xf32, #tpu.memory_space<vmem_shared>> -> memref<10112x128xf32, #tpu.memory_space<vmem_shared>>
      tpu.enqueue_indirect_dma source(%arg10 : memref<40x128xf32, #tpu.memory_space<vmem>>) target(%dma_start3A_92 : memref<10112x128xf32, #tpu.memory_space<vmem_shared>>) offsets(%dma_start3A_89 : memref<40xi32, #tpu.memory_space<vmem>>) semaphore(%arg21 : memref<!tpu.dma_semaphore, #tpu.memory_space<semaphore_mem>>) {add = true}
      %add3A_93 = arith.constant 2 : i32
      %add3A_94 = arith.addi %mul3A_65, %add3A_93 : i32
      %mul3A_95 = arith.constant 40 : i32
      %mul3A_96 = arith.muli %add3A_94, %mul3A_95 : i32
      %dma_wait3A_97 = tpu.memref_slice %arg7[%mul3A_96] : memref<10000xi32, #tpu.memory_space<vmem>> -> memref<40xi32, #tpu.memory_space<vmem>>
      %dma_wait3A_98 = arith.constant 0 : i32
      %dma_wait3A_99 = arith.constant 0 : i32
      %dma_wait3A_100 = tpu.memref_slice %arg2[%dma_wait3A_98, %dma_wait3A_99] : memref<10000x128xf32, #tpu.memory_space<hbm>> -> memref<10000x128xf32, #tpu.memory_space<hbm>>
      tpu.wait_indirect_dma semaphore(%arg17 : memref<!tpu.dma_semaphore, #tpu.memory_space<semaphore_mem>>) src(%dma_wait3A_100 : memref<10000x128xf32, #tpu.memory_space<hbm>>) dst(%arg11 : memref<40x128xf32, #tpu.memory_space<vmem>>)
      %mul3A_101 = arith.constant 40 : i32
      %mul3A_102 = arith.muli %add3A_94, %mul3A_101 : i32
      %dma_start3A_103 = tpu.memref_slice %arg8[%mul3A_102] : memref<10000xi32, #tpu.memory_space<vmem>> -> memref<40xi32, #tpu.memory_space<vmem>>
      %dma_start3A_104 = arith.constant 0 : i32
      %dma_start3A_105 = arith.constant 0 : i32
      %dma_start3A_106 = tpu.memref_slice %arg14[%dma_start3A_104, %dma_start3A_105] : memref<10112x128xf32, #tpu.memory_space<vmem_shared>> -> memref<10112x128xf32, #tpu.memory_space<vmem_shared>>
      tpu.enqueue_indirect_dma source(%arg11 : memref<40x128xf32, #tpu.memory_space<vmem>>) target(%dma_start3A_106 : memref<10112x128xf32, #tpu.memory_space<vmem_shared>>) offsets(%dma_start3A_103 : memref<40xi32, #tpu.memory_space<vmem>>) semaphore(%arg22 : memref<!tpu.dma_semaphore, #tpu.memory_space<semaphore_mem>>) {add = true}
      %add3A_107 = arith.constant 3 : i32
      %add3A_108 = arith.addi %mul3A_65, %add3A_107 : i32
      %mul3A_109 = arith.constant 40 : i32
      %mul3A_110 = arith.muli %add3A_108, %mul3A_109 : i32
      %dma_wait3A_111 = tpu.memref_slice %arg7[%mul3A_110] : memref<10000xi32, #tpu.memory_space<vmem>> -> memref<40xi32, #tpu.memory_space<vmem>>
      %dma_wait3A_112 = arith.constant 0 : i32
      %dma_wait3A_113 = arith.constant 0 : i32
      %dma_wait3A_114 = tpu.memref_slice %arg2[%dma_wait3A_112, %dma_wait3A_113] : memref<10000x128xf32, #tpu.memory_space<hbm>> -> memref<10000x128xf32, #tpu.memory_space<hbm>>
      tpu.wait_indirect_dma semaphore(%arg18 : memref<!tpu.dma_semaphore, #tpu.memory_space<semaphore_mem>>) src(%dma_wait3A_114 : memref<10000x128xf32, #tpu.memory_space<hbm>>) dst(%arg12 : memref<40x128xf32, #tpu.memory_space<vmem>>)
      %mul3A_115 = arith.constant 40 : i32
      %mul3A_116 = arith.muli %add3A_108, %mul3A_115 : i32
      %dma_start3A_117 = tpu.memref_slice %arg8[%mul3A_116] : memref<10000xi32, #tpu.memory_space<vmem>> -> memref<40xi32, #tpu.memory_space<vmem>>
      %dma_start3A_118 = arith.constant 0 : i32
      %dma_start3A_119 = arith.constant 0 : i32
      %dma_start3A_120 = tpu.memref_slice %arg14[%dma_start3A_118, %dma_start3A_119] : memref<10112x128xf32, #tpu.memory_space<vmem_shared>> -> memref<10112x128xf32, #tpu.memory_space<vmem_shared>>
      tpu.enqueue_indirect_dma source(%arg12 : memref<40x128xf32, #tpu.memory_space<vmem>>) target(%dma_start3A_120 : memref<10112x128xf32, #tpu.memory_space<vmem_shared>>) offsets(%dma_start3A_117 : memref<40xi32, #tpu.memory_space<vmem>>) semaphore(%arg23 : memref<!tpu.dma_semaphore, #tpu.memory_space<semaphore_mem>>) {add = true}
      %add3A_121 = arith.constant 4 : i32
      %add3A_122 = arith.addi %mul3A_65, %add3A_121 : i32
      %mul3A_123 = arith.constant 40 : i32
      %mul3A_124 = arith.muli %add3A_122, %mul3A_123 : i32
      %dma_wait3A_125 = tpu.memref_slice %arg7[%mul3A_124] : memref<10000xi32, #tpu.memory_space<vmem>> -> memref<40xi32, #tpu.memory_space<vmem>>
      %dma_wait3A_126 = arith.constant 0 : i32
      %dma_wait3A_127 = arith.constant 0 : i32
      %dma_wait3A_128 = tpu.memref_slice %arg2[%dma_wait3A_126, %dma_wait3A_127] : memref<10000x128xf32, #tpu.memory_space<hbm>> -> memref<10000x128xf32, #tpu.memory_space<hbm>>
      tpu.wait_indirect_dma semaphore(%arg19 : memref<!tpu.dma_semaphore, #tpu.memory_space<semaphore_mem>>) src(%dma_wait3A_128 : memref<10000x128xf32, #tpu.memory_space<hbm>>) dst(%arg13 : memref<40x128xf32, #tpu.memory_space<vmem>>)
      %mul3A_129 = arith.constant 40 : i32
      %mul3A_130 = arith.muli %add3A_122, %mul3A_129 : i32
      %dma_start3A_131 = tpu.memref_slice %arg8[%mul3A_130] : memref<10000xi32, #tpu.memory_space<vmem>> -> memref<40xi32, #tpu.memory_space<vmem>>
      %dma_start3A_132 = arith.constant 0 : i32
      %dma_start3A_133 = arith.constant 0 : i32
      %dma_start3A_134 = tpu.memref_slice %arg14[%dma_start3A_132, %dma_start3A_133] : memref<10112x128xf32, #tpu.memory_space<vmem_shared>> -> memref<10112x128xf32, #tpu.memory_space<vmem_shared>>
      tpu.enqueue_indirect_dma source(%arg13 : memref<40x128xf32, #tpu.memory_space<vmem>>) target(%dma_start3A_134 : memref<10112x128xf32, #tpu.memory_space<vmem_shared>>) offsets(%dma_start3A_131 : memref<40xi32, #tpu.memory_space<vmem>>) semaphore(%arg24 : memref<!tpu.dma_semaphore, #tpu.memory_space<semaphore_mem>>) {add = true}
      %add3A_135 = arith.constant 0 : i32
      %add3A_136 = arith.addi %mul3A_65, %add3A_135 : i32
      %mul3A_137 = arith.constant 40 : i32
      %mul3A_138 = arith.muli %add3A_136, %mul3A_137 : i32
      %dma_wait3A_139 = tpu.memref_slice %arg8[%mul3A_138] : memref<10000xi32, #tpu.memory_space<vmem>> -> memref<40xi32, #tpu.memory_space<vmem>>
      %dma_wait3A_140 = arith.constant 0 : i32
      %dma_wait3A_141 = arith.constant 0 : i32
      %dma_wait3A_142 = tpu.memref_slice %arg14[%dma_wait3A_140, %dma_wait3A_141] : memref<10112x128xf32, #tpu.memory_space<vmem_shared>> -> memref<10112x128xf32, #tpu.memory_space<vmem_shared>>
      tpu.wait_indirect_dma semaphore(%arg20 : memref<!tpu.dma_semaphore, #tpu.memory_space<semaphore_mem>>) src(%arg9 : memref<40x128xf32, #tpu.memory_space<vmem>>) dst(%dma_wait3A_142 : memref<10112x128xf32, #tpu.memory_space<vmem_shared>>)
      %add3A_143 = arith.constant 5 : i32
      %add3A_144 = arith.addi %add3A_136, %add3A_143 : i32
      %lt3A = arith.cmpi slt, %add3A_144, %select_n3A_3 : i32
      %convert_element_type3A = arith.extui %lt3A : i1 to i32
      %cond3A = arith.constant 0 : i32
      %cond3A_145 = arith.cmpi ne, %convert_element_type3A, %cond3A : i32
      scf.if %cond3A_145 {
        %mul3A_202 = arith.constant 40 : i32
        %mul3A_203 = arith.muli %add3A_144, %mul3A_202 : i32
        %dma_start3A_204 = tpu.memref_slice %arg7[%mul3A_203] : memref<10000xi32, #tpu.memory_space<vmem>> -> memref<40xi32, #tpu.memory_space<vmem>>
        %dma_start3A_205 = arith.constant 0 : i32
        %dma_start3A_206 = arith.constant 0 : i32
        %dma_start3A_207 = tpu.memref_slice %arg2[%dma_start3A_205, %dma_start3A_206] : memref<10000x128xf32, #tpu.memory_space<hbm>> -> memref<10000x128xf32, #tpu.memory_space<hbm>>
        tpu.enqueue_indirect_dma source(%dma_start3A_207 : memref<10000x128xf32, #tpu.memory_space<hbm>>) target(%arg9 : memref<40x128xf32, #tpu.memory_space<vmem>>) offsets(%dma_start3A_204 : memref<40xi32, #tpu.memory_space<vmem>>) semaphore(%arg15 : memref<!tpu.dma_semaphore, #tpu.memory_space<semaphore_mem>>)
      } else {
      }
      %add3A_146 = arith.constant 1 : i32
      %add3A_147 = arith.addi %mul3A_65, %add3A_146 : i32
      %mul3A_148 = arith.constant 40 : i32
      %mul3A_149 = arith.muli %add3A_147, %mul3A_148 : i32
      %dma_wait3A_150 = tpu.memref_slice %arg8[%mul3A_149] : memref<10000xi32, #tpu.memory_space<vmem>> -> memref<40xi32, #tpu.memory_space<vmem>>
      %dma_wait3A_151 = arith.constant 0 : i32
      %dma_wait3A_152 = arith.constant 0 : i32
      %dma_wait3A_153 = tpu.memref_slice %arg14[%dma_wait3A_151, %dma_wait3A_152] : memref<10112x128xf32, #tpu.memory_space<vmem_shared>> -> memref<10112x128xf32, #tpu.memory_space<vmem_shared>>
      tpu.wait_indirect_dma semaphore(%arg21 : memref<!tpu.dma_semaphore, #tpu.memory_space<semaphore_mem>>) src(%arg10 : memref<40x128xf32, #tpu.memory_space<vmem>>) dst(%dma_wait3A_153 : memref<10112x128xf32, #tpu.memory_space<vmem_shared>>)
      %add3A_154 = arith.constant 5 : i32
      %add3A_155 = arith.addi %add3A_147, %add3A_154 : i32
      %lt3A_156 = arith.cmpi slt, %add3A_155, %select_n3A_3 : i32
      %convert_element_type3A_157 = arith.extui %lt3A_156 : i1 to i32
      %cond3A_158 = arith.constant 0 : i32
      %cond3A_159 = arith.cmpi ne, %convert_element_type3A_157, %cond3A_158 : i32
      scf.if %cond3A_159 {
        %mul3A_202 = arith.constant 40 : i32
        %mul3A_203 = arith.muli %add3A_155, %mul3A_202 : i32
        %dma_start3A_204 = tpu.memref_slice %arg7[%mul3A_203] : memref<10000xi32, #tpu.memory_space<vmem>> -> memref<40xi32, #tpu.memory_space<vmem>>
        %dma_start3A_205 = arith.constant 0 : i32
        %dma_start3A_206 = arith.constant 0 : i32
        %dma_start3A_207 = tpu.memref_slice %arg2[%dma_start3A_205, %dma_start3A_206] : memref<10000x128xf32, #tpu.memory_space<hbm>> -> memref<10000x128xf32, #tpu.memory_space<hbm>>
        tpu.enqueue_indirect_dma source(%dma_start3A_207 : memref<10000x128xf32, #tpu.memory_space<hbm>>) target(%arg10 : memref<40x128xf32, #tpu.memory_space<vmem>>) offsets(%dma_start3A_204 : memref<40xi32, #tpu.memory_space<vmem>>) semaphore(%arg16 : memref<!tpu.dma_semaphore, #tpu.memory_space<semaphore_mem>>)
      } else {
      }
      %add3A_160 = arith.constant 2 : i32
      %add3A_161 = arith.addi %mul3A_65, %add3A_160 : i32
      %mul3A_162 = arith.constant 40 : i32
      %mul3A_163 = arith.muli %add3A_161, %mul3A_162 : i32
      %dma_wait3A_164 = tpu.memref_slice %arg8[%mul3A_163] : memref<10000xi32, #tpu.memory_space<vmem>> -> memref<40xi32, #tpu.memory_space<vmem>>
      %dma_wait3A_165 = arith.constant 0 : i32
      %dma_wait3A_166 = arith.constant 0 : i32
      %dma_wait3A_167 = tpu.memref_slice %arg14[%dma_wait3A_165, %dma_wait3A_166] : memref<10112x128xf32, #tpu.memory_space<vmem_shared>> -> memref<10112x128xf32, #tpu.memory_space<vmem_shared>>
      tpu.wait_indirect_dma semaphore(%arg22 : memref<!tpu.dma_semaphore, #tpu.memory_space<semaphore_mem>>) src(%arg11 : memref<40x128xf32, #tpu.memory_space<vmem>>) dst(%dma_wait3A_167 : memref<10112x128xf32, #tpu.memory_space<vmem_shared>>)
      %add3A_168 = arith.constant 5 : i32
      %add3A_169 = arith.addi %add3A_161, %add3A_168 : i32
      %lt3A_170 = arith.cmpi slt, %add3A_169, %select_n3A_3 : i32
      %convert_element_type3A_171 = arith.extui %lt3A_170 : i1 to i32
      %cond3A_172 = arith.constant 0 : i32
      %cond3A_173 = arith.cmpi ne, %convert_element_type3A_171, %cond3A_172 : i32
      scf.if %cond3A_173 {
        %mul3A_202 = arith.constant 40 : i32
        %mul3A_203 = arith.muli %add3A_169, %mul3A_202 : i32
        %dma_start3A_204 = tpu.memref_slice %arg7[%mul3A_203] : memref<10000xi32, #tpu.memory_space<vmem>> -> memref<40xi32, #tpu.memory_space<vmem>>
        %dma_start3A_205 = arith.constant 0 : i32
        %dma_start3A_206 = arith.constant 0 : i32
        %dma_start3A_207 = tpu.memref_slice %arg2[%dma_start3A_205, %dma_start3A_206] : memref<10000x128xf32, #tpu.memory_space<hbm>> -> memref<10000x128xf32, #tpu.memory_space<hbm>>
        tpu.enqueue_indirect_dma source(%dma_start3A_207 : memref<10000x128xf32, #tpu.memory_space<hbm>>) target(%arg11 : memref<40x128xf32, #tpu.memory_space<vmem>>) offsets(%dma_start3A_204 : memref<40xi32, #tpu.memory_space<vmem>>) semaphore(%arg17 : memref<!tpu.dma_semaphore, #tpu.memory_space<semaphore_mem>>)
      } else {
      }
      %add3A_174 = arith.constant 3 : i32
      %add3A_175 = arith.addi %mul3A_65, %add3A_174 : i32
      %mul3A_176 = arith.constant 40 : i32
      %mul3A_177 = arith.muli %add3A_175, %mul3A_176 : i32
      %dma_wait3A_178 = tpu.memref_slice %arg8[%mul3A_177] : memref<10000xi32, #tpu.memory_space<vmem>> -> memref<40xi32, #tpu.memory_space<vmem>>
      %dma_wait3A_179 = arith.constant 0 : i32
      %dma_wait3A_180 = arith.constant 0 : i32
      %dma_wait3A_181 = tpu.memref_slice %arg14[%dma_wait3A_179, %dma_wait3A_180] : memref<10112x128xf32, #tpu.memory_space<vmem_shared>> -> memref<10112x128xf32, #tpu.memory_space<vmem_shared>>
      tpu.wait_indirect_dma semaphore(%arg23 : memref<!tpu.dma_semaphore, #tpu.memory_space<semaphore_mem>>) src(%arg12 : memref<40x128xf32, #tpu.memory_space<vmem>>) dst(%dma_wait3A_181 : memref<10112x128xf32, #tpu.memory_space<vmem_shared>>)
      %add3A_182 = arith.constant 5 : i32
      %add3A_183 = arith.addi %add3A_175, %add3A_182 : i32
      %lt3A_184 = arith.cmpi slt, %add3A_183, %select_n3A_3 : i32
      %convert_element_type3A_185 = arith.extui %lt3A_184 : i1 to i32
      %cond3A_186 = arith.constant 0 : i32
      %cond3A_187 = arith.cmpi ne, %convert_element_type3A_185, %cond3A_186 : i32
      scf.if %cond3A_187 {
        %mul3A_202 = arith.constant 40 : i32
        %mul3A_203 = arith.muli %add3A_183, %mul3A_202 : i32
        %dma_start3A_204 = tpu.memref_slice %arg7[%mul3A_203] : memref<10000xi32, #tpu.memory_space<vmem>> -> memref<40xi32, #tpu.memory_space<vmem>>
        %dma_start3A_205 = arith.constant 0 : i32
        %dma_start3A_206 = arith.constant 0 : i32
        %dma_start3A_207 = tpu.memref_slice %arg2[%dma_start3A_205, %dma_start3A_206] : memref<10000x128xf32, #tpu.memory_space<hbm>> -> memref<10000x128xf32, #tpu.memory_space<hbm>>
        tpu.enqueue_indirect_dma source(%dma_start3A_207 : memref<10000x128xf32, #tpu.memory_space<hbm>>) target(%arg12 : memref<40x128xf32, #tpu.memory_space<vmem>>) offsets(%dma_start3A_204 : memref<40xi32, #tpu.memory_space<vmem>>) semaphore(%arg18 : memref<!tpu.dma_semaphore, #tpu.memory_space<semaphore_mem>>)
      } else {
      }
      %add3A_188 = arith.constant 4 : i32
      %add3A_189 = arith.addi %mul3A_65, %add3A_188 : i32
      %mul3A_190 = arith.constant 40 : i32
      %mul3A_191 = arith.muli %add3A_189, %mul3A_190 : i32
      %dma_wait3A_192 = tpu.memref_slice %arg8[%mul3A_191] : memref<10000xi32, #tpu.memory_space<vmem>> -> memref<40xi32, #tpu.memory_space<vmem>>
      %dma_wait3A_193 = arith.constant 0 : i32
      %dma_wait3A_194 = arith.constant 0 : i32
      %dma_wait3A_195 = tpu.memref_slice %arg14[%dma_wait3A_193, %dma_wait3A_194] : memref<10112x128xf32, #tpu.memory_space<vmem_shared>> -> memref<10112x128xf32, #tpu.memory_space<vmem_shared>>
      tpu.wait_indirect_dma semaphore(%arg24 : memref<!tpu.dma_semaphore, #tpu.memory_space<semaphore_mem>>) src(%arg13 : memref<40x128xf32, #tpu.memory_space<vmem>>) dst(%dma_wait3A_195 : memref<10112x128xf32, #tpu.memory_space<vmem_shared>>)
      %add3A_196 = arith.constant 5 : i32
      %add3A_197 = arith.addi %add3A_189, %add3A_196 : i32
      %lt3A_198 = arith.cmpi slt, %add3A_197, %select_n3A_3 : i32
      %convert_element_type3A_199 = arith.extui %lt3A_198 : i1 to i32
      %cond3A_200 = arith.constant 0 : i32
      %cond3A_201 = arith.cmpi ne, %convert_element_type3A_199, %cond3A_200 : i32
      scf.if %cond3A_201 {
        %mul3A_202 = arith.constant 40 : i32
        %mul3A_203 = arith.muli %add3A_197, %mul3A_202 : i32
        %dma_start3A_204 = tpu.memref_slice %arg7[%mul3A_203] : memref<10000xi32, #tpu.memory_space<vmem>> -> memref<40xi32, #tpu.memory_space<vmem>>
        %dma_start3A_205 = arith.constant 0 : i32
        %dma_start3A_206 = arith.constant 0 : i32
        %dma_start3A_207 = tpu.memref_slice %arg2[%dma_start3A_205, %dma_start3A_206] : memref<10000x128xf32, #tpu.memory_space<hbm>> -> memref<10000x128xf32, #tpu.memory_space<hbm>>
        tpu.enqueue_indirect_dma source(%dma_start3A_207 : memref<10000x128xf32, #tpu.memory_space<hbm>>) target(%arg13 : memref<40x128xf32, #tpu.memory_space<vmem>>) offsets(%dma_start3A_204 : memref<40xi32, #tpu.memory_space<vmem>>) semaphore(%arg19 : memref<!tpu.dma_semaphore, #tpu.memory_space<semaphore_mem>>)
      } else {
      }
    }
    %while3A_57 = arith.constant 1 : i32
    scf.for %while3A_63 = %while3A_55 to %while3A_51 step %while3A_57  : i32 {
      %mul3A_64 = arith.constant 5 : i32
      %mul3A_65 = arith.muli %while3A_63, %mul3A_64 : i32
      %add3A_66 = arith.constant 0 : i32
      %add3A_67 = arith.addi %mul3A_65, %add3A_66 : i32
      %mul3A_68 = arith.constant 40 : i32
      %mul3A_69 = arith.muli %add3A_67, %mul3A_68 : i32
      %dma_wait3A = tpu.memref_slice %arg7[%mul3A_69] : memref<10000xi32, #tpu.memory_space<vmem>> -> memref<40xi32, #tpu.memory_space<vmem>>
      %dma_wait3A_70 = arith.constant 0 : i32
      %dma_wait3A_71 = arith.constant 0 : i32
      %dma_wait3A_72 = tpu.memref_slice %arg2[%dma_wait3A_70, %dma_wait3A_71] : memref<10000x128xf32, #tpu.memory_space<hbm>> -> memref<10000x128xf32, #tpu.memory_space<hbm>>
      tpu.wait_indirect_dma semaphore(%arg15 : memref<!tpu.dma_semaphore, #tpu.memory_space<semaphore_mem>>) src(%dma_wait3A_72 : memref<10000x128xf32, #tpu.memory_space<hbm>>) dst(%arg9 : memref<40x128xf32, #tpu.memory_space<vmem>>)
      %mul3A_73 = arith.constant 40 : i32
      %mul3A_74 = arith.muli %add3A_67, %mul3A_73 : i32
      %dma_start3A_75 = tpu.memref_slice %arg8[%mul3A_74] : memref<10000xi32, #tpu.memory_space<vmem>> -> memref<40xi32, #tpu.memory_space<vmem>>
      %dma_start3A_76 = arith.constant 0 : i32
      %dma_start3A_77 = arith.constant 0 : i32
      %dma_start3A_78 = tpu.memref_slice %arg14[%dma_start3A_76, %dma_start3A_77] : memref<10112x128xf32, #tpu.memory_space<vmem_shared>> -> memref<10112x128xf32, #tpu.memory_space<vmem_shared>>
      tpu.enqueue_indirect_dma source(%arg9 : memref<40x128xf32, #tpu.memory_space<vmem>>) target(%dma_start3A_78 : memref<10112x128xf32, #tpu.memory_space<vmem_shared>>) offsets(%dma_start3A_75 : memref<40xi32, #tpu.memory_space<vmem>>) semaphore(%arg20 : memref<!tpu.dma_semaphore, #tpu.memory_space<semaphore_mem>>) {add = true}
      %add3A_79 = arith.constant 1 : i32
      %add3A_80 = arith.addi %mul3A_65, %add3A_79 : i32
      %mul3A_81 = arith.constant 40 : i32
      %mul3A_82 = arith.muli %add3A_80, %mul3A_81 : i32
      %dma_wait3A_83 = tpu.memref_slice %arg7[%mul3A_82] : memref<10000xi32, #tpu.memory_space<vmem>> -> memref<40xi32, #tpu.memory_space<vmem>>
      %dma_wait3A_84 = arith.constant 0 : i32
      %dma_wait3A_85 = arith.constant 0 : i32
      %dma_wait3A_86 = tpu.memref_slice %arg2[%dma_wait3A_84, %dma_wait3A_85] : memref<10000x128xf32, #tpu.memory_space<hbm>> -> memref<10000x128xf32, #tpu.memory_space<hbm>>
      tpu.wait_indirect_dma semaphore(%arg16 : memref<!tpu.dma_semaphore, #tpu.memory_space<semaphore_mem>>) src(%dma_wait3A_86 : memref<10000x128xf32, #tpu.memory_space<hbm>>) dst(%arg10 : memref<40x128xf32, #tpu.memory_space<vmem>>)
      %mul3A_87 = arith.constant 40 : i32
      %mul3A_88 = arith.muli %add3A_80, %mul3A_87 : i32
      %dma_start3A_89 = tpu.memref_slice %arg8[%mul3A_88] : memref<10000xi32, #tpu.memory_space<vmem>> -> memref<40xi32, #tpu.memory_space<vmem>>
      %dma_start3A_90 = arith.constant 0 : i32
      %dma_start3A_91 = arith.constant 0 : i32
      %dma_start3A_92 = tpu.memref_slice %arg14[%dma_start3A_90, %dma_start3A_91] : memref<10112x128xf32, #tpu.memory_space<vmem_shared>> -> memref<10112x128xf32, #tpu.memory_space<vmem_shared>>
      tpu.enqueue_indirect_dma source(%arg10 : memref<40x128xf32, #tpu.memory_space<vmem>>) target(%dma_start3A_92 : memref<10112x128xf32, #tpu.memory_space<vmem_shared>>) offsets(%dma_start3A_89 : memref<40xi32, #tpu.memory_space<vmem>>) semaphore(%arg21 : memref<!tpu.dma_semaphore, #tpu.memory_space<semaphore_mem>>) {add = true}
      %add3A_93 = arith.constant 2 : i32
      %add3A_94 = arith.addi %mul3A_65, %add3A_93 : i32
      %mul3A_95 = arith.constant 40 : i32
      %mul3A_96 = arith.muli %add3A_94, %mul3A_95 : i32
      %dma_wait3A_97 = tpu.memref_slice %arg7[%mul3A_96] : memref<10000xi32, #tpu.memory_space<vmem>> -> memref<40xi32, #tpu.memory_space<vmem>>
      %dma_wait3A_98 = arith.constant 0 : i32
      %dma_wait3A_99 = arith.constant 0 : i32
      %dma_wait3A_100 = tpu.memref_slice %arg2[%dma_wait3A_98, %dma_wait3A_99] : memref<10000x128xf32, #tpu.memory_space<hbm>> -> memref<10000x128xf32, #tpu.memory_space<hbm>>
      tpu.wait_indirect_dma semaphore(%arg17 : memref<!tpu.dma_semaphore, #tpu.memory_space<semaphore_mem>>) src(%dma_wait3A_100 : memref<10000x128xf32, #tpu.memory_space<hbm>>) dst(%arg11 : memref<40x128xf32, #tpu.memory_space<vmem>>)
      %mul3A_101 = arith.constant 40 : i32
      %mul3A_102 = arith.muli %add3A_94, %mul3A_101 : i32
      %dma_start3A_103 = tpu.memref_slice %arg8[%mul3A_102] : memref<10000xi32, #tpu.memory_space<vmem>> -> memref<40xi32, #tpu.memory_space<vmem>>
      %dma_start3A_104 = arith.constant 0 : i32
      %dma_start3A_105 = arith.constant 0 : i32
      %dma_start3A_106 = tpu.memref_slice %arg14[%dma_start3A_104, %dma_start3A_105] : memref<10112x128xf32, #tpu.memory_space<vmem_shared>> -> memref<10112x128xf32, #tpu.memory_space<vmem_shared>>
      tpu.enqueue_indirect_dma source(%arg11 : memref<40x128xf32, #tpu.memory_space<vmem>>) target(%dma_start3A_106 : memref<10112x128xf32, #tpu.memory_space<vmem_shared>>) offsets(%dma_start3A_103 : memref<40xi32, #tpu.memory_space<vmem>>) semaphore(%arg22 : memref<!tpu.dma_semaphore, #tpu.memory_space<semaphore_mem>>) {add = true}
      %add3A_107 = arith.constant 3 : i32
      %add3A_108 = arith.addi %mul3A_65, %add3A_107 : i32
      %mul3A_109 = arith.constant 40 : i32
      %mul3A_110 = arith.muli %add3A_108, %mul3A_109 : i32
      %dma_wait3A_111 = tpu.memref_slice %arg7[%mul3A_110] : memref<10000xi32, #tpu.memory_space<vmem>> -> memref<40xi32, #tpu.memory_space<vmem>>
      %dma_wait3A_112 = arith.constant 0 : i32
      %dma_wait3A_113 = arith.constant 0 : i32
      %dma_wait3A_114 = tpu.memref_slice %arg2[%dma_wait3A_112, %dma_wait3A_113] : memref<10000x128xf32, #tpu.memory_space<hbm>> -> memref<10000x128xf32, #tpu.memory_space<hbm>>
      tpu.wait_indirect_dma semaphore(%arg18 : memref<!tpu.dma_semaphore, #tpu.memory_space<semaphore_mem>>) src(%dma_wait3A_114 : memref<10000x128xf32, #tpu.memory_space<hbm>>) dst(%arg12 : memref<40x128xf32, #tpu.memory_space<vmem>>)
      %mul3A_115 = arith.constant 40 : i32
      %mul3A_116 = arith.muli %add3A_108, %mul3A_115 : i32
      %dma_start3A_117 = tpu.memref_slice %arg8[%mul3A_116] : memref<10000xi32, #tpu.memory_space<vmem>> -> memref<40xi32, #tpu.memory_space<vmem>>
      %dma_start3A_118 = arith.constant 0 : i32
      %dma_start3A_119 = arith.constant 0 : i32
      %dma_start3A_120 = tpu.memref_slice %arg14[%dma_start3A_118, %dma_start3A_119] : memref<10112x128xf32, #tpu.memory_space<vmem_shared>> -> memref<10112x128xf32, #tpu.memory_space<vmem_shared>>
      tpu.enqueue_indirect_dma source(%arg12 : memref<40x128xf32, #tpu.memory_space<vmem>>) target(%dma_start3A_120 : memref<10112x128xf32, #tpu.memory_space<vmem_shared>>) offsets(%dma_start3A_117 : memref<40xi32, #tpu.memory_space<vmem>>) semaphore(%arg23 : memref<!tpu.dma_semaphore, #tpu.memory_space<semaphore_mem>>) {add = true}
      %add3A_121 = arith.constant 4 : i32
      %add3A_122 = arith.addi %mul3A_65, %add3A_121 : i32
      %mul3A_123 = arith.constant 40 : i32
      %mul3A_124 = arith.muli %add3A_122, %mul3A_123 : i32
      %dma_wait3A_125 = tpu.memref_slice %arg7[%mul3A_124] : memref<10000xi32, #tpu.memory_space<vmem>> -> memref<40xi32, #tpu.memory_space<vmem>>
      %dma_wait3A_126 = arith.constant 0 : i32
      %dma_wait3A_127 = arith.constant 0 : i32
      %dma_wait3A_128 = tpu.memref_slice %arg2[%dma_wait3A_126, %dma_wait3A_127] : memref<10000x128xf32, #tpu.memory_space<hbm>> -> memref<10000x128xf32, #tpu.memory_space<hbm>>
      tpu.wait_indirect_dma semaphore(%arg19 : memref<!tpu.dma_semaphore, #tpu.memory_space<semaphore_mem>>) src(%dma_wait3A_128 : memref<10000x128xf32, #tpu.memory_space<hbm>>) dst(%arg13 : memref<40x128xf32, #tpu.memory_space<vmem>>)
      %mul3A_129 = arith.constant 40 : i32
      %mul3A_130 = arith.muli %add3A_122, %mul3A_129 : i32
      %dma_start3A_131 = tpu.memref_slice %arg8[%mul3A_130] : memref<10000xi32, #tpu.memory_space<vmem>> -> memref<40xi32, #tpu.memory_space<vmem>>
      %dma_start3A_132 = arith.constant 0 : i32
      %dma_start3A_133 = arith.constant 0 : i32
      %dma_start3A_134 = tpu.memref_slice %arg14[%dma_start3A_132, %dma_start3A_133] : memref<10112x128xf32, #tpu.memory_space<vmem_shared>> -> memref<10112x128xf32, #tpu.memory_space<vmem_shared>>
      tpu.enqueue_indirect_dma source(%arg13 : memref<40x128xf32, #tpu.memory_space<vmem>>) target(%dma_start3A_134 : memref<10112x128xf32, #tpu.memory_space<vmem_shared>>) offsets(%dma_start3A_131 : memref<40xi32, #tpu.memory_space<vmem>>) semaphore(%arg24 : memref<!tpu.dma_semaphore, #tpu.memory_space<semaphore_mem>>) {add = true}
      %add3A_135 = arith.constant 0 : i32
      %add3A_136 = arith.addi %mul3A_65, %add3A_135 : i32
      %mul3A_137 = arith.constant 40 : i32
      %mul3A_138 = arith.muli %add3A_136, %mul3A_137 : i32
      %dma_wait3A_139 = tpu.memref_slice %arg8[%mul3A_138] : memref<10000xi32, #tpu.memory_space<vmem>> -> memref<40xi32, #tpu.memory_space<vmem>>
      %dma_wait3A_140 = arith.constant 0 : i32
      %dma_wait3A_141 = arith.constant 0 : i32
      %dma_wait3A_142 = tpu.memref_slice %arg14[%dma_wait3A_140, %dma_wait3A_141] : memref<10112x128xf32, #tpu.memory_space<vmem_shared>> -> memref<10112x128xf32, #tpu.memory_space<vmem_shared>>
      tpu.wait_indirect_dma semaphore(%arg20 : memref<!tpu.dma_semaphore, #tpu.memory_space<semaphore_mem>>) src(%arg9 : memref<40x128xf32, #tpu.memory_space<vmem>>) dst(%dma_wait3A_142 : memref<10112x128xf32, #tpu.memory_space<vmem_shared>>)
      %add3A_143 = arith.constant 5 : i32
      %add3A_144 = arith.addi %add3A_136, %add3A_143 : i32
      %lt3A = arith.cmpi slt, %add3A_144, %select_n3A_3 : i32
      %convert_element_type3A = arith.extui %lt3A : i1 to i32
      %cond3A = arith.constant 0 : i32
      %cond3A_145 = arith.cmpi ne, %convert_element_type3A, %cond3A : i32
      scf.if %cond3A_145 {
        %mul3A_202 = arith.constant 40 : i32
        %mul3A_203 = arith.muli %add3A_144, %mul3A_202 : i32
        %dma_start3A_204 = tpu.memref_slice %arg7[%mul3A_203] : memref<10000xi32, #tpu.memory_space<vmem>> -> memref<40xi32, #tpu.memory_space<vmem>>
        %dma_start3A_205 = arith.constant 0 : i32
        %dma_start3A_206 = arith.constant 0 : i32
        %dma_start3A_207 = tpu.memref_slice %arg2[%dma_start3A_205, %dma_start3A_206] : memref<10000x128xf32, #tpu.memory_space<hbm>> -> memref<10000x128xf32, #tpu.memory_space<hbm>>
        tpu.enqueue_indirect_dma source(%dma_start3A_207 : memref<10000x128xf32, #tpu.memory_space<hbm>>) target(%arg9 : memref<40x128xf32, #tpu.memory_space<vmem>>) offsets(%dma_start3A_204 : memref<40xi32, #tpu.memory_space<vmem>>) semaphore(%arg15 : memref<!tpu.dma_semaphore, #tpu.memory_space<semaphore_mem>>)
      } else {
      }
      %add3A_146 = arith.constant 1 : i32
      %add3A_147 = arith.addi %mul3A_65, %add3A_146 : i32
      %mul3A_148 = arith.constant 40 : i32
      %mul3A_149 = arith.muli %add3A_147, %mul3A_148 : i32
      %dma_wait3A_150 = tpu.memref_slice %arg8[%mul3A_149] : memref<10000xi32, #tpu.memory_space<vmem>> -> memref<40xi32, #tpu.memory_space<vmem>>
      %dma_wait3A_151 = arith.constant 0 : i32
      %dma_wait3A_152 = arith.constant 0 : i32
      %dma_wait3A_153 = tpu.memref_slice %arg14[%dma_wait3A_151, %dma_wait3A_152] : memref<10112x128xf32, #tpu.memory_space<vmem_shared>> -> memref<10112x128xf32, #tpu.memory_space<vmem_shared>>
      tpu.wait_indirect_dma semaphore(%arg21 : memref<!tpu.dma_semaphore, #tpu.memory_space<semaphore_mem>>) src(%arg10 : memref<40x128xf32, #tpu.memory_space<vmem>>) dst(%dma_wait3A_153 : memref<10112x128xf32, #tpu.memory_space<vmem_shared>>)
      %add3A_154 = arith.constant 5 : i32
      %add3A_155 = arith.addi %add3A_147, %add3A_154 : i32
      %lt3A_156 = arith.cmpi slt, %add3A_155, %select_n3A_3 : i32
      %convert_element_type3A_157 = arith.extui %lt3A_156 : i1 to i32
      %cond3A_158 = arith.constant 0 : i32
      %cond3A_159 = arith.cmpi ne, %convert_element_type3A_157, %cond3A_158 : i32
      scf.if %cond3A_159 {
        %mul3A_202 = arith.constant 40 : i32
        %mul3A_203 = arith.muli %add3A_155, %mul3A_202 : i32
        %dma_start3A_204 = tpu.memref_slice %arg7[%mul3A_203] : memref<10000xi32, #tpu.memory_space<vmem>> -> memref<40xi32, #tpu.memory_space<vmem>>
        %dma_start3A_205 = arith.constant 0 : i32
        %dma_start3A_206 = arith.constant 0 : i32
        %dma_start3A_207 = tpu.memref_slice %arg2[%dma_start3A_205, %dma_start3A_206] : memref<10000x128xf32, #tpu.memory_space<hbm>> -> memref<10000x128xf32, #tpu.memory_space<hbm>>
        tpu.enqueue_indirect_dma source(%dma_start3A_207 : memref<10000x128xf32, #tpu.memory_space<hbm>>) target(%arg10 : memref<40x128xf32, #tpu.memory_space<vmem>>) offsets(%dma_start3A_204 : memref<40xi32, #tpu.memory_space<vmem>>) semaphore(%arg16 : memref<!tpu.dma_semaphore, #tpu.memory_space<semaphore_mem>>)
      } else {
      }
      %add3A_160 = arith.constant 2 : i32
      %add3A_161 = arith.addi %mul3A_65, %add3A_160 : i32
      %mul3A_162 = arith.constant 40 : i32
      %mul3A_163 = arith.muli %add3A_161, %mul3A_162 : i32
      %dma_wait3A_164 = tpu.memref_slice %arg8[%mul3A_163] : memref<10000xi32, #tpu.memory_space<vmem>> -> memref<40xi32, #tpu.memory_space<vmem>>
      %dma_wait3A_165 = arith.constant 0 : i32
      %dma_wait3A_166 = arith.constant 0 : i32
      %dma_wait3A_167 = tpu.memref_slice %arg14[%dma_wait3A_165, %dma_wait3A_166] : memref<10112x128xf32, #tpu.memory_space<vmem_shared>> -> memref<10112x128xf32, #tpu.memory_space<vmem_shared>>
      tpu.wait_indirect_dma semaphore(%arg22 : memref<!tpu.dma_semaphore, #tpu.memory_space<semaphore_mem>>) src(%arg11 : memref<40x128xf32, #tpu.memory_space<vmem>>) dst(%dma_wait3A_167 : memref<10112x128xf32, #tpu.memory_space<vmem_shared>>)
      %add3A_168 = arith.constant 5 : i32
      %add3A_169 = arith.addi %add3A_161, %add3A_168 : i32
      %lt3A_170 = arith.cmpi slt, %add3A_169, %select_n3A_3 : i32
      %convert_element_type3A_171 = arith.extui %lt3A_170 : i1 to i32
      %cond3A_172 = arith.constant 0 : i32
      %cond3A_173 = arith.cmpi ne, %convert_element_type3A_171, %cond3A_172 : i32
      scf.if %cond3A_173 {
        %mul3A_202 = arith.constant 40 : i32
        %mul3A_203 = arith.muli %add3A_169, %mul3A_202 : i32
        %dma_start3A_204 = tpu.memref_slice %arg7[%mul3A_203] : memref<10000xi32, #tpu.memory_space<vmem>> -> memref<40xi32, #tpu.memory_space<vmem>>
        %dma_start3A_205 = arith.constant 0 : i32
        %dma_start3A_206 = arith.constant 0 : i32
        %dma_start3A_207 = tpu.memref_slice %arg2[%dma_start3A_205, %dma_start3A_206] : memref<10000x128xf32, #tpu.memory_space<hbm>> -> memref<10000x128xf32, #tpu.memory_space<hbm>>
        tpu.enqueue_indirect_dma source(%dma_start3A_207 : memref<10000x128xf32, #tpu.memory_space<hbm>>) target(%arg11 : memref<40x128xf32, #tpu.memory_space<vmem>>) offsets(%dma_start3A_204 : memref<40xi32, #tpu.memory_space<vmem>>) semaphore(%arg17 : memref<!tpu.dma_semaphore, #tpu.memory_space<semaphore_mem>>)
      } else {
      }
      %add3A_174 = arith.constant 3 : i32
      %add3A_175 = arith.addi %mul3A_65, %add3A_174 : i32
      %mul3A_176 = arith.constant 40 : i32
      %mul3A_177 = arith.muli %add3A_175, %mul3A_176 : i32
      %dma_wait3A_178 = tpu.memref_slice %arg8[%mul3A_177] : memref<10000xi32, #tpu.memory_space<vmem>> -> memref<40xi32, #tpu.memory_space<vmem>>
      %dma_wait3A_179 = arith.constant 0 : i32
      %dma_wait3A_180 = arith.constant 0 : i32
      %dma_wait3A_181 = tpu.memref_slice %arg14[%dma_wait3A_179, %dma_wait3A_180] : memref<10112x128xf32, #tpu.memory_space<vmem_shared>> -> memref<10112x128xf32, #tpu.memory_space<vmem_shared>>
      tpu.wait_indirect_dma semaphore(%arg23 : memref<!tpu.dma_semaphore, #tpu.memory_space<semaphore_mem>>) src(%arg12 : memref<40x128xf32, #tpu.memory_space<vmem>>) dst(%dma_wait3A_181 : memref<10112x128xf32, #tpu.memory_space<vmem_shared>>)
      %add3A_182 = arith.constant 5 : i32
      %add3A_183 = arith.addi %add3A_175, %add3A_182 : i32
      %lt3A_184 = arith.cmpi slt, %add3A_183, %select_n3A_3 : i32
      %convert_element_type3A_185 = arith.extui %lt3A_184 : i1 to i32
      %cond3A_186 = arith.constant 0 : i32
      %cond3A_187 = arith.cmpi ne, %convert_element_type3A_185, %cond3A_186 : i32
      scf.if %cond3A_187 {
        %mul3A_202 = arith.constant 40 : i32
        %mul3A_203 = arith.muli %add3A_183, %mul3A_202 : i32
        %dma_start3A_204 = tpu.memref_slice %arg7[%mul3A_203] : memref<10000xi32, #tpu.memory_space<vmem>> -> memref<40xi32, #tpu.memory_space<vmem>>
        %dma_start3A_205 = arith.constant 0 : i32
        %dma_start3A_206 = arith.constant 0 : i32
        %dma_start3A_207 = tpu.memref_slice %arg2[%dma_start3A_205, %dma_start3A_206] : memref<10000x128xf32, #tpu.memory_space<hbm>> -> memref<10000x128xf32, #tpu.memory_space<hbm>>
        tpu.enqueue_indirect_dma source(%dma_start3A_207 : memref<10000x128xf32, #tpu.memory_space<hbm>>) target(%arg12 : memref<40x128xf32, #tpu.memory_space<vmem>>) offsets(%dma_start3A_204 : memref<40xi32, #tpu.memory_space<vmem>>) semaphore(%arg18 : memref<!tpu.dma_semaphore, #tpu.memory_space<semaphore_mem>>)
      } else {
      }
      %add3A_188 = arith.constant 4 : i32
      %add3A_189 = arith.addi %mul3A_65, %add3A_188 : i32
      %mul3A_190 = arith.constant 40 : i32
      %mul3A_191 = arith.muli %add3A_189, %mul3A_190 : i32
      %dma_wait3A_192 = tpu.memref_slice %arg8[%mul3A_191] : memref<10000xi32, #tpu.memory_space<vmem>> -> memref<40xi32, #tpu.memory_space<vmem>>
      %dma_wait3A_193 = arith.constant 0 : i32
      %dma_wait3A_194 = arith.constant 0 : i32
      %dma_wait3A_195 = tpu.memref_slice %arg14[%dma_wait3A_193, %dma_wait3A_194] : memref<10112x128xf32, #tpu.memory_space<vmem_shared>> -> memref<10112x128xf32, #tpu.memory_space<vmem_shared>>
      tpu.wait_indirect_dma semaphore(%arg24 : memref<!tpu.dma_semaphore, #tpu.memory_space<semaphore_mem>>) src(%arg13 : memref<40x128xf32, #tpu.memory_space<vmem>>) dst(%dma_wait3A_195 : memref<10112x128xf32, #tpu.memory_space<vmem_shared>>)
      %add3A_196 = arith.constant 5 : i32
      %add3A_197 = arith.addi %add3A_189, %add3A_196 : i32
      %lt3A_198 = arith.cmpi slt, %add3A_197, %select_n3A_3 : i32
      %convert_element_type3A_199 = arith.extui %lt3A_198 : i1 to i32
      %cond3A_200 = arith.constant 0 : i32
      %cond3A_201 = arith.cmpi ne, %convert_element_type3A_199, %cond3A_200 : i32
      scf.if %cond3A_201 {
        %mul3A_202 = arith.constant 40 : i32
        %mul3A_203 = arith.muli %add3A_197, %mul3A_202 : i32
        %dma_start3A_204 = tpu.memref_slice %arg7[%mul3A_203] : memref<10000xi32, #tpu.memory_space<vmem>> -> memref<40xi32, #tpu.memory_space<vmem>>
        %dma_start3A_205 = arith.constant 0 : i32
        %dma_start3A_206 = arith.constant 0 : i32
        %dma_start3A_207 = tpu.memref_slice %arg2[%dma_start3A_205, %dma_start3A_206] : memref<10000x128xf32, #tpu.memory_space<hbm>> -> memref<10000x128xf32, #tpu.memory_space<hbm>>
        tpu.enqueue_indirect_dma source(%dma_start3A_207 : memref<10000x128xf32, #tpu.memory_space<hbm>>) target(%arg13 : memref<40x128xf32, #tpu.memory_space<vmem>>) offsets(%dma_start3A_204 : memref<40xi32, #tpu.memory_space<vmem>>) semaphore(%arg19 : memref<!tpu.dma_semaphore, #tpu.memory_space<semaphore_mem>>)
      } else {
      }
    }
    %barrier3A_58 = arith.constant 0 : index
    tpu.barrier barrier_id(%barrier3A_58)
    %mul3A_59 = arith.constant 632 : i32
    %mul3A_60 = arith.muli %arg1, %mul3A_59 : i32
    %mul3A_61 = arith.constant 632 : i32
    %mul3A_62 = arith.muli %arg1, %mul3A_61 : i32
    "tpu.region"() ({
      %run_scoped3A = tpu.sem_alloc : memref<!tpu.dma_semaphore, #tpu.memory_space<semaphore_mem>>
      %dma_start3A_63 = arith.constant 0 : i32
      %dma_start3A_64 = tpu.memref_slice %arg6[%arg0, %mul3A_62, %dma_start3A_63] : memref<2x10112x128xf32, #tpu.memory_space<hbm>> -> memref<1x632x128xf32, #tpu.memory_space<hbm>>
      %dma_start3A_65 = tpu.memref_squeeze %dma_start3A_64 : memref<1x632x128xf32, #tpu.memory_space<hbm>> -> memref<632x128xf32, #tpu.memory_space<hbm>>
      %dma_start3A_66 = arith.constant 0 : i32
      %dma_start3A_67 = tpu.memref_slice %arg14[%mul3A_60, %dma_start3A_66] : memref<10112x128xf32, #tpu.memory_space<vmem_shared>> -> memref<632x128xf32, #tpu.memory_space<vmem_shared>>
      tpu.enqueue_dma source(%dma_start3A_67 : memref<632x128xf32, #tpu.memory_space<vmem_shared>>) target(%dma_start3A_65 : memref<632x128xf32, #tpu.memory_space<hbm>>) target_semaphore(%run_scoped3A : memref<!tpu.dma_semaphore, #tpu.memory_space<semaphore_mem>>)
      %dma_wait3A = arith.constant 0 : i32
      %dma_wait3A_68 = tpu.memref_slice %arg6[%arg0, %mul3A_62, %dma_wait3A] : memref<2x10112x128xf32, #tpu.memory_space<hbm>> -> memref<1x632x128xf32, #tpu.memory_space<hbm>>
      %dma_wait3A_69 = tpu.memref_squeeze %dma_wait3A_68 : memref<1x632x128xf32, #tpu.memory_space<hbm>> -> memref<632x128xf32, #tpu.memory_space<hbm>>
      %dma_wait3A_70 = arith.constant 0 : i32
      %dma_wait3A_71 = tpu.memref_slice %arg14[%mul3A_60, %dma_wait3A_70] : memref<10112x128xf32, #tpu.memory_space<vmem_shared>> -> memref<632x128xf32, #tpu.memory_space<vmem_shared>>
      tpu.wait_dma2 semaphore(%run_scoped3A : memref<!tpu.dma_semaphore, #tpu.memory_space<semaphore_mem>>) src(%dma_wait3A_71 : memref<632x128xf32, #tpu.memory_space<vmem_shared>>) dst(%dma_wait3A_69 : memref<632x128xf32, #tpu.memory_space<hbm>>)
      tpu.yield
    }) : () -> ()
    return
  }
}

module attributes {stable_mosaic.version = 14 : i64} {
  func.func @body(%arg0: memref<10000x128xf32, #tpu.memory_space<vmem>>, %arg1: memref<128x128xf32, #tpu.memory_space<vmem>>, %arg2: memref<128x128xf32, #tpu.memory_space<vmem>>, %arg3: memref<1x128xf32, #tpu.memory_space<vmem>>, %arg4: memref<10000x128xf32, #tpu.memory_space<vmem>>, %arg5: memref<10000x128xf32, #tpu.memory_space<vmem>>) attributes {dimension_semantics = [], scalar_prefetch = 0 : i64, scratch_operands = 0 : i64, tpu.core_type = #tpu.core_type<tc>} {
    %get3A = arith.constant 0 : index
    %get3A_0 = arith.constant 0 : index
    %get3A_1 = vector.load %arg0[%get3A, %get3A_0] : memref<10000x128xf32, #tpu.memory_space<vmem>>, vector<10000x128xf32>
    %get3A_2 = arith.constant 0 : index
    %get3A_3 = arith.constant 0 : index
    %get3A_4 = vector.load %arg1[%get3A_2, %get3A_3] : memref<128x128xf32, #tpu.memory_space<vmem>>, vector<128x128xf32>
    %dot_general3A = arith.constant dense<0.000000e+00> : vector<10000x128xf32>
    %dot_general3A_5 = tpu.matmul %get3A_1, %get3A_4, %dot_general3A {dimension_numbers = #tpu.dot_dimension_numbers<[1], [0], [0], [1], [0, 0, 1, 1], [], []>, transpose_lhs_hint = false} : vector<10000x128xf32>, vector<128x128xf32>, vector<10000x128xf32> -> vector<10000x128xf32>
    %swap3A = arith.constant 0 : index
    %swap3A_6 = arith.constant 0 : index
    %swap3A_7 = vector.load %arg4[%swap3A, %swap3A_6] : memref<10000x128xf32, #tpu.memory_space<vmem>>, vector<10000x128xf32>
    tpu.vector_store %arg4[%swap3A, %swap3A_6], %dot_general3A_5 {strides = array<i32>} : memref<10000x128xf32, #tpu.memory_space<vmem>>, vector<10000x128xf32>,
    %get3A_8 = arith.constant 0 : index
    %get3A_9 = arith.constant 0 : index
    %get3A_10 = vector.load %arg2[%get3A_8, %get3A_9] : memref<128x128xf32, #tpu.memory_space<vmem>>, vector<128x128xf32>
    %dot_general3A_11 = arith.constant dense<0.000000e+00> : vector<10000x128xf32>
    %dot_general3A_12 = tpu.matmul %get3A_1, %get3A_10, %dot_general3A_11 {dimension_numbers = #tpu.dot_dimension_numbers<[1], [0], [0], [1], [0, 0, 1, 1], [], []>, transpose_lhs_hint = false} : vector<10000x128xf32>, vector<128x128xf32>, vector<10000x128xf32> -> vector<10000x128xf32>
    %get3A_13 = arith.constant 0 : index
    %get3A_14 = arith.constant 0 : index
    %get3A_15 = vector.load %arg3[%get3A_13, %get3A_14] : memref<1x128xf32, #tpu.memory_space<vmem>>, vector<1x128xf32>
    %add3A = vector.broadcast %get3A_15 : vector<1x128xf32> to vector<10000x128xf32>
    %add3A_16 = arith.addf %dot_general3A_12, %add3A : vector<10000x128xf32>
    %swap3A_17 = arith.constant 0 : index
    %swap3A_18 = arith.constant 0 : index
    %swap3A_19 = vector.load %arg5[%swap3A_17, %swap3A_18] : memref<10000x128xf32, #tpu.memory_space<vmem>>, vector<10000x128xf32>
    tpu.vector_store %arg5[%swap3A_17, %swap3A_18], %add3A_16 {strides = array<i32>} : memref<10000x128xf32, #tpu.memory_space<vmem>>, vector<10000x128xf32>,
    return
  }
}

module attributes {stable_mosaic.version = 14 : i64} {
  func.func @body(%arg0: memref<10112x128xf32, #tpu.memory_space<vmem>>, %arg1: memref<10112x128xf32, #tpu.memory_space<vmem>>, %arg2: memref<10112x128xf32, #tpu.memory_space<vmem>>, %arg3: memref<10112x128xf32, #tpu.memory_space<vmem>>, %arg4: memref<10000x128xf32, #tpu.memory_space<vmem>>, %arg5: memref<128x128xf32, #tpu.memory_space<vmem>>, %arg6: memref<128x128xf32, #tpu.memory_space<vmem>>, %arg7: memref<1x128xf32, #tpu.memory_space<vmem>>, %arg8: memref<10000x128xf32, #tpu.memory_space<vmem>>, %arg9: memref<10000x128xf32, #tpu.memory_space<vmem>>) attributes {dimension_semantics = [], scalar_prefetch = 0 : i64, scratch_operands = 0 : i64, tpu.core_type = #tpu.core_type<tc>} {
    %get3A = arith.constant 0 : index
    %get3A_0 = arith.constant 0 : index
    %get3A_1 = vector.load %arg0[%get3A, %get3A_0] : memref<10112x128xf32, #tpu.memory_space<vmem>>, vector<10000x128xf32>
    %get3A_2 = arith.constant 0 : index
    %get3A_3 = arith.constant 0 : index
    %get3A_4 = vector.load %arg1[%get3A_2, %get3A_3] : memref<10112x128xf32, #tpu.memory_space<vmem>>, vector<10000x128xf32>
    %add3A = arith.addf %get3A_1, %get3A_4 : vector<10000x128xf32>
    %get3A_5 = arith.constant 0 : index
    %get3A_6 = arith.constant 0 : index
    %get3A_7 = vector.load %arg2[%get3A_5, %get3A_6] : memref<10112x128xf32, #tpu.memory_space<vmem>>, vector<10000x1xf32>
    %get3A_8 = arith.constant 0 : index
    %get3A_9 = arith.constant 0 : index
    %get3A_10 = vector.load %arg3[%get3A_8, %get3A_9] : memref<10112x128xf32, #tpu.memory_space<vmem>>, vector<10000x1xf32>
    %add3A_11 = arith.addf %get3A_7, %get3A_10 : vector<10000x1xf32>
    %max3A = arith.constant 1.000000e+00 : f32
    %max3A_12 = vector.broadcast %max3A : f32 to vector<10000x1xf32>
    %max3A_13 = arith.maximumf %add3A_11, %max3A_12 : vector<10000x1xf32>
    %div3A = arith.constant 1.000000e+00 : f32
    %div3A_14 = vector.broadcast %div3A : f32 to vector<10000x1xf32>
    %div3A_15 = arith.divf %div3A_14, %max3A_13 : vector<10000x1xf32>
    %mul3A = vector.broadcast %div3A_15 : vector<10000x1xf32> to vector<10000x128xf32>
    %mul3A_16 = arith.mulf %add3A, %mul3A : vector<10000x128xf32>
    %get3A_17 = arith.constant 0 : index
    %get3A_18 = arith.constant 0 : index
    %get3A_19 = vector.load %arg4[%get3A_17, %get3A_18] : memref<10000x128xf32, #tpu.memory_space<vmem>>, vector<10000x128xf32>
    %add3A_20 = arith.addf %mul3A_16, %get3A_19 : vector<10000x128xf32>
    %max3A_21 = arith.constant 0.000000e+00 : f32
    %max3A_22 = vector.broadcast %max3A_21 : f32 to vector<10000x128xf32>
    %max3A_23 = arith.maximumf %add3A_20, %max3A_22 : vector<10000x128xf32>
    %get3A_24 = arith.constant 0 : index
    %get3A_25 = arith.constant 0 : index
    %get3A_26 = vector.load %arg5[%get3A_24, %get3A_25] : memref<128x128xf32, #tpu.memory_space<vmem>>, vector<128x128xf32>
    %dot_general3A = arith.constant dense<0.000000e+00> : vector<10000x128xf32>
    %dot_general3A_27 = tpu.matmul %max3A_23, %get3A_26, %dot_general3A {dimension_numbers = #tpu.dot_dimension_numbers<[1], [0], [0], [1], [0, 0, 1, 1], [], []>, transpose_lhs_hint = false} : vector<10000x128xf32>, vector<128x128xf32>, vector<10000x128xf32> -> vector<10000x128xf32>
    %swap3A = arith.constant 0 : index
    %swap3A_28 = arith.constant 0 : index
    %swap3A_29 = vector.load %arg8[%swap3A, %swap3A_28] : memref<10000x128xf32, #tpu.memory_space<vmem>>, vector<10000x128xf32>
    tpu.vector_store %arg8[%swap3A, %swap3A_28], %dot_general3A_27 {strides = array<i32>} : memref<10000x128xf32, #tpu.memory_space<vmem>>, vector<10000x128xf32>,
    %get3A_30 = arith.constant 0 : index
    %get3A_31 = arith.constant 0 : index
    %get3A_32 = vector.load %arg6[%get3A_30, %get3A_31] : memref<128x128xf32, #tpu.memory_space<vmem>>, vector<128x128xf32>
    %dot_general3A_33 = arith.constant dense<0.000000e+00> : vector<10000x128xf32>
    %dot_general3A_34 = tpu.matmul %max3A_23, %get3A_32, %dot_general3A_33 {dimension_numbers = #tpu.dot_dimension_numbers<[1], [0], [0], [1], [0, 0, 1, 1], [], []>, transpose_lhs_hint = false} : vector<10000x128xf32>, vector<128x128xf32>, vector<10000x128xf32> -> vector<10000x128xf32>
    %get3A_35 = arith.constant 0 : index
    %get3A_36 = arith.constant 0 : index
    %get3A_37 = vector.load %arg7[%get3A_35, %get3A_36] : memref<1x128xf32, #tpu.memory_space<vmem>>, vector<1x128xf32>
    %add3A_38 = vector.broadcast %get3A_37 : vector<1x128xf32> to vector<10000x128xf32>
    %add3A_39 = arith.addf %dot_general3A_34, %add3A_38 : vector<10000x128xf32>
    %swap3A_40 = arith.constant 0 : index
    %swap3A_41 = arith.constant 0 : index
    %swap3A_42 = vector.load %arg9[%swap3A_40, %swap3A_41] : memref<10000x128xf32, #tpu.memory_space<vmem>>, vector<10000x128xf32>
    tpu.vector_store %arg9[%swap3A_40, %swap3A_41], %add3A_39 {strides = array<i32>} : memref<10000x128xf32, #tpu.memory_space<vmem>>, vector<10000x128xf32>,
    return
  }
}

module attributes {stable_mosaic.version = 14 : i64} {
  func.func @body(%arg0: memref<10112x128xf32, #tpu.memory_space<vmem>>, %arg1: memref<10112x128xf32, #tpu.memory_space<vmem>>, %arg2: memref<10112x128xf32, #tpu.memory_space<vmem>>, %arg3: memref<10112x128xf32, #tpu.memory_space<vmem>>, %arg4: memref<10000x128xf32, #tpu.memory_space<vmem>>, %arg5: memref<10000x128xf32, #tpu.memory_space<vmem>>) attributes {dimension_semantics = [], scalar_prefetch = 0 : i64, scratch_operands = 0 : i64, tpu.core_type = #tpu.core_type<tc>} {
    %get3A = arith.constant 0 : index
    %get3A_0 = arith.constant 0 : index
    %get3A_1 = vector.load %arg0[%get3A, %get3A_0] : memref<10112x128xf32, #tpu.memory_space<vmem>>, vector<10000x128xf32>
    %get3A_2 = arith.constant 0 : index
    %get3A_3 = arith.constant 0 : index
    %get3A_4 = vector.load %arg1[%get3A_2, %get3A_3] : memref<10112x128xf32, #tpu.memory_space<vmem>>, vector<10000x128xf32>
    %add3A = arith.addf %get3A_1, %get3A_4 : vector<10000x128xf32>
    %get3A_5 = arith.constant 0 : index
    %get3A_6 = arith.constant 0 : index
    %get3A_7 = vector.load %arg2[%get3A_5, %get3A_6] : memref<10112x128xf32, #tpu.memory_space<vmem>>, vector<10000x1xf32>
    %get3A_8 = arith.constant 0 : index
    %get3A_9 = arith.constant 0 : index
    %get3A_10 = vector.load %arg3[%get3A_8, %get3A_9] : memref<10112x128xf32, #tpu.memory_space<vmem>>, vector<10000x1xf32>
    %add3A_11 = arith.addf %get3A_7, %get3A_10 : vector<10000x1xf32>
    %max3A = arith.constant 1.000000e+00 : f32
    %max3A_12 = vector.broadcast %max3A : f32 to vector<10000x1xf32>
    %max3A_13 = arith.maximumf %add3A_11, %max3A_12 : vector<10000x1xf32>
    %div3A = arith.constant 1.000000e+00 : f32
    %div3A_14 = vector.broadcast %div3A : f32 to vector<10000x1xf32>
    %div3A_15 = arith.divf %div3A_14, %max3A_13 : vector<10000x1xf32>
    %mul3A = vector.broadcast %div3A_15 : vector<10000x1xf32> to vector<10000x128xf32>
    %mul3A_16 = arith.mulf %add3A, %mul3A : vector<10000x128xf32>
    %get3A_17 = arith.constant 0 : index
    %get3A_18 = arith.constant 0 : index
    %get3A_19 = vector.load %arg4[%get3A_17, %get3A_18] : memref<10000x128xf32, #tpu.memory_space<vmem>>, vector<10000x128xf32>
    %add3A_20 = arith.addf %mul3A_16, %get3A_19 : vector<10000x128xf32>
    %max3A_21 = arith.constant 0.000000e+00 : f32
    %max3A_22 = vector.broadcast %max3A_21 : f32 to vector<10000x128xf32>
    %max3A_23 = arith.maximumf %add3A_20, %max3A_22 : vector<10000x128xf32>
    %swap3A = arith.constant 0 : index
    %swap3A_24 = arith.constant 0 : index
    %swap3A_25 = vector.load %arg5[%swap3A, %swap3A_24] : memref<10000x128xf32, #tpu.memory_space<vmem>>, vector<10000x128xf32>
    tpu.vector_store %arg5[%swap3A, %swap3A_24], %max3A_23 {strides = array<i32>} : memref<10000x128xf32, #tpu.memory_space<vmem>>, vector<10000x128xf32>,
    return
  }
}

</mosaic_0001>

<sc_bundles>
// kernel: kernel.12.cloned.1.call-start
scs
__scs_entry_jumppad:
0x0: {  	(pc) =	sbr.rel $0x88, $3  }
0x1: {  	(tag) =	ssettag $0x0;
	lr =	simm.s32 $0x1  }
0x2: {  	[smem:$0x3F93] =	sst lr;
	_ =	strace $0xD0000000  }
0x3: {  	_ = 	snop  }
0x4: {  	_ = 	snop  }
0x5: {  	_ = 	snop  }
0x6: {  	_ = 	snop  }
0x7: {  	_ = 	snop  }
__scs_overlays_trampoline_lowered:
0x8: {  	[smem:$0x3FA2] =	sst s0  }
0x9: {  	[smem:$0x3FA3] =	sst s1  }
0xa: {  	[smem:$0x3FA4] =	sst s2  }
0xb: {  	[smem:$0x3FA5] =	sst s3  }
0xc: {  	[smem:$0x3FA6] =	sst s4  }
0xd: {  	[smem:$0x3FA7] =	sst s5  }
0xe: {  	[smem:$0x3FA8] =	sst s6  }
0xf: {  	[smem:$0x3FA9] =	sst s7  }
0x10: {  	[smem:$0x3FAA] =	sst s8  }
0x11: {  	[smem:$0x3FAB] =	sst s9;
	s0 =	simm.s32 @!p0 $0x0  }
0x12: {  	s1 =	sld [smem:$0x3F91];
	s0 =	simm.s32 @p0 $0x1  }
0x13: {  	[smem:$0x3FAC] =	sst s0;
	s0 =	simm.s32 @!p1 $0x0  }
0x14: {  	s2 =	sld [smem:$0x3F90];
	s0 =	simm.s32 @p1 $0x1  }
0x15: {  	[smem:$0x3FAD] =	sst s0;
	s0 =	simm.s32 @!p2 $0x0  }
0x16: {  	s3 =	sld [smem:$0x3FDB];
	s0 =	simm.s32 @p2 $0x1  }
0x17: {  	s4 =	simm.s32 $0x1BF5;
	[smem:$0x3FAF] =	sst s0  }
0x18: {  	s0 =	sld [smem:$0x3F92];
	_ =	swait.ge [sflag:s4], $0x0  }
0x19: {  	s7 =	sld [smem:$0x3F93]  }
0x1a: {  	s8 =	sadd.s32 $0xFFFFE003, lr  }
0x1b: {  	s9 =	sadd.s32 $0xFFFFFEF7, lr;
	s5 =	simm.s32 $0xFFFFFFFF;
	p2 =	slt.u32 s8, $0xFFFFF086  }
0x1c: {  	p1 =	slt.u32 s9, $0xF7A;
	s5 =	simm.s32 @!p2 $0x0  }
0x1d: {  	s5 =	simm.s32 @p1 $0x1;
	p0 =	seq.s32 s7, s2  }
0x1e: {  	s7 =	smul.u32 @!p0 $0xF7A, s2;
	p2 =	seq.s32 @!p0 s5, $0x0  }
0x1f: {  	s9 =	smul.u32 $0xF7A, s1;
	s8 =	simm.s32 @!p0 $0x1BF5;
	p2 =	por !p2, p0  }
0x20: {  	[sflag:s8] =	ssyncset.s32 @!p0 $0xFFFFF086;
	s6 =	sadd.s32 @!p0 s3, s7;
	s7 =	simm.s32 @!p0 $0x108  }
0x21: {  	s3 =	sadd.s32 s3, s9;
	s6 =	sadd.s32 @!p0 $0x88, s6;
	s7 =	simm.s32 @p2 $0x1082  }
0x22: {  	[simem:s7], [sflag:s8] =	dma.local @!p0 [hbm:s6], $0xF7A  }
0x23: {  	s9 =	sor.u32 $0xD0000000, s2;
	s6 =	simm.s32 $0x108;
	_ =	swait.ge @!p0 [sflag:s8], $0x0  }
0x24: {  	s3 =	sadd.s32 $0x88, s3;
	s6 =	simm.s32 @!p1 $0x1082;
	[sflag:s4] =	ssyncset.s32 $0xFFFFF086  }
0x25: {  	[simem:s6], [sflag:s4] =	dma.local [hbm:s3], $0xF7A  }
0x26: {  	[smem:$0x3F93] =	sst s1;
	(tag) =	ssettag s2;
	_ =	strace s9  }
0x27: {  	s1 =	sld [smem:$0x3FA3]  }
0x28: {  	s2 =	sld [smem:$0x3FA4]  }
0x29: {  	s4 =	sld [smem:$0x3FA6]  }
0x2a: {  	p0 =	seq.s32 s5, $0x0;
	s5 =	sld [smem:$0x3FA7]  }
0x2b: {  	s6 =	sld [smem:$0x3FA8]  }
0x2c: {  	s7 =	sld [smem:$0x3FA9]  }
0x2d: {  	s3 =	simm.s32 $0x108;
	s8 =	sld [smem:$0x3FAA]  }
0x2e: {  	s3 =	simm.s32 @!p0 $0x1082;
	s9 =	sld [smem:$0x3FAB]  }
0x2f: {  	lr =	sadd.s32 s0, s3;
	s0 =	sld [smem:$0x3FA2]  }
0x30: {  	s3 =	sld [smem:$0x3FA5]  }
0x31: {  	[smem:$0x3FAE] =	sst s10  }
0x32: {  	s10 =	sld [smem:$0x3FAC];
	_ =	sdelay $0x3  }
0x33: {  	p0 =	seq.s32 s10, $0x1;
	s10 =	sld [smem:$0x3FAE];
	_ =	sdelay $0x3  }
0x34: {  	[smem:$0x3FAE] =	sst s10  }
0x35: {  	s10 =	sld [smem:$0x3FAD];
	_ =	sdelay $0x3  }
0x36: {  	p1 =	seq.s32 s10, $0x1;
	s10 =	sld [smem:$0x3FAE];
	_ =	sdelay $0x3  }
0x37: {  	[smem:$0x3FAE] =	sst s10  }
0x38: {  	s10 =	sld [smem:$0x3FAF]  }
0x39: {  	_ = 	snop;
	(pc) =	sbr.ind lr, $3  }
0x3a: {  	_ = 	snop  }
0x3b: {  	_ = 	snop  }
0x3c: {  	p2 =	seq.s32 s10, $0x1;
	s10 =	sld [smem:$0x3FAE]  }
0x3d: {  	_ =	shalt  }
0x3e: {  	_ =	shalt  }
0x3f: {  	_ =	shalt  }
0x40: {  	_ =	shalt  }
0x41: {  	_ =	shalt  }
0x42: {  	_ =	shalt  }
0x43: {  	_ =	shalt  }
0x44: {  	_ =	shalt  }
0x45: {  	_ =	shalt  }
0x46: {  	_ =	shalt  }
0x47: {  	_ =	shalt  }
0x48: {  	_ =	shalt  }
0x49: {  	_ =	shalt  }
0x4a: {  	_ =	shalt  }
0x4b: {  	_ =	shalt  }
0x4c: {  	_ =	shalt  }
0x4d: {  	_ =	shalt  }
0x4e: {  	_ =	shalt  }
0x4f: {  	_ =	shalt  }
0x50: {  	_ =	shalt  }
0x51: {  	_ =	shalt  }
0x52: {  	_ =	shalt  }
0x53: {  	_ =	shalt  }
0x54: {  	_ =	shalt  }
0x55: {  	_ =	shalt  }
0x56: {  	_ =	shalt  }
0x57: {  	_ =	shalt  }
0x58: {  	_ =	shalt  }
0x59: {  	_ =	shalt  }
0x5a: {  	_ =	shalt  }
0x5b: {  	_ =	shalt  }
0x5c: {  	_ =	shalt  }
0x5d: {  	_ =	shalt  }
0x5e: {  	_ =	shalt  }
0x5f: {  	_ =	shalt  }
0x60: {  	_ =	shalt  }
0x61: {  	_ =	shalt  }
0x62: {  	_ =	shalt  }
0x63: {  	_ =	shalt  }
0x64: {  	_ =	shalt  }
0x65: {  	_ =	shalt  }
0x66: {  	_ =	shalt  }
0x67: {  	_ =	shalt  }
0x68: {  	_ =	shalt  }
0x69: {  	_ =	shalt  }
0x6a: {  	_ =	shalt  }
0x6b: {  	_ =	shalt  }
0x6c: {  	_ =	shalt  }
0x6d: {  	_ =	shalt  }
0x6e: {  	_ =	shalt  }
0x6f: {  	_ =	shalt  }
0x70: {  	_ =	shalt  }
0x71: {  	_ =	shalt  }
0x72: {  	_ =	shalt  }
0x73: {  	_ =	shalt  }
0x74: {  	_ =	shalt  }
0x75: {  	_ =	shalt  }
0x76: {  	_ =	shalt  }
0x77: {  	_ =	shalt  }
0x78: {  	_ =	shalt  }
0x79: {  	_ =	shalt  }
0x7a: {  	_ =	shalt  }
0x7b: {  	_ =	shalt  }
0x7c: {  	_ =	shalt  }
0x7d: {  	_ =	shalt  }
0x7e: {  	_ =	shalt  }
0x7f: {  	_ =	shalt  }
0x80: {  	_ =	shalt  }
0x81: {  	_ =	shalt  }
0x82: {  	_ =	shalt  }
0x83: {  	_ =	shalt  }
0x84: {  	_ =	shalt  }
0x85: {  	_ =	shalt  }
0x86: {  	_ =	shalt  }
0x87: {  	_ =	shalt  }
.Lfunc_end0:
.L_simem_size_0:
called_computation_lowered:
.L_overlay_start_0:
0x88: {  	s2 =	sld [smem:$0x3FD9]  }
0x89: {  	s3 =	sld [smem:$0x3FFE];
	_ =	sdelay $0x1  }
0x8a: {  	s1 =	srdreg.scid  }
0x8b: {  	s0 =	sand.u32 $0x1, s1  }
0x8c: {  	s17 =	sshll.u32 s0, $0xA;
	s2 =	sadd.s32 s3, s2  }
0x8d: {  	s2 =	sadd.s32 s2, s17  }
0x8e: {  	[smem:$0x3FBA] =	sst s2  }
0x8f: {  	_ = 	snop  }
0x90: {  	(tm) =	ssettm $0x1  }
0x91: {  	s18 =	sld [smem:$0x3FFB];
	_ =	sdelay $0x3  }
0x92: {  	_ =	strace s18  }
0x93: {  	s2 =	sld [smem:$0x3FFC];
	_ =	sdelay $0x3  }
0x94: {  	_ =	strace s2  }
0x95: {  	s2 =	sld [smem:$0x3FFD];
	_ =	sdelay $0x3  }
0x96: {  	_ =	strace s2  }
0x97: {  	_ =	strace $0x8FFFFFFF  }
0x98: {  	s19 =	sld [smem:$0x3FDB];
	_ =	sdelay $0x1  }
0x99: {  	s20 =	simm.s32 $_scs_section_size  }
0x9a: {  	s4 =	simm.s32 $_size__tile_overlayer_lowered;
	s5 =	simm.s32 $_tile_overlayer_lowered  }
0x9b: {  	s6 =	simm.s32 $0x1BFF;
	s21 =	sshll.u32 s5, $0x1;
	s3 =	sadd.s32 s20, s19  }
0x9c: {  	s22 =	simm.s32 $0x0;
	s4 =	sshll.u32 s4, $0x1;
	s5 =	sadd.s32 s21, s3  }
0x9d: {  	[timem:s22], [sflag:s6] =	dma.local [hbm:s5], s4  }
0x9e: {  	_ =	swait.ge [sflag:s6], s4  }
0x9f: {  	s4 =	ssub.s32 $0x0, s4;
	[sflag:s6] =	ssyncset.done $0x0  }
0xa0: {  	[sflag:s6] =	ssyncadd.s32 s4;
	_ =	sdelay $0x1  }
0xa1: {  	s23 =	simm.s32 $0x1B8B  }
0xa2: {  	_ =	swait.ge [sflag:s23], $0x1  }
0xa3: {  	[sflag:s23] =	ssyncset.done $0x0  }
0xa4: {  	[sflag:s23] =	ssyncadd.s32 $0xFFFFFFFF  }
0xa5: {  	s4 =	sld [smem:$0x0]  }
0xa6: {  	s5 =	sand.u32 $0xFFFFFFFE, s1  }
0xa7: {  	p0 =	sne.s32 s1, s5  }
0xa8: {  	s5 =	sshll.u32 @p0 s5, $0xE  }
0xa9: {  	s5 =	sadd.s32 @p0 $0x11B8D, s5;
	s6 =	sshll.u32 @p0 s4, $0x11  }
0xaa: {  	s5 =	sor.u32 @p0 s6, s5  }
0xab: {  	[sflag:s5] =	ssyncadd.remote.s32 @p0 $0x1;
	_ =	sdelay $0x1  }
0xac: {  	s5 =	simm.s32 @p0 $0x1B8D  }
0xad: {  	_ =	swait.eq @p0 [sflag:s5], $0x1  }
0xae: {  	[sflag:s5] =	ssyncadd.s32 @p0 $0xFFFFFFFF  }
0xaf: {  	s6 =	sshll.u32 @!p0 s1, $0xE  }
0xb0: {  	s6 =	sor.u32 @!p0 $0x4000, s6;
	s5 =	simm.s32 @!p0 $0x1B8D  }
0xb1: {  	s4 =	sshll.u32 @!p0 s4, $0x11;
	s6 =	sadd.s32 @!p0 $0x11B8D, s6;
	_ =	swait.eq @!p0 [sflag:s5], $0x1  }
0xb2: {  	s4 =	sor.u32 @!p0 s4, s6;
	[sflag:s5] =	ssyncadd.s32 @!p0 $0xFFFFFFFF  }
0xb3: {  	s25 =	simm.s32 $0x1B8E;
	s24 =	sld [smem:$0x3FFE];
	[sflag:s4] =	ssyncadd.remote.s32 @!p0 $0x1  }
0xb4: {  	s26 =	simm.s32 $execute0_lowered;
	[smem:$0x3FD2] =	sst s25  }
0xb5: {  	s5 =	sshll.u32 s26, $0x1;
	_ =	strace $0x80000049;
	[dreg:$0x1] =	wrdreg $0xFFFFFFFF  }
0xb6: {  	s28 =	simm.s32 $_size_execute0_lowered;
	s3 =	sadd.s32 s3, s5;
	[dreg:$0x0] =	wrdreg $0x0  }
0xb7: {  	s5 =	sshll.u32 s28, $0x1;
	[dreg:$0x2] =	wrdreg s3  }
0xb8: {  	[dreg:$0x3] =	wrdreg s5  }
0xb9: {  	[dreg:$0x4] =	wrdreg $0xC0  }
0xba: {  	_ =	task [dreg:s22], $0x5FFFF  }
0xbb: {  	[dreg:$0x1] =	wrdreg $0xFFFFFFFF  }
0xbc: {  	[dreg:$0x0] =	wrdreg $0x60  }
0xbd: {  	[dreg:$0x2] =	wrdreg s24  }
0xbe: {  	[dreg:$0x3] =	wrdreg $0x68000  }
0xbf: {  	[dreg:$0x4] =	wrdreg $0x9  }
0xc0: {  	_ =	task.clear_ibuf [dreg:s22], $0x5FFFF;
	_ =	strace $0x90000049  }
0xc1: {  	s29 =	simm.s32 $0x9;
	_ =	strace $0x8000004B  }
0xc2: {  	_ =	swait.ge [sflag:s29], $0x1  }
0xc3: {  	[sflag:s29] =	ssyncadd.s32 $0xFFFFFFFF  }
0xc4: {  	_ =	strace $0x9000004B  }
0xc5: {  	_ =	sfence  }
0xc6: {  	s30 =	sld [smem:$0x0];
	_ =	sdelay $0x2  }
0xc7: {  	s31 =	sshll.u32 s1, $0xD;
	s1 =	sshrl.u32 s1, $0x2  }
0xc8: {  	s4 =	sand.u32 $0x4000, s31;
	s1 =	sadd.s32 s1, s30  }
0xc9: {  	s0 =	sor.u32 s4, s0;
	s1 =	sshll.u32 s1, $0x11  }
0xca: {  	s0 =	sor.u32 s1, s0  }
0xcb: {  	s0 =	sadd.s32 $0x8F2B, s0  }
0xcc: {  	[sflag:s0] =	ssyncadd.remote.s32 $0x1  }
0xcd: {  	_ =	sfence.sel $0xFFFF  }
0xce: {  	[dreg:$0x0] =	wrdreg $0xFFFFFFFF;
	(pc) =	sbr.abs _section_cstart, $3  }
0xcf: {  	[dreg:$0x1] =	wrdreg $0xFFFFFFFF  }
0xd0: {  	_ =	task.clear_ibuf [dreg:s22], $0x2FFFF;
	_ =	strace $0x9FFFFFFF  }
0xd1: {  	(tm) =	ssettm $0x7FFFFFFF  }
tec
execute0_lowered:
.L_overlay_start_1:
0x0: {  	(tag) =	ssettag $0x1  }
0x1: {  	s1 =	srdreg.scid;
	s5 =	rddreg [dreg:$0x0]  }
0x2: {  	s0 =	stileid.u32;
	s2 =	rddreg [dreg:$0x1];
	s3 =	simm.s32 $0x0  }
0x3: {  	s13 =	simm.s32 $0x80;
	s14 =	simm.s32 $0x100;
	s15 =	simm.s32 $0x180  }
0x4: {  	s16 =	simm.s32 $0x1;
	s17 =	simm.s32 $0x2;
	s18 =	simm.s32 $0x3  }
0x5: {  	s19 =	simm.s32 $0x4;
	s20 =	simm.s32 $0x0;
	s4 =	sand.u32 $0x1, s1  }
0x6: {  	s29 =	sshll.u32 s0, $0x1;
	s7 =	smul.u32 $0x13C00, s0;
	s1 =	rddreg [dreg:$0x2]  }
0x7: {  	[smem:$0x7FF] =	sst s3;
	s10 =	smul.u32 $0x4F000, s0;
	s31 =	sshll.u32 s0, $0x6  }
0x8: {  	s6 =	sor.u32 s4, s29;
	s9 =	smul.u32 $0x13C000, s4;
	_ =	strace $0x8000004A  }
0x9: {  	s30 =	ssub.s32 $0x2, s4;
	s4 =	sadd.s32 $0x98600, s5;
	s6 =	smul.u32 $0x500, s6  }
0xa: {  	s8 =	sshrl.u32 s7, $0x3;
	s11 =	sshrl.u32 s30, $0x1;
	s10 =	sshrl.u32 s10, $0x2  }
0xb: {  	s8 =	sadd.s32 s8, s5;
	s7 =	sadd.s32 s7, s9;
	s9 =	ssub.s32 s30, s11  }
0xc: {  	s12 =	sadd.s32 s10, s2;
	s10 =	simm.s32 $0x2800;
	s11 =	sor.u32 $0x1C05, s31  }
0xd: {  	s6 =	sadd.s32 s6, s5;
	s7 =	sshrl.u32 s7, $0x3;
	s12 =	sshrl.u32 s12, $0x3  }
0xe: {  	s7 =	sadd.s32 s7, s5;
	s5 =	sadd.s32 $0x8E600, s6;
	s6 =	sadd.s32 $0x17E00, s8  }
0xf: {  	s8 =	smax.u32 s9, $0x1;
	s9 =	simm.s32 $0x5;
	s7 =	sadd.s32 $0x98E00, s7  }
.LBB2_1:
0x10: {  	[tilespmem:s3], [sflag:$0x5] =	stream.linear.gather [hbm4b:s5+s3], $0x2800, $0x38;
	[tilespmem:$0x1A400] =	vst v63  }
0x11: {  	_ =	swait.ge [sflag:s9], $0x2800  }
0x12: {  	[sflag:s9] =	ssyncset.done $0x0  }
0x13: {  	[sflag:s9] =	ssyncadd.s32 $0xFFFFD800  }
0x14: {  	[tilespmem:s10], [sflag:$0x5] =	stream.linear.gather [hbm4b:s4+s3], $0x4000, $0x38;
	[tilespmem:$0x1A400] =	vst v63  }
0x15: {  	_ =	swait.ge [sflag:s9], $0x4000  }
0x16: {  	[sflag:s9] =	ssyncset.done $0x0  }
0x17: {  	[sflag:s9] =	ssyncadd.s32 $0xFFFFC000  }
0x18: {  	[spmem:s12], [sflag:s11] =	dma.local [hbm:s6], $0x2780  }
0x19: {  	_ =	swait.ge [sflag:s9], $0x2780  }
0x1a: {  	[sflag:s9] =	ssyncset.done $0x0  }
0x1b: {  	[sflag:s9] =	ssyncadd.s32 $0xFFFFD880  }
0x1c: {  	[bflag:$0x0] =	sbarrier.arrive $0xFFFF  }
0x1d: {  	[spmem:s2] =	stream.indirect.scatter.add.f32 [tilespmem:s10], [sflag:$0x1], $0x80, s3, s13, $0xb8;
	[tilespmem:$0x1A400] =	vst v63  }
0x1e: {  	_ = 	snop  }
0x1f: {  	[spmem:s2] =	stream.indirect.scatter.add.f32 [tilespmem:s10], [sflag:$0x2], $0x80, s13, s13, $0xb8;
	[tilespmem:$0x1A400] =	vst v63  }
0x20: {  	_ = 	snop  }
0x21: {  	[spmem:s2] =	stream.indirect.scatter.add.f32 [tilespmem:s10], [sflag:$0x3], $0x80, s14, s13, $0xb8;
	[tilespmem:$0x1A400] =	vst v63  }
0x22: {  	_ = 	snop  }
0x23: {  	[spmem:s2] =	stream.indirect.scatter.add.f32 [tilespmem:s10], [sflag:$0x4], $0x80, s15, s13, $0xb8;
	[tilespmem:$0x1A400] =	vst v63  }
0x24: {  	_ =	swait.ge [sflag:s16], $0x4000  }
0x25: {  	[sflag:s16] =	ssyncset.done $0x0  }
0x26: {  	s21 =	simm.s32 $0x200;
	[sflag:s16] =	ssyncadd.s32 $0xFFFFC000  }
0x27: {  	[spmem:s2] =	stream.indirect.scatter.add.f32 [tilespmem:s10], [sflag:$0x1], $0x80, s21, s13, $0xb8;
	[tilespmem:$0x1A400] =	vst v63  }
0x28: {  	_ =	swait.ge [sflag:s17], $0x4000  }
0x29: {  	[sflag:s17] =	ssyncset.done $0x0  }
0x2a: {  	s30 =	simm.s32 $0x280;
	[sflag:s17] =	ssyncadd.s32 $0xFFFFC000  }
0x2b: {  	[spmem:s2] =	stream.indirect.scatter.add.f32 [tilespmem:s10], [sflag:$0x2], $0x80, s30, s13, $0xb8;
	[tilespmem:$0x1A400] =	vst v63  }
0x2c: {  	_ =	swait.ge [sflag:s18], $0x4000  }
0x2d: {  	[sflag:s18] =	ssyncset.done $0x0  }
0x2e: {  	s31 =	simm.s32 $0x300;
	[sflag:s18] =	ssyncadd.s32 $0xFFFFC000  }
0x2f: {  	[spmem:s2] =	stream.indirect.scatter.add.f32 [tilespmem:s10], [sflag:$0x3], $0x80, s31, s13, $0xb8;
	[tilespmem:$0x1A400] =	vst v63  }
0x30: {  	_ =	swait.ge [sflag:s19], $0x4000  }
0x31: {  	[sflag:s19] =	ssyncset.done $0x0  }
0x32: {  	s22 =	simm.s32 $0x380;
	s21 =	simm.s32 $0xFFFF7000;
	[sflag:s19] =	ssyncadd.s32 $0xFFFFC000  }
.LBB2_2:
0x33: {  	[spmem:s2] =	stream.indirect.scatter.add.f32 [tilespmem:s10], [sflag:$0x4], $0x80, s22, s13, $0xb8;
	[tilespmem:$0x1A400] =	vst v63  }
0x34: {  	s22 =	smov.u32 s21  }
0x35: {  	p0 =	sne.s32 s21, $0xFFFFF800;
	s21 =	sadd.s32 $0x800, s21;
	_ =	swait.ge [sflag:s16], $0x4000  }
0x36: {  	s22 =	sshra.s32 s22, $0x2;
	[sflag:s16] =	ssyncset.done $0x0  }
0x37: {  	s23 =	sadd.s32 $0x2800, s22;
	[sflag:s16] =	ssyncadd.s32 $0xFFFFC000  }
0x38: {  	[spmem:s2] =	stream.indirect.scatter.add.f32 [tilespmem:s10], [sflag:$0x1], $0x80, s23, s13, $0xb8;
	[tilespmem:$0x1A400] =	vst v63  }
0x39: {  	_ =	swait.ge [sflag:s17], $0x4000  }
0x3a: {  	[sflag:s17] =	ssyncset.done $0x0  }
0x3b: {  	s23 =	sadd.s32 $0x2880, s22;
	[sflag:s17] =	ssyncadd.s32 $0xFFFFC000  }
0x3c: {  	[spmem:s2] =	stream.indirect.scatter.add.f32 [tilespmem:s10], [sflag:$0x2], $0x80, s23, s13, $0xb8;
	[tilespmem:$0x1A400] =	vst v63  }
0x3d: {  	_ =	swait.ge [sflag:s18], $0x4000  }
0x3e: {  	[sflag:s18] =	ssyncset.done $0x0  }
.Ltmp0:
0x3f: {  	s23 =	sadd.s32 $0x2900, s22;
	[sflag:s18] =	ssyncadd.s32 $0xFFFFC000;
	(pc) =	sbr.rel @p0 .LBB2_2-.Ltmp0, $4  }
0x40: {  	[spmem:s2] =	stream.indirect.scatter.add.f32 [tilespmem:s10], [sflag:$0x3], $0x80, s23, s13, $0xb8;
	[tilespmem:$0x1A400] =	vst v63  }
0x41: {  	_ =	swait.ge [sflag:s19], $0x4000  }
0x42: {  	[sflag:s19] =	ssyncset.done $0x0  }
0x43: {  	s22 =	sadd.s32 $0x2980, s22;
	[sflag:s19] =	ssyncadd.s32 $0xFFFFC000  }
0x44: {  	[spmem:s2] =	stream.indirect.scatter.add.f32 [tilespmem:s10], [sflag:$0x4], $0x80, s22, s13, $0xb8;
	[tilespmem:$0x1A400] =	vst v63  }
0x45: {  	_ =	swait.ge [sflag:s16], $0x4000  }
0x46: {  	[sflag:s16] =	ssyncset.done $0x0  }
0x47: {  	[sflag:s16] =	ssyncadd.s32 $0xFFFFC000  }
0x48: {  	_ =	swait.ge [sflag:s17], $0x4000  }
0x49: {  	[sflag:s17] =	ssyncset.done $0x0  }
0x4a: {  	[sflag:s17] =	ssyncadd.s32 $0xFFFFC000  }
0x4b: {  	_ =	swait.ge [sflag:s18], $0x4000  }
0x4c: {  	[sflag:s18] =	ssyncset.done $0x0  }
0x4d: {  	[sflag:s18] =	ssyncadd.s32 $0xFFFFC000  }
0x4e: {  	_ =	swait.ge [sflag:s19], $0x4000  }
0x4f: {  	s20 =	sadd.s32 $0x1, s20;
	[sflag:s19] =	ssyncset.done $0x0  }
0x50: {  	p0 =	sne.s32 s20, s8;
	[sflag:s19] =	ssyncadd.s32 $0xFFFFC000  }
.Ltmp1:
0x51: {  	[bflag:$0x0] =	sbarrier.arrive $0xFFFF;
	(pc) =	sbr.rel @p0 .LBB2_1-.Ltmp1, $4  }
0x52: {  	[hbm:s7], [sflag:s11] =	dma.local [spmem:s12], $0x2780  }
0x53: {  	_ =	swait.ge [sflag:s9], $0x2780  }
0x54: {  	[sflag:s9] =	ssyncset.done $0x0  }
0x55: {  	[sflag:s9] =	ssyncadd.s32 $0xFFFFD880  }
0x56: {  	_ =	sfence.sel $0x180000  }
0x57: {  	[bflag:$0x0] =	sbarrier.arrive $0xFFFF  }
0x58: {  	p0 =	sne.s32 s0, $0x0;
	_ =	strace $0x9000004A  }
0x59: {  	s0 =	sadd.s32 @!p0 $0x100000, s1;
	[bflag:$0x2] =	sbarrier.arrive $0xFFFF  }
0x5a: {  	[sflag:s0] =	ssyncadd.tile.s32 @!p0 $0x1;
	_ =	shalt  }
.Lfunc_end2:
_tile_overlayer_lowered:
.L_overlay_start_2:
0x5b: {  	(tag) =	ssettag $0x2  }
0x5c: {  	s0 =	rddreg [dreg:$0x0];
	s2 =	stileid.u32  }
0x5d: {  	s1 =	rddreg [dreg:$0x1];
	p0 =	sne.s32 s2, $0x0  }
0x5e: {  	s3 =	rddreg [dreg:$0x2];
	[bflag:$0x3] =	sbarrier.arrive $0xFFFF;
	s2 =	simm.s32 @!p0 $0x1C05  }
0x5f: {  	[timem:s3], [sflag:s2] =	dma.local @!p0 [hbm:s0], s1  }
0x60: {  	s0 =	simm.s32 @!p0 $0x5  }
0x61: {  	_ =	swait.ge @!p0 [sflag:s0], s1  }
0x62: {  	s1 =	ssub.s32 @!p0 $0x0, s1;
	[sflag:s0] =	ssyncset.done @!p0 $0x0  }
0x63: {  	[sflag:s0] =	ssyncadd.s32 @!p0 s1  }
0x64: {  	[bflag:$0x3] =	sbarrier.arrive $0xFFFF  }
0x65: {  	_ =	shalt  }

// kernel: kernel.15.cloned.1.call-start
scs
__scs_entry_jumppad:
0x0: {  	(pc) =	sbr.rel $0x88, $3  }
0x1: {  	(tag) =	ssettag $0x0;
	lr =	simm.s32 $0x1  }
0x2: {  	[smem:$0x3F93] =	sst lr;
	_ =	strace $0xD0000000  }
0x3: {  	_ = 	snop  }
0x4: {  	_ = 	snop  }
0x5: {  	_ = 	snop  }
0x6: {  	_ = 	snop  }
0x7: {  	_ = 	snop  }
__scs_overlays_trampoline_lowered:
0x8: {  	[smem:$0x3FA2] =	sst s0  }
0x9: {  	[smem:$0x3FA3] =	sst s1  }
0xa: {  	[smem:$0x3FA4] =	sst s2  }
0xb: {  	[smem:$0x3FA5] =	sst s3  }
0xc: {  	[smem:$0x3FA6] =	sst s4  }
0xd: {  	[smem:$0x3FA7] =	sst s5  }
0xe: {  	[smem:$0x3FA8] =	sst s6  }
0xf: {  	[smem:$0x3FA9] =	sst s7  }
0x10: {  	[smem:$0x3FAA] =	sst s8  }
0x11: {  	[smem:$0x3FAB] =	sst s9;
	s0 =	simm.s32 @!p0 $0x0  }
0x12: {  	s1 =	sld [smem:$0x3F91];
	s0 =	simm.s32 @p0 $0x1  }
0x13: {  	[smem:$0x3FAC] =	sst s0;
	s0 =	simm.s32 @!p1 $0x0  }
0x14: {  	s2 =	sld [smem:$0x3F90];
	s0 =	simm.s32 @p1 $0x1  }
0x15: {  	[smem:$0x3FAD] =	sst s0;
	s0 =	simm.s32 @!p2 $0x0  }
0x16: {  	s3 =	sld [smem:$0x3FDB];
	s0 =	simm.s32 @p2 $0x1  }
0x17: {  	s4 =	simm.s32 $0x1BF5;
	[smem:$0x3FAF] =	sst s0  }
0x18: {  	s0 =	sld [smem:$0x3F92];
	_ =	swait.ge [sflag:s4], $0x0  }
0x19: {  	s7 =	sld [smem:$0x3F93]  }
0x1a: {  	s8 =	sadd.s32 $0xFFFFE003, lr  }
0x1b: {  	s9 =	sadd.s32 $0xFFFFFEF7, lr;
	s5 =	simm.s32 $0xFFFFFFFF;
	p2 =	slt.u32 s8, $0xFFFFF086  }
0x1c: {  	p1 =	slt.u32 s9, $0xF7A;
	s5 =	simm.s32 @!p2 $0x0  }
0x1d: {  	s5 =	simm.s32 @p1 $0x1;
	p0 =	seq.s32 s7, s2  }
0x1e: {  	s7 =	smul.u32 @!p0 $0xF7A, s2;
	p2 =	seq.s32 @!p0 s5, $0x0  }
0x1f: {  	s9 =	smul.u32 $0xF7A, s1;
	s8 =	simm.s32 @!p0 $0x1BF5;
	p2 =	por !p2, p0  }
0x20: {  	[sflag:s8] =	ssyncset.s32 @!p0 $0xFFFFF086;
	s6 =	sadd.s32 @!p0 s3, s7;
	s7 =	simm.s32 @!p0 $0x108  }
0x21: {  	s3 =	sadd.s32 s3, s9;
	s6 =	sadd.s32 @!p0 $0x88, s6;
	s7 =	simm.s32 @p2 $0x1082  }
0x22: {  	[simem:s7], [sflag:s8] =	dma.local @!p0 [hbm:s6], $0xF7A  }
0x23: {  	s9 =	sor.u32 $0xD0000000, s2;
	s6 =	simm.s32 $0x108;
	_ =	swait.ge @!p0 [sflag:s8], $0x0  }
0x24: {  	s3 =	sadd.s32 $0x88, s3;
	s6 =	simm.s32 @!p1 $0x1082;
	[sflag:s4] =	ssyncset.s32 $0xFFFFF086  }
0x25: {  	[simem:s6], [sflag:s4] =	dma.local [hbm:s3], $0xF7A  }
0x26: {  	[smem:$0x3F93] =	sst s1;
	(tag) =	ssettag s2;
	_ =	strace s9  }
0x27: {  	s1 =	sld [smem:$0x3FA3]  }
0x28: {  	s2 =	sld [smem:$0x3FA4]  }
0x29: {  	s4 =	sld [smem:$0x3FA6]  }
0x2a: {  	p0 =	seq.s32 s5, $0x0;
	s5 =	sld [smem:$0x3FA7]  }
0x2b: {  	s6 =	sld [smem:$0x3FA8]  }
0x2c: {  	s7 =	sld [smem:$0x3FA9]  }
0x2d: {  	s3 =	simm.s32 $0x108;
	s8 =	sld [smem:$0x3FAA]  }
0x2e: {  	s3 =	simm.s32 @!p0 $0x1082;
	s9 =	sld [smem:$0x3FAB]  }
0x2f: {  	lr =	sadd.s32 s0, s3;
	s0 =	sld [smem:$0x3FA2]  }
0x30: {  	s3 =	sld [smem:$0x3FA5]  }
0x31: {  	[smem:$0x3FAE] =	sst s10  }
0x32: {  	s10 =	sld [smem:$0x3FAC];
	_ =	sdelay $0x3  }
0x33: {  	p0 =	seq.s32 s10, $0x1;
	s10 =	sld [smem:$0x3FAE];
	_ =	sdelay $0x3  }
0x34: {  	[smem:$0x3FAE] =	sst s10  }
0x35: {  	s10 =	sld [smem:$0x3FAD];
	_ =	sdelay $0x3  }
0x36: {  	p1 =	seq.s32 s10, $0x1;
	s10 =	sld [smem:$0x3FAE];
	_ =	sdelay $0x3  }
0x37: {  	[smem:$0x3FAE] =	sst s10  }
0x38: {  	s10 =	sld [smem:$0x3FAF]  }
0x39: {  	_ = 	snop;
	(pc) =	sbr.ind lr, $3  }
0x3a: {  	_ = 	snop  }
0x3b: {  	_ = 	snop  }
0x3c: {  	p2 =	seq.s32 s10, $0x1;
	s10 =	sld [smem:$0x3FAE]  }
0x3d: {  	_ =	shalt  }
0x3e: {  	_ =	shalt  }
0x3f: {  	_ =	shalt  }
0x40: {  	_ =	shalt  }
0x41: {  	_ =	shalt  }
0x42: {  	_ =	shalt  }
0x43: {  	_ =	shalt  }
0x44: {  	_ =	shalt  }
0x45: {  	_ =	shalt  }
0x46: {  	_ =	shalt  }
0x47: {  	_ =	shalt  }
0x48: {  	_ =	shalt  }
0x49: {  	_ =	shalt  }
0x4a: {  	_ =	shalt  }
0x4b: {  	_ =	shalt  }
0x4c: {  	_ =	shalt  }
0x4d: {  	_ =	shalt  }
0x4e: {  	_ =	shalt  }
0x4f: {  	_ =	shalt  }
0x50: {  	_ =	shalt  }
0x51: {  	_ =	shalt  }
0x52: {  	_ =	shalt  }
0x53: {  	_ =	shalt  }
0x54: {  	_ =	shalt  }
0x55: {  	_ =	shalt  }
0x56: {  	_ =	shalt  }
0x57: {  	_ =	shalt  }
0x58: {  	_ =	shalt  }
0x59: {  	_ =	shalt  }
0x5a: {  	_ =	shalt  }
0x5b: {  	_ =	shalt  }
0x5c: {  	_ =	shalt  }
0x5d: {  	_ =	shalt  }
0x5e: {  	_ =	shalt  }
0x5f: {  	_ =	shalt  }
0x60: {  	_ =	shalt  }
0x61: {  	_ =	shalt  }
0x62: {  	_ =	shalt  }
0x63: {  	_ =	shalt  }
0x64: {  	_ =	shalt  }
0x65: {  	_ =	shalt  }
0x66: {  	_ =	shalt  }
0x67: {  	_ =	shalt  }
0x68: {  	_ =	shalt  }
0x69: {  	_ =	shalt  }
0x6a: {  	_ =	shalt  }
0x6b: {  	_ =	shalt  }
0x6c: {  	_ =	shalt  }
0x6d: {  	_ =	shalt  }
0x6e: {  	_ =	shalt  }
0x6f: {  	_ =	shalt  }
0x70: {  	_ =	shalt  }
0x71: {  	_ =	shalt  }
0x72: {  	_ =	shalt  }
0x73: {  	_ =	shalt  }
0x74: {  	_ =	shalt  }
0x75: {  	_ =	shalt  }
0x76: {  	_ =	shalt  }
0x77: {  	_ =	shalt  }
0x78: {  	_ =	shalt  }
0x79: {  	_ =	shalt  }
0x7a: {  	_ =	shalt  }
0x7b: {  	_ =	shalt  }
0x7c: {  	_ =	shalt  }
0x7d: {  	_ =	shalt  }
0x7e: {  	_ =	shalt  }
0x7f: {  	_ =	shalt  }
0x80: {  	_ =	shalt  }
0x81: {  	_ =	shalt  }
0x82: {  	_ =	shalt  }
0x83: {  	_ =	shalt  }
0x84: {  	_ =	shalt  }
0x85: {  	_ =	shalt  }
0x86: {  	_ =	shalt  }
0x87: {  	_ =	shalt  }
.Lfunc_end0:
.L_simem_size_0:
called_computation.1_lowered:
.L_overlay_start_0:
0x88: {  	s2 =	sld [smem:$0x3FD9]  }
0x89: {  	s3 =	sld [smem:$0x3FFE];
	_ =	sdelay $0x1  }
0x8a: {  	s1 =	srdreg.scid  }
0x8b: {  	s0 =	sand.u32 $0x1, s1  }
0x8c: {  	s17 =	sshll.u32 s0, $0xA;
	s2 =	sadd.s32 s3, s2  }
0x8d: {  	s2 =	sadd.s32 s2, s17  }
0x8e: {  	[smem:$0x3FBA] =	sst s2  }
0x8f: {  	_ = 	snop  }
0x90: {  	s2 =	sld [smem:$0x3FD0];
	(tm) =	ssettm $0x1  }
0x91: {  	s18 =	sld [smem:$0x3FFB];
	_ =	sdelay $0x3  }
0x92: {  	_ =	strace s18  }
0x93: {  	s3 =	sld [smem:$0x3FFC];
	_ =	sdelay $0x3  }
0x94: {  	_ =	strace s3  }
0x95: {  	s3 =	sld [smem:$0x3FFD];
	_ =	sdelay $0x3  }
0x96: {  	_ =	strace s3  }
0x97: {  	_ =	strace $0x8FFFFFFF  }
0x98: {  	s19 =	sld [smem:$0x3FDB];
	_ =	sdelay $0x1  }
0x99: {  	s4 =	simm.s32 $_scs_section_size  }
0x9a: {  	s5 =	simm.s32 $_size__tile_overlayer_lowered;
	s6 =	simm.s32 $_tile_overlayer_lowered  }
0x9b: {  	s22 =	simm.s32 $0x1BFF;
	s21 =	sshll.u32 s6, $0x1;
	s3 =	sadd.s32 s4, s19  }
0x9c: {  	s7 =	simm.s32 $0x0;
	s20 =	sshll.u32 s5, $0x1;
	s5 =	sadd.s32 s21, s3  }
0x9d: {  	[timem:s7], [sflag:s22] =	dma.local [hbm:s5], s20  }
0x9e: {  	_ =	swait.ge [sflag:s22], s20  }
0x9f: {  	s4 =	ssub.s32 $0x0, s20;
	[sflag:s22] =	ssyncset.done $0x0  }
0xa0: {  	[sflag:s22] =	ssyncadd.s32 s4;
	_ =	sdelay $0x1  }
0xa1: {  	s23 =	simm.s32 $0x1B8B  }
0xa2: {  	_ =	swait.ge [sflag:s23], $0x1  }
0xa3: {  	[sflag:s23] =	ssyncset.done $0x0  }
0xa4: {  	s25 =	simm.s32 $0x1B8E;
	s24 =	sld [smem:$0x3FFE];
	[sflag:s23] =	ssyncadd.s32 $0xFFFFFFFF  }
0xa5: {  	s26 =	simm.s32 $execute0_lowered;
	[smem:$0x3FD2] =	sst s25  }
0xa6: {  	s5 =	sshll.u32 s26, $0x1;
	_ =	strace $0x80000046;
	[dreg:$0x1] =	wrdreg $0xFFFFFFFF  }
0xa7: {  	s28 =	simm.s32 $_size_execute0_lowered;
	s3 =	sadd.s32 s3, s5;
	[dreg:$0x0] =	wrdreg $0x0  }
0xa8: {  	s5 =	sshll.u32 s28, $0x1;
	[dreg:$0x2] =	wrdreg s3  }
0xa9: {  	[dreg:$0x3] =	wrdreg s5  }
0xaa: {  	[dreg:$0x4] =	wrdreg $0xC0  }
0xab: {  	_ =	task [dreg:s7], $0x5FFFF  }
0xac: {  	[dreg:$0x1] =	wrdreg $0xFFFFFFFF  }
0xad: {  	[dreg:$0x0] =	wrdreg $0x60  }
0xae: {  	[dreg:$0x2] =	wrdreg s2  }
0xaf: {  	[dreg:$0x3] =	wrdreg s24  }
0xb0: {  	[dreg:$0x4] =	wrdreg $0xB3000  }
0xb1: {  	[dreg:$0x5] =	wrdreg $0xA  }
0xb2: {  	_ =	task.clear_ibuf [dreg:s7], $0x6FFFF;
	_ =	strace $0x90000046  }
0xb3: {  	s29 =	simm.s32 $0xA;
	_ =	strace $0x80000048  }
0xb4: {  	_ =	swait.ge [sflag:s29], $0x1  }
0xb5: {  	[sflag:s29] =	ssyncadd.s32 $0xFFFFFFFF  }
0xb6: {  	_ =	strace $0x90000048  }
0xb7: {  	_ =	sfence  }
0xb8: {  	s30 =	sld [smem:$0x0];
	_ =	sdelay $0x2  }
0xb9: {  	s31 =	sshll.u32 s1, $0xD;
	s1 =	sshrl.u32 s1, $0x2  }
0xba: {  	s3 =	sand.u32 $0x4000, s31;
	s1 =	sadd.s32 s1, s30  }
0xbb: {  	s0 =	sor.u32 s3, s0;
	s1 =	sshll.u32 s1, $0x11  }
0xbc: {  	s0 =	sor.u32 s1, s0  }
0xbd: {  	s0 =	sadd.s32 $0x8F2B, s0  }
0xbe: {  	[sflag:s0] =	ssyncadd.remote.s32 $0x1  }
0xbf: {  	_ =	sfence.sel $0xFFFF  }
0xc0: {  	[dreg:$0x0] =	wrdreg $0xFFFFFFFF;
	(pc) =	sbr.abs _section_cstart, $3  }
0xc1: {  	[dreg:$0x1] =	wrdreg $0xFFFFFFFF  }
0xc2: {  	_ =	task.clear_ibuf [dreg:s7], $0x2FFFF;
	_ =	strace $0x9FFFFFFF  }
0xc3: {  	(tm) =	ssettm $0x7FFFFFFF  }
tec
execute0_lowered:
.L_overlay_start_1:
0x0: {  	(tag) =	ssettag $0x1  }
0x1: {  	s1 =	rddreg [dreg:$0x0]  }
0x2: {  	s0 =	rddreg [dreg:$0x1]  }
0x3: {  	s2 =	rddreg [dreg:$0x2]  }
0x4: {  	s3 =	srdreg.scid;
	s13 =	stileid.u32;
	s20 =	simm.s32 $0x0  }
0x5: {  	s10 =	simm.s32 $0x80;
	s11 =	simm.s32 $0x400;
	s12 =	simm.s32 $0xB  }
0x6: {  	s16 =	simm.s32 $0x28;
	s17 =	simm.s32 $0x4F00;
	s18 =	simm.s32 $0x6300  }
0x7: {  	s28 =	simm.s32 $0x3;
	s29 =	simm.s32 $0x4;
	s30 =	simm.s32 $0x5  }
0x8: {  	s31 =	simm.s32 $0x6;
	s19 =	simm.s32 $0xA;
	s3 =	sand.u32 $0x1, s3  }
0x9: {  	s4 =	sshrl.u32 s13, $0x2;
	s5 =	sshll.u32 s13, $0x8;
	s21 =	smul.u32 $0x13C00, s13  }
0xa: {  	[smem:$0x7FF] =	sst s20;
	s8 =	smul.u32 $0x4F000, s13;
	s26 =	sshll.u32 s13, $0x6  }
0xb: {  	s20 =	simm.s32 $0x7700;
	s13 =	simm.s32 $0x9;
	s4 =	smul.u32 $0x13C00, s4  }
0xc: {  	s6 =	sshll.u32 s3, $0x7;
	s5 =	sand.u32 $0x300, s5;
	s22 =	smul.u32 $0x13C000, s3  }
0xd: {  	_ =	strace $0x80000047;
	s3 =	ssub.s32 $0x2, s3;
	s14 =	sor.u32 $0x1C0B, s26  }
0xe: {  	s26 =	simm.s32 $0x2;
	s5 =	sor.u32 s6, s5;
	s7 =	sshrl.u32 s21, $0x3  }
0xf: {  	s23 =	sshrl.u32 s3, $0x1;
	s25 =	sshrl.u32 s8, $0x2;
	s4 =	sor.u32 s4, s5  }
0x10: {  	s5 =	sadd.s32 s21, s22;
	s7 =	sadd.s32 s7, s0;
	s3 =	ssub.s32 s3, s23  }
0x11: {  	s22 =	simm.s32 $0x8B00;
	s23 =	simm.s32 $0x0;
	s4 =	sshrl.u32 s4, $0x3  }
0x12: {  	s5 =	sshrl.u32 s5, $0x3;
	s7 =	sadd.s32 $0x17E00, s7;
	s9 =	smax.u32 s3, $0x1  }
0x13: {  	s3 =	simm.s32 $0x7;
	s4 =	sadd.s32 s4, s0;
	s0 =	sadd.s32 s5, s0  }
0x14: {  	s24 =	sadd.s32 $0x4200, s4;
	s6 =	sadd.s32 $0xE000, s4;
	s4 =	sadd.s32 s25, s2  }
0x15: {  	s8 =	sadd.s32 $0x3F600, s0;
	s25 =	simm.s32 $0x1;
	s0 =	simm.s32 $0x8  }
0x16: {  	[dreg:$0x4] =	wrdreg s24;
	s15 =	sshrl.u32 s4, $0x3;
	s24 =	simm.s32 $0x9F00  }
.LBB2_1:
0x17: {  	s4 =	simm.s32 $0x0;
	s5 =	rddreg [dreg:$0x4]  }
0x18: {  	[tilespmem:s4], [sflag:$0xB] =	stream.strided.gather [hbm4b:s5+s10], $0x2780, s11, s10, $0x38;
	[tilespmem:$0x1EF00] =	vst v63  }
0x19: {  	_ =	swait.ge [sflag:s12], $0x2780  }
0x1a: {  	[sflag:s12] =	ssyncset.done $0x0  }
0x1b: {  	s21 =	simm.s32 $0x2780;
	[sflag:s12] =	ssyncadd.s32 $0xFFFFD880  }
0x1c: {  	[tilespmem:s21], [sflag:$0xB] =	stream.strided.gather [hbm4b:s6+s10], $0x2780, s11, s10, $0x38;
	[tilespmem:$0x1EF00] =	vst v63  }
0x1d: {  	_ =	swait.ge [sflag:s12], $0x2780  }
0x1e: {  	[sflag:s12] =	ssyncset.done $0x0  }
0x1f: {  	[sflag:s12] =	ssyncadd.s32 $0xFFFFD880  }
0x20: {  	[spmem:s15], [sflag:s14] =	dma.local [hbm:s7], $0x2780  }
0x21: {  	_ =	swait.ge [sflag:s12], $0x2780  }
0x22: {  	[sflag:s12] =	ssyncset.done $0x0  }
0x23: {  	[sflag:s12] =	ssyncadd.s32 $0xFFFFD880  }
0x24: {  	[tilespmem:s17], [sflag:$0x1] =	stream.indirect.gather [hbm4b:s1+s16], $0x80, s4, s16, $0xb8;
	[tilespmem:$0x1EF00] =	vst v63  }
0x25: {  	_ = 	snop  }
0x26: {  	[tilespmem:s18], [sflag:$0x2] =	stream.indirect.gather [hbm4b:s1+s16], $0x80, s16, s16, $0xb8;
	[tilespmem:$0x1EF00] =	vst v63  }
0x27: {  	s5 =	simm.s32 $0x50  }
0x28: {  	[tilespmem:s20], [sflag:$0x3] =	stream.indirect.gather [hbm4b:s1+s16], $0x80, s5, s16, $0xb8;
	[tilespmem:$0x1EF00] =	vst v63  }
0x29: {  	s21 =	simm.s32 $0x78  }
0x2a: {  	[tilespmem:s22], [sflag:$0x4] =	stream.indirect.gather [hbm4b:s1+s16], $0x80, s21, s16, $0xb8;
	[tilespmem:$0x1EF00] =	vst v63  }
0x2b: {  	s5 =	simm.s32 $0xA0  }
0x2c: {  	[tilespmem:s24], [sflag:$0x5] =	stream.indirect.gather [hbm4b:s1+s16], $0x80, s5, s16, $0xb8;
	[tilespmem:$0x1EF00] =	vst v63  }
0x2d: {  	[bflag:$0x0] =	sbarrier.arrive $0xFFFF  }
0x2e: {  	_ =	swait.ge [sflag:s25], $0x1400  }
0x2f: {  	[sflag:s25] =	ssyncset.done $0x0  }
0x30: {  	s21 =	simm.s32 $0x2780;
	[sflag:s25] =	ssyncadd.s32 $0xFFFFEC00  }
0x31: {  	[spmem:s2] =	stream.indirect.scatter.add.f32 [tilespmem:s17], [sflag:$0x6], $0x80, s21, s16, $0xb8;
	[tilespmem:$0x1EF00] =	vst v63  }
0x32: {  	_ =	swait.ge [sflag:s26], $0x1400  }
0x33: {  	[sflag:s26] =	ssyncset.done $0x0  }
0x34: {  	s5 =	simm.s32 $0x27A8;
	[sflag:s26] =	ssyncadd.s32 $0xFFFFEC00  }
0x35: {  	[spmem:s2] =	stream.indirect.scatter.add.f32 [tilespmem:s18], [sflag:$0x7], $0x80, s5, s16, $0xb8;
	[tilespmem:$0x1EF00] =	vst v63  }
0x36: {  	_ =	swait.ge [sflag:s28], $0x1400  }
0x37: {  	[sflag:s28] =	ssyncset.done $0x0  }
0x38: {  	s21 =	simm.s32 $0x27D0;
	[sflag:s28] =	ssyncadd.s32 $0xFFFFEC00  }
0x39: {  	[spmem:s2] =	stream.indirect.scatter.add.f32 [tilespmem:s20], [sflag:$0x8], $0x80, s21, s16, $0xb8;
	[tilespmem:$0x1EF00] =	vst v63  }
0x3a: {  	_ =	swait.ge [sflag:s29], $0x1400  }
0x3b: {  	[sflag:s29] =	ssyncset.done $0x0  }
0x3c: {  	s5 =	simm.s32 $0x27F8;
	[sflag:s29] =	ssyncadd.s32 $0xFFFFEC00  }
0x3d: {  	[spmem:s2] =	stream.indirect.scatter.add.f32 [tilespmem:s22], [sflag:$0x9], $0x80, s5, s16, $0xb8;
	[tilespmem:$0x1EF00] =	vst v63  }
0x3e: {  	_ =	swait.ge [sflag:s30], $0x1400  }
0x3f: {  	[sflag:s30] =	ssyncset.done $0x0  }
0x40: {  	s21 =	simm.s32 $0x2820;
	[sflag:s30] =	ssyncadd.s32 $0xFFFFEC00  }
0x41: {  	[spmem:s2] =	stream.indirect.scatter.add.f32 [tilespmem:s24], [sflag:$0xA], $0x80, s21, s16, $0xb8;
	[tilespmem:$0x1EF00] =	vst v63  }
0x42: {  	_ =	swait.ge [sflag:s31], $0x1400  }
0x43: {  	[sflag:s31] =	ssyncset.done $0x0  }
0x44: {  	s5 =	simm.s32 $0xC8;
	[sflag:s31] =	ssyncadd.s32 $0xFFFFEC00  }
0x45: {  	[tilespmem:s17], [sflag:$0x1] =	stream.indirect.gather [hbm4b:s1+s16], $0x80, s5, s16, $0xb8;
	[tilespmem:$0x1EF00] =	vst v63  }
0x46: {  	_ =	swait.ge [sflag:s3], $0x1400  }
0x47: {  	[sflag:s3] =	ssyncset.done $0x0  }
0x48: {  	s21 =	simm.s32 $0xF0;
	[sflag:s3] =	ssyncadd.s32 $0xFFFFEC00  }
0x49: {  	[tilespmem:s18], [sflag:$0x2] =	stream.indirect.gather [hbm4b:s1+s16], $0x80, s21, s16, $0xb8;
	[tilespmem:$0x1EF00] =	vst v63  }
0x4a: {  	_ =	swait.ge [sflag:s0], $0x1400  }
0x4b: {  	[sflag:s0] =	ssyncset.done $0x0  }
0x4c: {  	s5 =	simm.s32 $0x118;
	[sflag:s0] =	ssyncadd.s32 $0xFFFFEC00  }
0x4d: {  	[tilespmem:s20], [sflag:$0x3] =	stream.indirect.gather [hbm4b:s1+s16], $0x80, s5, s16, $0xb8;
	[tilespmem:$0x1EF00] =	vst v63  }
0x4e: {  	_ =	swait.ge [sflag:s13], $0x1400  }
0x4f: {  	[sflag:s13] =	ssyncset.done $0x0  }
0x50: {  	s21 =	simm.s32 $0x140;
	[sflag:s13] =	ssyncadd.s32 $0xFFFFEC00  }
0x51: {  	[tilespmem:s22], [sflag:$0x4] =	stream.indirect.gather [hbm4b:s1+s16], $0x80, s21, s16, $0xb8;
	[tilespmem:$0x1EF00] =	vst v63  }
0x52: {  	_ =	swait.ge [sflag:s19], $0x1400  }
0x53: {  	[sflag:s19] =	ssyncset.done $0x0  }
0x54: {  	s4 =	simm.s32 $0x168;
	s21 =	simm.s32 $0x320;
	[sflag:s19] =	ssyncadd.s32 $0xFFFFEC00  }
.LBB2_2:
0x55: {  	[tilespmem:s24], [sflag:$0x5] =	stream.indirect.gather [hbm4b:s1+s16], $0x80, s4, s16, $0xb8;
	[tilespmem:$0x1EF00] =	vst v63  }
0x56: {  	s4 =	smov.u32 s21  }
0x57: {  	p0 =	sne.s32 s21, $0x9600;
	s21 =	sadd.s32 $0x320, s21;
	_ =	swait.ge [sflag:s25], $0x1400  }
0x58: {  	s4 =	sshra.s32 s4, $0x2;
	[sflag:s25] =	ssyncset.done $0x0  }
0x59: {  	s5 =	sadd.s32 $0x2780, s4;
	[sflag:s25] =	ssyncadd.s32 $0xFFFFEC00  }
0x5a: {  	[spmem:s2] =	stream.indirect.scatter.add.f32 [tilespmem:s17], [sflag:$0x6], $0x80, s5, s16, $0xb8;
	[tilespmem:$0x1EF00] =	vst v63  }
0x5b: {  	_ =	swait.ge [sflag:s26], $0x1400  }
0x5c: {  	[sflag:s26] =	ssyncset.done $0x0  }
0x5d: {  	s5 =	sadd.s32 $0x27A8, s4;
	[sflag:s26] =	ssyncadd.s32 $0xFFFFEC00  }
0x5e: {  	[spmem:s2] =	stream.indirect.scatter.add.f32 [tilespmem:s18], [sflag:$0x7], $0x80, s5, s16, $0xb8;
	[tilespmem:$0x1EF00] =	vst v63  }
0x5f: {  	_ =	swait.ge [sflag:s28], $0x1400  }
0x60: {  	[sflag:s28] =	ssyncset.done $0x0  }
0x61: {  	s5 =	sadd.s32 $0x27D0, s4;
	[sflag:s28] =	ssyncadd.s32 $0xFFFFEC00  }
0x62: {  	[spmem:s2] =	stream.indirect.scatter.add.f32 [tilespmem:s20], [sflag:$0x8], $0x80, s5, s16, $0xb8;
	[tilespmem:$0x1EF00] =	vst v63  }
0x63: {  	_ =	swait.ge [sflag:s29], $0x1400  }
0x64: {  	[sflag:s29] =	ssyncset.done $0x0  }
0x65: {  	s5 =	sadd.s32 $0x27F8, s4;
	[sflag:s29] =	ssyncadd.s32 $0xFFFFEC00  }
0x66: {  	[spmem:s2] =	stream.indirect.scatter.add.f32 [tilespmem:s22], [sflag:$0x9], $0x80, s5, s16, $0xb8;
	[tilespmem:$0x1EF00] =	vst v63  }
0x67: {  	_ =	swait.ge [sflag:s30], $0x1400  }
0x68: {  	[sflag:s30] =	ssyncset.done $0x0  }
0x69: {  	s5 =	sadd.s32 $0x2820, s4;
	[sflag:s30] =	ssyncadd.s32 $0xFFFFEC00  }
0x6a: {  	[spmem:s2] =	stream.indirect.scatter.add.f32 [tilespmem:s24], [sflag:$0xA], $0x80, s5, s16, $0xb8;
	[tilespmem:$0x1EF00] =	vst v63  }
0x6b: {  	_ =	swait.ge [sflag:s31], $0x1400  }
0x6c: {  	[sflag:s31] =	ssyncset.done $0x0  }
0x6d: {  	s5 =	sadd.s32 $0xC8, s4;
	[sflag:s31] =	ssyncadd.s32 $0xFFFFEC00  }
0x6e: {  	[tilespmem:s17], [sflag:$0x1] =	stream.indirect.gather [hbm4b:s1+s16], $0x80, s5, s16, $0xb8;
	[tilespmem:$0x1EF00] =	vst v63  }
0x6f: {  	_ =	swait.ge [sflag:s3], $0x1400  }
0x70: {  	[sflag:s3] =	ssyncset.done $0x0  }
0x71: {  	s5 =	sadd.s32 $0xF0, s4;
	[sflag:s3] =	ssyncadd.s32 $0xFFFFEC00  }
0x72: {  	[tilespmem:s18], [sflag:$0x2] =	stream.indirect.gather [hbm4b:s1+s16], $0x80, s5, s16, $0xb8;
	[tilespmem:$0x1EF00] =	vst v63  }
0x73: {  	_ =	swait.ge [sflag:s0], $0x1400  }
0x74: {  	[sflag:s0] =	ssyncset.done $0x0  }
0x75: {  	s5 =	sadd.s32 $0x118, s4;
	[sflag:s0] =	ssyncadd.s32 $0xFFFFEC00  }
0x76: {  	[tilespmem:s20], [sflag:$0x3] =	stream.indirect.gather [hbm4b:s1+s16], $0x80, s5, s16, $0xb8;
	[tilespmem:$0x1EF00] =	vst v63  }
0x77: {  	_ =	swait.ge [sflag:s13], $0x1400  }
0x78: {  	[sflag:s13] =	ssyncset.done $0x0  }
.Ltmp0:
0x79: {  	s5 =	sadd.s32 $0x140, s4;
	[sflag:s13] =	ssyncadd.s32 $0xFFFFEC00;
	(pc) =	sbr.rel @p0 .LBB2_2-.Ltmp0, $4  }
0x7a: {  	[tilespmem:s22], [sflag:$0x4] =	stream.indirect.gather [hbm4b:s1+s16], $0x80, s5, s16, $0xb8;
	[tilespmem:$0x1EF00] =	vst v63  }
0x7b: {  	_ =	swait.ge [sflag:s19], $0x1400  }
0x7c: {  	[sflag:s19] =	ssyncset.done $0x0  }
0x7d: {  	s4 =	sadd.s32 $0x168, s4;
	[sflag:s19] =	ssyncadd.s32 $0xFFFFEC00  }
0x7e: {  	[tilespmem:s24], [sflag:$0x5] =	stream.indirect.gather [hbm4b:s1+s16], $0x80, s4, s16, $0xb8;
	[tilespmem:$0x1EF00] =	vst v63  }
0x7f: {  	_ =	swait.ge [sflag:s25], $0x1400  }
0x80: {  	[sflag:s25] =	ssyncset.done $0x0  }
0x81: {  	s21 =	simm.s32 $0x4DC8;
	[sflag:s25] =	ssyncadd.s32 $0xFFFFEC00  }
0x82: {  	[spmem:s2] =	stream.indirect.scatter.add.f32 [tilespmem:s17], [sflag:$0x6], $0x80, s21, s16, $0xb8;
	[tilespmem:$0x1EF00] =	vst v63  }
0x83: {  	_ =	swait.ge [sflag:s26], $0x1400  }
0x84: {  	[sflag:s26] =	ssyncset.done $0x0  }
0x85: {  	s5 =	simm.s32 $0x4DF0;
	[sflag:s26] =	ssyncadd.s32 $0xFFFFEC00  }
0x86: {  	[spmem:s2] =	stream.indirect.scatter.add.f32 [tilespmem:s18], [sflag:$0x7], $0x80, s5, s16, $0xb8;
	[tilespmem:$0x1EF00] =	vst v63  }
0x87: {  	_ =	swait.ge [sflag:s28], $0x1400  }
0x88: {  	[sflag:s28] =	ssyncset.done $0x0  }
0x89: {  	s21 =	simm.s32 $0x4E18;
	[sflag:s28] =	ssyncadd.s32 $0xFFFFEC00  }
0x8a: {  	[spmem:s2] =	stream.indirect.scatter.add.f32 [tilespmem:s20], [sflag:$0x8], $0x80, s21, s16, $0xb8;
	[tilespmem:$0x1EF00] =	vst v63  }
0x8b: {  	_ =	swait.ge [sflag:s29], $0x1400  }
0x8c: {  	[sflag:s29] =	ssyncset.done $0x0  }
0x8d: {  	s5 =	simm.s32 $0x4E40;
	[sflag:s29] =	ssyncadd.s32 $0xFFFFEC00  }
0x8e: {  	[spmem:s2] =	stream.indirect.scatter.add.f32 [tilespmem:s22], [sflag:$0x9], $0x80, s5, s16, $0xb8;
	[tilespmem:$0x1EF00] =	vst v63  }
0x8f: {  	_ =	swait.ge [sflag:s30], $0x1400  }
0x90: {  	[sflag:s30] =	ssyncset.done $0x0  }
0x91: {  	s21 =	simm.s32 $0x4E68;
	[sflag:s30] =	ssyncadd.s32 $0xFFFFEC00  }
0x92: {  	[spmem:s2] =	stream.indirect.scatter.add.f32 [tilespmem:s24], [sflag:$0xA], $0x80, s21, s16, $0xb8;
	[tilespmem:$0x1EF00] =	vst v63  }
0x93: {  	_ =	swait.ge [sflag:s31], $0x1400  }
0x94: {  	[sflag:s31] =	ssyncset.done $0x0  }
0x95: {  	[sflag:s31] =	ssyncadd.s32 $0xFFFFEC00  }
0x96: {  	_ =	swait.ge [sflag:s3], $0x1400  }
0x97: {  	[sflag:s3] =	ssyncset.done $0x0  }
0x98: {  	[sflag:s3] =	ssyncadd.s32 $0xFFFFEC00  }
0x99: {  	_ =	swait.ge [sflag:s0], $0x1400  }
0x9a: {  	[sflag:s0] =	ssyncset.done $0x0  }
0x9b: {  	[sflag:s0] =	ssyncadd.s32 $0xFFFFEC00  }
0x9c: {  	_ =	swait.ge [sflag:s13], $0x1400  }
0x9d: {  	[sflag:s13] =	ssyncset.done $0x0  }
0x9e: {  	[sflag:s13] =	ssyncadd.s32 $0xFFFFEC00  }
0x9f: {  	_ =	swait.ge [sflag:s19], $0x1400  }
0xa0: {  	s23 =	sadd.s32 $0x1, s23;
	[sflag:s19] =	ssyncset.done $0x0  }
0xa1: {  	p0 =	sne.s32 s23, s9;
	[sflag:s19] =	ssyncadd.s32 $0xFFFFEC00  }
.Ltmp1:
0xa2: {  	[bflag:$0x0] =	sbarrier.arrive $0xFFFF;
	(pc) =	sbr.rel @p0 .LBB2_1-.Ltmp1, $4  }
0xa3: {  	[hbm:s8], [sflag:s14] =	dma.local [spmem:s15], $0x2780  }
0xa4: {  	_ =	swait.ge [sflag:s12], $0x2780  }
0xa5: {  	[sflag:s12] =	ssyncset.done $0x0  }
0xa6: {  	[sflag:s12] =	ssyncadd.s32 $0xFFFFD880  }
0xa7: {  	_ =	sfence.sel $0x180000  }
0xa8: {  	[bflag:$0x0] =	sbarrier.arrive $0xFFFF  }
0xa9: {  	_ =	strace $0x90000047  }
0xaa: {  	s0 =	stileid.u32;
	[bflag:$0x2] =	sbarrier.arrive $0xFFFF  }
0xab: {  	p0 =	sne.s32 s0, $0x0;
	s0 =	rddreg [dreg:$0x3]  }
0xac: {  	s0 =	sadd.s32 @!p0 $0x100000, s0  }
0xad: {  	[sflag:s0] =	ssyncadd.tile.s32 @!p0 $0x1;
	_ =	shalt  }
.Lfunc_end2:
_tile_overlayer_lowered:
.L_overlay_start_2:
0xae: {  	(tag) =	ssettag $0x2  }
0xaf: {  	s0 =	rddreg [dreg:$0x0];
	s2 =	stileid.u32  }
0xb0: {  	s1 =	rddreg [dreg:$0x1];
	p0 =	sne.s32 s2, $0x0  }
0xb1: {  	s3 =	rddreg [dreg:$0x2];
	[bflag:$0x3] =	sbarrier.arrive $0xFFFF;
	s2 =	simm.s32 @!p0 $0x1C0B  }
0xb2: {  	[timem:s3], [sflag:s2] =	dma.local @!p0 [hbm:s0], s1  }
0xb3: {  	s0 =	simm.s32 @!p0 $0xB  }
0xb4: {  	_ =	swait.ge @!p0 [sflag:s0], s1  }
0xb5: {  	s1 =	ssub.s32 @!p0 $0x0, s1;
	[sflag:s0] =	ssyncset.done @!p0 $0x0  }
0xb6: {  	[sflag:s0] =	ssyncadd.s32 @!p0 s1  }
0xb7: {  	[bflag:$0x3] =	sbarrier.arrive $0xFFFF  }
0xb8: {  	_ =	shalt  }

// kernel: kernel.18.cloned.1.call-start
scs
__scs_entry_jumppad:
0x0: {  	(pc) =	sbr.rel $0x88, $3  }
0x1: {  	(tag) =	ssettag $0x0;
	lr =	simm.s32 $0x1  }
0x2: {  	[smem:$0x3F93] =	sst lr;
	_ =	strace $0xD0000000  }
0x3: {  	_ = 	snop  }
0x4: {  	_ = 	snop  }
0x5: {  	_ = 	snop  }
0x6: {  	_ = 	snop  }
0x7: {  	_ = 	snop  }
__scs_overlays_trampoline_lowered:
0x8: {  	[smem:$0x3FA2] =	sst s0  }
0x9: {  	[smem:$0x3FA3] =	sst s1  }
0xa: {  	[smem:$0x3FA4] =	sst s2  }
0xb: {  	[smem:$0x3FA5] =	sst s3  }
0xc: {  	[smem:$0x3FA6] =	sst s4  }
0xd: {  	[smem:$0x3FA7] =	sst s5  }
0xe: {  	[smem:$0x3FA8] =	sst s6  }
0xf: {  	[smem:$0x3FA9] =	sst s7  }
0x10: {  	[smem:$0x3FAA] =	sst s8  }
0x11: {  	[smem:$0x3FAB] =	sst s9;
	s0 =	simm.s32 @!p0 $0x0  }
0x12: {  	s1 =	sld [smem:$0x3F91];
	s0 =	simm.s32 @p0 $0x1  }
0x13: {  	[smem:$0x3FAC] =	sst s0;
	s0 =	simm.s32 @!p1 $0x0  }
0x14: {  	s2 =	sld [smem:$0x3F90];
	s0 =	simm.s32 @p1 $0x1  }
0x15: {  	[smem:$0x3FAD] =	sst s0;
	s0 =	simm.s32 @!p2 $0x0  }
0x16: {  	s3 =	sld [smem:$0x3FDB];
	s0 =	simm.s32 @p2 $0x1  }
0x17: {  	s4 =	simm.s32 $0x1BF5;
	[smem:$0x3FAF] =	sst s0  }
0x18: {  	s0 =	sld [smem:$0x3F92];
	_ =	swait.ge [sflag:s4], $0x0  }
0x19: {  	s7 =	sld [smem:$0x3F93]  }
0x1a: {  	s8 =	sadd.s32 $0xFFFFE003, lr  }
0x1b: {  	s9 =	sadd.s32 $0xFFFFFEF7, lr;
	s5 =	simm.s32 $0xFFFFFFFF;
	p2 =	slt.u32 s8, $0xFFFFF086  }
0x1c: {  	p1 =	slt.u32 s9, $0xF7A;
	s5 =	simm.s32 @!p2 $0x0  }
0x1d: {  	s5 =	simm.s32 @p1 $0x1;
	p0 =	seq.s32 s7, s2  }
0x1e: {  	s7 =	smul.u32 @!p0 $0xF7A, s2;
	p2 =	seq.s32 @!p0 s5, $0x0  }
0x1f: {  	s9 =	smul.u32 $0xF7A, s1;
	s8 =	simm.s32 @!p0 $0x1BF5;
	p2 =	por !p2, p0  }
0x20: {  	[sflag:s8] =	ssyncset.s32 @!p0 $0xFFFFF086;
	s6 =	sadd.s32 @!p0 s3, s7;
	s7 =	simm.s32 @!p0 $0x108  }
0x21: {  	s3 =	sadd.s32 s3, s9;
	s6 =	sadd.s32 @!p0 $0x88, s6;
	s7 =	simm.s32 @p2 $0x1082  }
0x22: {  	[simem:s7], [sflag:s8] =	dma.local @!p0 [hbm:s6], $0xF7A  }
0x23: {  	s9 =	sor.u32 $0xD0000000, s2;
	s6 =	simm.s32 $0x108;
	_ =	swait.ge @!p0 [sflag:s8], $0x0  }
0x24: {  	s3 =	sadd.s32 $0x88, s3;
	s6 =	simm.s32 @!p1 $0x1082;
	[sflag:s4] =	ssyncset.s32 $0xFFFFF086  }
0x25: {  	[simem:s6], [sflag:s4] =	dma.local [hbm:s3], $0xF7A  }
0x26: {  	[smem:$0x3F93] =	sst s1;
	(tag) =	ssettag s2;
	_ =	strace s9  }
0x27: {  	s1 =	sld [smem:$0x3FA3]  }
0x28: {  	s2 =	sld [smem:$0x3FA4]  }
0x29: {  	s4 =	sld [smem:$0x3FA6]  }
0x2a: {  	p0 =	seq.s32 s5, $0x0;
	s5 =	sld [smem:$0x3FA7]  }
0x2b: {  	s6 =	sld [smem:$0x3FA8]  }
0x2c: {  	s7 =	sld [smem:$0x3FA9]  }
0x2d: {  	s3 =	simm.s32 $0x108;
	s8 =	sld [smem:$0x3FAA]  }
0x2e: {  	s3 =	simm.s32 @!p0 $0x1082;
	s9 =	sld [smem:$0x3FAB]  }
0x2f: {  	lr =	sadd.s32 s0, s3;
	s0 =	sld [smem:$0x3FA2]  }
0x30: {  	s3 =	sld [smem:$0x3FA5]  }
0x31: {  	[smem:$0x3FAE] =	sst s10  }
0x32: {  	s10 =	sld [smem:$0x3FAC];
	_ =	sdelay $0x3  }
0x33: {  	p0 =	seq.s32 s10, $0x1;
	s10 =	sld [smem:$0x3FAE];
	_ =	sdelay $0x3  }
0x34: {  	[smem:$0x3FAE] =	sst s10  }
0x35: {  	s10 =	sld [smem:$0x3FAD];
	_ =	sdelay $0x3  }
0x36: {  	p1 =	seq.s32 s10, $0x1;
	s10 =	sld [smem:$0x3FAE];
	_ =	sdelay $0x3  }
0x37: {  	[smem:$0x3FAE] =	sst s10  }
0x38: {  	s10 =	sld [smem:$0x3FAF]  }
0x39: {  	_ = 	snop;
	(pc) =	sbr.ind lr, $3  }
0x3a: {  	_ = 	snop  }
0x3b: {  	_ = 	snop  }
0x3c: {  	p2 =	seq.s32 s10, $0x1;
	s10 =	sld [smem:$0x3FAE]  }
0x3d: {  	_ =	shalt  }
0x3e: {  	_ =	shalt  }
0x3f: {  	_ =	shalt  }
0x40: {  	_ =	shalt  }
0x41: {  	_ =	shalt  }
0x42: {  	_ =	shalt  }
0x43: {  	_ =	shalt  }
0x44: {  	_ =	shalt  }
0x45: {  	_ =	shalt  }
0x46: {  	_ =	shalt  }
0x47: {  	_ =	shalt  }
0x48: {  	_ =	shalt  }
0x49: {  	_ =	shalt  }
0x4a: {  	_ =	shalt  }
0x4b: {  	_ =	shalt  }
0x4c: {  	_ =	shalt  }
0x4d: {  	_ =	shalt  }
0x4e: {  	_ =	shalt  }
0x4f: {  	_ =	shalt  }
0x50: {  	_ =	shalt  }
0x51: {  	_ =	shalt  }
0x52: {  	_ =	shalt  }
0x53: {  	_ =	shalt  }
0x54: {  	_ =	shalt  }
0x55: {  	_ =	shalt  }
0x56: {  	_ =	shalt  }
0x57: {  	_ =	shalt  }
0x58: {  	_ =	shalt  }
0x59: {  	_ =	shalt  }
0x5a: {  	_ =	shalt  }
0x5b: {  	_ =	shalt  }
0x5c: {  	_ =	shalt  }
0x5d: {  	_ =	shalt  }
0x5e: {  	_ =	shalt  }
0x5f: {  	_ =	shalt  }
0x60: {  	_ =	shalt  }
0x61: {  	_ =	shalt  }
0x62: {  	_ =	shalt  }
0x63: {  	_ =	shalt  }
0x64: {  	_ =	shalt  }
0x65: {  	_ =	shalt  }
0x66: {  	_ =	shalt  }
0x67: {  	_ =	shalt  }
0x68: {  	_ =	shalt  }
0x69: {  	_ =	shalt  }
0x6a: {  	_ =	shalt  }
0x6b: {  	_ =	shalt  }
0x6c: {  	_ =	shalt  }
0x6d: {  	_ =	shalt  }
0x6e: {  	_ =	shalt  }
0x6f: {  	_ =	shalt  }
0x70: {  	_ =	shalt  }
0x71: {  	_ =	shalt  }
0x72: {  	_ =	shalt  }
0x73: {  	_ =	shalt  }
0x74: {  	_ =	shalt  }
0x75: {  	_ =	shalt  }
0x76: {  	_ =	shalt  }
0x77: {  	_ =	shalt  }
0x78: {  	_ =	shalt  }
0x79: {  	_ =	shalt  }
0x7a: {  	_ =	shalt  }
0x7b: {  	_ =	shalt  }
0x7c: {  	_ =	shalt  }
0x7d: {  	_ =	shalt  }
0x7e: {  	_ =	shalt  }
0x7f: {  	_ =	shalt  }
0x80: {  	_ =	shalt  }
0x81: {  	_ =	shalt  }
0x82: {  	_ =	shalt  }
0x83: {  	_ =	shalt  }
0x84: {  	_ =	shalt  }
0x85: {  	_ =	shalt  }
0x86: {  	_ =	shalt  }
0x87: {  	_ =	shalt  }
.Lfunc_end0:
.L_simem_size_0:
called_computation.2_lowered:
.L_overlay_start_0:
0x88: {  	s2 =	sld [smem:$0x3FD9]  }
0x89: {  	s3 =	sld [smem:$0x3FFE];
	_ =	sdelay $0x1  }
0x8a: {  	s1 =	srdreg.scid  }
0x8b: {  	s0 =	sand.u32 $0x1, s1  }
0x8c: {  	s17 =	sshll.u32 s0, $0xA;
	s2 =	sadd.s32 s3, s2  }
0x8d: {  	s2 =	sadd.s32 s2, s17  }
0x8e: {  	[smem:$0x3FBA] =	sst s2  }
0x8f: {  	_ = 	snop  }
0x90: {  	s2 =	sld [smem:$0x3FD0];
	(tm) =	ssettm $0x1  }
0x91: {  	s18 =	sld [smem:$0x3FFB];
	_ =	sdelay $0x3  }
0x92: {  	_ =	strace s18  }
0x93: {  	s3 =	sld [smem:$0x3FFC];
	_ =	sdelay $0x3  }
0x94: {  	_ =	strace s3  }
0x95: {  	s3 =	sld [smem:$0x3FFD];
	_ =	sdelay $0x3  }
0x96: {  	_ =	strace s3  }
0x97: {  	_ =	strace $0x8FFFFFFF  }
0x98: {  	s19 =	sld [smem:$0x3FDB];
	_ =	sdelay $0x1  }
0x99: {  	s4 =	simm.s32 $_scs_section_size  }
0x9a: {  	s5 =	simm.s32 $_size__tile_overlayer_lowered;
	s6 =	simm.s32 $_tile_overlayer_lowered  }
0x9b: {  	s22 =	simm.s32 $0x1BFF;
	s21 =	sshll.u32 s6, $0x1;
	s3 =	sadd.s32 s4, s19  }
0x9c: {  	s7 =	simm.s32 $0x0;
	s20 =	sshll.u32 s5, $0x1;
	s5 =	sadd.s32 s21, s3  }
0x9d: {  	[timem:s7], [sflag:s22] =	dma.local [hbm:s5], s20  }
0x9e: {  	_ =	swait.ge [sflag:s22], s20  }
0x9f: {  	s4 =	ssub.s32 $0x0, s20;
	[sflag:s22] =	ssyncset.done $0x0  }
0xa0: {  	[sflag:s22] =	ssyncadd.s32 s4;
	_ =	sdelay $0x1  }
0xa1: {  	s23 =	simm.s32 $0x1B8B  }
0xa2: {  	_ =	swait.ge [sflag:s23], $0x1  }
0xa3: {  	[sflag:s23] =	ssyncset.done $0x0  }
0xa4: {  	s25 =	simm.s32 $0x1B8E;
	s24 =	sld [smem:$0x3FFE];
	[sflag:s23] =	ssyncadd.s32 $0xFFFFFFFF  }
0xa5: {  	s26 =	simm.s32 $execute0_lowered;
	[smem:$0x3FD2] =	sst s25  }
0xa6: {  	s5 =	sshll.u32 s26, $0x1;
	_ =	strace $0x8000004C;
	[dreg:$0x1] =	wrdreg $0xFFFFFFFF  }
0xa7: {  	s28 =	simm.s32 $_size_execute0_lowered;
	s3 =	sadd.s32 s3, s5;
	[dreg:$0x0] =	wrdreg $0x0  }
0xa8: {  	s5 =	sshll.u32 s28, $0x1;
	[dreg:$0x2] =	wrdreg s3  }
0xa9: {  	[dreg:$0x3] =	wrdreg s5  }
0xaa: {  	[dreg:$0x4] =	wrdreg $0xC0  }
0xab: {  	_ =	task [dreg:s7], $0x5FFFF  }
0xac: {  	[dreg:$0x1] =	wrdreg $0xFFFFFFFF  }
0xad: {  	[dreg:$0x0] =	wrdreg $0x60  }
0xae: {  	[dreg:$0x2] =	wrdreg s2  }
0xaf: {  	[dreg:$0x3] =	wrdreg s24  }
0xb0: {  	[dreg:$0x4] =	wrdreg $0xB3000  }
0xb1: {  	[dreg:$0x5] =	wrdreg $0x9  }
0xb2: {  	_ =	task.clear_ibuf [dreg:s7], $0x6FFFF;
	_ =	strace $0x9000004C  }
0xb3: {  	s29 =	simm.s32 $0x9;
	_ =	strace $0x8000004E  }
0xb4: {  	_ =	swait.ge [sflag:s29], $0x1  }
0xb5: {  	[sflag:s29] =	ssyncadd.s32 $0xFFFFFFFF  }
0xb6: {  	_ =	strace $0x9000004E  }
0xb7: {  	_ =	sfence  }
0xb8: {  	s30 =	sld [smem:$0x0];
	_ =	sdelay $0x2  }
0xb9: {  	s31 =	sshll.u32 s1, $0xD;
	s1 =	sshrl.u32 s1, $0x2  }
0xba: {  	s3 =	sand.u32 $0x4000, s31;
	s1 =	sadd.s32 s1, s30  }
0xbb: {  	s0 =	sor.u32 s3, s0;
	s1 =	sshll.u32 s1, $0x11  }
0xbc: {  	s0 =	sor.u32 s1, s0  }
0xbd: {  	s0 =	sadd.s32 $0x8F2B, s0  }
0xbe: {  	[sflag:s0] =	ssyncadd.remote.s32 $0x1  }
0xbf: {  	_ =	sfence.sel $0xFFFF  }
0xc0: {  	[dreg:$0x0] =	wrdreg $0xFFFFFFFF;
	(pc) =	sbr.abs _section_cstart, $3  }
0xc1: {  	[dreg:$0x1] =	wrdreg $0xFFFFFFFF  }
0xc2: {  	_ =	task.clear_ibuf [dreg:s7], $0x2FFFF;
	_ =	strace $0x9FFFFFFF  }
0xc3: {  	(tm) =	ssettm $0x7FFFFFFF  }
tec
execute0_lowered:
.L_overlay_start_1:
0x0: {  	(tag) =	ssettag $0x1  }
0x1: {  	s1 =	rddreg [dreg:$0x0]  }
0x2: {  	s0 =	rddreg [dreg:$0x1]  }
0x3: {  	s2 =	rddreg [dreg:$0x2]  }
0x4: {  	s3 =	srdreg.scid;
	s13 =	stileid.u32;
	s20 =	simm.s32 $0x0  }
0x5: {  	s10 =	simm.s32 $0x80;
	s11 =	simm.s32 $0x400;
	s12 =	simm.s32 $0xB  }
0x6: {  	s16 =	simm.s32 $0x28;
	s17 =	simm.s32 $0x4F00;
	s18 =	simm.s32 $0x6300  }
0x7: {  	s28 =	simm.s32 $0x3;
	s29 =	simm.s32 $0x4;
	s30 =	simm.s32 $0x5  }
0x8: {  	s31 =	simm.s32 $0x6;
	s19 =	simm.s32 $0xA;
	s3 =	sand.u32 $0x1, s3  }
0x9: {  	s4 =	sshrl.u32 s13, $0x2;
	s5 =	sshll.u32 s13, $0x8;
	s21 =	smul.u32 $0x13C00, s13  }
0xa: {  	[smem:$0x7FF] =	sst s20;
	s8 =	smul.u32 $0x4F000, s13;
	s26 =	sshll.u32 s13, $0x6  }
0xb: {  	s20 =	simm.s32 $0x7700;
	s13 =	simm.s32 $0x9;
	s4 =	smul.u32 $0x13C00, s4  }
0xc: {  	s6 =	sshll.u32 s3, $0x7;
	s5 =	sand.u32 $0x300, s5;
	s22 =	smul.u32 $0x13C000, s3  }
0xd: {  	_ =	strace $0x8000004D;
	s3 =	ssub.s32 $0x2, s3;
	s14 =	sor.u32 $0x1C0B, s26  }
0xe: {  	s26 =	simm.s32 $0x2;
	s5 =	sor.u32 s6, s5;
	s7 =	sshrl.u32 s21, $0x3  }
0xf: {  	s23 =	sshrl.u32 s3, $0x1;
	s25 =	sshrl.u32 s8, $0x2;
	s4 =	sor.u32 s4, s5  }
0x10: {  	s5 =	sadd.s32 s21, s22;
	s7 =	sadd.s32 s7, s0;
	s3 =	ssub.s32 s3, s23  }
0x11: {  	s22 =	simm.s32 $0x8B00;
	s23 =	simm.s32 $0x0;
	s4 =	sshrl.u32 s4, $0x3  }
0x12: {  	s5 =	sshrl.u32 s5, $0x3;
	s7 =	sadd.s32 $0x17E00, s7;
	s9 =	smax.u32 s3, $0x1  }
0x13: {  	s3 =	simm.s32 $0x7;
	s4 =	sadd.s32 s4, s0;
	s0 =	sadd.s32 s5, s0  }
0x14: {  	s24 =	sadd.s32 $0x4200, s4;
	s6 =	sadd.s32 $0xE000, s4;
	s4 =	sadd.s32 s25, s2  }
0x15: {  	s8 =	sadd.s32 $0x3F600, s0;
	s25 =	simm.s32 $0x1;
	s0 =	simm.s32 $0x8  }
0x16: {  	[dreg:$0x4] =	wrdreg s24;
	s15 =	sshrl.u32 s4, $0x3;
	s24 =	simm.s32 $0x9F00  }
.LBB2_1:
0x17: {  	s4 =	simm.s32 $0x0;
	s5 =	rddreg [dreg:$0x4]  }
0x18: {  	[tilespmem:s4], [sflag:$0xB] =	stream.strided.gather [hbm4b:s5+s10], $0x2780, s11, s10, $0x38;
	[tilespmem:$0x1EF00] =	vst v63  }
0x19: {  	_ =	swait.ge [sflag:s12], $0x2780  }
0x1a: {  	[sflag:s12] =	ssyncset.done $0x0  }
0x1b: {  	s21 =	simm.s32 $0x2780;
	[sflag:s12] =	ssyncadd.s32 $0xFFFFD880  }
0x1c: {  	[tilespmem:s21], [sflag:$0xB] =	stream.strided.gather [hbm4b:s6+s10], $0x2780, s11, s10, $0x38;
	[tilespmem:$0x1EF00] =	vst v63  }
0x1d: {  	_ =	swait.ge [sflag:s12], $0x2780  }
0x1e: {  	[sflag:s12] =	ssyncset.done $0x0  }
0x1f: {  	[sflag:s12] =	ssyncadd.s32 $0xFFFFD880  }
0x20: {  	[spmem:s15], [sflag:s14] =	dma.local [hbm:s7], $0x2780  }
0x21: {  	_ =	swait.ge [sflag:s12], $0x2780  }
0x22: {  	[sflag:s12] =	ssyncset.done $0x0  }
0x23: {  	[sflag:s12] =	ssyncadd.s32 $0xFFFFD880  }
0x24: {  	[tilespmem:s17], [sflag:$0x1] =	stream.indirect.gather [hbm4b:s1+s16], $0x80, s4, s16, $0xb8;
	[tilespmem:$0x1EF00] =	vst v63  }
0x25: {  	_ = 	snop  }
0x26: {  	[tilespmem:s18], [sflag:$0x2] =	stream.indirect.gather [hbm4b:s1+s16], $0x80, s16, s16, $0xb8;
	[tilespmem:$0x1EF00] =	vst v63  }
0x27: {  	s5 =	simm.s32 $0x50  }
0x28: {  	[tilespmem:s20], [sflag:$0x3] =	stream.indirect.gather [hbm4b:s1+s16], $0x80, s5, s16, $0xb8;
	[tilespmem:$0x1EF00] =	vst v63  }
0x29: {  	s21 =	simm.s32 $0x78  }
0x2a: {  	[tilespmem:s22], [sflag:$0x4] =	stream.indirect.gather [hbm4b:s1+s16], $0x80, s21, s16, $0xb8;
	[tilespmem:$0x1EF00] =	vst v63  }
0x2b: {  	s5 =	simm.s32 $0xA0  }
0x2c: {  	[tilespmem:s24], [sflag:$0x5] =	stream.indirect.gather [hbm4b:s1+s16], $0x80, s5, s16, $0xb8;
	[tilespmem:$0x1EF00] =	vst v63  }
0x2d: {  	[bflag:$0x0] =	sbarrier.arrive $0xFFFF  }
0x2e: {  	_ =	swait.ge [sflag:s25], $0x1400  }
0x2f: {  	[sflag:s25] =	ssyncset.done $0x0  }
0x30: {  	s21 =	simm.s32 $0x2780;
	[sflag:s25] =	ssyncadd.s32 $0xFFFFEC00  }
0x31: {  	[spmem:s2] =	stream.indirect.scatter.add.f32 [tilespmem:s17], [sflag:$0x6], $0x80, s21, s16, $0xb8;
	[tilespmem:$0x1EF00] =	vst v63  }
0x32: {  	_ =	swait.ge [sflag:s26], $0x1400  }
0x33: {  	[sflag:s26] =	ssyncset.done $0x0  }
0x34: {  	s5 =	simm.s32 $0x27A8;
	[sflag:s26] =	ssyncadd.s32 $0xFFFFEC00  }
0x35: {  	[spmem:s2] =	stream.indirect.scatter.add.f32 [tilespmem:s18], [sflag:$0x7], $0x80, s5, s16, $0xb8;
	[tilespmem:$0x1EF00] =	vst v63  }
0x36: {  	_ =	swait.ge [sflag:s28], $0x1400  }
0x37: {  	[sflag:s28] =	ssyncset.done $0x0  }
0x38: {  	s21 =	simm.s32 $0x27D0;
	[sflag:s28] =	ssyncadd.s32 $0xFFFFEC00  }
0x39: {  	[spmem:s2] =	stream.indirect.scatter.add.f32 [tilespmem:s20], [sflag:$0x8], $0x80, s21, s16, $0xb8;
	[tilespmem:$0x1EF00] =	vst v63  }
0x3a: {  	_ =	swait.ge [sflag:s29], $0x1400  }
0x3b: {  	[sflag:s29] =	ssyncset.done $0x0  }
0x3c: {  	s5 =	simm.s32 $0x27F8;
	[sflag:s29] =	ssyncadd.s32 $0xFFFFEC00  }
0x3d: {  	[spmem:s2] =	stream.indirect.scatter.add.f32 [tilespmem:s22], [sflag:$0x9], $0x80, s5, s16, $0xb8;
	[tilespmem:$0x1EF00] =	vst v63  }
0x3e: {  	_ =	swait.ge [sflag:s30], $0x1400  }
0x3f: {  	[sflag:s30] =	ssyncset.done $0x0  }
0x40: {  	s21 =	simm.s32 $0x2820;
	[sflag:s30] =	ssyncadd.s32 $0xFFFFEC00  }
0x41: {  	[spmem:s2] =	stream.indirect.scatter.add.f32 [tilespmem:s24], [sflag:$0xA], $0x80, s21, s16, $0xb8;
	[tilespmem:$0x1EF00] =	vst v63  }
0x42: {  	_ =	swait.ge [sflag:s31], $0x1400  }
0x43: {  	[sflag:s31] =	ssyncset.done $0x0  }
0x44: {  	s5 =	simm.s32 $0xC8;
	[sflag:s31] =	ssyncadd.s32 $0xFFFFEC00  }
0x45: {  	[tilespmem:s17], [sflag:$0x1] =	stream.indirect.gather [hbm4b:s1+s16], $0x80, s5, s16, $0xb8;
	[tilespmem:$0x1EF00] =	vst v63  }
0x46: {  	_ =	swait.ge [sflag:s3], $0x1400  }
0x47: {  	[sflag:s3] =	ssyncset.done $0x0  }
0x48: {  	s21 =	simm.s32 $0xF0;
	[sflag:s3] =	ssyncadd.s32 $0xFFFFEC00  }
0x49: {  	[tilespmem:s18], [sflag:$0x2] =	stream.indirect.gather [hbm4b:s1+s16], $0x80, s21, s16, $0xb8;
	[tilespmem:$0x1EF00] =	vst v63  }
0x4a: {  	_ =	swait.ge [sflag:s0], $0x1400  }
0x4b: {  	[sflag:s0] =	ssyncset.done $0x0  }
0x4c: {  	s5 =	simm.s32 $0x118;
	[sflag:s0] =	ssyncadd.s32 $0xFFFFEC00  }
0x4d: {  	[tilespmem:s20], [sflag:$0x3] =	stream.indirect.gather [hbm4b:s1+s16], $0x80, s5, s16, $0xb8;
	[tilespmem:$0x1EF00] =	vst v63  }
0x4e: {  	_ =	swait.ge [sflag:s13], $0x1400  }
0x4f: {  	[sflag:s13] =	ssyncset.done $0x0  }
0x50: {  	s21 =	simm.s32 $0x140;
	[sflag:s13] =	ssyncadd.s32 $0xFFFFEC00  }
0x51: {  	[tilespmem:s22], [sflag:$0x4] =	stream.indirect.gather [hbm4b:s1+s16], $0x80, s21, s16, $0xb8;
	[tilespmem:$0x1EF00] =	vst v63  }
0x52: {  	_ =	swait.ge [sflag:s19], $0x1400  }
0x53: {  	[sflag:s19] =	ssyncset.done $0x0  }
0x54: {  	s4 =	simm.s32 $0x168;
	s21 =	simm.s32 $0x320;
	[sflag:s19] =	ssyncadd.s32 $0xFFFFEC00  }
.LBB2_2:
0x55: {  	[tilespmem:s24], [sflag:$0x5] =	stream.indirect.gather [hbm4b:s1+s16], $0x80, s4, s16, $0xb8;
	[tilespmem:$0x1EF00] =	vst v63  }
0x56: {  	s4 =	smov.u32 s21  }
0x57: {  	p0 =	sne.s32 s21, $0x9600;
	s21 =	sadd.s32 $0x320, s21;
	_ =	swait.ge [sflag:s25], $0x1400  }
0x58: {  	s4 =	sshra.s32 s4, $0x2;
	[sflag:s25] =	ssyncset.done $0x0  }
0x59: {  	s5 =	sadd.s32 $0x2780, s4;
	[sflag:s25] =	ssyncadd.s32 $0xFFFFEC00  }
0x5a: {  	[spmem:s2] =	stream.indirect.scatter.add.f32 [tilespmem:s17], [sflag:$0x6], $0x80, s5, s16, $0xb8;
	[tilespmem:$0x1EF00] =	vst v63  }
0x5b: {  	_ =	swait.ge [sflag:s26], $0x1400  }
0x5c: {  	[sflag:s26] =	ssyncset.done $0x0  }
0x5d: {  	s5 =	sadd.s32 $0x27A8, s4;
	[sflag:s26] =	ssyncadd.s32 $0xFFFFEC00  }
0x5e: {  	[spmem:s2] =	stream.indirect.scatter.add.f32 [tilespmem:s18], [sflag:$0x7], $0x80, s5, s16, $0xb8;
	[tilespmem:$0x1EF00] =	vst v63  }
0x5f: {  	_ =	swait.ge [sflag:s28], $0x1400  }
0x60: {  	[sflag:s28] =	ssyncset.done $0x0  }
0x61: {  	s5 =	sadd.s32 $0x27D0, s4;
	[sflag:s28] =	ssyncadd.s32 $0xFFFFEC00  }
0x62: {  	[spmem:s2] =	stream.indirect.scatter.add.f32 [tilespmem:s20], [sflag:$0x8], $0x80, s5, s16, $0xb8;
	[tilespmem:$0x1EF00] =	vst v63  }
0x63: {  	_ =	swait.ge [sflag:s29], $0x1400  }
0x64: {  	[sflag:s29] =	ssyncset.done $0x0  }
0x65: {  	s5 =	sadd.s32 $0x27F8, s4;
	[sflag:s29] =	ssyncadd.s32 $0xFFFFEC00  }
0x66: {  	[spmem:s2] =	stream.indirect.scatter.add.f32 [tilespmem:s22], [sflag:$0x9], $0x80, s5, s16, $0xb8;
	[tilespmem:$0x1EF00] =	vst v63  }
0x67: {  	_ =	swait.ge [sflag:s30], $0x1400  }
0x68: {  	[sflag:s30] =	ssyncset.done $0x0  }
0x69: {  	s5 =	sadd.s32 $0x2820, s4;
	[sflag:s30] =	ssyncadd.s32 $0xFFFFEC00  }
0x6a: {  	[spmem:s2] =	stream.indirect.scatter.add.f32 [tilespmem:s24], [sflag:$0xA], $0x80, s5, s16, $0xb8;
	[tilespmem:$0x1EF00] =	vst v63  }
0x6b: {  	_ =	swait.ge [sflag:s31], $0x1400  }
0x6c: {  	[sflag:s31] =	ssyncset.done $0x0  }
0x6d: {  	s5 =	sadd.s32 $0xC8, s4;
	[sflag:s31] =	ssyncadd.s32 $0xFFFFEC00  }
0x6e: {  	[tilespmem:s17], [sflag:$0x1] =	stream.indirect.gather [hbm4b:s1+s16], $0x80, s5, s16, $0xb8;
	[tilespmem:$0x1EF00] =	vst v63  }
0x6f: {  	_ =	swait.ge [sflag:s3], $0x1400  }
0x70: {  	[sflag:s3] =	ssyncset.done $0x0  }
0x71: {  	s5 =	sadd.s32 $0xF0, s4;
	[sflag:s3] =	ssyncadd.s32 $0xFFFFEC00  }
0x72: {  	[tilespmem:s18], [sflag:$0x2] =	stream.indirect.gather [hbm4b:s1+s16], $0x80, s5, s16, $0xb8;
	[tilespmem:$0x1EF00] =	vst v63  }
0x73: {  	_ =	swait.ge [sflag:s0], $0x1400  }
0x74: {  	[sflag:s0] =	ssyncset.done $0x0  }
0x75: {  	s5 =	sadd.s32 $0x118, s4;
	[sflag:s0] =	ssyncadd.s32 $0xFFFFEC00  }
0x76: {  	[tilespmem:s20], [sflag:$0x3] =	stream.indirect.gather [hbm4b:s1+s16], $0x80, s5, s16, $0xb8;
	[tilespmem:$0x1EF00] =	vst v63  }
0x77: {  	_ =	swait.ge [sflag:s13], $0x1400  }
0x78: {  	[sflag:s13] =	ssyncset.done $0x0  }
.Ltmp0:
0x79: {  	s5 =	sadd.s32 $0x140, s4;
	[sflag:s13] =	ssyncadd.s32 $0xFFFFEC00;
	(pc) =	sbr.rel @p0 .LBB2_2-.Ltmp0, $4  }
0x7a: {  	[tilespmem:s22], [sflag:$0x4] =	stream.indirect.gather [hbm4b:s1+s16], $0x80, s5, s16, $0xb8;
	[tilespmem:$0x1EF00] =	vst v63  }
0x7b: {  	_ =	swait.ge [sflag:s19], $0x1400  }
0x7c: {  	[sflag:s19] =	ssyncset.done $0x0  }
0x7d: {  	s4 =	sadd.s32 $0x168, s4;
	[sflag:s19] =	ssyncadd.s32 $0xFFFFEC00  }
0x7e: {  	[tilespmem:s24], [sflag:$0x5] =	stream.indirect.gather [hbm4b:s1+s16], $0x80, s4, s16, $0xb8;
	[tilespmem:$0x1EF00] =	vst v63  }
0x7f: {  	_ =	swait.ge [sflag:s25], $0x1400  }
0x80: {  	[sflag:s25] =	ssyncset.done $0x0  }
0x81: {  	s21 =	simm.s32 $0x4DC8;
	[sflag:s25] =	ssyncadd.s32 $0xFFFFEC00  }
0x82: {  	[spmem:s2] =	stream.indirect.scatter.add.f32 [tilespmem:s17], [sflag:$0x6], $0x80, s21, s16, $0xb8;
	[tilespmem:$0x1EF00] =	vst v63  }
0x83: {  	_ =	swait.ge [sflag:s26], $0x1400  }
0x84: {  	[sflag:s26] =	ssyncset.done $0x0  }
0x85: {  	s5 =	simm.s32 $0x4DF0;
	[sflag:s26] =	ssyncadd.s32 $0xFFFFEC00  }
0x86: {  	[spmem:s2] =	stream.indirect.scatter.add.f32 [tilespmem:s18], [sflag:$0x7], $0x80, s5, s16, $0xb8;
	[tilespmem:$0x1EF00] =	vst v63  }
0x87: {  	_ =	swait.ge [sflag:s28], $0x1400  }
0x88: {  	[sflag:s28] =	ssyncset.done $0x0  }
0x89: {  	s21 =	simm.s32 $0x4E18;
	[sflag:s28] =	ssyncadd.s32 $0xFFFFEC00  }
0x8a: {  	[spmem:s2] =	stream.indirect.scatter.add.f32 [tilespmem:s20], [sflag:$0x8], $0x80, s21, s16, $0xb8;
	[tilespmem:$0x1EF00] =	vst v63  }
0x8b: {  	_ =	swait.ge [sflag:s29], $0x1400  }
0x8c: {  	[sflag:s29] =	ssyncset.done $0x0  }
0x8d: {  	s5 =	simm.s32 $0x4E40;
	[sflag:s29] =	ssyncadd.s32 $0xFFFFEC00  }
0x8e: {  	[spmem:s2] =	stream.indirect.scatter.add.f32 [tilespmem:s22], [sflag:$0x9], $0x80, s5, s16, $0xb8;
	[tilespmem:$0x1EF00] =	vst v63  }
0x8f: {  	_ =	swait.ge [sflag:s30], $0x1400  }
0x90: {  	[sflag:s30] =	ssyncset.done $0x0  }
0x91: {  	s21 =	simm.s32 $0x4E68;
	[sflag:s30] =	ssyncadd.s32 $0xFFFFEC00  }
0x92: {  	[spmem:s2] =	stream.indirect.scatter.add.f32 [tilespmem:s24], [sflag:$0xA], $0x80, s21, s16, $0xb8;
	[tilespmem:$0x1EF00] =	vst v63  }
0x93: {  	_ =	swait.ge [sflag:s31], $0x1400  }
0x94: {  	[sflag:s31] =	ssyncset.done $0x0  }
0x95: {  	[sflag:s31] =	ssyncadd.s32 $0xFFFFEC00  }
0x96: {  	_ =	swait.ge [sflag:s3], $0x1400  }
0x97: {  	[sflag:s3] =	ssyncset.done $0x0  }
0x98: {  	[sflag:s3] =	ssyncadd.s32 $0xFFFFEC00  }
0x99: {  	_ =	swait.ge [sflag:s0], $0x1400  }
0x9a: {  	[sflag:s0] =	ssyncset.done $0x0  }
0x9b: {  	[sflag:s0] =	ssyncadd.s32 $0xFFFFEC00  }
0x9c: {  	_ =	swait.ge [sflag:s13], $0x1400  }
0x9d: {  	[sflag:s13] =	ssyncset.done $0x0  }
0x9e: {  	[sflag:s13] =	ssyncadd.s32 $0xFFFFEC00  }
0x9f: {  	_ =	swait.ge [sflag:s19], $0x1400  }
0xa0: {  	s23 =	sadd.s32 $0x1, s23;
	[sflag:s19] =	ssyncset.done $0x0  }
0xa1: {  	p0 =	sne.s32 s23, s9;
	[sflag:s19] =	ssyncadd.s32 $0xFFFFEC00  }
.Ltmp1:
0xa2: {  	[bflag:$0x0] =	sbarrier.arrive $0xFFFF;
	(pc) =	sbr.rel @p0 .LBB2_1-.Ltmp1, $4  }
0xa3: {  	[hbm:s8], [sflag:s14] =	dma.local [spmem:s15], $0x2780  }
0xa4: {  	_ =	swait.ge [sflag:s12], $0x2780  }
0xa5: {  	[sflag:s12] =	ssyncset.done $0x0  }
0xa6: {  	[sflag:s12] =	ssyncadd.s32 $0xFFFFD880  }
0xa7: {  	_ =	sfence.sel $0x180000  }
0xa8: {  	[bflag:$0x0] =	sbarrier.arrive $0xFFFF  }
0xa9: {  	_ =	strace $0x9000004D  }
0xaa: {  	s0 =	stileid.u32;
	[bflag:$0x2] =	sbarrier.arrive $0xFFFF  }
0xab: {  	p0 =	sne.s32 s0, $0x0;
	s0 =	rddreg [dreg:$0x3]  }
0xac: {  	s0 =	sadd.s32 @!p0 $0x100000, s0  }
0xad: {  	[sflag:s0] =	ssyncadd.tile.s32 @!p0 $0x1;
	_ =	shalt  }
.Lfunc_end2:
_tile_overlayer_lowered:
.L_overlay_start_2:
0xae: {  	(tag) =	ssettag $0x2  }
0xaf: {  	s0 =	rddreg [dreg:$0x0];
	s2 =	stileid.u32  }
0xb0: {  	s1 =	rddreg [dreg:$0x1];
	p0 =	sne.s32 s2, $0x0  }
0xb1: {  	s3 =	rddreg [dreg:$0x2];
	[bflag:$0x3] =	sbarrier.arrive $0xFFFF;
	s2 =	simm.s32 @!p0 $0x1C0B  }
0xb2: {  	[timem:s3], [sflag:s2] =	dma.local @!p0 [hbm:s0], s1  }
0xb3: {  	s0 =	simm.s32 @!p0 $0xB  }
0xb4: {  	_ =	swait.ge @!p0 [sflag:s0], s1  }
0xb5: {  	s1 =	ssub.s32 @!p0 $0x0, s1;
	[sflag:s0] =	ssyncset.done @!p0 $0x0  }
0xb6: {  	[sflag:s0] =	ssyncadd.s32 @!p0 s1  }
0xb7: {  	[bflag:$0x3] =	sbarrier.arrive $0xFFFF  }
0xb8: {  	_ =	shalt  }

// kernel: kernel.21.cloned.1.call-start
scs
__scs_entry_jumppad:
0x0: {  	(pc) =	sbr.rel $0x88, $3  }
0x1: {  	(tag) =	ssettag $0x0;
	lr =	simm.s32 $0x1  }
0x2: {  	[smem:$0x3F93] =	sst lr;
	_ =	strace $0xD0000000  }
0x3: {  	_ = 	snop  }
0x4: {  	_ = 	snop  }
0x5: {  	_ = 	snop  }
0x6: {  	_ = 	snop  }
0x7: {  	_ = 	snop  }
__scs_overlays_trampoline_lowered:
0x8: {  	[smem:$0x3FA2] =	sst s0  }
0x9: {  	[smem:$0x3FA3] =	sst s1  }
0xa: {  	[smem:$0x3FA4] =	sst s2  }
0xb: {  	[smem:$0x3FA5] =	sst s3  }
0xc: {  	[smem:$0x3FA6] =	sst s4  }
0xd: {  	[smem:$0x3FA7] =	sst s5  }
0xe: {  	[smem:$0x3FA8] =	sst s6  }
0xf: {  	[smem:$0x3FA9] =	sst s7  }
0x10: {  	[smem:$0x3FAA] =	sst s8  }
0x11: {  	[smem:$0x3FAB] =	sst s9;
	s0 =	simm.s32 @!p0 $0x0  }
0x12: {  	s1 =	sld [smem:$0x3F91];
	s0 =	simm.s32 @p0 $0x1  }
0x13: {  	[smem:$0x3FAC] =	sst s0;
	s0 =	simm.s32 @!p1 $0x0  }
0x14: {  	s2 =	sld [smem:$0x3F90];
	s0 =	simm.s32 @p1 $0x1  }
0x15: {  	[smem:$0x3FAD] =	sst s0;
	s0 =	simm.s32 @!p2 $0x0  }
0x16: {  	s3 =	sld [smem:$0x3FDB];
	s0 =	simm.s32 @p2 $0x1  }
0x17: {  	s4 =	simm.s32 $0x1BF5;
	[smem:$0x3FAF] =	sst s0  }
0x18: {  	s0 =	sld [smem:$0x3F92];
	_ =	swait.ge [sflag:s4], $0x0  }
0x19: {  	s7 =	sld [smem:$0x3F93]  }
0x1a: {  	s8 =	sadd.s32 $0xFFFFE003, lr  }
0x1b: {  	s9 =	sadd.s32 $0xFFFFFEF7, lr;
	s5 =	simm.s32 $0xFFFFFFFF;
	p2 =	slt.u32 s8, $0xFFFFF086  }
0x1c: {  	p1 =	slt.u32 s9, $0xF7A;
	s5 =	simm.s32 @!p2 $0x0  }
0x1d: {  	s5 =	simm.s32 @p1 $0x1;
	p0 =	seq.s32 s7, s2  }
0x1e: {  	s7 =	smul.u32 @!p0 $0xF7A, s2;
	p2 =	seq.s32 @!p0 s5, $0x0  }
0x1f: {  	s9 =	smul.u32 $0xF7A, s1;
	s8 =	simm.s32 @!p0 $0x1BF5;
	p2 =	por !p2, p0  }
0x20: {  	[sflag:s8] =	ssyncset.s32 @!p0 $0xFFFFF086;
	s6 =	sadd.s32 @!p0 s3, s7;
	s7 =	simm.s32 @!p0 $0x108  }
0x21: {  	s3 =	sadd.s32 s3, s9;
	s6 =	sadd.s32 @!p0 $0x88, s6;
	s7 =	simm.s32 @p2 $0x1082  }
0x22: {  	[simem:s7], [sflag:s8] =	dma.local @!p0 [hbm:s6], $0xF7A  }
0x23: {  	s9 =	sor.u32 $0xD0000000, s2;
	s6 =	simm.s32 $0x108;
	_ =	swait.ge @!p0 [sflag:s8], $0x0  }
0x24: {  	s3 =	sadd.s32 $0x88, s3;
	s6 =	simm.s32 @!p1 $0x1082;
	[sflag:s4] =	ssyncset.s32 $0xFFFFF086  }
0x25: {  	[simem:s6], [sflag:s4] =	dma.local [hbm:s3], $0xF7A  }
0x26: {  	[smem:$0x3F93] =	sst s1;
	(tag) =	ssettag s2;
	_ =	strace s9  }
0x27: {  	s1 =	sld [smem:$0x3FA3]  }
0x28: {  	s2 =	sld [smem:$0x3FA4]  }
0x29: {  	s4 =	sld [smem:$0x3FA6]  }
0x2a: {  	p0 =	seq.s32 s5, $0x0;
	s5 =	sld [smem:$0x3FA7]  }
0x2b: {  	s6 =	sld [smem:$0x3FA8]  }
0x2c: {  	s7 =	sld [smem:$0x3FA9]  }
0x2d: {  	s3 =	simm.s32 $0x108;
	s8 =	sld [smem:$0x3FAA]  }
0x2e: {  	s3 =	simm.s32 @!p0 $0x1082;
	s9 =	sld [smem:$0x3FAB]  }
0x2f: {  	lr =	sadd.s32 s0, s3;
	s0 =	sld [smem:$0x3FA2]  }
0x30: {  	s3 =	sld [smem:$0x3FA5]  }
0x31: {  	[smem:$0x3FAE] =	sst s10  }
0x32: {  	s10 =	sld [smem:$0x3FAC];
	_ =	sdelay $0x3  }
0x33: {  	p0 =	seq.s32 s10, $0x1;
	s10 =	sld [smem:$0x3FAE];
	_ =	sdelay $0x3  }
0x34: {  	[smem:$0x3FAE] =	sst s10  }
0x35: {  	s10 =	sld [smem:$0x3FAD];
	_ =	sdelay $0x3  }
0x36: {  	p1 =	seq.s32 s10, $0x1;
	s10 =	sld [smem:$0x3FAE];
	_ =	sdelay $0x3  }
0x37: {  	[smem:$0x3FAE] =	sst s10  }
0x38: {  	s10 =	sld [smem:$0x3FAF]  }
0x39: {  	_ = 	snop;
	(pc) =	sbr.ind lr, $3  }
0x3a: {  	_ = 	snop  }
0x3b: {  	_ = 	snop  }
0x3c: {  	p2 =	seq.s32 s10, $0x1;
	s10 =	sld [smem:$0x3FAE]  }
0x3d: {  	_ =	shalt  }
0x3e: {  	_ =	shalt  }
0x3f: {  	_ =	shalt  }
0x40: {  	_ =	shalt  }
0x41: {  	_ =	shalt  }
0x42: {  	_ =	shalt  }
0x43: {  	_ =	shalt  }
0x44: {  	_ =	shalt  }
0x45: {  	_ =	shalt  }
0x46: {  	_ =	shalt  }
0x47: {  	_ =	shalt  }
0x48: {  	_ =	shalt  }
0x49: {  	_ =	shalt  }
0x4a: {  	_ =	shalt  }
0x4b: {  	_ =	shalt  }
0x4c: {  	_ =	shalt  }
0x4d: {  	_ =	shalt  }
0x4e: {  	_ =	shalt  }
0x4f: {  	_ =	shalt  }
0x50: {  	_ =	shalt  }
0x51: {  	_ =	shalt  }
0x52: {  	_ =	shalt  }
0x53: {  	_ =	shalt  }
0x54: {  	_ =	shalt  }
0x55: {  	_ =	shalt  }
0x56: {  	_ =	shalt  }
0x57: {  	_ =	shalt  }
0x58: {  	_ =	shalt  }
0x59: {  	_ =	shalt  }
0x5a: {  	_ =	shalt  }
0x5b: {  	_ =	shalt  }
0x5c: {  	_ =	shalt  }
0x5d: {  	_ =	shalt  }
0x5e: {  	_ =	shalt  }
0x5f: {  	_ =	shalt  }
0x60: {  	_ =	shalt  }
0x61: {  	_ =	shalt  }
0x62: {  	_ =	shalt  }
0x63: {  	_ =	shalt  }
0x64: {  	_ =	shalt  }
0x65: {  	_ =	shalt  }
0x66: {  	_ =	shalt  }
0x67: {  	_ =	shalt  }
0x68: {  	_ =	shalt  }
0x69: {  	_ =	shalt  }
0x6a: {  	_ =	shalt  }
0x6b: {  	_ =	shalt  }
0x6c: {  	_ =	shalt  }
0x6d: {  	_ =	shalt  }
0x6e: {  	_ =	shalt  }
0x6f: {  	_ =	shalt  }
0x70: {  	_ =	shalt  }
0x71: {  	_ =	shalt  }
0x72: {  	_ =	shalt  }
0x73: {  	_ =	shalt  }
0x74: {  	_ =	shalt  }
0x75: {  	_ =	shalt  }
0x76: {  	_ =	shalt  }
0x77: {  	_ =	shalt  }
0x78: {  	_ =	shalt  }
0x79: {  	_ =	shalt  }
0x7a: {  	_ =	shalt  }
0x7b: {  	_ =	shalt  }
0x7c: {  	_ =	shalt  }
0x7d: {  	_ =	shalt  }
0x7e: {  	_ =	shalt  }
0x7f: {  	_ =	shalt  }
0x80: {  	_ =	shalt  }
0x81: {  	_ =	shalt  }
0x82: {  	_ =	shalt  }
0x83: {  	_ =	shalt  }
0x84: {  	_ =	shalt  }
0x85: {  	_ =	shalt  }
0x86: {  	_ =	shalt  }
0x87: {  	_ =	shalt  }
.Lfunc_end0:
.L_simem_size_0:
called_computation.3_lowered:
.L_overlay_start_0:
0x88: {  	s2 =	sld [smem:$0x3FD9]  }
0x89: {  	s3 =	sld [smem:$0x3FFE];
	_ =	sdelay $0x1  }
0x8a: {  	s1 =	srdreg.scid  }
0x8b: {  	s0 =	sand.u32 $0x1, s1  }
0x8c: {  	s17 =	sshll.u32 s0, $0xA;
	s2 =	sadd.s32 s3, s2  }
0x8d: {  	s2 =	sadd.s32 s2, s17  }
0x8e: {  	[smem:$0x3FBA] =	sst s2  }
0x8f: {  	_ = 	snop  }
0x90: {  	s2 =	sld [smem:$0x3FD0];
	(tm) =	ssettm $0x1  }
0x91: {  	s18 =	sld [smem:$0x3FFB];
	_ =	sdelay $0x3  }
0x92: {  	_ =	strace s18  }
0x93: {  	s3 =	sld [smem:$0x3FFC];
	_ =	sdelay $0x3  }
0x94: {  	_ =	strace s3  }
0x95: {  	s3 =	sld [smem:$0x3FFD];
	_ =	sdelay $0x3  }
0x96: {  	_ =	strace s3  }
0x97: {  	_ =	strace $0x8FFFFFFF  }
0x98: {  	s19 =	sld [smem:$0x3FDB];
	_ =	sdelay $0x1  }
0x99: {  	s4 =	simm.s32 $_scs_section_size  }
0x9a: {  	s5 =	simm.s32 $_size__tile_overlayer_lowered;
	s6 =	simm.s32 $_tile_overlayer_lowered  }
0x9b: {  	s22 =	simm.s32 $0x1BFF;
	s21 =	sshll.u32 s6, $0x1;
	s3 =	sadd.s32 s4, s19  }
0x9c: {  	s7 =	simm.s32 $0x0;
	s20 =	sshll.u32 s5, $0x1;
	s5 =	sadd.s32 s21, s3  }
0x9d: {  	[timem:s7], [sflag:s22] =	dma.local [hbm:s5], s20  }
0x9e: {  	_ =	swait.ge [sflag:s22], s20  }
0x9f: {  	s4 =	ssub.s32 $0x0, s20;
	[sflag:s22] =	ssyncset.done $0x0  }
0xa0: {  	[sflag:s22] =	ssyncadd.s32 s4;
	_ =	sdelay $0x1  }
0xa1: {  	s23 =	simm.s32 $0x1B8B  }
0xa2: {  	_ =	swait.ge [sflag:s23], $0x1  }
0xa3: {  	[sflag:s23] =	ssyncset.done $0x0  }
0xa4: {  	s25 =	simm.s32 $0x1B8E;
	s24 =	sld [smem:$0x3FFE];
	[sflag:s23] =	ssyncadd.s32 $0xFFFFFFFF  }
0xa5: {  	s26 =	simm.s32 $execute0_lowered;
	[smem:$0x3FD2] =	sst s25  }
0xa6: {  	s5 =	sshll.u32 s26, $0x1;
	_ =	strace $0x8000004F;
	[dreg:$0x1] =	wrdreg $0xFFFFFFFF  }
0xa7: {  	s28 =	simm.s32 $_size_execute0_lowered;
	s3 =	sadd.s32 s3, s5;
	[dreg:$0x0] =	wrdreg $0x0  }
0xa8: {  	s5 =	sshll.u32 s28, $0x1;
	[dreg:$0x2] =	wrdreg s3  }
0xa9: {  	[dreg:$0x3] =	wrdreg s5  }
0xaa: {  	[dreg:$0x4] =	wrdreg $0xC0  }
0xab: {  	_ =	task [dreg:s7], $0x5FFFF  }
0xac: {  	[dreg:$0x1] =	wrdreg $0xFFFFFFFF  }
0xad: {  	[dreg:$0x0] =	wrdreg $0x60  }
0xae: {  	[dreg:$0x2] =	wrdreg s2  }
0xaf: {  	[dreg:$0x3] =	wrdreg s24  }
0xb0: {  	[dreg:$0x4] =	wrdreg $0xB3000  }
0xb1: {  	[dreg:$0x5] =	wrdreg $0x9  }
0xb2: {  	_ =	task.clear_ibuf [dreg:s7], $0x6FFFF;
	_ =	strace $0x9000004F  }
0xb3: {  	s29 =	simm.s32 $0x9;
	_ =	strace $0x80000051  }
0xb4: {  	_ =	swait.ge [sflag:s29], $0x1  }
0xb5: {  	[sflag:s29] =	ssyncadd.s32 $0xFFFFFFFF  }
0xb6: {  	_ =	strace $0x90000051  }
0xb7: {  	_ =	sfence  }
0xb8: {  	s30 =	sld [smem:$0x0];
	_ =	sdelay $0x2  }
0xb9: {  	s31 =	sshll.u32 s1, $0xD;
	s1 =	sshrl.u32 s1, $0x2  }
0xba: {  	s3 =	sand.u32 $0x4000, s31;
	s1 =	sadd.s32 s1, s30  }
0xbb: {  	s0 =	sor.u32 s3, s0;
	s1 =	sshll.u32 s1, $0x11  }
0xbc: {  	s0 =	sor.u32 s1, s0  }
0xbd: {  	s0 =	sadd.s32 $0x8F2B, s0  }
0xbe: {  	[sflag:s0] =	ssyncadd.remote.s32 $0x1  }
0xbf: {  	_ =	sfence.sel $0xFFFF  }
0xc0: {  	[dreg:$0x0] =	wrdreg $0xFFFFFFFF;
	(pc) =	sbr.abs _section_cstart, $3  }
0xc1: {  	[dreg:$0x1] =	wrdreg $0xFFFFFFFF  }
0xc2: {  	_ =	task.clear_ibuf [dreg:s7], $0x2FFFF;
	_ =	strace $0x9FFFFFFF  }
0xc3: {  	(tm) =	ssettm $0x7FFFFFFF  }
tec
execute0_lowered:
.L_overlay_start_1:
0x0: {  	(tag) =	ssettag $0x1  }
0x1: {  	s1 =	rddreg [dreg:$0x0]  }
0x2: {  	s0 =	rddreg [dreg:$0x1]  }
0x3: {  	s2 =	rddreg [dreg:$0x2]  }
0x4: {  	s3 =	srdreg.scid;
	s13 =	stileid.u32;
	s20 =	simm.s32 $0x0  }
0x5: {  	s10 =	simm.s32 $0x80;
	s11 =	simm.s32 $0x400;
	s12 =	simm.s32 $0xB  }
0x6: {  	s16 =	simm.s32 $0x28;
	s17 =	simm.s32 $0x4F00;
	s18 =	simm.s32 $0x6300  }
0x7: {  	s28 =	simm.s32 $0x3;
	s29 =	simm.s32 $0x4;
	s30 =	simm.s32 $0x5  }
0x8: {  	s31 =	simm.s32 $0x6;
	s19 =	simm.s32 $0xA;
	s3 =	sand.u32 $0x1, s3  }
0x9: {  	s4 =	sshrl.u32 s13, $0x2;
	s5 =	sshll.u32 s13, $0x8;
	s21 =	smul.u32 $0x13C00, s13  }
0xa: {  	[smem:$0x7FF] =	sst s20;
	s8 =	smul.u32 $0x4F000, s13;
	s26 =	sshll.u32 s13, $0x6  }
0xb: {  	s20 =	simm.s32 $0x7700;
	s13 =	simm.s32 $0x9;
	s4 =	smul.u32 $0x13C00, s4  }
0xc: {  	s6 =	sshll.u32 s3, $0x7;
	s5 =	sand.u32 $0x300, s5;
	s22 =	smul.u32 $0x13C000, s3  }
0xd: {  	_ =	strace $0x80000050;
	s3 =	ssub.s32 $0x2, s3;
	s14 =	sor.u32 $0x1C0B, s26  }
0xe: {  	s26 =	simm.s32 $0x2;
	s5 =	sor.u32 s6, s5;
	s7 =	sshrl.u32 s21, $0x3  }
0xf: {  	s23 =	sshrl.u32 s3, $0x1;
	s25 =	sshrl.u32 s8, $0x2;
	s4 =	sor.u32 s4, s5  }
0x10: {  	s5 =	sadd.s32 s21, s22;
	s7 =	sadd.s32 s7, s0;
	s3 =	ssub.s32 s3, s23  }
0x11: {  	s22 =	simm.s32 $0x8B00;
	s23 =	simm.s32 $0x0;
	s4 =	sshrl.u32 s4, $0x3  }
0x12: {  	s5 =	sshrl.u32 s5, $0x3;
	s7 =	sadd.s32 $0x17E00, s7;
	s9 =	smax.u32 s3, $0x1  }
0x13: {  	s3 =	simm.s32 $0x7;
	s4 =	sadd.s32 s4, s0;
	s0 =	sadd.s32 s5, s0  }
0x14: {  	s24 =	sadd.s32 $0x4200, s4;
	s6 =	sadd.s32 $0xE000, s4;
	s4 =	sadd.s32 s25, s2  }
0x15: {  	s8 =	sadd.s32 $0x3F600, s0;
	s25 =	simm.s32 $0x1;
	s0 =	simm.s32 $0x8  }
0x16: {  	[dreg:$0x4] =	wrdreg s24;
	s15 =	sshrl.u32 s4, $0x3;
	s24 =	simm.s32 $0x9F00  }
.LBB2_1:
0x17: {  	s4 =	simm.s32 $0x0;
	s5 =	rddreg [dreg:$0x4]  }
0x18: {  	[tilespmem:s4], [sflag:$0xB] =	stream.strided.gather [hbm4b:s5+s10], $0x2780, s11, s10, $0x38;
	[tilespmem:$0x1EF00] =	vst v63  }
0x19: {  	_ =	swait.ge [sflag:s12], $0x2780  }
0x1a: {  	[sflag:s12] =	ssyncset.done $0x0  }
0x1b: {  	s21 =	simm.s32 $0x2780;
	[sflag:s12] =	ssyncadd.s32 $0xFFFFD880  }
0x1c: {  	[tilespmem:s21], [sflag:$0xB] =	stream.strided.gather [hbm4b:s6+s10], $0x2780, s11, s10, $0x38;
	[tilespmem:$0x1EF00] =	vst v63  }
0x1d: {  	_ =	swait.ge [sflag:s12], $0x2780  }
0x1e: {  	[sflag:s12] =	ssyncset.done $0x0  }
0x1f: {  	[sflag:s12] =	ssyncadd.s32 $0xFFFFD880  }
0x20: {  	[spmem:s15], [sflag:s14] =	dma.local [hbm:s7], $0x2780  }
0x21: {  	_ =	swait.ge [sflag:s12], $0x2780  }
0x22: {  	[sflag:s12] =	ssyncset.done $0x0  }
0x23: {  	[sflag:s12] =	ssyncadd.s32 $0xFFFFD880  }
0x24: {  	[tilespmem:s17], [sflag:$0x1] =	stream.indirect.gather [hbm4b:s1+s16], $0x80, s4, s16, $0xb8;
	[tilespmem:$0x1EF00] =	vst v63  }
0x25: {  	_ = 	snop  }
0x26: {  	[tilespmem:s18], [sflag:$0x2] =	stream.indirect.gather [hbm4b:s1+s16], $0x80, s16, s16, $0xb8;
	[tilespmem:$0x1EF00] =	vst v63  }
0x27: {  	s5 =	simm.s32 $0x50  }
0x28: {  	[tilespmem:s20], [sflag:$0x3] =	stream.indirect.gather [hbm4b:s1+s16], $0x80, s5, s16, $0xb8;
	[tilespmem:$0x1EF00] =	vst v63  }
0x29: {  	s21 =	simm.s32 $0x78  }
0x2a: {  	[tilespmem:s22], [sflag:$0x4] =	stream.indirect.gather [hbm4b:s1+s16], $0x80, s21, s16, $0xb8;
	[tilespmem:$0x1EF00] =	vst v63  }
0x2b: {  	s5 =	simm.s32 $0xA0  }
0x2c: {  	[tilespmem:s24], [sflag:$0x5] =	stream.indirect.gather [hbm4b:s1+s16], $0x80, s5, s16, $0xb8;
	[tilespmem:$0x1EF00] =	vst v63  }
0x2d: {  	[bflag:$0x0] =	sbarrier.arrive $0xFFFF  }
0x2e: {  	_ =	swait.ge [sflag:s25], $0x1400  }
0x2f: {  	[sflag:s25] =	ssyncset.done $0x0  }
0x30: {  	s21 =	simm.s32 $0x2780;
	[sflag:s25] =	ssyncadd.s32 $0xFFFFEC00  }
0x31: {  	[spmem:s2] =	stream.indirect.scatter.add.f32 [tilespmem:s17], [sflag:$0x6], $0x80, s21, s16, $0xb8;
	[tilespmem:$0x1EF00] =	vst v63  }
0x32: {  	_ =	swait.ge [sflag:s26], $0x1400  }
0x33: {  	[sflag:s26] =	ssyncset.done $0x0  }
0x34: {  	s5 =	simm.s32 $0x27A8;
	[sflag:s26] =	ssyncadd.s32 $0xFFFFEC00  }
0x35: {  	[spmem:s2] =	stream.indirect.scatter.add.f32 [tilespmem:s18], [sflag:$0x7], $0x80, s5, s16, $0xb8;
	[tilespmem:$0x1EF00] =	vst v63  }
0x36: {  	_ =	swait.ge [sflag:s28], $0x1400  }
0x37: {  	[sflag:s28] =	ssyncset.done $0x0  }
0x38: {  	s21 =	simm.s32 $0x27D0;
	[sflag:s28] =	ssyncadd.s32 $0xFFFFEC00  }
0x39: {  	[spmem:s2] =	stream.indirect.scatter.add.f32 [tilespmem:s20], [sflag:$0x8], $0x80, s21, s16, $0xb8;
	[tilespmem:$0x1EF00] =	vst v63  }
0x3a: {  	_ =	swait.ge [sflag:s29], $0x1400  }
0x3b: {  	[sflag:s29] =	ssyncset.done $0x0  }
0x3c: {  	s5 =	simm.s32 $0x27F8;
	[sflag:s29] =	ssyncadd.s32 $0xFFFFEC00  }
0x3d: {  	[spmem:s2] =	stream.indirect.scatter.add.f32 [tilespmem:s22], [sflag:$0x9], $0x80, s5, s16, $0xb8;
	[tilespmem:$0x1EF00] =	vst v63  }
0x3e: {  	_ =	swait.ge [sflag:s30], $0x1400  }
0x3f: {  	[sflag:s30] =	ssyncset.done $0x0  }
0x40: {  	s21 =	simm.s32 $0x2820;
	[sflag:s30] =	ssyncadd.s32 $0xFFFFEC00  }
0x41: {  	[spmem:s2] =	stream.indirect.scatter.add.f32 [tilespmem:s24], [sflag:$0xA], $0x80, s21, s16, $0xb8;
	[tilespmem:$0x1EF00] =	vst v63  }
0x42: {  	_ =	swait.ge [sflag:s31], $0x1400  }
0x43: {  	[sflag:s31] =	ssyncset.done $0x0  }
0x44: {  	s5 =	simm.s32 $0xC8;
	[sflag:s31] =	ssyncadd.s32 $0xFFFFEC00  }
0x45: {  	[tilespmem:s17], [sflag:$0x1] =	stream.indirect.gather [hbm4b:s1+s16], $0x80, s5, s16, $0xb8;
	[tilespmem:$0x1EF00] =	vst v63  }
0x46: {  	_ =	swait.ge [sflag:s3], $0x1400  }
0x47: {  	[sflag:s3] =	ssyncset.done $0x0  }
0x48: {  	s21 =	simm.s32 $0xF0;
	[sflag:s3] =	ssyncadd.s32 $0xFFFFEC00  }
0x49: {  	[tilespmem:s18], [sflag:$0x2] =	stream.indirect.gather [hbm4b:s1+s16], $0x80, s21, s16, $0xb8;
	[tilespmem:$0x1EF00] =	vst v63  }
0x4a: {  	_ =	swait.ge [sflag:s0], $0x1400  }
0x4b: {  	[sflag:s0] =	ssyncset.done $0x0  }
0x4c: {  	s5 =	simm.s32 $0x118;
	[sflag:s0] =	ssyncadd.s32 $0xFFFFEC00  }
0x4d: {  	[tilespmem:s20], [sflag:$0x3] =	stream.indirect.gather [hbm4b:s1+s16], $0x80, s5, s16, $0xb8;
	[tilespmem:$0x1EF00] =	vst v63  }
0x4e: {  	_ =	swait.ge [sflag:s13], $0x1400  }
0x4f: {  	[sflag:s13] =	ssyncset.done $0x0  }
0x50: {  	s21 =	simm.s32 $0x140;
	[sflag:s13] =	ssyncadd.s32 $0xFFFFEC00  }
0x51: {  	[tilespmem:s22], [sflag:$0x4] =	stream.indirect.gather [hbm4b:s1+s16], $0x80, s21, s16, $0xb8;
	[tilespmem:$0x1EF00] =	vst v63  }
0x52: {  	_ =	swait.ge [sflag:s19], $0x1400  }
0x53: {  	[sflag:s19] =	ssyncset.done $0x0  }
0x54: {  	s4 =	simm.s32 $0x168;
	s21 =	simm.s32 $0x320;
	[sflag:s19] =	ssyncadd.s32 $0xFFFFEC00  }
.LBB2_2:
0x55: {  	[tilespmem:s24], [sflag:$0x5] =	stream.indirect.gather [hbm4b:s1+s16], $0x80, s4, s16, $0xb8;
	[tilespmem:$0x1EF00] =	vst v63  }
0x56: {  	s4 =	smov.u32 s21  }
0x57: {  	p0 =	sne.s32 s21, $0x9600;
	s21 =	sadd.s32 $0x320, s21;
	_ =	swait.ge [sflag:s25], $0x1400  }
0x58: {  	s4 =	sshra.s32 s4, $0x2;
	[sflag:s25] =	ssyncset.done $0x0  }
0x59: {  	s5 =	sadd.s32 $0x2780, s4;
	[sflag:s25] =	ssyncadd.s32 $0xFFFFEC00  }
0x5a: {  	[spmem:s2] =	stream.indirect.scatter.add.f32 [tilespmem:s17], [sflag:$0x6], $0x80, s5, s16, $0xb8;
	[tilespmem:$0x1EF00] =	vst v63  }
0x5b: {  	_ =	swait.ge [sflag:s26], $0x1400  }
0x5c: {  	[sflag:s26] =	ssyncset.done $0x0  }
0x5d: {  	s5 =	sadd.s32 $0x27A8, s4;
	[sflag:s26] =	ssyncadd.s32 $0xFFFFEC00  }
0x5e: {  	[spmem:s2] =	stream.indirect.scatter.add.f32 [tilespmem:s18], [sflag:$0x7], $0x80, s5, s16, $0xb8;
	[tilespmem:$0x1EF00] =	vst v63  }
0x5f: {  	_ =	swait.ge [sflag:s28], $0x1400  }
0x60: {  	[sflag:s28] =	ssyncset.done $0x0  }
0x61: {  	s5 =	sadd.s32 $0x27D0, s4;
	[sflag:s28] =	ssyncadd.s32 $0xFFFFEC00  }
0x62: {  	[spmem:s2] =	stream.indirect.scatter.add.f32 [tilespmem:s20], [sflag:$0x8], $0x80, s5, s16, $0xb8;
	[tilespmem:$0x1EF00] =	vst v63  }
0x63: {  	_ =	swait.ge [sflag:s29], $0x1400  }
0x64: {  	[sflag:s29] =	ssyncset.done $0x0  }
0x65: {  	s5 =	sadd.s32 $0x27F8, s4;
	[sflag:s29] =	ssyncadd.s32 $0xFFFFEC00  }
0x66: {  	[spmem:s2] =	stream.indirect.scatter.add.f32 [tilespmem:s22], [sflag:$0x9], $0x80, s5, s16, $0xb8;
	[tilespmem:$0x1EF00] =	vst v63  }
0x67: {  	_ =	swait.ge [sflag:s30], $0x1400  }
0x68: {  	[sflag:s30] =	ssyncset.done $0x0  }
0x69: {  	s5 =	sadd.s32 $0x2820, s4;
	[sflag:s30] =	ssyncadd.s32 $0xFFFFEC00  }
0x6a: {  	[spmem:s2] =	stream.indirect.scatter.add.f32 [tilespmem:s24], [sflag:$0xA], $0x80, s5, s16, $0xb8;
	[tilespmem:$0x1EF00] =	vst v63  }
0x6b: {  	_ =	swait.ge [sflag:s31], $0x1400  }
0x6c: {  	[sflag:s31] =	ssyncset.done $0x0  }
0x6d: {  	s5 =	sadd.s32 $0xC8, s4;
	[sflag:s31] =	ssyncadd.s32 $0xFFFFEC00  }
0x6e: {  	[tilespmem:s17], [sflag:$0x1] =	stream.indirect.gather [hbm4b:s1+s16], $0x80, s5, s16, $0xb8;
	[tilespmem:$0x1EF00] =	vst v63  }
0x6f: {  	_ =	swait.ge [sflag:s3], $0x1400  }
0x70: {  	[sflag:s3] =	ssyncset.done $0x0  }
0x71: {  	s5 =	sadd.s32 $0xF0, s4;
	[sflag:s3] =	ssyncadd.s32 $0xFFFFEC00  }
0x72: {  	[tilespmem:s18], [sflag:$0x2] =	stream.indirect.gather [hbm4b:s1+s16], $0x80, s5, s16, $0xb8;
	[tilespmem:$0x1EF00] =	vst v63  }
0x73: {  	_ =	swait.ge [sflag:s0], $0x1400  }
0x74: {  	[sflag:s0] =	ssyncset.done $0x0  }
0x75: {  	s5 =	sadd.s32 $0x118, s4;
	[sflag:s0] =	ssyncadd.s32 $0xFFFFEC00  }
0x76: {  	[tilespmem:s20], [sflag:$0x3] =	stream.indirect.gather [hbm4b:s1+s16], $0x80, s5, s16, $0xb8;
	[tilespmem:$0x1EF00] =	vst v63  }
0x77: {  	_ =	swait.ge [sflag:s13], $0x1400  }
0x78: {  	[sflag:s13] =	ssyncset.done $0x0  }
.Ltmp0:
0x79: {  	s5 =	sadd.s32 $0x140, s4;
	[sflag:s13] =	ssyncadd.s32 $0xFFFFEC00;
	(pc) =	sbr.rel @p0 .LBB2_2-.Ltmp0, $4  }
0x7a: {  	[tilespmem:s22], [sflag:$0x4] =	stream.indirect.gather [hbm4b:s1+s16], $0x80, s5, s16, $0xb8;
	[tilespmem:$0x1EF00] =	vst v63  }
0x7b: {  	_ =	swait.ge [sflag:s19], $0x1400  }
0x7c: {  	[sflag:s19] =	ssyncset.done $0x0  }
0x7d: {  	s4 =	sadd.s32 $0x168, s4;
	[sflag:s19] =	ssyncadd.s32 $0xFFFFEC00  }
0x7e: {  	[tilespmem:s24], [sflag:$0x5] =	stream.indirect.gather [hbm4b:s1+s16], $0x80, s4, s16, $0xb8;
	[tilespmem:$0x1EF00] =	vst v63  }
0x7f: {  	_ =	swait.ge [sflag:s25], $0x1400  }
0x80: {  	[sflag:s25] =	ssyncset.done $0x0  }
0x81: {  	s21 =	simm.s32 $0x4DC8;
	[sflag:s25] =	ssyncadd.s32 $0xFFFFEC00  }
0x82: {  	[spmem:s2] =	stream.indirect.scatter.add.f32 [tilespmem:s17], [sflag:$0x6], $0x80, s21, s16, $0xb8;
	[tilespmem:$0x1EF00] =	vst v63  }
0x83: {  	_ =	swait.ge [sflag:s26], $0x1400  }
0x84: {  	[sflag:s26] =	ssyncset.done $0x0  }
0x85: {  	s5 =	simm.s32 $0x4DF0;
	[sflag:s26] =	ssyncadd.s32 $0xFFFFEC00  }
0x86: {  	[spmem:s2] =	stream.indirect.scatter.add.f32 [tilespmem:s18], [sflag:$0x7], $0x80, s5, s16, $0xb8;
	[tilespmem:$0x1EF00] =	vst v63  }
0x87: {  	_ =	swait.ge [sflag:s28], $0x1400  }
0x88: {  	[sflag:s28] =	ssyncset.done $0x0  }
0x89: {  	s21 =	simm.s32 $0x4E18;
	[sflag:s28] =	ssyncadd.s32 $0xFFFFEC00  }
0x8a: {  	[spmem:s2] =	stream.indirect.scatter.add.f32 [tilespmem:s20], [sflag:$0x8], $0x80, s21, s16, $0xb8;
	[tilespmem:$0x1EF00] =	vst v63  }
0x8b: {  	_ =	swait.ge [sflag:s29], $0x1400  }
0x8c: {  	[sflag:s29] =	ssyncset.done $0x0  }
0x8d: {  	s5 =	simm.s32 $0x4E40;
	[sflag:s29] =	ssyncadd.s32 $0xFFFFEC00  }
0x8e: {  	[spmem:s2] =	stream.indirect.scatter.add.f32 [tilespmem:s22], [sflag:$0x9], $0x80, s5, s16, $0xb8;
	[tilespmem:$0x1EF00] =	vst v63  }
0x8f: {  	_ =	swait.ge [sflag:s30], $0x1400  }
0x90: {  	[sflag:s30] =	ssyncset.done $0x0  }
0x91: {  	s21 =	simm.s32 $0x4E68;
	[sflag:s30] =	ssyncadd.s32 $0xFFFFEC00  }
0x92: {  	[spmem:s2] =	stream.indirect.scatter.add.f32 [tilespmem:s24], [sflag:$0xA], $0x80, s21, s16, $0xb8;
	[tilespmem:$0x1EF00] =	vst v63  }
0x93: {  	_ =	swait.ge [sflag:s31], $0x1400  }
0x94: {  	[sflag:s31] =	ssyncset.done $0x0  }
0x95: {  	[sflag:s31] =	ssyncadd.s32 $0xFFFFEC00  }
0x96: {  	_ =	swait.ge [sflag:s3], $0x1400  }
0x97: {  	[sflag:s3] =	ssyncset.done $0x0  }
0x98: {  	[sflag:s3] =	ssyncadd.s32 $0xFFFFEC00  }
0x99: {  	_ =	swait.ge [sflag:s0], $0x1400  }
0x9a: {  	[sflag:s0] =	ssyncset.done $0x0  }
0x9b: {  	[sflag:s0] =	ssyncadd.s32 $0xFFFFEC00  }
0x9c: {  	_ =	swait.ge [sflag:s13], $0x1400  }
0x9d: {  	[sflag:s13] =	ssyncset.done $0x0  }
0x9e: {  	[sflag:s13] =	ssyncadd.s32 $0xFFFFEC00  }
0x9f: {  	_ =	swait.ge [sflag:s19], $0x1400  }
0xa0: {  	s23 =	sadd.s32 $0x1, s23;
	[sflag:s19] =	ssyncset.done $0x0  }
0xa1: {  	p0 =	sne.s32 s23, s9;
	[sflag:s19] =	ssyncadd.s32 $0xFFFFEC00  }
.Ltmp1:
0xa2: {  	[bflag:$0x0] =	sbarrier.arrive $0xFFFF;
	(pc) =	sbr.rel @p0 .LBB2_1-.Ltmp1, $4  }
0xa3: {  	[hbm:s8], [sflag:s14] =	dma.local [spmem:s15], $0x2780  }
0xa4: {  	_ =	swait.ge [sflag:s12], $0x2780  }
0xa5: {  	[sflag:s12] =	ssyncset.done $0x0  }
0xa6: {  	[sflag:s12] =	ssyncadd.s32 $0xFFFFD880  }
0xa7: {  	_ =	sfence.sel $0x180000  }
0xa8: {  	[bflag:$0x0] =	sbarrier.arrive $0xFFFF  }
0xa9: {  	_ =	strace $0x90000050  }
0xaa: {  	s0 =	stileid.u32;
	[bflag:$0x2] =	sbarrier.arrive $0xFFFF  }
0xab: {  	p0 =	sne.s32 s0, $0x0;
	s0 =	rddreg [dreg:$0x3]  }
0xac: {  	s0 =	sadd.s32 @!p0 $0x100000, s0  }
0xad: {  	[sflag:s0] =	ssyncadd.tile.s32 @!p0 $0x1;
	_ =	shalt  }
.Lfunc_end2:
_tile_overlayer_lowered:
.L_overlay_start_2:
0xae: {  	(tag) =	ssettag $0x2  }
0xaf: {  	s0 =	rddreg [dreg:$0x0];
	s2 =	stileid.u32  }
0xb0: {  	s1 =	rddreg [dreg:$0x1];
	p0 =	sne.s32 s2, $0x0  }
0xb1: {  	s3 =	rddreg [dreg:$0x2];
	[bflag:$0x3] =	sbarrier.arrive $0xFFFF;
	s2 =	simm.s32 @!p0 $0x1C0B  }
0xb2: {  	[timem:s3], [sflag:s2] =	dma.local @!p0 [hbm:s0], s1  }
0xb3: {  	s0 =	simm.s32 @!p0 $0xB  }
0xb4: {  	_ =	swait.ge @!p0 [sflag:s0], s1  }
0xb5: {  	s1 =	ssub.s32 @!p0 $0x0, s1;
	[sflag:s0] =	ssyncset.done @!p0 $0x0  }
0xb6: {  	[sflag:s0] =	ssyncadd.s32 @!p0 s1  }
0xb7: {  	[bflag:$0x3] =	sbarrier.arrive $0xFFFF  }
0xb8: {  	_ =	shalt  }

// kernel: kernel.24.cloned.1.call-start
scs
__scs_entry_jumppad:
0x0: {  	(pc) =	sbr.rel $0x88, $3  }
0x1: {  	(tag) =	ssettag $0x0;
	lr =	simm.s32 $0x1  }
0x2: {  	[smem:$0x3F93] =	sst lr;
	_ =	strace $0xD0000000  }
0x3: {  	_ = 	snop  }
0x4: {  	_ = 	snop  }
0x5: {  	_ = 	snop  }
0x6: {  	_ = 	snop  }
0x7: {  	_ = 	snop  }
__scs_overlays_trampoline_lowered:
0x8: {  	[smem:$0x3FA2] =	sst s0  }
0x9: {  	[smem:$0x3FA3] =	sst s1  }
0xa: {  	[smem:$0x3FA4] =	sst s2  }
0xb: {  	[smem:$0x3FA5] =	sst s3  }
0xc: {  	[smem:$0x3FA6] =	sst s4  }
0xd: {  	[smem:$0x3FA7] =	sst s5  }
0xe: {  	[smem:$0x3FA8] =	sst s6  }
0xf: {  	[smem:$0x3FA9] =	sst s7  }
0x10: {  	[smem:$0x3FAA] =	sst s8  }
0x11: {  	[smem:$0x3FAB] =	sst s9;
	s0 =	simm.s32 @!p0 $0x0  }
0x12: {  	s1 =	sld [smem:$0x3F91];
	s0 =	simm.s32 @p0 $0x1  }
0x13: {  	[smem:$0x3FAC] =	sst s0;
	s0 =	simm.s32 @!p1 $0x0  }
0x14: {  	s2 =	sld [smem:$0x3F90];
	s0 =	simm.s32 @p1 $0x1  }
0x15: {  	[smem:$0x3FAD] =	sst s0;
	s0 =	simm.s32 @!p2 $0x0  }
0x16: {  	s3 =	sld [smem:$0x3FDB];
	s0 =	simm.s32 @p2 $0x1  }
0x17: {  	s4 =	simm.s32 $0x1BF5;
	[smem:$0x3FAF] =	sst s0  }
0x18: {  	s0 =	sld [smem:$0x3F92];
	_ =	swait.ge [sflag:s4], $0x0  }
0x19: {  	s7 =	sld [smem:$0x3F93]  }
0x1a: {  	s8 =	sadd.s32 $0xFFFFE003, lr  }
0x1b: {  	s9 =	sadd.s32 $0xFFFFFEF7, lr;
	s5 =	simm.s32 $0xFFFFFFFF;
	p2 =	slt.u32 s8, $0xFFFFF086  }
0x1c: {  	p1 =	slt.u32 s9, $0xF7A;
	s5 =	simm.s32 @!p2 $0x0  }
0x1d: {  	s5 =	simm.s32 @p1 $0x1;
	p0 =	seq.s32 s7, s2  }
0x1e: {  	s7 =	smul.u32 @!p0 $0xF7A, s2;
	p2 =	seq.s32 @!p0 s5, $0x0  }
0x1f: {  	s9 =	smul.u32 $0xF7A, s1;
	s8 =	simm.s32 @!p0 $0x1BF5;
	p2 =	por !p2, p0  }
0x20: {  	[sflag:s8] =	ssyncset.s32 @!p0 $0xFFFFF086;
	s6 =	sadd.s32 @!p0 s3, s7;
	s7 =	simm.s32 @!p0 $0x108  }
0x21: {  	s3 =	sadd.s32 s3, s9;
	s6 =	sadd.s32 @!p0 $0x88, s6;
	s7 =	simm.s32 @p2 $0x1082  }
0x22: {  	[simem:s7], [sflag:s8] =	dma.local @!p0 [hbm:s6], $0xF7A  }
0x23: {  	s9 =	sor.u32 $0xD0000000, s2;
	s6 =	simm.s32 $0x108;
	_ =	swait.ge @!p0 [sflag:s8], $0x0  }
0x24: {  	s3 =	sadd.s32 $0x88, s3;
	s6 =	simm.s32 @!p1 $0x1082;
	[sflag:s4] =	ssyncset.s32 $0xFFFFF086  }
0x25: {  	[simem:s6], [sflag:s4] =	dma.local [hbm:s3], $0xF7A  }
0x26: {  	[smem:$0x3F93] =	sst s1;
	(tag) =	ssettag s2;
	_ =	strace s9  }
0x27: {  	s1 =	sld [smem:$0x3FA3]  }
0x28: {  	s2 =	sld [smem:$0x3FA4]  }
0x29: {  	s4 =	sld [smem:$0x3FA6]  }
0x2a: {  	p0 =	seq.s32 s5, $0x0;
	s5 =	sld [smem:$0x3FA7]  }
0x2b: {  	s6 =	sld [smem:$0x3FA8]  }
0x2c: {  	s7 =	sld [smem:$0x3FA9]  }
0x2d: {  	s3 =	simm.s32 $0x108;
	s8 =	sld [smem:$0x3FAA]  }
0x2e: {  	s3 =	simm.s32 @!p0 $0x1082;
	s9 =	sld [smem:$0x3FAB]  }
0x2f: {  	lr =	sadd.s32 s0, s3;
	s0 =	sld [smem:$0x3FA2]  }
0x30: {  	s3 =	sld [smem:$0x3FA5]  }
0x31: {  	[smem:$0x3FAE] =	sst s10  }
0x32: {  	s10 =	sld [smem:$0x3FAC];
	_ =	sdelay $0x3  }
0x33: {  	p0 =	seq.s32 s10, $0x1;
	s10 =	sld [smem:$0x3FAE];
	_ =	sdelay $0x3  }
0x34: {  	[smem:$0x3FAE] =	sst s10  }
0x35: {  	s10 =	sld [smem:$0x3FAD];
	_ =	sdelay $0x3  }
0x36: {  	p1 =	seq.s32 s10, $0x1;
	s10 =	sld [smem:$0x3FAE];
	_ =	sdelay $0x3  }
0x37: {  	[smem:$0x3FAE] =	sst s10  }
0x38: {  	s10 =	sld [smem:$0x3FAF]  }
0x39: {  	_ = 	snop;
	(pc) =	sbr.ind lr, $3  }
0x3a: {  	_ = 	snop  }
0x3b: {  	_ = 	snop  }
0x3c: {  	p2 =	seq.s32 s10, $0x1;
	s10 =	sld [smem:$0x3FAE]  }
0x3d: {  	_ =	shalt  }
0x3e: {  	_ =	shalt  }
0x3f: {  	_ =	shalt  }
0x40: {  	_ =	shalt  }
0x41: {  	_ =	shalt  }
0x42: {  	_ =	shalt  }
0x43: {  	_ =	shalt  }
0x44: {  	_ =	shalt  }
0x45: {  	_ =	shalt  }
0x46: {  	_ =	shalt  }
0x47: {  	_ =	shalt  }
0x48: {  	_ =	shalt  }
0x49: {  	_ =	shalt  }
0x4a: {  	_ =	shalt  }
0x4b: {  	_ =	shalt  }
0x4c: {  	_ =	shalt  }
0x4d: {  	_ =	shalt  }
0x4e: {  	_ =	shalt  }
0x4f: {  	_ =	shalt  }
0x50: {  	_ =	shalt  }
0x51: {  	_ =	shalt  }
0x52: {  	_ =	shalt  }
0x53: {  	_ =	shalt  }
0x54: {  	_ =	shalt  }
0x55: {  	_ =	shalt  }
0x56: {  	_ =	shalt  }
0x57: {  	_ =	shalt  }
0x58: {  	_ =	shalt  }
0x59: {  	_ =	shalt  }
0x5a: {  	_ =	shalt  }
0x5b: {  	_ =	shalt  }
0x5c: {  	_ =	shalt  }
0x5d: {  	_ =	shalt  }
0x5e: {  	_ =	shalt  }
0x5f: {  	_ =	shalt  }
0x60: {  	_ =	shalt  }
0x61: {  	_ =	shalt  }
0x62: {  	_ =	shalt  }
0x63: {  	_ =	shalt  }
0x64: {  	_ =	shalt  }
0x65: {  	_ =	shalt  }
0x66: {  	_ =	shalt  }
0x67: {  	_ =	shalt  }
0x68: {  	_ =	shalt  }
0x69: {  	_ =	shalt  }
0x6a: {  	_ =	shalt  }
0x6b: {  	_ =	shalt  }
0x6c: {  	_ =	shalt  }
0x6d: {  	_ =	shalt  }
0x6e: {  	_ =	shalt  }
0x6f: {  	_ =	shalt  }
0x70: {  	_ =	shalt  }
0x71: {  	_ =	shalt  }
0x72: {  	_ =	shalt  }
0x73: {  	_ =	shalt  }
0x74: {  	_ =	shalt  }
0x75: {  	_ =	shalt  }
0x76: {  	_ =	shalt  }
0x77: {  	_ =	shalt  }
0x78: {  	_ =	shalt  }
0x79: {  	_ =	shalt  }
0x7a: {  	_ =	shalt  }
0x7b: {  	_ =	shalt  }
0x7c: {  	_ =	shalt  }
0x7d: {  	_ =	shalt  }
0x7e: {  	_ =	shalt  }
0x7f: {  	_ =	shalt  }
0x80: {  	_ =	shalt  }
0x81: {  	_ =	shalt  }
0x82: {  	_ =	shalt  }
0x83: {  	_ =	shalt  }
0x84: {  	_ =	shalt  }
0x85: {  	_ =	shalt  }
0x86: {  	_ =	shalt  }
0x87: {  	_ =	shalt  }
.Lfunc_end0:
.L_simem_size_0:
called_computation.4_lowered:
.L_overlay_start_0:
0x88: {  	s2 =	sld [smem:$0x3FD9]  }
0x89: {  	s3 =	sld [smem:$0x3FFE];
	_ =	sdelay $0x1  }
0x8a: {  	s1 =	srdreg.scid  }
0x8b: {  	s0 =	sand.u32 $0x1, s1  }
0x8c: {  	s17 =	sshll.u32 s0, $0xA;
	s2 =	sadd.s32 s3, s2  }
0x8d: {  	s2 =	sadd.s32 s2, s17  }
0x8e: {  	[smem:$0x3FBA] =	sst s2  }
0x8f: {  	_ = 	snop  }
0x90: {  	s2 =	sld [smem:$0x3FD0];
	(tm) =	ssettm $0x1  }
0x91: {  	s18 =	sld [smem:$0x3FFB];
	_ =	sdelay $0x3  }
0x92: {  	_ =	strace s18  }
0x93: {  	s3 =	sld [smem:$0x3FFC];
	_ =	sdelay $0x3  }
0x94: {  	_ =	strace s3  }
0x95: {  	s3 =	sld [smem:$0x3FFD];
	_ =	sdelay $0x3  }
0x96: {  	_ =	strace s3  }
0x97: {  	_ =	strace $0x8FFFFFFF  }
0x98: {  	s19 =	sld [smem:$0x3FDB];
	_ =	sdelay $0x1  }
0x99: {  	s4 =	simm.s32 $_scs_section_size  }
0x9a: {  	s5 =	simm.s32 $_size__tile_overlayer_lowered;
	s6 =	simm.s32 $_tile_overlayer_lowered  }
0x9b: {  	s22 =	simm.s32 $0x1BFF;
	s21 =	sshll.u32 s6, $0x1;
	s3 =	sadd.s32 s4, s19  }
0x9c: {  	s7 =	simm.s32 $0x0;
	s20 =	sshll.u32 s5, $0x1;
	s5 =	sadd.s32 s21, s3  }
0x9d: {  	[timem:s7], [sflag:s22] =	dma.local [hbm:s5], s20  }
0x9e: {  	_ =	swait.ge [sflag:s22], s20  }
0x9f: {  	s4 =	ssub.s32 $0x0, s20;
	[sflag:s22] =	ssyncset.done $0x0  }
0xa0: {  	[sflag:s22] =	ssyncadd.s32 s4;
	_ =	sdelay $0x1  }
0xa1: {  	s23 =	simm.s32 $0x1B8B  }
0xa2: {  	_ =	swait.ge [sflag:s23], $0x1  }
0xa3: {  	[sflag:s23] =	ssyncset.done $0x0  }
0xa4: {  	s25 =	simm.s32 $0x1B8E;
	s24 =	sld [smem:$0x3FFE];
	[sflag:s23] =	ssyncadd.s32 $0xFFFFFFFF  }
0xa5: {  	s26 =	simm.s32 $execute0_lowered;
	[smem:$0x3FD2] =	sst s25  }
0xa6: {  	s5 =	sshll.u32 s26, $0x1;
	_ =	strace $0x80000052;
	[dreg:$0x1] =	wrdreg $0xFFFFFFFF  }
0xa7: {  	s28 =	simm.s32 $_size_execute0_lowered;
	s3 =	sadd.s32 s3, s5;
	[dreg:$0x0] =	wrdreg $0x0  }
0xa8: {  	s5 =	sshll.u32 s28, $0x1;
	[dreg:$0x2] =	wrdreg s3  }
0xa9: {  	[dreg:$0x3] =	wrdreg s5  }
0xaa: {  	[dreg:$0x4] =	wrdreg $0xC0  }
0xab: {  	_ =	task [dreg:s7], $0x5FFFF  }
0xac: {  	[dreg:$0x1] =	wrdreg $0xFFFFFFFF  }
0xad: {  	[dreg:$0x0] =	wrdreg $0x60  }
0xae: {  	[dreg:$0x2] =	wrdreg s2  }
0xaf: {  	[dreg:$0x3] =	wrdreg s24  }
0xb0: {  	[dreg:$0x4] =	wrdreg $0xB3000  }
0xb1: {  	[dreg:$0x5] =	wrdreg $0x9  }
0xb2: {  	_ =	task.clear_ibuf [dreg:s7], $0x6FFFF;
	_ =	strace $0x90000052  }
0xb3: {  	s29 =	simm.s32 $0x9;
	_ =	strace $0x80000054  }
0xb4: {  	_ =	swait.ge [sflag:s29], $0x1  }
0xb5: {  	[sflag:s29] =	ssyncadd.s32 $0xFFFFFFFF  }
0xb6: {  	_ =	strace $0x90000054  }
0xb7: {  	_ =	sfence  }
0xb8: {  	s30 =	sld [smem:$0x0];
	_ =	sdelay $0x2  }
0xb9: {  	s31 =	sshll.u32 s1, $0xD;
	s1 =	sshrl.u32 s1, $0x2  }
0xba: {  	s3 =	sand.u32 $0x4000, s31;
	s1 =	sadd.s32 s1, s30  }
0xbb: {  	s0 =	sor.u32 s3, s0;
	s1 =	sshll.u32 s1, $0x11  }
0xbc: {  	s0 =	sor.u32 s1, s0  }
0xbd: {  	s0 =	sadd.s32 $0x8F2B, s0  }
0xbe: {  	[sflag:s0] =	ssyncadd.remote.s32 $0x1  }
0xbf: {  	_ =	sfence.sel $0xFFFF  }
0xc0: {  	[dreg:$0x0] =	wrdreg $0xFFFFFFFF;
	(pc) =	sbr.abs _section_cstart, $3  }
0xc1: {  	[dreg:$0x1] =	wrdreg $0xFFFFFFFF  }
0xc2: {  	_ =	task.clear_ibuf [dreg:s7], $0x2FFFF;
	_ =	strace $0x9FFFFFFF  }
0xc3: {  	(tm) =	ssettm $0x7FFFFFFF  }
tec
execute0_lowered:
.L_overlay_start_1:
0x0: {  	(tag) =	ssettag $0x1  }
0x1: {  	s1 =	rddreg [dreg:$0x0]  }
0x2: {  	s0 =	rddreg [dreg:$0x1]  }
0x3: {  	s2 =	rddreg [dreg:$0x2]  }
0x4: {  	s3 =	srdreg.scid;
	s13 =	stileid.u32;
	s20 =	simm.s32 $0x0  }
0x5: {  	s10 =	simm.s32 $0x80;
	s11 =	simm.s32 $0x400;
	s12 =	simm.s32 $0xB  }
0x6: {  	s16 =	simm.s32 $0x28;
	s17 =	simm.s32 $0x4F00;
	s18 =	simm.s32 $0x6300  }
0x7: {  	s28 =	simm.s32 $0x3;
	s29 =	simm.s32 $0x4;
	s30 =	simm.s32 $0x5  }
0x8: {  	s31 =	simm.s32 $0x6;
	s19 =	simm.s32 $0xA;
	s3 =	sand.u32 $0x1, s3  }
0x9: {  	s4 =	sshrl.u32 s13, $0x2;
	s5 =	sshll.u32 s13, $0x8;
	s21 =	smul.u32 $0x13C00, s13  }
0xa: {  	[smem:$0x7FF] =	sst s20;
	s8 =	smul.u32 $0x4F000, s13;
	s26 =	sshll.u32 s13, $0x6  }
0xb: {  	s20 =	simm.s32 $0x7700;
	s13 =	simm.s32 $0x9;
	s4 =	smul.u32 $0x13C00, s4  }
0xc: {  	s6 =	sshll.u32 s3, $0x7;
	s5 =	sand.u32 $0x300, s5;
	s22 =	smul.u32 $0x13C000, s3  }
0xd: {  	_ =	strace $0x80000053;
	s3 =	ssub.s32 $0x2, s3;
	s14 =	sor.u32 $0x1C0B, s26  }
0xe: {  	s26 =	simm.s32 $0x2;
	s5 =	sor.u32 s6, s5;
	s7 =	sshrl.u32 s21, $0x3  }
0xf: {  	s23 =	sshrl.u32 s3, $0x1;
	s25 =	sshrl.u32 s8, $0x2;
	s4 =	sor.u32 s4, s5  }
0x10: {  	s5 =	sadd.s32 s21, s22;
	s7 =	sadd.s32 s7, s0;
	s3 =	ssub.s32 s3, s23  }
0x11: {  	s22 =	simm.s32 $0x8B00;
	s23 =	simm.s32 $0x0;
	s4 =	sshrl.u32 s4, $0x3  }
0x12: {  	s5 =	sshrl.u32 s5, $0x3;
	s7 =	sadd.s32 $0x17E00, s7;
	s9 =	smax.u32 s3, $0x1  }
0x13: {  	s3 =	simm.s32 $0x7;
	s4 =	sadd.s32 s4, s0;
	s0 =	sadd.s32 s5, s0  }
0x14: {  	s24 =	sadd.s32 $0x4200, s4;
	s6 =	sadd.s32 $0xE000, s4;
	s4 =	sadd.s32 s25, s2  }
0x15: {  	s8 =	sadd.s32 $0x3F600, s0;
	s25 =	simm.s32 $0x1;
	s0 =	simm.s32 $0x8  }
0x16: {  	[dreg:$0x4] =	wrdreg s24;
	s15 =	sshrl.u32 s4, $0x3;
	s24 =	simm.s32 $0x9F00  }
.LBB2_1:
0x17: {  	s4 =	simm.s32 $0x0;
	s5 =	rddreg [dreg:$0x4]  }
0x18: {  	[tilespmem:s4], [sflag:$0xB] =	stream.strided.gather [hbm4b:s5+s10], $0x2780, s11, s10, $0x38;
	[tilespmem:$0x1EF00] =	vst v63  }
0x19: {  	_ =	swait.ge [sflag:s12], $0x2780  }
0x1a: {  	[sflag:s12] =	ssyncset.done $0x0  }
0x1b: {  	s21 =	simm.s32 $0x2780;
	[sflag:s12] =	ssyncadd.s32 $0xFFFFD880  }
0x1c: {  	[tilespmem:s21], [sflag:$0xB] =	stream.strided.gather [hbm4b:s6+s10], $0x2780, s11, s10, $0x38;
	[tilespmem:$0x1EF00] =	vst v63  }
0x1d: {  	_ =	swait.ge [sflag:s12], $0x2780  }
0x1e: {  	[sflag:s12] =	ssyncset.done $0x0  }
0x1f: {  	[sflag:s12] =	ssyncadd.s32 $0xFFFFD880  }
0x20: {  	[spmem:s15], [sflag:s14] =	dma.local [hbm:s7], $0x2780  }
0x21: {  	_ =	swait.ge [sflag:s12], $0x2780  }
0x22: {  	[sflag:s12] =	ssyncset.done $0x0  }
0x23: {  	[sflag:s12] =	ssyncadd.s32 $0xFFFFD880  }
0x24: {  	[tilespmem:s17], [sflag:$0x1] =	stream.indirect.gather [hbm4b:s1+s16], $0x80, s4, s16, $0xb8;
	[tilespmem:$0x1EF00] =	vst v63  }
0x25: {  	_ = 	snop  }
0x26: {  	[tilespmem:s18], [sflag:$0x2] =	stream.indirect.gather [hbm4b:s1+s16], $0x80, s16, s16, $0xb8;
	[tilespmem:$0x1EF00] =	vst v63  }
0x27: {  	s5 =	simm.s32 $0x50  }
0x28: {  	[tilespmem:s20], [sflag:$0x3] =	stream.indirect.gather [hbm4b:s1+s16], $0x80, s5, s16, $0xb8;
	[tilespmem:$0x1EF00] =	vst v63  }
0x29: {  	s21 =	simm.s32 $0x78  }
0x2a: {  	[tilespmem:s22], [sflag:$0x4] =	stream.indirect.gather [hbm4b:s1+s16], $0x80, s21, s16, $0xb8;
	[tilespmem:$0x1EF00] =	vst v63  }
0x2b: {  	s5 =	simm.s32 $0xA0  }
0x2c: {  	[tilespmem:s24], [sflag:$0x5] =	stream.indirect.gather [hbm4b:s1+s16], $0x80, s5, s16, $0xb8;
	[tilespmem:$0x1EF00] =	vst v63  }
0x2d: {  	[bflag:$0x0] =	sbarrier.arrive $0xFFFF  }
0x2e: {  	_ =	swait.ge [sflag:s25], $0x1400  }
0x2f: {  	[sflag:s25] =	ssyncset.done $0x0  }
0x30: {  	s21 =	simm.s32 $0x2780;
	[sflag:s25] =	ssyncadd.s32 $0xFFFFEC00  }
0x31: {  	[spmem:s2] =	stream.indirect.scatter.add.f32 [tilespmem:s17], [sflag:$0x6], $0x80, s21, s16, $0xb8;
	[tilespmem:$0x1EF00] =	vst v63  }
0x32: {  	_ =	swait.ge [sflag:s26], $0x1400  }
0x33: {  	[sflag:s26] =	ssyncset.done $0x0  }
0x34: {  	s5 =	simm.s32 $0x27A8;
	[sflag:s26] =	ssyncadd.s32 $0xFFFFEC00  }
0x35: {  	[spmem:s2] =	stream.indirect.scatter.add.f32 [tilespmem:s18], [sflag:$0x7], $0x80, s5, s16, $0xb8;
	[tilespmem:$0x1EF00] =	vst v63  }
0x36: {  	_ =	swait.ge [sflag:s28], $0x1400  }
0x37: {  	[sflag:s28] =	ssyncset.done $0x0  }
0x38: {  	s21 =	simm.s32 $0x27D0;
	[sflag:s28] =	ssyncadd.s32 $0xFFFFEC00  }
0x39: {  	[spmem:s2] =	stream.indirect.scatter.add.f32 [tilespmem:s20], [sflag:$0x8], $0x80, s21, s16, $0xb8;
	[tilespmem:$0x1EF00] =	vst v63  }
0x3a: {  	_ =	swait.ge [sflag:s29], $0x1400  }
0x3b: {  	[sflag:s29] =	ssyncset.done $0x0  }
0x3c: {  	s5 =	simm.s32 $0x27F8;
	[sflag:s29] =	ssyncadd.s32 $0xFFFFEC00  }
0x3d: {  	[spmem:s2] =	stream.indirect.scatter.add.f32 [tilespmem:s22], [sflag:$0x9], $0x80, s5, s16, $0xb8;
	[tilespmem:$0x1EF00] =	vst v63  }
0x3e: {  	_ =	swait.ge [sflag:s30], $0x1400  }
0x3f: {  	[sflag:s30] =	ssyncset.done $0x0  }
0x40: {  	s21 =	simm.s32 $0x2820;
	[sflag:s30] =	ssyncadd.s32 $0xFFFFEC00  }
0x41: {  	[spmem:s2] =	stream.indirect.scatter.add.f32 [tilespmem:s24], [sflag:$0xA], $0x80, s21, s16, $0xb8;
	[tilespmem:$0x1EF00] =	vst v63  }
0x42: {  	_ =	swait.ge [sflag:s31], $0x1400  }
0x43: {  	[sflag:s31] =	ssyncset.done $0x0  }
0x44: {  	s5 =	simm.s32 $0xC8;
	[sflag:s31] =	ssyncadd.s32 $0xFFFFEC00  }
0x45: {  	[tilespmem:s17], [sflag:$0x1] =	stream.indirect.gather [hbm4b:s1+s16], $0x80, s5, s16, $0xb8;
	[tilespmem:$0x1EF00] =	vst v63  }
0x46: {  	_ =	swait.ge [sflag:s3], $0x1400  }
0x47: {  	[sflag:s3] =	ssyncset.done $0x0  }
0x48: {  	s21 =	simm.s32 $0xF0;
	[sflag:s3] =	ssyncadd.s32 $0xFFFFEC00  }
0x49: {  	[tilespmem:s18], [sflag:$0x2] =	stream.indirect.gather [hbm4b:s1+s16], $0x80, s21, s16, $0xb8;
	[tilespmem:$0x1EF00] =	vst v63  }
0x4a: {  	_ =	swait.ge [sflag:s0], $0x1400  }
0x4b: {  	[sflag:s0] =	ssyncset.done $0x0  }
0x4c: {  	s5 =	simm.s32 $0x118;
	[sflag:s0] =	ssyncadd.s32 $0xFFFFEC00  }
0x4d: {  	[tilespmem:s20], [sflag:$0x3] =	stream.indirect.gather [hbm4b:s1+s16], $0x80, s5, s16, $0xb8;
	[tilespmem:$0x1EF00] =	vst v63  }
0x4e: {  	_ =	swait.ge [sflag:s13], $0x1400  }
0x4f: {  	[sflag:s13] =	ssyncset.done $0x0  }
0x50: {  	s21 =	simm.s32 $0x140;
	[sflag:s13] =	ssyncadd.s32 $0xFFFFEC00  }
0x51: {  	[tilespmem:s22], [sflag:$0x4] =	stream.indirect.gather [hbm4b:s1+s16], $0x80, s21, s16, $0xb8;
	[tilespmem:$0x1EF00] =	vst v63  }
0x52: {  	_ =	swait.ge [sflag:s19], $0x1400  }
0x53: {  	[sflag:s19] =	ssyncset.done $0x0  }
0x54: {  	s4 =	simm.s32 $0x168;
	s21 =	simm.s32 $0x320;
	[sflag:s19] =	ssyncadd.s32 $0xFFFFEC00  }
.LBB2_2:
0x55: {  	[tilespmem:s24], [sflag:$0x5] =	stream.indirect.gather [hbm4b:s1+s16], $0x80, s4, s16, $0xb8;
	[tilespmem:$0x1EF00] =	vst v63  }
0x56: {  	s4 =	smov.u32 s21  }
0x57: {  	p0 =	sne.s32 s21, $0x9600;
	s21 =	sadd.s32 $0x320, s21;
	_ =	swait.ge [sflag:s25], $0x1400  }
0x58: {  	s4 =	sshra.s32 s4, $0x2;
	[sflag:s25] =	ssyncset.done $0x0  }
0x59: {  	s5 =	sadd.s32 $0x2780, s4;
	[sflag:s25] =	ssyncadd.s32 $0xFFFFEC00  }
0x5a: {  	[spmem:s2] =	stream.indirect.scatter.add.f32 [tilespmem:s17], [sflag:$0x6], $0x80, s5, s16, $0xb8;
	[tilespmem:$0x1EF00] =	vst v63  }
0x5b: {  	_ =	swait.ge [sflag:s26], $0x1400  }
0x5c: {  	[sflag:s26] =	ssyncset.done $0x0  }
0x5d: {  	s5 =	sadd.s32 $0x27A8, s4;
	[sflag:s26] =	ssyncadd.s32 $0xFFFFEC00  }
0x5e: {  	[spmem:s2] =	stream.indirect.scatter.add.f32 [tilespmem:s18], [sflag:$0x7], $0x80, s5, s16, $0xb8;
	[tilespmem:$0x1EF00] =	vst v63  }
0x5f: {  	_ =	swait.ge [sflag:s28], $0x1400  }
0x60: {  	[sflag:s28] =	ssyncset.done $0x0  }
0x61: {  	s5 =	sadd.s32 $0x27D0, s4;
	[sflag:s28] =	ssyncadd.s32 $0xFFFFEC00  }
0x62: {  	[spmem:s2] =	stream.indirect.scatter.add.f32 [tilespmem:s20], [sflag:$0x8], $0x80, s5, s16, $0xb8;
	[tilespmem:$0x1EF00] =	vst v63  }
0x63: {  	_ =	swait.ge [sflag:s29], $0x1400  }
0x64: {  	[sflag:s29] =	ssyncset.done $0x0  }
0x65: {  	s5 =	sadd.s32 $0x27F8, s4;
	[sflag:s29] =	ssyncadd.s32 $0xFFFFEC00  }
0x66: {  	[spmem:s2] =	stream.indirect.scatter.add.f32 [tilespmem:s22], [sflag:$0x9], $0x80, s5, s16, $0xb8;
	[tilespmem:$0x1EF00] =	vst v63  }
0x67: {  	_ =	swait.ge [sflag:s30], $0x1400  }
0x68: {  	[sflag:s30] =	ssyncset.done $0x0  }
0x69: {  	s5 =	sadd.s32 $0x2820, s4;
	[sflag:s30] =	ssyncadd.s32 $0xFFFFEC00  }
0x6a: {  	[spmem:s2] =	stream.indirect.scatter.add.f32 [tilespmem:s24], [sflag:$0xA], $0x80, s5, s16, $0xb8;
	[tilespmem:$0x1EF00] =	vst v63  }
0x6b: {  	_ =	swait.ge [sflag:s31], $0x1400  }
0x6c: {  	[sflag:s31] =	ssyncset.done $0x0  }
0x6d: {  	s5 =	sadd.s32 $0xC8, s4;
	[sflag:s31] =	ssyncadd.s32 $0xFFFFEC00  }
0x6e: {  	[tilespmem:s17], [sflag:$0x1] =	stream.indirect.gather [hbm4b:s1+s16], $0x80, s5, s16, $0xb8;
	[tilespmem:$0x1EF00] =	vst v63  }
0x6f: {  	_ =	swait.ge [sflag:s3], $0x1400  }
0x70: {  	[sflag:s3] =	ssyncset.done $0x0  }
0x71: {  	s5 =	sadd.s32 $0xF0, s4;
	[sflag:s3] =	ssyncadd.s32 $0xFFFFEC00  }
0x72: {  	[tilespmem:s18], [sflag:$0x2] =	stream.indirect.gather [hbm4b:s1+s16], $0x80, s5, s16, $0xb8;
	[tilespmem:$0x1EF00] =	vst v63  }
0x73: {  	_ =	swait.ge [sflag:s0], $0x1400  }
0x74: {  	[sflag:s0] =	ssyncset.done $0x0  }
0x75: {  	s5 =	sadd.s32 $0x118, s4;
	[sflag:s0] =	ssyncadd.s32 $0xFFFFEC00  }
0x76: {  	[tilespmem:s20], [sflag:$0x3] =	stream.indirect.gather [hbm4b:s1+s16], $0x80, s5, s16, $0xb8;
	[tilespmem:$0x1EF00] =	vst v63  }
0x77: {  	_ =	swait.ge [sflag:s13], $0x1400  }
0x78: {  	[sflag:s13] =	ssyncset.done $0x0  }
.Ltmp0:
0x79: {  	s5 =	sadd.s32 $0x140, s4;
	[sflag:s13] =	ssyncadd.s32 $0xFFFFEC00;
	(pc) =	sbr.rel @p0 .LBB2_2-.Ltmp0, $4  }
0x7a: {  	[tilespmem:s22], [sflag:$0x4] =	stream.indirect.gather [hbm4b:s1+s16], $0x80, s5, s16, $0xb8;
	[tilespmem:$0x1EF00] =	vst v63  }
0x7b: {  	_ =	swait.ge [sflag:s19], $0x1400  }
0x7c: {  	[sflag:s19] =	ssyncset.done $0x0  }
0x7d: {  	s4 =	sadd.s32 $0x168, s4;
	[sflag:s19] =	ssyncadd.s32 $0xFFFFEC00  }
0x7e: {  	[tilespmem:s24], [sflag:$0x5] =	stream.indirect.gather [hbm4b:s1+s16], $0x80, s4, s16, $0xb8;
	[tilespmem:$0x1EF00] =	vst v63  }
0x7f: {  	_ =	swait.ge [sflag:s25], $0x1400  }
0x80: {  	[sflag:s25] =	ssyncset.done $0x0  }
0x81: {  	s21 =	simm.s32 $0x4DC8;
	[sflag:s25] =	ssyncadd.s32 $0xFFFFEC00  }
0x82: {  	[spmem:s2] =	stream.indirect.scatter.add.f32 [tilespmem:s17], [sflag:$0x6], $0x80, s21, s16, $0xb8;
	[tilespmem:$0x1EF00] =	vst v63  }
0x83: {  	_ =	swait.ge [sflag:s26], $0x1400  }
0x84: {  	[sflag:s26] =	ssyncset.done $0x0  }
0x85: {  	s5 =	simm.s32 $0x4DF0;
	[sflag:s26] =	ssyncadd.s32 $0xFFFFEC00  }
0x86: {  	[spmem:s2] =	stream.indirect.scatter.add.f32 [tilespmem:s18], [sflag:$0x7], $0x80, s5, s16, $0xb8;
	[tilespmem:$0x1EF00] =	vst v63  }
0x87: {  	_ =	swait.ge [sflag:s28], $0x1400  }
0x88: {  	[sflag:s28] =	ssyncset.done $0x0  }
0x89: {  	s21 =	simm.s32 $0x4E18;
	[sflag:s28] =	ssyncadd.s32 $0xFFFFEC00  }
0x8a: {  	[spmem:s2] =	stream.indirect.scatter.add.f32 [tilespmem:s20], [sflag:$0x8], $0x80, s21, s16, $0xb8;
	[tilespmem:$0x1EF00] =	vst v63  }
0x8b: {  	_ =	swait.ge [sflag:s29], $0x1400  }
0x8c: {  	[sflag:s29] =	ssyncset.done $0x0  }
0x8d: {  	s5 =	simm.s32 $0x4E40;
	[sflag:s29] =	ssyncadd.s32 $0xFFFFEC00  }
0x8e: {  	[spmem:s2] =	stream.indirect.scatter.add.f32 [tilespmem:s22], [sflag:$0x9], $0x80, s5, s16, $0xb8;
	[tilespmem:$0x1EF00] =	vst v63  }
0x8f: {  	_ =	swait.ge [sflag:s30], $0x1400  }
0x90: {  	[sflag:s30] =	ssyncset.done $0x0  }
0x91: {  	s21 =	simm.s32 $0x4E68;
	[sflag:s30] =	ssyncadd.s32 $0xFFFFEC00  }
0x92: {  	[spmem:s2] =	stream.indirect.scatter.add.f32 [tilespmem:s24], [sflag:$0xA], $0x80, s21, s16, $0xb8;
	[tilespmem:$0x1EF00] =	vst v63  }
0x93: {  	_ =	swait.ge [sflag:s31], $0x1400  }
0x94: {  	[sflag:s31] =	ssyncset.done $0x0  }
0x95: {  	[sflag:s31] =	ssyncadd.s32 $0xFFFFEC00  }
0x96: {  	_ =	swait.ge [sflag:s3], $0x1400  }
0x97: {  	[sflag:s3] =	ssyncset.done $0x0  }
0x98: {  	[sflag:s3] =	ssyncadd.s32 $0xFFFFEC00  }
0x99: {  	_ =	swait.ge [sflag:s0], $0x1400  }
0x9a: {  	[sflag:s0] =	ssyncset.done $0x0  }
0x9b: {  	[sflag:s0] =	ssyncadd.s32 $0xFFFFEC00  }
0x9c: {  	_ =	swait.ge [sflag:s13], $0x1400  }
0x9d: {  	[sflag:s13] =	ssyncset.done $0x0  }
0x9e: {  	[sflag:s13] =	ssyncadd.s32 $0xFFFFEC00  }
0x9f: {  	_ =	swait.ge [sflag:s19], $0x1400  }
0xa0: {  	s23 =	sadd.s32 $0x1, s23;
	[sflag:s19] =	ssyncset.done $0x0  }
0xa1: {  	p0 =	sne.s32 s23, s9;
	[sflag:s19] =	ssyncadd.s32 $0xFFFFEC00  }
.Ltmp1:
0xa2: {  	[bflag:$0x0] =	sbarrier.arrive $0xFFFF;
	(pc) =	sbr.rel @p0 .LBB2_1-.Ltmp1, $4  }
0xa3: {  	[hbm:s8], [sflag:s14] =	dma.local [spmem:s15], $0x2780  }
0xa4: {  	_ =	swait.ge [sflag:s12], $0x2780  }
0xa5: {  	[sflag:s12] =	ssyncset.done $0x0  }
0xa6: {  	[sflag:s12] =	ssyncadd.s32 $0xFFFFD880  }
0xa7: {  	_ =	sfence.sel $0x180000  }
0xa8: {  	[bflag:$0x0] =	sbarrier.arrive $0xFFFF  }
0xa9: {  	_ =	strace $0x90000053  }
0xaa: {  	s0 =	stileid.u32;
	[bflag:$0x2] =	sbarrier.arrive $0xFFFF  }
0xab: {  	p0 =	sne.s32 s0, $0x0;
	s0 =	rddreg [dreg:$0x3]  }
0xac: {  	s0 =	sadd.s32 @!p0 $0x100000, s0  }
0xad: {  	[sflag:s0] =	ssyncadd.tile.s32 @!p0 $0x1;
	_ =	shalt  }
.Lfunc_end2:
_tile_overlayer_lowered:
.L_overlay_start_2:
0xae: {  	(tag) =	ssettag $0x2  }
0xaf: {  	s0 =	rddreg [dreg:$0x0];
	s2 =	stileid.u32  }
0xb0: {  	s1 =	rddreg [dreg:$0x1];
	p0 =	sne.s32 s2, $0x0  }
0xb1: {  	s3 =	rddreg [dreg:$0x2];
	[bflag:$0x3] =	sbarrier.arrive $0xFFFF;
	s2 =	simm.s32 @!p0 $0x1C0B  }
0xb2: {  	[timem:s3], [sflag:s2] =	dma.local @!p0 [hbm:s0], s1  }
0xb3: {  	s0 =	simm.s32 @!p0 $0xB  }
0xb4: {  	_ =	swait.ge @!p0 [sflag:s0], s1  }
0xb5: {  	s1 =	ssub.s32 @!p0 $0x0, s1;
	[sflag:s0] =	ssyncset.done @!p0 $0x0  }
0xb6: {  	[sflag:s0] =	ssyncadd.s32 @!p0 s1  }
0xb7: {  	[bflag:$0x3] =	sbarrier.arrive $0xFFFF  }
0xb8: {  	_ =	shalt  }

</sc_bundles>
